<compile_context>
chip_gen: v7x
topology: tpu7x:2x2x1
jax: 0.10.2.dev20260603
libtpu: 0.0.44.dev20260713+nightly
codegen_flags: <defaults>
</compile_context>

<pallas_src>
import jax
import jax.numpy as jnp
from jax import lax
from jax.experimental import pallas as pl
from jax.experimental.pallas import tpu as pltpu
from jax.experimental.pallas import tpu_sc as plsc

N = 10000
D_IN = 256
HID = 128
HEADS = 8
E = 160000
OUT = 128

BLK = 1000
NT = 16
CH = 64
NCHP = 157
EA = (NCHP + 1) * NT * CH
NPAD = N + 8
RCH = 40
NRCH = N // RCH



def _proj_body(xg_ref, xd_ref, wg_ref, bg_ref, wd_ref, bd_ref, mg_ref, md_ref,
               hg_ref, hd_ref, ag_ref, ad_ref):
    hg = jnp.dot(xg_ref[...], wg_ref[...], preferred_element_type=jnp.float32) + bg_ref[...]
    hd = jnp.dot(xd_ref[...], wd_ref[...], preferred_element_type=jnp.float32) + bd_ref[...]
    hg_ref[...] = hg
    hd_ref[...] = hd
    ag_ref[...] = jnp.dot(hg, mg_ref[...], preferred_element_type=jnp.float32)
    ad_ref[...] = jnp.dot(hd, md_ref[...], preferred_element_type=jnp.float32)


def _proj_call(xg, xd, wg, bg, wd, bd, mg, md):
    rb = lambda i: (i, 0)
    full = lambda i: (0, 0)
    return pl.pallas_call(
        _proj_body,
        grid=(N // BLK,),
        in_specs=[
            pl.BlockSpec((BLK, D_IN), rb),
            pl.BlockSpec((BLK, D_IN), rb),
            pl.BlockSpec((D_IN, HID), full),
            pl.BlockSpec((1, HID), full),
            pl.BlockSpec((D_IN, HID), full),
            pl.BlockSpec((1, HID), full),
            pl.BlockSpec((HID, 64), full),
            pl.BlockSpec((HID, 64), full),
        ],
        out_specs=[
            pl.BlockSpec((BLK, HID), rb),
            pl.BlockSpec((BLK, HID), rb),
            pl.BlockSpec((BLK, 64), rb),
            pl.BlockSpec((BLK, 64), rb),
        ],
        out_shape=[
            jax.ShapeDtypeStruct((N, HID), jnp.float32),
            jax.ShapeDtypeStruct((N, HID), jnp.float32),
            jax.ShapeDtypeStruct((N, 64), jnp.float32),
            jax.ShapeDtypeStruct((N, 64), jnp.float32),
        ],
    )(xg, xd, wg, bg, wd, bd, mg, md)



def _nchunks_t(t, total):
    return jnp.where(t < total - NT * (total // NT), total // NT + 1, total // NT)


def _sc_w_body(atab_hbm, src_hbm, dst_hbm,
               w_out_hbm, ssum_hbm,
               s_sh, idx2, idx_d, abrows, wpack, sbuf, zbuf,
               sem_a0, sem_a1, sem_b0, sem_b1, sem_g0, sem_g1):
    sem_a = (sem_a0, sem_a1)
    sem_b = (sem_b0, sem_b1)
    sem_g = (sem_g0, sem_g1)
    c = lax.axis_index("c")
    t = lax.axis_index("s")

    def zrow(i, _):
        for j in range(HID // 16):
            zbuf[i, pl.ds(16 * j, 16)] = jnp.zeros((16,), jnp.float32)
        return 0
    lax.fori_loop(0, RCH, zrow, 0)

    def zsrow(i, _):
        for j in range(HID // 16):
            sbuf[i, pl.ds(16 * j, 16)] = jnp.zeros((16,), jnp.float32)
        return 0
    lax.fori_loop(0, CH, zsrow, 0)

    def zchunk(k, _):
        r = (k * NT + t) * RCH
        pltpu.sync_copy(zbuf, s_sh.at[pl.ds(r, RCH)])
        return 0
    lax.fori_loop(0, _nchunks_t(t, NRCH), zchunk, 0)

    plsc.subcore_barrier()

    def start_idx(k, sl):
        b = c * EA + (k * NT + t) * CH
        pltpu.async_copy(src_hbm.at[pl.ds(b, CH)], idx2.at[sl, pl.ds(0, CH)],
                         sem_a[sl])
        pltpu.async_copy(dst_hbm.at[pl.ds(b, CH)], idx2.at[sl, pl.ds(CH, CH)],
                         sem_a[sl])
        pltpu.async_copy(dst_hbm.at[pl.ds(b, CH)], idx_d.at[sl], sem_b[sl])

    def start_gather(k, sl):
        b = c * EA + (k * NT + t) * CH
        pltpu.make_async_copy(src_hbm.at[pl.ds(b, CH)], idx2.at[sl, pl.ds(0, CH)],
                              sem_a[sl]).wait()
        pltpu.make_async_copy(dst_hbm.at[pl.ds(b, CH)], idx2.at[sl, pl.ds(CH, CH)],
                              sem_a[sl]).wait()
        pltpu.async_copy(atab_hbm.at[c].at[idx2.at[sl]], abrows.at[sl],
                         sem_g[sl])

    def process(k, sl):
        b = c * EA + (k * NT + t) * CH
        pltpu.make_async_copy(atab_hbm.at[c].at[idx2.at[sl]], abrows.at[sl],
                              sem_g[sl]).wait()
        pltpu.make_async_copy(dst_hbm.at[pl.ds(b, CH)], idx_d.at[sl],
                              sem_b[sl]).wait()

        @plsc.parallel_loop(0, CH, unroll=4)
        def wrow(i):
            a16 = abrows[sl, i, pl.ds(0, 16)]
            b16 = abrows[sl, CH + i, pl.ds(8, 16)]
            x = a16 + b16
            x = jnp.where(x >= 0.0, x, 0.2 * x)
            w = jnp.exp(x)
            sbuf[i, pl.ds(0, 16)] = w
            wpack[i // 8, pl.ds((i % 8) * 16, 16)] = w

        pltpu.sync_copy(sbuf, s_sh.at[idx_d.at[sl]], add=True)
        pltpu.sync_copy(wpack, w_out_hbm.at[pl.ds(pl.multiple_of(b // 8, 8), CH // 8)])

    start_idx(0, 0)
    start_gather(0, 0)
    start_idx(1, 1)

    def pair(kk, _):
        k0 = 2 * kk
        start_gather(k0 + 1, 1)
        process(k0, 0)
        start_idx(k0 + 2, 0)
        start_gather(k0 + 2, 0)
        process(k0 + 1, 1)
        start_idx(k0 + 3, 1)
        return 0
    lax.fori_loop(0, (NCHP - 1) // 2, pair, 0)
    process(NCHP - 1, 0)
    pltpu.make_async_copy(src_hbm.at[pl.ds(0, CH)], idx2.at[1, pl.ds(0, CH)],
                          sem_a[1]).wait()
    pltpu.make_async_copy(dst_hbm.at[pl.ds(0, CH)], idx2.at[1, pl.ds(CH, CH)],
                          sem_a[1]).wait()
    pltpu.make_async_copy(dst_hbm.at[pl.ds(0, CH)], idx_d.at[1], sem_b[1]).wait()

    plsc.subcore_barrier()

    def wb(k, _):
        r = (k * NT + t) * RCH
        pltpu.sync_copy(s_sh.at[pl.ds(r, RCH)], zbuf)
        pltpu.sync_copy(zbuf, ssum_hbm.at[c, pl.ds(r, RCH)])
        return 0
    lax.fori_loop(0, _nchunks_t(t, NRCH), wb, 0)


def _sc_m_body(h_hbm, w_hbm, src_hbm, dst_hbm,
               acc_hbm,
               acc_sh, idx_s, idx_d, wpack, hrows, zbuf,
               sem_a0, sem_a1, sem_b0, sem_b1, sem_g0, sem_g1):
    sem_a = (sem_a0, sem_a1)
    sem_b = (sem_b0, sem_b1)
    sem_g = (sem_g0, sem_g1)
    c = lax.axis_index("c")
    t = lax.axis_index("s")

    def zrow(i, _):
        for j in range(HID // 16):
            zbuf[i, pl.ds(16 * j, 16)] = jnp.zeros((16,), jnp.float32)
        return 0
    lax.fori_loop(0, RCH, zrow, 0)

    def zchunk(k, _):
        r = (k * NT + t) * RCH
        pltpu.sync_copy(zbuf, acc_sh.at[pl.ds(r, RCH)])
        return 0
    lax.fori_loop(0, _nchunks_t(t, NRCH), zchunk, 0)

    plsc.subcore_barrier()

    def start_idx(k, sl):
        b = c * EA + (k * NT + t) * CH
        pltpu.async_copy(src_hbm.at[pl.ds(b, CH)], idx_s.at[sl], sem_a[sl])
        pltpu.async_copy(dst_hbm.at[pl.ds(b, CH)], idx_d.at[sl], sem_b[sl])
        pltpu.async_copy(
            w_hbm.at[pl.ds(pl.multiple_of(b // 8, 8), CH // 8)], wpack.at[sl],
            sem_b[sl])

    def start_gather(k, sl):
        b = c * EA + (k * NT + t) * CH
        pltpu.make_async_copy(src_hbm.at[pl.ds(b, CH)], idx_s.at[sl],
                              sem_a[sl]).wait()
        pltpu.async_copy(h_hbm.at[c].at[idx_s.at[sl]], hrows.at[sl],
                         sem_g[sl])

    def process(k, sl):
        b = c * EA + (k * NT + t) * CH
        pltpu.make_async_copy(dst_hbm.at[pl.ds(b, CH)], idx_d.at[sl],
                              sem_b[sl]).wait()
        pltpu.make_async_copy(
            w_hbm.at[pl.ds(pl.multiple_of(b // 8, 8), CH // 8)], wpack.at[sl],
            sem_b[sl]).wait()
        pltpu.make_async_copy(h_hbm.at[c].at[idx_s.at[sl]], hrows.at[sl],
                              sem_g[sl]).wait()

        @plsc.parallel_loop(0, CH, unroll=4)
        def srow(i):
            wrow = wpack[sl, i // 8, pl.ds((i % 8) * 16, 16)]
            for h in range(HEADS):
                hrows[sl, i, pl.ds(16 * h, 16)] = (
                    hrows[sl, i, pl.ds(16 * h, 16)] * wrow[h])

        pltpu.sync_copy(hrows.at[sl], acc_sh.at[idx_d.at[sl]], add=True)

    start_idx(0, 0)
    start_gather(0, 0)
    start_idx(1, 1)

    def pair(kk, _):
        k0 = 2 * kk
        start_gather(k0 + 1, 1)
        process(k0, 0)
        start_idx(k0 + 2, 0)
        start_gather(k0 + 2, 0)
        process(k0 + 1, 1)
        start_idx(k0 + 3, 1)
        return 0
    lax.fori_loop(0, (NCHP - 1) // 2, pair, 0)
    process(NCHP - 1, 0)
    pltpu.make_async_copy(src_hbm.at[pl.ds(0, CH)], idx_s.at[1], sem_a[1]).wait()
    pltpu.make_async_copy(dst_hbm.at[pl.ds(0, CH)], idx_d.at[1], sem_b[1]).wait()
    pltpu.make_async_copy(w_hbm.at[pl.ds(0, CH // 8)], wpack.at[1], sem_b[1]).wait()

    plsc.subcore_barrier()

    def wb(k, _):
        r = (k * NT + t) * RCH
        pltpu.sync_copy(acc_sh.at[pl.ds(r, RCH)], zbuf)
        pltpu.sync_copy(zbuf, acc_hbm.at[c, pl.ds(r, RCH)])
        return 0
    lax.fori_loop(0, _nchunks_t(t, NRCH), wb, 0)


def _sc_call(h_stack, atab, src_stack, dst_stack):
    mesh = plsc.VectorSubcoreMesh(core_axis_name="c", subcore_axis_name="s")
    w_all, ssum = pl.kernel(
        _sc_w_body,
        out_type=[
            jax.ShapeDtypeStruct((2 * EA // 8, HID), jnp.float32),
            jax.ShapeDtypeStruct((2, N, HID), jnp.float32),
        ],
        mesh=mesh,
        scratch_types=[
            pltpu.VMEM_SHARED((NPAD, HID), jnp.float32),
            pltpu.VMEM((2, 2 * CH), jnp.int32),
            pltpu.VMEM((2, CH), jnp.int32),
            pltpu.VMEM((2, 2 * CH, HID), jnp.float32),
            pltpu.VMEM((CH // 8, HID), jnp.float32),
            pltpu.VMEM((CH, HID), jnp.float32),
            pltpu.VMEM((RCH, HID), jnp.float32),
        ] + [pltpu.SemaphoreType.DMA] * 6,
    )(atab, src_stack, dst_stack)

    acc = pl.kernel(
        _sc_m_body,
        out_type=jax.ShapeDtypeStruct((2, N, HID), jnp.float32),
        mesh=plsc.VectorSubcoreMesh(core_axis_name="c", subcore_axis_name="s"),
        scratch_types=[
            pltpu.VMEM_SHARED((NPAD, HID), jnp.float32),
            pltpu.VMEM((2, CH), jnp.int32),
            pltpu.VMEM((2, CH), jnp.int32),
            pltpu.VMEM((2, CH // 8, HID), jnp.float32),
            pltpu.VMEM((2, CH, HID), jnp.float32),
            pltpu.VMEM((RCH, HID), jnp.float32),
        ] + [pltpu.SemaphoreType.DMA] * 6,
    )(h_stack, w_all, src_stack, dst_stack)
    return acc, ssum



def _norm_body(acc_ref, s_ref, r_ref, kw_ref, kb_ref, outn_ref, tsum_ref):
    t = pl.program_id(0)
    i = pl.program_id(1)
    srep = jnp.dot(s_ref[0], r_ref[...], preferred_element_type=jnp.float32)
    a = acc_ref[0]
    o = jnp.where(srep > 0.0, a / srep, 0.0)
    o = jnp.maximum(o, 0.0)
    outn_ref[0] = o
    ts = jnp.sum(
        jnp.tanh(jnp.dot(o, kw_ref[...], preferred_element_type=jnp.float32) + kb_ref[...]),
        axis=0, keepdims=True)

    @pl.when((t == 0) & (i == 0))
    def _():
        tsum_ref[...] = jnp.zeros((2, HID), jnp.float32)

    row = lax.broadcasted_iota(jnp.int32, (2, HID), 0)
    tsum_ref[...] = tsum_ref[...] + jnp.where(row == t, ts, 0.0)


def _norm_call(acc, ssum, r, kw, kb):
    tb = lambda t, i: (t, i, 0)
    full = lambda t, i: (0, 0)
    return pl.pallas_call(
        _norm_body,
        grid=(2, N // BLK),
        in_specs=[
            pl.BlockSpec((1, BLK, HID), tb),
            pl.BlockSpec((1, BLK, HID), tb),
            pl.BlockSpec((HID, HID), full),
            pl.BlockSpec((HID, HID), full),
            pl.BlockSpec((1, HID), full),
        ],
        out_specs=[
            pl.BlockSpec((1, BLK, HID), tb),
            pl.BlockSpec((2, HID), lambda t, i: (0, 0)),
        ],
        out_shape=[
            jax.ShapeDtypeStruct((2, N, HID), jnp.float32),
            jax.ShapeDtypeStruct((2, HID), jnp.float32),
        ],
    )(acc, ssum, r, kw, kb)



def _fin_body(attn_ref, outn_ref, w_ref, b_ref, o_ref):
    g = attn_ref[0] * outn_ref[0] + attn_ref[1] * outn_ref[1]
    o_ref[...] = jnp.dot(g, w_ref[...], preferred_element_type=jnp.float32) + b_ref[...]


def _fin_call(attn, outn, w, b):
    return pl.pallas_call(
        _fin_body,
        grid=(N // BLK,),
        in_specs=[
            pl.BlockSpec(memory_space=pltpu.SMEM),
            pl.BlockSpec((2, BLK, HID), lambda i: (0, i, 0)),
            pl.BlockSpec((HID, OUT), lambda i: (0, 0)),
            pl.BlockSpec((1, OUT), lambda i: (0, 0)),
        ],
        out_specs=pl.BlockSpec((BLK, OUT), lambda i: (i, 0)),
        out_shape=jax.ShapeDtypeStruct((N, OUT), jnp.float32),
    )(attn, outn, w, b)



def _att_block(att):
    eye8 = jnp.eye(HEADS, dtype=jnp.float32)
    b = (att[0][:, :, None] * eye8[:, None, :]).reshape(HID, HEADS)
    return jnp.pad(b, ((0, 0), (0, 8)))


def kernel(x_gene, x_disease, proj_gene_W, proj_gene_b, proj_disease_W,
           proj_disease_b, att_src_gd, att_dst_gd, att_src_dg, att_dst_dg,
           att_src_gg, att_dst_gg, q, k_lin_W, k_lin_b, lin_W, lin_b,
           ei_gd, ei_dg, ei_gg):
    del att_src_gd, att_dst_gd, ei_gd

    mg = jnp.concatenate(
        [_att_block(att_dst_dg), _att_block(att_src_gg), _att_block(att_dst_gg),
         jnp.zeros((HID, 16), jnp.float32)], axis=1)
    md = jnp.pad(_att_block(att_src_dg), ((0, 0), (0, 48)))

    hg, hd, ag, ad = _proj_call(
        x_gene, x_disease, proj_gene_W, proj_gene_b.reshape(1, HID),
        proj_disease_W, proj_disease_b.reshape(1, HID), mg, md)

    h_stack = jnp.stack([hd, hg])
    atab = jnp.pad(jnp.stack([
        jnp.concatenate([ad[:, 0:8], ag[:, 0:8]], axis=1),
        jnp.concatenate([ag[:, 16:24], ag[:, 32:40]], axis=1),
    ]), ((0, 0), (0, NPAD - N), (0, HID - 16)))
    zpad = jnp.zeros((EA - E,), jnp.int32)
    npad = jnp.full((EA - E,), N, jnp.int32)
    src_stack = jnp.concatenate(
        [ei_dg[0].astype(jnp.int32), zpad, ei_gg[0].astype(jnp.int32), zpad])
    dst_stack = jnp.concatenate(
        [ei_dg[1].astype(jnp.int32), npad, ei_gg[1].astype(jnp.int32), npad])

    acc, ssum = _sc_call(h_stack, atab, src_stack, dst_stack)

    rmat = jnp.where((jnp.arange(HID)[None, :] // 16) == jnp.arange(HID)[:, None],
                     1.0, 0.0).astype(jnp.float32)
    outn, tsum = _norm_call(acc, ssum, rmat, k_lin_W, k_lin_b.reshape(1, HID))

    score = (q[0][None, :] * (tsum / N)).sum(-1)
    attn = jax.nn.softmax(score, axis=0)

    return _fin_call(attn, outn, lin_W, lin_b.reshape(1, OUT))

# --- scband reference (transcript-rebuilt; emitter-appended) ---
"""Pipeline reference for scband-my-model-15882789060985 (READ-ONLY COPY).

The authoritative reference and input builder live on the scoring server;
editing this copy changes nothing except your own understanding.
"""

import jax, jax.numpy as jnp
import numpy as np

N_GENE = 10000
N_DIS = 10000
E = 160000
D_IN = 256
HID = 128
HEADS = 8
DIM = HID // HEADS
OUT = 128


def _leaky_relu(x):
    return jnp.where(x >= 0, x, 0.2 * x)


def _edge_softmax(alpha, dst, n):
    m = jax.ops.segment_max(alpha, dst, num_segments=n)
    m = jnp.where(jnp.isfinite(m), m, 0.0)
    e = jnp.exp(alpha - m[dst])
    s = jax.ops.segment_sum(e, dst, num_segments=n)
    return e / (s[dst] + 1e-16)


def _han_edge(x_src, x_dst, ei, att_src, att_dst, n_dst):
    # x_src: [N_src, H, D], att_*: [1, H, D]
    a_src = (x_src * att_src).sum(-1)  # [N_src, H]
    a_dst = (x_dst * att_dst).sum(-1)  # [N_dst, H]
    src = ei[0]
    dst = ei[1]
    alpha = _leaky_relu(a_src[src] + a_dst[dst])  # [E, H]
    alpha = _edge_softmax(alpha, dst, n_dst)
    msg = x_src[src] * alpha[:, :, None]  # [E, H, D]
    out = jax.ops.segment_sum(msg, dst, num_segments=n_dst)
    return jax.nn.relu(out.reshape(n_dst, HID))


def _group(outs, q, kW, kb):
    out = jnp.stack(outs)  # [T, N, C]
    score = (q * jnp.tanh(out @ kW + kb).mean(1)).sum(-1)  # [T]
    attn = jax.nn.softmax(score, axis=0)
    return (attn[:, None, None] * out).sum(0)


def setup_inputs(seed: int = 0):
    key = jax.random.key(seed)
    ks = jax.random.split(key, 20)

    def u(k, shape, fan_in):
        s = 1.0 / np.sqrt(fan_in)
        return jax.random.uniform(k, shape, jnp.float32, -s, s)

    inp = {}
    inp["x_gene"] = jax.random.normal(ks[0], (N_GENE, D_IN), dtype=jnp.float32)
    inp["x_disease"] = jax.random.normal(ks[1], (N_DIS, D_IN), dtype=jnp.float32)
    inp["proj_gene_W"] = u(ks[2], (D_IN, HID), D_IN)
    inp["proj_gene_b"] = u(ks[3], (HID,), D_IN)
    inp["proj_disease_W"] = u(ks[4], (D_IN, HID), D_IN)
    inp["proj_disease_b"] = u(ks[5], (HID,), D_IN)
    inp["att_src_gd"] = jax.random.normal(ks[6], (1, HEADS, DIM), dtype=jnp.float32) * 0.1
    inp["att_dst_gd"] = jax.random.normal(ks[7], (1, HEADS, DIM), dtype=jnp.float32) * 0.1
    inp["att_src_dg"] = jax.random.normal(ks[8], (1, HEADS, DIM), dtype=jnp.float32) * 0.1
    inp["att_dst_dg"] = jax.random.normal(ks[9], (1, HEADS, DIM), dtype=jnp.float32) * 0.1
    inp["att_src_gg"] = jax.random.normal(ks[10], (1, HEADS, DIM), dtype=jnp.float32) * 0.1
    inp["att_dst_gg"] = jax.random.normal(ks[11], (1, HEADS, DIM), dtype=jnp.float32) * 0.1
    inp["q"] = jax.random.normal(ks[12], (1, HID), dtype=jnp.float32) * 0.1
    inp["k_lin_W"] = u(ks[13], (HID, HID), HID)
    inp["k_lin_b"] = u(ks[14], (HID,), HID)
    inp["lin_W"] = u(ks[15], (HID, OUT), HID)
    inp["lin_b"] = u(ks[16], (OUT,), HID)
    inp["ei_gd"] = jax.random.randint(ks[17], (2, E), 0, N_GENE)
    inp["ei_dg"] = jax.random.randint(ks[18], (2, E), 0, N_DIS)
    inp["ei_gg"] = jax.random.randint(ks[19], (2, E), 0, N_GENE)
    return inp


def reference(x_gene, x_disease, proj_gene_W, proj_gene_b, proj_disease_W,
              proj_disease_b, att_src_gd, att_dst_gd, att_src_dg, att_dst_dg,
              att_src_gg, att_dst_gg, q, k_lin_W, k_lin_b, lin_W, lin_b,
              ei_gd, ei_dg, ei_gg):
    # HANConv: per-type projection to [N, H, D]
    hg = (x_gene @ proj_gene_W + proj_gene_b).reshape(N_GENE, HEADS, DIM)
    hd = (x_disease @ proj_disease_W + proj_disease_b).reshape(N_DIS, HEADS, DIM)
    # per-edge-type attention + aggregation (dropout inactive at eval)
    out_d = _han_edge(hg, hd, ei_gd, att_src_gd, att_dst_gd, N_DIS)
    out_g1 = _han_edge(hd, hg, ei_dg, att_src_dg, att_dst_dg, N_GENE)
    out_g2 = _han_edge(hg, hg, ei_gg, att_src_gg, att_dst_gg, N_GENE)
    # semantic attention (group) per destination node type
    gene_out = _group([out_g1, out_g2], q, k_lin_W, k_lin_b)
    dis_out = _group([out_d], q, k_lin_W, k_lin_b)  # computed by HANConv, unused by final lin
    del dis_out
    # final nn.Linear on the 'gene' output
    return gene_out @ lin_W + lin_b

if __name__ == "__main__":
    import jax
    _d = setup_inputs()
    print(jax.jit(kernel)(*tuple(_d.values())))

</pallas_src>

<mosaic_0001>
#map = affine_map<(d0, d1) -> (0, 0, 0)>
#map1 = affine_map<(d0, d1) -> (0)>
#map2 = affine_map<(d0, d1) -> (0, 0)>
module attributes {stable_mosaic.version = 14 : i64} {
  func.func @_sc_w_body(%arg0: i32, %arg1: i32, %arg2: memref<2x10008x128xf32, #tpu.memory_space<hbm>>, %arg3: memref<323584xi32, #tpu.memory_space<hbm>>, %arg4: memref<323584xi32, #tpu.memory_space<hbm>>, %arg5: memref<40448x128xf32, #tpu.memory_space<hbm>>, %arg6: memref<2x10000x128xf32, #tpu.memory_space<hbm>>, %arg7: memref<10008x128xf32, #tpu.memory_space<vmem_shared>>, %arg8: memref<2x128xi32, #tpu.memory_space<vmem>>, %arg9: memref<2x64xi32, #tpu.memory_space<vmem>>, %arg10: memref<2x128x128xf32, #tpu.memory_space<vmem>>, %arg11: memref<8x128xf32, #tpu.memory_space<vmem>>, %arg12: memref<64x128xf32, #tpu.memory_space<vmem>>, %arg13: memref<40x128xf32, #tpu.memory_space<vmem>>, %arg14: memref<!tpu.dma_semaphore, #tpu.memory_space<semaphore_mem>>, %arg15: memref<!tpu.dma_semaphore, #tpu.memory_space<semaphore_mem>>, %arg16: memref<!tpu.dma_semaphore, #tpu.memory_space<semaphore_mem>>, %arg17: memref<!tpu.dma_semaphore, #tpu.memory_space<semaphore_mem>>, %arg18: memref<!tpu.dma_semaphore, #tpu.memory_space<semaphore_mem>>, %arg19: memref<!tpu.dma_semaphore, #tpu.memory_space<semaphore_mem>>) attributes {dimension_semantics = [#tpu.dimension_semantics<core_parallel>, #tpu.dimension_semantics<subcore_parallel>], iteration_bounds = array<i64: 2, 16>, scalar_prefetch = 0 : i64, scratch_operands = 13 : i64, tpu.core_type = #tpu.core_type<sc_vector_subcore>, window_params = [{transform_indices = #map}, {transform_indices = #map1}, {transform_indices = #map1}, {transform_indices = #map2}, {transform_indices = #map}]} {
    %scan3A = arith.constant 0 : i32
    %scan3A_0 = arith.constant 0 : i32
    %scan3A_1 = arith.constant 40 : i32
    %scan3A_2 = arith.addi %scan3A_0, %scan3A_1 : i32
    %scan3A_3 = arith.constant 1 : i32
    %scan3A_4 = scf.for %scan3A_241 = %scan3A_0 to %scan3A_2 step %scan3A_3 iter_args(%scan3A_242 = %scan3A) -> (i32)  : i32 {
      %broadcast_in_dim3A = arith.constant 0.000000e+00 : f32
      %broadcast_in_dim3A_243 = vector.broadcast %broadcast_in_dim3A : f32 to vector<16xf32>
      %swap3A = arith.index_cast %scan3A_241 : i32 to index
      %swap3A_244 = arith.constant 0 : index
      %swap3A_245 = tpu.vector_load %arg13[%swap3A, %swap3A_244] {strides = array<i32>} : memref<40x128xf32, #tpu.memory_space<vmem>>, vector<1x16xf32>,
      %swap3A_246 = vector.shape_cast %swap3A_245 : vector<1x16xf32> to vector<16xf32>
      %swap3A_247 = vector.shape_cast %broadcast_in_dim3A_243 : vector<16xf32> to vector<1x16xf32>
      tpu.vector_store %arg13[%swap3A, %swap3A_244], %swap3A_247 {strides = array<i32>} : memref<40x128xf32, #tpu.memory_space<vmem>>, vector<1x16xf32>,
      %broadcast_in_dim3A_248 = arith.constant 0.000000e+00 : f32
      %broadcast_in_dim3A_249 = vector.broadcast %broadcast_in_dim3A_248 : f32 to vector<16xf32>
      %swap3A_250 = arith.index_cast %scan3A_241 : i32 to index
      %swap3A_251 = arith.constant 16 : index
      %swap3A_252 = tpu.vector_load %arg13[%swap3A_250, %swap3A_251] {strides = array<i32>} : memref<40x128xf32, #tpu.memory_space<vmem>>, vector<1x16xf32>,
      %swap3A_253 = vector.shape_cast %swap3A_252 : vector<1x16xf32> to vector<16xf32>
      %swap3A_254 = vector.shape_cast %broadcast_in_dim3A_249 : vector<16xf32> to vector<1x16xf32>
      tpu.vector_store %arg13[%swap3A_250, %swap3A_251], %swap3A_254 {strides = array<i32>} : memref<40x128xf32, #tpu.memory_space<vmem>>, vector<1x16xf32>,
      %broadcast_in_dim3A_255 = arith.constant 0.000000e+00 : f32
      %broadcast_in_dim3A_256 = vector.broadcast %broadcast_in_dim3A_255 : f32 to vector<16xf32>
      %swap3A_257 = arith.index_cast %scan3A_241 : i32 to index
      %swap3A_258 = arith.constant 32 : index
      %swap3A_259 = tpu.vector_load %arg13[%swap3A_257, %swap3A_258] {strides = array<i32>} : memref<40x128xf32, #tpu.memory_space<vmem>>, vector<1x16xf32>,
      %swap3A_260 = vector.shape_cast %swap3A_259 : vector<1x16xf32> to vector<16xf32>
      %swap3A_261 = vector.shape_cast %broadcast_in_dim3A_256 : vector<16xf32> to vector<1x16xf32>
      tpu.vector_store %arg13[%swap3A_257, %swap3A_258], %swap3A_261 {strides = array<i32>} : memref<40x128xf32, #tpu.memory_space<vmem>>, vector<1x16xf32>,
      %broadcast_in_dim3A_262 = arith.constant 0.000000e+00 : f32
      %broadcast_in_dim3A_263 = vector.broadcast %broadcast_in_dim3A_262 : f32 to vector<16xf32>
      %swap3A_264 = arith.index_cast %scan3A_241 : i32 to index
      %swap3A_265 = arith.constant 48 : index
      %swap3A_266 = tpu.vector_load %arg13[%swap3A_264, %swap3A_265] {strides = array<i32>} : memref<40x128xf32, #tpu.memory_space<vmem>>, vector<1x16xf32>,
      %swap3A_267 = vector.shape_cast %swap3A_266 : vector<1x16xf32> to vector<16xf32>
      %swap3A_268 = vector.shape_cast %broadcast_in_dim3A_263 : vector<16xf32> to vector<1x16xf32>
      tpu.vector_store %arg13[%swap3A_264, %swap3A_265], %swap3A_268 {strides = array<i32>} : memref<40x128xf32, #tpu.memory_space<vmem>>, vector<1x16xf32>,
      %broadcast_in_dim3A_269 = arith.constant 0.000000e+00 : f32
      %broadcast_in_dim3A_270 = vector.broadcast %broadcast_in_dim3A_269 : f32 to vector<16xf32>
      %swap3A_271 = arith.index_cast %scan3A_241 : i32 to index
      %swap3A_272 = arith.constant 64 : index
      %swap3A_273 = tpu.vector_load %arg13[%swap3A_271, %swap3A_272] {strides = array<i32>} : memref<40x128xf32, #tpu.memory_space<vmem>>, vector<1x16xf32>,
      %swap3A_274 = vector.shape_cast %swap3A_273 : vector<1x16xf32> to vector<16xf32>
      %swap3A_275 = vector.shape_cast %broadcast_in_dim3A_270 : vector<16xf32> to vector<1x16xf32>
      tpu.vector_store %arg13[%swap3A_271, %swap3A_272], %swap3A_275 {strides = array<i32>} : memref<40x128xf32, #tpu.memory_space<vmem>>, vector<1x16xf32>,
      %broadcast_in_dim3A_276 = arith.constant 0.000000e+00 : f32
      %broadcast_in_dim3A_277 = vector.broadcast %broadcast_in_dim3A_276 : f32 to vector<16xf32>
      %swap3A_278 = arith.index_cast %scan3A_241 : i32 to index
      %swap3A_279 = arith.constant 80 : index
      %swap3A_280 = tpu.vector_load %arg13[%swap3A_278, %swap3A_279] {strides = array<i32>} : memref<40x128xf32, #tpu.memory_space<vmem>>, vector<1x16xf32>,
      %swap3A_281 = vector.shape_cast %swap3A_280 : vector<1x16xf32> to vector<16xf32>
      %swap3A_282 = vector.shape_cast %broadcast_in_dim3A_277 : vector<16xf32> to vector<1x16xf32>
      tpu.vector_store %arg13[%swap3A_278, %swap3A_279], %swap3A_282 {strides = array<i32>} : memref<40x128xf32, #tpu.memory_space<vmem>>, vector<1x16xf32>,
      %broadcast_in_dim3A_283 = arith.constant 0.000000e+00 : f32
      %broadcast_in_dim3A_284 = vector.broadcast %broadcast_in_dim3A_283 : f32 to vector<16xf32>
      %swap3A_285 = arith.index_cast %scan3A_241 : i32 to index
      %swap3A_286 = arith.constant 96 : index
      %swap3A_287 = tpu.vector_load %arg13[%swap3A_285, %swap3A_286] {strides = array<i32>} : memref<40x128xf32, #tpu.memory_space<vmem>>, vector<1x16xf32>,
      %swap3A_288 = vector.shape_cast %swap3A_287 : vector<1x16xf32> to vector<16xf32>
      %swap3A_289 = vector.shape_cast %broadcast_in_dim3A_284 : vector<16xf32> to vector<1x16xf32>
      tpu.vector_store %arg13[%swap3A_285, %swap3A_286], %swap3A_289 {strides = array<i32>} : memref<40x128xf32, #tpu.memory_space<vmem>>, vector<1x16xf32>,
      %broadcast_in_dim3A_290 = arith.constant 0.000000e+00 : f32
      %broadcast_in_dim3A_291 = vector.broadcast %broadcast_in_dim3A_290 : f32 to vector<16xf32>
      %swap3A_292 = arith.index_cast %scan3A_241 : i32 to index
      %swap3A_293 = arith.constant 112 : index
      %swap3A_294 = tpu.vector_load %arg13[%swap3A_292, %swap3A_293] {strides = array<i32>} : memref<40x128xf32, #tpu.memory_space<vmem>>, vector<1x16xf32>,
      %swap3A_295 = vector.shape_cast %swap3A_294 : vector<1x16xf32> to vector<16xf32>
      %swap3A_296 = vector.shape_cast %broadcast_in_dim3A_291 : vector<16xf32> to vector<1x16xf32>
      tpu.vector_store %arg13[%swap3A_292, %swap3A_293], %swap3A_296 {strides = array<i32>} : memref<40x128xf32, #tpu.memory_space<vmem>>, vector<1x16xf32>,
      %scan3A_297 = arith.constant 0 : i32
      scf.yield %scan3A_297 : i32
    }
    %scan3A_5 = arith.constant 40 : i32
    %scan3A_6 = arith.constant 0 : i32
    %scan3A_7 = arith.constant 0 : i32
    %scan3A_8 = arith.constant 64 : i32
    %scan3A_9 = arith.addi %scan3A_7, %scan3A_8 : i32
    %scan3A_10 = arith.constant 1 : i32
    %scan3A_11 = scf.for %scan3A_241 = %scan3A_7 to %scan3A_9 step %scan3A_10 iter_args(%scan3A_242 = %scan3A_6) -> (i32)  : i32 {
      %broadcast_in_dim3A = arith.constant 0.000000e+00 : f32
      %broadcast_in_dim3A_243 = vector.broadcast %broadcast_in_dim3A : f32 to vector<16xf32>
      %swap3A = arith.index_cast %scan3A_241 : i32 to index
      %swap3A_244 = arith.constant 0 : index
      %swap3A_245 = tpu.vector_load %arg12[%swap3A, %swap3A_244] {strides = array<i32>} : memref<64x128xf32, #tpu.memory_space<vmem>>, vector<1x16xf32>,
      %swap3A_246 = vector.shape_cast %swap3A_245 : vector<1x16xf32> to vector<16xf32>
      %swap3A_247 = vector.shape_cast %broadcast_in_dim3A_243 : vector<16xf32> to vector<1x16xf32>
      tpu.vector_store %arg12[%swap3A, %swap3A_244], %swap3A_247 {strides = array<i32>} : memref<64x128xf32, #tpu.memory_space<vmem>>, vector<1x16xf32>,
      %broadcast_in_dim3A_248 = arith.constant 0.000000e+00 : f32
      %broadcast_in_dim3A_249 = vector.broadcast %broadcast_in_dim3A_248 : f32 to vector<16xf32>
      %swap3A_250 = arith.index_cast %scan3A_241 : i32 to index
      %swap3A_251 = arith.constant 16 : index
      %swap3A_252 = tpu.vector_load %arg12[%swap3A_250, %swap3A_251] {strides = array<i32>} : memref<64x128xf32, #tpu.memory_space<vmem>>, vector<1x16xf32>,
      %swap3A_253 = vector.shape_cast %swap3A_252 : vector<1x16xf32> to vector<16xf32>
      %swap3A_254 = vector.shape_cast %broadcast_in_dim3A_249 : vector<16xf32> to vector<1x16xf32>
      tpu.vector_store %arg12[%swap3A_250, %swap3A_251], %swap3A_254 {strides = array<i32>} : memref<64x128xf32, #tpu.memory_space<vmem>>, vector<1x16xf32>,
      %broadcast_in_dim3A_255 = arith.constant 0.000000e+00 : f32
      %broadcast_in_dim3A_256 = vector.broadcast %broadcast_in_dim3A_255 : f32 to vector<16xf32>
      %swap3A_257 = arith.index_cast %scan3A_241 : i32 to index
      %swap3A_258 = arith.constant 32 : index
      %swap3A_259 = tpu.vector_load %arg12[%swap3A_257, %swap3A_258] {strides = array<i32>} : memref<64x128xf32, #tpu.memory_space<vmem>>, vector<1x16xf32>,
      %swap3A_260 = vector.shape_cast %swap3A_259 : vector<1x16xf32> to vector<16xf32>
      %swap3A_261 = vector.shape_cast %broadcast_in_dim3A_256 : vector<16xf32> to vector<1x16xf32>
      tpu.vector_store %arg12[%swap3A_257, %swap3A_258], %swap3A_261 {strides = array<i32>} : memref<64x128xf32, #tpu.memory_space<vmem>>, vector<1x16xf32>,
      %broadcast_in_dim3A_262 = arith.constant 0.000000e+00 : f32
      %broadcast_in_dim3A_263 = vector.broadcast %broadcast_in_dim3A_262 : f32 to vector<16xf32>
      %swap3A_264 = arith.index_cast %scan3A_241 : i32 to index
      %swap3A_265 = arith.constant 48 : index
      %swap3A_266 = tpu.vector_load %arg12[%swap3A_264, %swap3A_265] {strides = array<i32>} : memref<64x128xf32, #tpu.memory_space<vmem>>, vector<1x16xf32>,
      %swap3A_267 = vector.shape_cast %swap3A_266 : vector<1x16xf32> to vector<16xf32>
      %swap3A_268 = vector.shape_cast %broadcast_in_dim3A_263 : vector<16xf32> to vector<1x16xf32>
      tpu.vector_store %arg12[%swap3A_264, %swap3A_265], %swap3A_268 {strides = array<i32>} : memref<64x128xf32, #tpu.memory_space<vmem>>, vector<1x16xf32>,
      %broadcast_in_dim3A_269 = arith.constant 0.000000e+00 : f32
      %broadcast_in_dim3A_270 = vector.broadcast %broadcast_in_dim3A_269 : f32 to vector<16xf32>
      %swap3A_271 = arith.index_cast %scan3A_241 : i32 to index
      %swap3A_272 = arith.constant 64 : index
      %swap3A_273 = tpu.vector_load %arg12[%swap3A_271, %swap3A_272] {strides = array<i32>} : memref<64x128xf32, #tpu.memory_space<vmem>>, vector<1x16xf32>,
      %swap3A_274 = vector.shape_cast %swap3A_273 : vector<1x16xf32> to vector<16xf32>
      %swap3A_275 = vector.shape_cast %broadcast_in_dim3A_270 : vector<16xf32> to vector<1x16xf32>
      tpu.vector_store %arg12[%swap3A_271, %swap3A_272], %swap3A_275 {strides = array<i32>} : memref<64x128xf32, #tpu.memory_space<vmem>>, vector<1x16xf32>,
      %broadcast_in_dim3A_276 = arith.constant 0.000000e+00 : f32
      %broadcast_in_dim3A_277 = vector.broadcast %broadcast_in_dim3A_276 : f32 to vector<16xf32>
      %swap3A_278 = arith.index_cast %scan3A_241 : i32 to index
      %swap3A_279 = arith.constant 80 : index
      %swap3A_280 = tpu.vector_load %arg12[%swap3A_278, %swap3A_279] {strides = array<i32>} : memref<64x128xf32, #tpu.memory_space<vmem>>, vector<1x16xf32>,
      %swap3A_281 = vector.shape_cast %swap3A_280 : vector<1x16xf32> to vector<16xf32>
      %swap3A_282 = vector.shape_cast %broadcast_in_dim3A_277 : vector<16xf32> to vector<1x16xf32>
      tpu.vector_store %arg12[%swap3A_278, %swap3A_279], %swap3A_282 {strides = array<i32>} : memref<64x128xf32, #tpu.memory_space<vmem>>, vector<1x16xf32>,
      %broadcast_in_dim3A_283 = arith.constant 0.000000e+00 : f32
      %broadcast_in_dim3A_284 = vector.broadcast %broadcast_in_dim3A_283 : f32 to vector<16xf32>
      %swap3A_285 = arith.index_cast %scan3A_241 : i32 to index
      %swap3A_286 = arith.constant 96 : index
      %swap3A_287 = tpu.vector_load %arg12[%swap3A_285, %swap3A_286] {strides = array<i32>} : memref<64x128xf32, #tpu.memory_space<vmem>>, vector<1x16xf32>,
      %swap3A_288 = vector.shape_cast %swap3A_287 : vector<1x16xf32> to vector<16xf32>
      %swap3A_289 = vector.shape_cast %broadcast_in_dim3A_284 : vector<16xf32> to vector<1x16xf32>
      tpu.vector_store %arg12[%swap3A_285, %swap3A_286], %swap3A_289 {strides = array<i32>} : memref<64x128xf32, #tpu.memory_space<vmem>>, vector<1x16xf32>,
      %broadcast_in_dim3A_290 = arith.constant 0.000000e+00 : f32
      %broadcast_in_dim3A_291 = vector.broadcast %broadcast_in_dim3A_290 : f32 to vector<16xf32>
      %swap3A_292 = arith.index_cast %scan3A_241 : i32 to index
      %swap3A_293 = arith.constant 112 : index
      %swap3A_294 = tpu.vector_load %arg12[%swap3A_292, %swap3A_293] {strides = array<i32>} : memref<64x128xf32, #tpu.memory_space<vmem>>, vector<1x16xf32>,
      %swap3A_295 = vector.shape_cast %swap3A_294 : vector<1x16xf32> to vector<16xf32>
      %swap3A_296 = vector.shape_cast %broadcast_in_dim3A_291 : vector<16xf32> to vector<1x16xf32>
      tpu.vector_store %arg12[%swap3A_292, %swap3A_293], %swap3A_296 {strides = array<i32>} : memref<64x128xf32, #tpu.memory_space<vmem>>, vector<1x16xf32>,
      %scan3A_297 = arith.constant 0 : i32
      scf.yield %scan3A_297 : i32
    }
    %scan3A_12 = arith.constant 64 : i32
    %lt3A = arith.constant 10 : i32
    %lt3A_13 = arith.cmpi slt, %arg1, %lt3A : i32
    %jit3A = arith.constant 16 : i32
    %jit3A_14 = arith.constant 15 : i32
    %select_n3A = arith.select %lt3A_13, %jit3A, %jit3A_14 : i32
    %while3A = arith.constant 0 : i32
    %while3A_15 = arith.constant 0 : i32
    %while3A_16 = arith.subi %select_n3A, %while3A : i32
    %while3A_17 = arith.addi %while3A, %while3A_16 : i32
    %while3A_18 = arith.constant 1 : i32
    %while3A_19 = arith.divsi %while3A_16, %while3A_18 : i32
    %while3A_20 = arith.muli %while3A_19, %while3A_18 : i32
    %while3A_21 = arith.addi %while3A, %while3A_20 : i32
    %while3A_22 = arith.constant 1 : i32
    %while3A_23 = scf.for %while3A_241 = %while3A to %while3A_21 step %while3A_22 iter_args(%while3A_242 = %while3A_15) -> (i32)  : i32 {
      %mul3A_243 = arith.constant 16 : i32
      %mul3A_244 = arith.muli %while3A_241, %mul3A_243 : i32
      %add3A_245 = arith.addi %mul3A_244, %arg1 : i32
      %mul3A_246 = arith.constant 40 : i32
      %mul3A_247 = arith.muli %add3A_245, %mul3A_246 : i32
      "tpu.region"() ({
        %run_scoped3A_249 = tpu.sem_alloc : memref<!tpu.dma_semaphore, #tpu.memory_space<semaphore_mem>>
        %dma_start3A_250 = arith.constant 0 : i32
        %dma_start3A_251 = tpu.memref_slice %arg7[%mul3A_247, %dma_start3A_250] : memref<10008x128xf32, #tpu.memory_space<vmem_shared>> -> memref<40x128xf32, #tpu.memory_space<vmem_shared>>
        %dma_start3A_252 = arith.constant 0 : i32
        %dma_start3A_253 = tpu.memref_slice %arg7[%mul3A_247, %dma_start3A_252] : memref<10008x128xf32, #tpu.memory_space<vmem_shared>> -> memref<40x128xf32, #tpu.memory_space<vmem_shared>>
        tpu.enqueue_dma source(%arg13 : memref<40x128xf32, #tpu.memory_space<vmem>>) target(%dma_start3A_253 : memref<40x128xf32, #tpu.memory_space<vmem_shared>>) target_semaphore(%run_scoped3A_249 : memref<!tpu.dma_semaphore, #tpu.memory_space<semaphore_mem>>)
        %dma_wait3A_254 = arith.constant 0 : i32
        %dma_wait3A_255 = tpu.memref_slice %arg7[%mul3A_247, %dma_wait3A_254] : memref<10008x128xf32, #tpu.memory_space<vmem_shared>> -> memref<40x128xf32, #tpu.memory_space<vmem_shared>>
        %dma_wait3A_256 = arith.constant 0 : i32
        %dma_wait3A_257 = tpu.memref_slice %arg7[%mul3A_247, %dma_wait3A_256] : memref<10008x128xf32, #tpu.memory_space<vmem_shared>> -> memref<40x128xf32, #tpu.memory_space<vmem_shared>>
        tpu.wait_dma2 semaphore(%run_scoped3A_249 : memref<!tpu.dma_semaphore, #tpu.memory_space<semaphore_mem>>) src(%arg13 : memref<40x128xf32, #tpu.memory_space<vmem>>) dst(%dma_wait3A_257 : memref<40x128xf32, #tpu.memory_space<vmem_shared>>)
        tpu.yield
      }) : () -> ()
      %while3A_248 = arith.constant 0 : i32
      scf.yield %while3A_248 : i32
    }
    %while3A_24 = arith.constant 1 : i32
    %while3A_25 = scf.for %while3A_241 = %while3A_21 to %while3A_17 step %while3A_24 iter_args(%while3A_242 = %while3A_23) -> (i32)  : i32 {
      %mul3A_243 = arith.constant 16 : i32
      %mul3A_244 = arith.muli %while3A_241, %mul3A_243 : i32
      %add3A_245 = arith.addi %mul3A_244, %arg1 : i32
      %mul3A_246 = arith.constant 40 : i32
      %mul3A_247 = arith.muli %add3A_245, %mul3A_246 : i32
      "tpu.region"() ({
        %run_scoped3A_249 = tpu.sem_alloc : memref<!tpu.dma_semaphore, #tpu.memory_space<semaphore_mem>>
        %dma_start3A_250 = arith.constant 0 : i32
        %dma_start3A_251 = tpu.memref_slice %arg7[%mul3A_247, %dma_start3A_250] : memref<10008x128xf32, #tpu.memory_space<vmem_shared>> -> memref<40x128xf32, #tpu.memory_space<vmem_shared>>
        %dma_start3A_252 = arith.constant 0 : i32
        %dma_start3A_253 = tpu.memref_slice %arg7[%mul3A_247, %dma_start3A_252] : memref<10008x128xf32, #tpu.memory_space<vmem_shared>> -> memref<40x128xf32, #tpu.memory_space<vmem_shared>>
        tpu.enqueue_dma source(%arg13 : memref<40x128xf32, #tpu.memory_space<vmem>>) target(%dma_start3A_253 : memref<40x128xf32, #tpu.memory_space<vmem_shared>>) target_semaphore(%run_scoped3A_249 : memref<!tpu.dma_semaphore, #tpu.memory_space<semaphore_mem>>)
        %dma_wait3A_254 = arith.constant 0 : i32
        %dma_wait3A_255 = tpu.memref_slice %arg7[%mul3A_247, %dma_wait3A_254] : memref<10008x128xf32, #tpu.memory_space<vmem_shared>> -> memref<40x128xf32, #tpu.memory_space<vmem_shared>>
        %dma_wait3A_256 = arith.constant 0 : i32
        %dma_wait3A_257 = tpu.memref_slice %arg7[%mul3A_247, %dma_wait3A_256] : memref<10008x128xf32, #tpu.memory_space<vmem_shared>> -> memref<40x128xf32, #tpu.memory_space<vmem_shared>>
        tpu.wait_dma2 semaphore(%run_scoped3A_249 : memref<!tpu.dma_semaphore, #tpu.memory_space<semaphore_mem>>) src(%arg13 : memref<40x128xf32, #tpu.memory_space<vmem>>) dst(%dma_wait3A_257 : memref<40x128xf32, #tpu.memory_space<vmem_shared>>)
        tpu.yield
      }) : () -> ()
      %while3A_248 = arith.constant 0 : i32
      scf.yield %while3A_248 : i32
    }
    %barrier3A = arith.constant 0 : index
    tpu.barrier barrier_id(%barrier3A)
    %mul3A = arith.constant 161792 : i32
    %mul3A_26 = arith.muli %arg0, %mul3A : i32
    %add3A = arith.constant 0 : i32
    %add3A_27 = arith.addi %add3A, %arg1 : i32
    %mul3A_28 = arith.constant 64 : i32
    %mul3A_29 = arith.muli %add3A_27, %mul3A_28 : i32
    %add3A_30 = arith.addi %mul3A_26, %mul3A_29 : i32
    %dma_start3A = arith.constant 0 : i32
    %dma_start3A_31 = arith.constant 0 : i32
    %dma_start3A_32 = tpu.memref_slice %arg8[%dma_start3A, %dma_start3A_31] : memref<2x128xi32, #tpu.memory_space<vmem>> -> memref<1x64xi32, #tpu.memory_space<vmem>>
    %dma_start3A_33 = tpu.memref_squeeze %dma_start3A_32 : memref<1x64xi32, #tpu.memory_space<vmem>> -> memref<64xi32, #tpu.memory_space<vmem>>
    %dma_start3A_34 = tpu.memref_slice %arg3[%add3A_30] : memref<323584xi32, #tpu.memory_space<hbm>> -> memref<64xi32, #tpu.memory_space<hbm>>
    %dma_start3A_35 = arith.constant 0 : i32
    %dma_start3A_36 = tpu.memref_slice %arg8[%dma_start3A, %dma_start3A_35] : memref<2x128xi32, #tpu.memory_space<vmem>> -> memref<1x64xi32, #tpu.memory_space<vmem>>
    %dma_start3A_37 = tpu.memref_squeeze %dma_start3A_36 : memref<1x64xi32, #tpu.memory_space<vmem>> -> memref<64xi32, #tpu.memory_space<vmem>>
    %dma_start3A_38 = tpu.memref_slice %arg3[%add3A_30] : memref<323584xi32, #tpu.memory_space<hbm>> -> memref<64xi32, #tpu.memory_space<hbm>>
    tpu.enqueue_dma source(%dma_start3A_38 : memref<64xi32, #tpu.memory_space<hbm>>) target(%dma_start3A_37 : memref<64xi32, #tpu.memory_space<vmem>>) target_semaphore(%arg14 : memref<!tpu.dma_semaphore, #tpu.memory_space<semaphore_mem>>)
    %dma_start3A_39 = arith.constant 0 : i32
    %dma_start3A_40 = arith.constant 64 : i32
    %dma_start3A_41 = tpu.memref_slice %arg8[%dma_start3A_39, %dma_start3A_40] : memref<2x128xi32, #tpu.memory_space<vmem>> -> memref<1x64xi32, #tpu.memory_space<vmem>>
    %dma_start3A_42 = tpu.memref_squeeze %dma_start3A_41 : memref<1x64xi32, #tpu.memory_space<vmem>> -> memref<64xi32, #tpu.memory_space<vmem>>
    %dma_start3A_43 = tpu.memref_slice %arg4[%add3A_30] : memref<323584xi32, #tpu.memory_space<hbm>> -> memref<64xi32, #tpu.memory_space<hbm>>
    %dma_start3A_44 = arith.constant 64 : i32
    %dma_start3A_45 = tpu.memref_slice %arg8[%dma_start3A_39, %dma_start3A_44] : memref<2x128xi32, #tpu.memory_space<vmem>> -> memref<1x64xi32, #tpu.memory_space<vmem>>
    %dma_start3A_46 = tpu.memref_squeeze %dma_start3A_45 : memref<1x64xi32, #tpu.memory_space<vmem>> -> memref<64xi32, #tpu.memory_space<vmem>>
    %dma_start3A_47 = tpu.memref_slice %arg4[%add3A_30] : memref<323584xi32, #tpu.memory_space<hbm>> -> memref<64xi32, #tpu.memory_space<hbm>>
    tpu.enqueue_dma source(%dma_start3A_47 : memref<64xi32, #tpu.memory_space<hbm>>) target(%dma_start3A_46 : memref<64xi32, #tpu.memory_space<vmem>>) target_semaphore(%arg14 : memref<!tpu.dma_semaphore, #tpu.memory_space<semaphore_mem>>)
    %dma_start3A_48 = arith.constant 0 : i32
    %dma_start3A_49 = arith.constant 0 : i32
    %dma_start3A_50 = tpu.memref_slice %arg9[%dma_start3A_48, %dma_start3A_49] : memref<2x64xi32, #tpu.memory_space<vmem>> -> memref<1x64xi32, #tpu.memory_space<vmem>>
    %dma_start3A_51 = tpu.memref_squeeze %dma_start3A_50 : memref<1x64xi32, #tpu.memory_space<vmem>> -> memref<64xi32, #tpu.memory_space<vmem>>
    %dma_start3A_52 = tpu.memref_slice %arg4[%add3A_30] : memref<323584xi32, #tpu.memory_space<hbm>> -> memref<64xi32, #tpu.memory_space<hbm>>
    %dma_start3A_53 = arith.constant 0 : i32
    %dma_start3A_54 = tpu.memref_slice %arg9[%dma_start3A_48, %dma_start3A_53] : memref<2x64xi32, #tpu.memory_space<vmem>> -> memref<1x64xi32, #tpu.memory_space<vmem>>
    %dma_start3A_55 = tpu.memref_squeeze %dma_start3A_54 : memref<1x64xi32, #tpu.memory_space<vmem>> -> memref<64xi32, #tpu.memory_space<vmem>>
    %dma_start3A_56 = tpu.memref_slice %arg4[%add3A_30] : memref<323584xi32, #tpu.memory_space<hbm>> -> memref<64xi32, #tpu.memory_space<hbm>>
    tpu.enqueue_dma source(%dma_start3A_56 : memref<64xi32, #tpu.memory_space<hbm>>) target(%dma_start3A_55 : memref<64xi32, #tpu.memory_space<vmem>>) target_semaphore(%arg16 : memref<!tpu.dma_semaphore, #tpu.memory_space<semaphore_mem>>)
    %mul3A_57 = arith.constant 161792 : i32
    %mul3A_58 = arith.muli %arg0, %mul3A_57 : i32
    %add3A_59 = arith.constant 0 : i32
    %add3A_60 = arith.addi %add3A_59, %arg1 : i32
    %mul3A_61 = arith.constant 64 : i32
    %mul3A_62 = arith.muli %add3A_60, %mul3A_61 : i32
    %add3A_63 = arith.addi %mul3A_58, %mul3A_62 : i32
    %dma_wait3A = arith.constant 0 : i32
    %dma_wait3A_64 = arith.constant 0 : i32
    %dma_wait3A_65 = tpu.memref_slice %arg8[%dma_wait3A, %dma_wait3A_64] : memref<2x128xi32, #tpu.memory_space<vmem>> -> memref<1x64xi32, #tpu.memory_space<vmem>>
    %dma_wait3A_66 = tpu.memref_squeeze %dma_wait3A_65 : memref<1x64xi32, #tpu.memory_space<vmem>> -> memref<64xi32, #tpu.memory_space<vmem>>
    %dma_wait3A_67 = tpu.memref_slice %arg3[%add3A_63] : memref<323584xi32, #tpu.memory_space<hbm>> -> memref<64xi32, #tpu.memory_space<hbm>>
    %dma_wait3A_68 = arith.constant 0 : i32
    %dma_wait3A_69 = tpu.memref_slice %arg8[%dma_wait3A, %dma_wait3A_68] : memref<2x128xi32, #tpu.memory_space<vmem>> -> memref<1x64xi32, #tpu.memory_space<vmem>>
    %dma_wait3A_70 = tpu.memref_squeeze %dma_wait3A_69 : memref<1x64xi32, #tpu.memory_space<vmem>> -> memref<64xi32, #tpu.memory_space<vmem>>
    %dma_wait3A_71 = tpu.memref_slice %arg3[%add3A_63] : memref<323584xi32, #tpu.memory_space<hbm>> -> memref<64xi32, #tpu.memory_space<hbm>>
    tpu.wait_dma2 semaphore(%arg14 : memref<!tpu.dma_semaphore, #tpu.memory_space<semaphore_mem>>) src(%dma_wait3A_71 : memref<64xi32, #tpu.memory_space<hbm>>) dst(%dma_wait3A_70 : memref<64xi32, #tpu.memory_space<vmem>>)
    %dma_wait3A_72 = arith.constant 0 : i32
    %dma_wait3A_73 = arith.constant 64 : i32
    %dma_wait3A_74 = tpu.memref_slice %arg8[%dma_wait3A_72, %dma_wait3A_73] : memref<2x128xi32, #tpu.memory_space<vmem>> -> memref<1x64xi32, #tpu.memory_space<vmem>>
    %dma_wait3A_75 = tpu.memref_squeeze %dma_wait3A_74 : memref<1x64xi32, #tpu.memory_space<vmem>> -> memref<64xi32, #tpu.memory_space<vmem>>
    %dma_wait3A_76 = tpu.memref_slice %arg4[%add3A_63] : memref<323584xi32, #tpu.memory_space<hbm>> -> memref<64xi32, #tpu.memory_space<hbm>>
    %dma_wait3A_77 = arith.constant 64 : i32
    %dma_wait3A_78 = tpu.memref_slice %arg8[%dma_wait3A_72, %dma_wait3A_77] : memref<2x128xi32, #tpu.memory_space<vmem>> -> memref<1x64xi32, #tpu.memory_space<vmem>>
    %dma_wait3A_79 = tpu.memref_squeeze %dma_wait3A_78 : memref<1x64xi32, #tpu.memory_space<vmem>> -> memref<64xi32, #tpu.memory_space<vmem>>
    %dma_wait3A_80 = tpu.memref_slice %arg4[%add3A_63] : memref<323584xi32, #tpu.memory_space<hbm>> -> memref<64xi32, #tpu.memory_space<hbm>>
    tpu.wait_dma2 semaphore(%arg14 : memref<!tpu.dma_semaphore, #tpu.memory_space<semaphore_mem>>) src(%dma_wait3A_80 : memref<64xi32, #tpu.memory_space<hbm>>) dst(%dma_wait3A_79 : memref<64xi32, #tpu.memory_space<vmem>>)
    %dma_start3A_81 = arith.constant 0 : i32
    %dma_start3A_82 = arith.constant 0 : i32
    %dma_start3A_83 = arith.constant 0 : i32
    %dma_start3A_84 = arith.constant 0 : i32
    %dma_start3A_85 = tpu.memref_slice %arg10[%dma_start3A_82, %dma_start3A_83, %dma_start3A_84] : memref<2x128x128xf32, #tpu.memory_space<vmem>> -> memref<1x128x128xf32, #tpu.memory_space<vmem>>
    %dma_start3A_86 = tpu.memref_squeeze %dma_start3A_85 : memref<1x128x128xf32, #tpu.memory_space<vmem>> -> memref<128x128xf32, #tpu.memory_space<vmem>>
    %dma_start3A_87 = arith.constant 0 : i32
    %dma_start3A_88 = tpu.memref_slice %arg8[%dma_start3A_81, %dma_start3A_87] : memref<2x128xi32, #tpu.memory_space<vmem>> -> memref<1x128xi32, #tpu.memory_space<vmem>>
    %dma_start3A_89 = tpu.memref_squeeze %dma_start3A_88 : memref<1x128xi32, #tpu.memory_space<vmem>> -> memref<128xi32, #tpu.memory_space<vmem>>
    %dma_start3A_90 = arith.constant 0 : i32
    %dma_start3A_91 = arith.constant 0 : i32
    %dma_start3A_92 = tpu.memref_slice %arg2[%arg0, %dma_start3A_90, %dma_start3A_91] : memref<2x10008x128xf32, #tpu.memory_space<hbm>> -> memref<1x10008x128xf32, #tpu.memory_space<hbm>>
    %dma_start3A_93 = tpu.memref_squeeze %dma_start3A_92 : memref<1x10008x128xf32, #tpu.memory_space<hbm>> -> memref<10008x128xf32, #tpu.memory_space<hbm>>
    %dma_start3A_94 = arith.constant 0 : i32
    %dma_start3A_95 = arith.constant 0 : i32
    %dma_start3A_96 = tpu.memref_slice %dma_start3A_93[%dma_start3A_94, %dma_start3A_95] : memref<10008x128xf32, #tpu.memory_space<hbm>> -> memref<10008x128xf32, #tpu.memory_space<hbm>>
    tpu.enqueue_indirect_dma source(%dma_start3A_96 : memref<10008x128xf32, #tpu.memory_space<hbm>>) target(%dma_start3A_86 : memref<128x128xf32, #tpu.memory_space<vmem>>) offsets(%dma_start3A_89 : memref<128xi32, #tpu.memory_space<vmem>>) semaphore(%arg18 : memref<!tpu.dma_semaphore, #tpu.memory_space<semaphore_mem>>)
    %mul3A_97 = arith.constant 161792 : i32
    %mul3A_98 = arith.muli %arg0, %mul3A_97 : i32
    %add3A_99 = arith.constant 16 : i32
    %add3A_100 = arith.addi %add3A_99, %arg1 : i32
    %mul3A_101 = arith.constant 64 : i32
    %mul3A_102 = arith.muli %add3A_100, %mul3A_101 : i32
    %add3A_103 = arith.addi %mul3A_98, %mul3A_102 : i32
    %dma_start3A_104 = arith.constant 1 : i32
    %dma_start3A_105 = arith.constant 0 : i32
    %dma_start3A_106 = tpu.memref_slice %arg8[%dma_start3A_104, %dma_start3A_105] : memref<2x128xi32, #tpu.memory_space<vmem>> -> memref<1x64xi32, #tpu.memory_space<vmem>>
    %dma_start3A_107 = tpu.memref_squeeze %dma_start3A_106 : memref<1x64xi32, #tpu.memory_space<vmem>> -> memref<64xi32, #tpu.memory_space<vmem>>
    %dma_start3A_108 = tpu.memref_slice %arg3[%add3A_103] : memref<323584xi32, #tpu.memory_space<hbm>> -> memref<64xi32, #tpu.memory_space<hbm>>
    %dma_start3A_109 = arith.constant 0 : i32
    %dma_start3A_110 = tpu.memref_slice %arg8[%dma_start3A_104, %dma_start3A_109] : memref<2x128xi32, #tpu.memory_space<vmem>> -> memref<1x64xi32, #tpu.memory_space<vmem>>
    %dma_start3A_111 = tpu.memref_squeeze %dma_start3A_110 : memref<1x64xi32, #tpu.memory_space<vmem>> -> memref<64xi32, #tpu.memory_space<vmem>>
    %dma_start3A_112 = tpu.memref_slice %arg3[%add3A_103] : memref<323584xi32, #tpu.memory_space<hbm>> -> memref<64xi32, #tpu.memory_space<hbm>>
    tpu.enqueue_dma source(%dma_start3A_112 : memref<64xi32, #tpu.memory_space<hbm>>) target(%dma_start3A_111 : memref<64xi32, #tpu.memory_space<vmem>>) target_semaphore(%arg15 : memref<!tpu.dma_semaphore, #tpu.memory_space<semaphore_mem>>)
    %dma_start3A_113 = arith.constant 1 : i32
    %dma_start3A_114 = arith.constant 64 : i32
    %dma_start3A_115 = tpu.memref_slice %arg8[%dma_start3A_113, %dma_start3A_114] : memref<2x128xi32, #tpu.memory_space<vmem>> -> memref<1x64xi32, #tpu.memory_space<vmem>>
    %dma_start3A_116 = tpu.memref_squeeze %dma_start3A_115 : memref<1x64xi32, #tpu.memory_space<vmem>> -> memref<64xi32, #tpu.memory_space<vmem>>
    %dma_start3A_117 = tpu.memref_slice %arg4[%add3A_103] : memref<323584xi32, #tpu.memory_space<hbm>> -> memref<64xi32, #tpu.memory_space<hbm>>
    %dma_start3A_118 = arith.constant 64 : i32
    %dma_start3A_119 = tpu.memref_slice %arg8[%dma_start3A_113, %dma_start3A_118] : memref<2x128xi32, #tpu.memory_space<vmem>> -> memref<1x64xi32, #tpu.memory_space<vmem>>
    %dma_start3A_120 = tpu.memref_squeeze %dma_start3A_119 : memref<1x64xi32, #tpu.memory_space<vmem>> -> memref<64xi32, #tpu.memory_space<vmem>>
    %dma_start3A_121 = tpu.memref_slice %arg4[%add3A_103] : memref<323584xi32, #tpu.memory_space<hbm>> -> memref<64xi32, #tpu.memory_space<hbm>>
    tpu.enqueue_dma source(%dma_start3A_121 : memref<64xi32, #tpu.memory_space<hbm>>) target(%dma_start3A_120 : memref<64xi32, #tpu.memory_space<vmem>>) target_semaphore(%arg15 : memref<!tpu.dma_semaphore, #tpu.memory_space<semaphore_mem>>)
    %dma_start3A_122 = arith.constant 1 : i32
    %dma_start3A_123 = arith.constant 0 : i32
    %dma_start3A_124 = tpu.memref_slice %arg9[%dma_start3A_122, %dma_start3A_123] : memref<2x64xi32, #tpu.memory_space<vmem>> -> memref<1x64xi32, #tpu.memory_space<vmem>>
    %dma_start3A_125 = tpu.memref_squeeze %dma_start3A_124 : memref<1x64xi32, #tpu.memory_space<vmem>> -> memref<64xi32, #tpu.memory_space<vmem>>
    %dma_start3A_126 = tpu.memref_slice %arg4[%add3A_103] : memref<323584xi32, #tpu.memory_space<hbm>> -> memref<64xi32, #tpu.memory_space<hbm>>
    %dma_start3A_127 = arith.constant 0 : i32
    %dma_start3A_128 = tpu.memref_slice %arg9[%dma_start3A_122, %dma_start3A_127] : memref<2x64xi32, #tpu.memory_space<vmem>> -> memref<1x64xi32, #tpu.memory_space<vmem>>
    %dma_start3A_129 = tpu.memref_squeeze %dma_start3A_128 : memref<1x64xi32, #tpu.memory_space<vmem>> -> memref<64xi32, #tpu.memory_space<vmem>>
    %dma_start3A_130 = tpu.memref_slice %arg4[%add3A_103] : memref<323584xi32, #tpu.memory_space<hbm>> -> memref<64xi32, #tpu.memory_space<hbm>>
    tpu.enqueue_dma source(%dma_start3A_130 : memref<64xi32, #tpu.memory_space<hbm>>) target(%dma_start3A_129 : memref<64xi32, #tpu.memory_space<vmem>>) target_semaphore(%arg17 : memref<!tpu.dma_semaphore, #tpu.memory_space<semaphore_mem>>)
    %scan3A_131 = arith.constant 0 : i32
    %scan3A_132 = arith.constant 0 : i32
    %scan3A_133 = arith.constant 78 : i32
    %scan3A_134 = arith.addi %scan3A_132, %scan3A_133 : i32
    %scan3A_135 = arith.constant 1 : i32
    %scan3A_136 = scf.for %scan3A_241 = %scan3A_132 to %scan3A_134 step %scan3A_135 iter_args(%scan3A_242 = %scan3A_131) -> (i32)  : i32 {
      %mul3A_243 = arith.constant 2 : i32
      %mul3A_244 = arith.muli %mul3A_243, %scan3A_241 : i32
      %add3A_245 = arith.constant 1 : i32
      %add3A_246 = arith.addi %mul3A_244, %add3A_245 : i32
      %mul3A_247 = arith.constant 161792 : i32
      %mul3A_248 = arith.muli %arg0, %mul3A_247 : i32
      %mul3A_249 = arith.constant 16 : i32
      %mul3A_250 = arith.muli %add3A_246, %mul3A_249 : i32
      %add3A_251 = arith.addi %mul3A_250, %arg1 : i32
      %mul3A_252 = arith.constant 64 : i32
      %mul3A_253 = arith.muli %add3A_251, %mul3A_252 : i32
      %add3A_254 = arith.addi %mul3A_248, %mul3A_253 : i32
      %dma_wait3A_255 = arith.constant 1 : i32
      %dma_wait3A_256 = arith.constant 0 : i32
      %dma_wait3A_257 = tpu.memref_slice %arg8[%dma_wait3A_255, %dma_wait3A_256] : memref<2x128xi32, #tpu.memory_space<vmem>> -> memref<1x64xi32, #tpu.memory_space<vmem>>
      %dma_wait3A_258 = tpu.memref_squeeze %dma_wait3A_257 : memref<1x64xi32, #tpu.memory_space<vmem>> -> memref<64xi32, #tpu.memory_space<vmem>>
      %dma_wait3A_259 = tpu.memref_slice %arg3[%add3A_254] : memref<323584xi32, #tpu.memory_space<hbm>> -> memref<64xi32, #tpu.memory_space<hbm>>
      %dma_wait3A_260 = arith.constant 0 : i32
      %dma_wait3A_261 = tpu.memref_slice %arg8[%dma_wait3A_255, %dma_wait3A_260] : memref<2x128xi32, #tpu.memory_space<vmem>> -> memref<1x64xi32, #tpu.memory_space<vmem>>
      %dma_wait3A_262 = tpu.memref_squeeze %dma_wait3A_261 : memref<1x64xi32, #tpu.memory_space<vmem>> -> memref<64xi32, #tpu.memory_space<vmem>>
      %dma_wait3A_263 = tpu.memref_slice %arg3[%add3A_254] : memref<323584xi32, #tpu.memory_space<hbm>> -> memref<64xi32, #tpu.memory_space<hbm>>
      tpu.wait_dma2 semaphore(%arg15 : memref<!tpu.dma_semaphore, #tpu.memory_space<semaphore_mem>>) src(%dma_wait3A_263 : memref<64xi32, #tpu.memory_space<hbm>>) dst(%dma_wait3A_262 : memref<64xi32, #tpu.memory_space<vmem>>)
      %dma_wait3A_264 = arith.constant 1 : i32
      %dma_wait3A_265 = arith.constant 64 : i32
      %dma_wait3A_266 = tpu.memref_slice %arg8[%dma_wait3A_264, %dma_wait3A_265] : memref<2x128xi32, #tpu.memory_space<vmem>> -> memref<1x64xi32, #tpu.memory_space<vmem>>
      %dma_wait3A_267 = tpu.memref_squeeze %dma_wait3A_266 : memref<1x64xi32, #tpu.memory_space<vmem>> -> memref<64xi32, #tpu.memory_space<vmem>>
      %dma_wait3A_268 = tpu.memref_slice %arg4[%add3A_254] : memref<323584xi32, #tpu.memory_space<hbm>> -> memref<64xi32, #tpu.memory_space<hbm>>
      %dma_wait3A_269 = arith.constant 64 : i32
      %dma_wait3A_270 = tpu.memref_slice %arg8[%dma_wait3A_264, %dma_wait3A_269] : memref<2x128xi32, #tpu.memory_space<vmem>> -> memref<1x64xi32, #tpu.memory_space<vmem>>
      %dma_wait3A_271 = tpu.memref_squeeze %dma_wait3A_270 : memref<1x64xi32, #tpu.memory_space<vmem>> -> memref<64xi32, #tpu.memory_space<vmem>>
      %dma_wait3A_272 = tpu.memref_slice %arg4[%add3A_254] : memref<323584xi32, #tpu.memory_space<hbm>> -> memref<64xi32, #tpu.memory_space<hbm>>
      tpu.wait_dma2 semaphore(%arg15 : memref<!tpu.dma_semaphore, #tpu.memory_space<semaphore_mem>>) src(%dma_wait3A_272 : memref<64xi32, #tpu.memory_space<hbm>>) dst(%dma_wait3A_271 : memref<64xi32, #tpu.memory_space<vmem>>)
      %dma_start3A_273 = arith.constant 1 : i32
      %dma_start3A_274 = arith.constant 1 : i32
      %dma_start3A_275 = arith.constant 0 : i32
      %dma_start3A_276 = arith.constant 0 : i32
      %dma_start3A_277 = tpu.memref_slice %arg10[%dma_start3A_274, %dma_start3A_275, %dma_start3A_276] : memref<2x128x128xf32, #tpu.memory_space<vmem>> -> memref<1x128x128xf32, #tpu.memory_space<vmem>>
      %dma_start3A_278 = tpu.memref_squeeze %dma_start3A_277 : memref<1x128x128xf32, #tpu.memory_space<vmem>> -> memref<128x128xf32, #tpu.memory_space<vmem>>
      %dma_start3A_279 = arith.constant 0 : i32
      %dma_start3A_280 = tpu.memref_slice %arg8[%dma_start3A_273, %dma_start3A_279] : memref<2x128xi32, #tpu.memory_space<vmem>> -> memref<1x128xi32, #tpu.memory_space<vmem>>
      %dma_start3A_281 = tpu.memref_squeeze %dma_start3A_280 : memref<1x128xi32, #tpu.memory_space<vmem>> -> memref<128xi32, #tpu.memory_space<vmem>>
      %dma_start3A_282 = arith.constant 0 : i32
      %dma_start3A_283 = arith.constant 0 : i32
      %dma_start3A_284 = tpu.memref_slice %arg2[%arg0, %dma_start3A_282, %dma_start3A_283] : memref<2x10008x128xf32, #tpu.memory_space<hbm>> -> memref<1x10008x128xf32, #tpu.memory_space<hbm>>
      %dma_start3A_285 = tpu.memref_squeeze %dma_start3A_284 : memref<1x10008x128xf32, #tpu.memory_space<hbm>> -> memref<10008x128xf32, #tpu.memory_space<hbm>>
      %dma_start3A_286 = arith.constant 0 : i32
      %dma_start3A_287 = arith.constant 0 : i32
      %dma_start3A_288 = tpu.memref_slice %dma_start3A_285[%dma_start3A_286, %dma_start3A_287] : memref<10008x128xf32, #tpu.memory_space<hbm>> -> memref<10008x128xf32, #tpu.memory_space<hbm>>
      tpu.enqueue_indirect_dma source(%dma_start3A_288 : memref<10008x128xf32, #tpu.memory_space<hbm>>) target(%dma_start3A_278 : memref<128x128xf32, #tpu.memory_space<vmem>>) offsets(%dma_start3A_281 : memref<128xi32, #tpu.memory_space<vmem>>) semaphore(%arg19 : memref<!tpu.dma_semaphore, #tpu.memory_space<semaphore_mem>>)
      %mul3A_289 = arith.constant 161792 : i32
      %mul3A_290 = arith.muli %arg0, %mul3A_289 : i32
      %mul3A_291 = arith.constant 16 : i32
      %mul3A_292 = arith.muli %mul3A_244, %mul3A_291 : i32
      %add3A_293 = arith.addi %mul3A_292, %arg1 : i32
      %mul3A_294 = arith.constant 64 : i32
      %mul3A_295 = arith.muli %add3A_293, %mul3A_294 : i32
      %add3A_296 = arith.addi %mul3A_290, %mul3A_295 : i32
      %dma_wait3A_297 = arith.constant 0 : i32
      %dma_wait3A_298 = arith.constant 0 : i32
      %dma_wait3A_299 = arith.constant 0 : i32
      %dma_wait3A_300 = arith.constant 0 : i32
      %dma_wait3A_301 = tpu.memref_slice %arg10[%dma_wait3A_298, %dma_wait3A_299, %dma_wait3A_300] : memref<2x128x128xf32, #tpu.memory_space<vmem>> -> memref<1x128x128xf32, #tpu.memory_space<vmem>>
      %dma_wait3A_302 = tpu.memref_squeeze %dma_wait3A_301 : memref<1x128x128xf32, #tpu.memory_space<vmem>> -> memref<128x128xf32, #tpu.memory_space<vmem>>
      %dma_wait3A_303 = arith.constant 0 : i32
      %dma_wait3A_304 = tpu.memref_slice %arg8[%dma_wait3A_297, %dma_wait3A_303] : memref<2x128xi32, #tpu.memory_space<vmem>> -> memref<1x128xi32, #tpu.memory_space<vmem>>
      %dma_wait3A_305 = tpu.memref_squeeze %dma_wait3A_304 : memref<1x128xi32, #tpu.memory_space<vmem>> -> memref<128xi32, #tpu.memory_space<vmem>>
      %dma_wait3A_306 = arith.constant 0 : i32
      %dma_wait3A_307 = arith.constant 0 : i32
      %dma_wait3A_308 = tpu.memref_slice %arg2[%arg0, %dma_wait3A_306, %dma_wait3A_307] : memref<2x10008x128xf32, #tpu.memory_space<hbm>> -> memref<1x10008x128xf32, #tpu.memory_space<hbm>>
      %dma_wait3A_309 = tpu.memref_squeeze %dma_wait3A_308 : memref<1x10008x128xf32, #tpu.memory_space<hbm>> -> memref<10008x128xf32, #tpu.memory_space<hbm>>
      %dma_wait3A_310 = arith.constant 0 : i32
      %dma_wait3A_311 = arith.constant 0 : i32
      %dma_wait3A_312 = tpu.memref_slice %dma_wait3A_309[%dma_wait3A_310, %dma_wait3A_311] : memref<10008x128xf32, #tpu.memory_space<hbm>> -> memref<10008x128xf32, #tpu.memory_space<hbm>>
      tpu.wait_indirect_dma semaphore(%arg18 : memref<!tpu.dma_semaphore, #tpu.memory_space<semaphore_mem>>) src(%dma_wait3A_312 : memref<10008x128xf32, #tpu.memory_space<hbm>>) dst(%dma_wait3A_302 : memref<128x128xf32, #tpu.memory_space<vmem>>)
      %dma_wait3A_313 = arith.constant 0 : i32
      %dma_wait3A_314 = arith.constant 0 : i32
      %dma_wait3A_315 = tpu.memref_slice %arg9[%dma_wait3A_313, %dma_wait3A_314] : memref<2x64xi32, #tpu.memory_space<vmem>> -> memref<1x64xi32, #tpu.memory_space<vmem>>
      %dma_wait3A_316 = tpu.memref_squeeze %dma_wait3A_315 : memref<1x64xi32, #tpu.memory_space<vmem>> -> memref<64xi32, #tpu.memory_space<vmem>>
      %dma_wait3A_317 = tpu.memref_slice %arg4[%add3A_296] : memref<323584xi32, #tpu.memory_space<hbm>> -> memref<64xi32, #tpu.memory_space<hbm>>
      %dma_wait3A_318 = arith.constant 0 : i32
      %dma_wait3A_319 = tpu.memref_slice %arg9[%dma_wait3A_313, %dma_wait3A_318] : memref<2x64xi32, #tpu.memory_space<vmem>> -> memref<1x64xi32, #tpu.memory_space<vmem>>
      %dma_wait3A_320 = tpu.memref_squeeze %dma_wait3A_319 : memref<1x64xi32, #tpu.memory_space<vmem>> -> memref<64xi32, #tpu.memory_space<vmem>>
      %dma_wait3A_321 = tpu.memref_slice %arg4[%add3A_296] : memref<323584xi32, #tpu.memory_space<hbm>> -> memref<64xi32, #tpu.memory_space<hbm>>
      tpu.wait_dma2 semaphore(%arg16 : memref<!tpu.dma_semaphore, #tpu.memory_space<semaphore_mem>>) src(%dma_wait3A_321 : memref<64xi32, #tpu.memory_space<hbm>>) dst(%dma_wait3A_320 : memref<64xi32, #tpu.memory_space<vmem>>)
      %parallel_loop3A_322 = arith.constant 0 : i32
      %parallel_loop3A_323 = arith.constant 64 : i32
      %parallel_loop3A_324 = arith.constant 1 : i32
      scf.for %parallel_loop3A_534 = %parallel_loop3A_322 to %parallel_loop3A_323 step %parallel_loop3A_324  : i32 {
        %parallel_loop3A_535 = arith.constant 0 : i32
        %parallel_loop3A_536 = arith.index_cast %parallel_loop3A_535 : i32 to index
        %parallel_loop3A_537 = arith.index_cast %parallel_loop3A_534 : i32 to index
        %parallel_loop3A_538 = arith.constant 0 : index
        %parallel_loop3A_539 = tpu.vector_load %arg10[%parallel_loop3A_536, %parallel_loop3A_537, %parallel_loop3A_538] {strides = array<i32>} : memref<2x128x128xf32, #tpu.memory_space<vmem>>, vector<1x1x16xf32>,
        %parallel_loop3A_540 = vector.shape_cast %parallel_loop3A_539 : vector<1x1x16xf32> to vector<16xf32>
        %parallel_loop3A_541 = arith.constant 64 : i32
        %parallel_loop3A_542 = arith.addi %parallel_loop3A_541, %parallel_loop3A_534 : i32
        %parallel_loop3A_543 = arith.constant 0 : i32
        %parallel_loop3A_544 = arith.index_cast %parallel_loop3A_543 : i32 to index
        %parallel_loop3A_545 = arith.index_cast %parallel_loop3A_542 : i32 to index
        %parallel_loop3A_546 = arith.constant 8 : index
        %parallel_loop3A_547 = tpu.vector_load %arg10[%parallel_loop3A_544, %parallel_loop3A_545, %parallel_loop3A_546] {strides = array<i32>} : memref<2x128x128xf32, #tpu.memory_space<vmem>>, vector<1x1x16xf32>,
        %parallel_loop3A_548 = vector.shape_cast %parallel_loop3A_547 : vector<1x1x16xf32> to vector<16xf32>
        %parallel_loop3A_549 = arith.addf %parallel_loop3A_540, %parallel_loop3A_548 : vector<16xf32>
        %parallel_loop3A_550 = arith.constant 0.000000e+00 : f32
        %parallel_loop3A_551 = vector.broadcast %parallel_loop3A_550 : f32 to vector<16xf32>
        %parallel_loop3A_552 = arith.cmpf oge, %parallel_loop3A_549, %parallel_loop3A_551 : vector<16xf32>
        %parallel_loop3A_553 = arith.constant 2.000000e-01 : f32
        %parallel_loop3A_554 = vector.broadcast %parallel_loop3A_553 : f32 to vector<16xf32>
        %parallel_loop3A_555 = arith.mulf %parallel_loop3A_554, %parallel_loop3A_549 : vector<16xf32>
        %parallel_loop3A_556 = arith.select %parallel_loop3A_552, %parallel_loop3A_549, %parallel_loop3A_555 : vector<16xi1>, vector<16xf32>
        %parallel_loop3A_557 = math.exp %parallel_loop3A_556 : vector<16xf32>
        %parallel_loop3A_558 = arith.index_cast %parallel_loop3A_534 : i32 to index
        %parallel_loop3A_559 = arith.constant 0 : index
        %parallel_loop3A_560 = tpu.vector_load %arg12[%parallel_loop3A_558, %parallel_loop3A_559] {strides = array<i32>} : memref<64x128xf32, #tpu.memory_space<vmem>>, vector<1x16xf32>,
        %parallel_loop3A_561 = vector.shape_cast %parallel_loop3A_560 : vector<1x16xf32> to vector<16xf32>
        %parallel_loop3A_562 = vector.shape_cast %parallel_loop3A_557 : vector<16xf32> to vector<1x16xf32>
        tpu.vector_store %arg12[%parallel_loop3A_558, %parallel_loop3A_559], %parallel_loop3A_562 {strides = array<i32>} : memref<64x128xf32, #tpu.memory_space<vmem>>, vector<1x16xf32>,
        %parallel_loop3A_563 = arith.constant 8 : i32
        %parallel_loop3A_564 = arith.divsi %parallel_loop3A_534, %parallel_loop3A_563 : i32
        %parallel_loop3A_565 = arith.constant 0 : i32
        %parallel_loop3A_566 = arith.cmpi sgt, %parallel_loop3A_534, %parallel_loop3A_565 : i32
        %parallel_loop3A_567 = arith.extui %parallel_loop3A_566 : i1 to i32
        %parallel_loop3A_568 = arith.constant 0 : i32
        %parallel_loop3A_569 = arith.cmpi slt, %parallel_loop3A_534, %parallel_loop3A_568 : i32
        %parallel_loop3A_570 = arith.extui %parallel_loop3A_569 : i1 to i32
        %parallel_loop3A_571 = arith.subi %parallel_loop3A_567, %parallel_loop3A_570 : i32
        %parallel_loop3A_572 = arith.constant 0 : i32
        %parallel_loop3A_573 = arith.cmpi sgt, %parallel_loop3A_563, %parallel_loop3A_572 : i32
        %parallel_loop3A_574 = arith.extui %parallel_loop3A_573 : i1 to i32
        %parallel_loop3A_575 = arith.constant 0 : i32
        %parallel_loop3A_576 = arith.cmpi slt, %parallel_loop3A_563, %parallel_loop3A_575 : i32
        %parallel_loop3A_577 = arith.extui %parallel_loop3A_576 : i1 to i32
        %parallel_loop3A_578 = arith.subi %parallel_loop3A_574, %parallel_loop3A_577 : i32
        %parallel_loop3A_579 = arith.cmpi ne, %parallel_loop3A_571, %parallel_loop3A_578 : i32
        %parallel_loop3A_580 = arith.remsi %parallel_loop3A_534, %parallel_loop3A_563 : i32
        %parallel_loop3A_581 = arith.constant 0 : i32
        %parallel_loop3A_582 = arith.cmpi ne, %parallel_loop3A_580, %parallel_loop3A_581 : i32
        %parallel_loop3A_583 = arith.andi %parallel_loop3A_579, %parallel_loop3A_582 : i1
        %parallel_loop3A_584 = arith.constant 1 : i32
        %parallel_loop3A_585 = arith.subi %parallel_loop3A_564, %parallel_loop3A_584 : i32
        %parallel_loop3A_586 = arith.select %parallel_loop3A_583, %parallel_loop3A_585, %parallel_loop3A_564 : i32
        %parallel_loop3A_587 = arith.constant 8 : i32
        %parallel_loop3A_588 = arith.constant 0 : i32
        %parallel_loop3A_589 = arith.cmpi eq, %parallel_loop3A_587, %parallel_loop3A_588 : i32
        %parallel_loop3A_590 = arith.constant 1 : i32
        %parallel_loop3A_591 = arith.select %parallel_loop3A_589, %parallel_loop3A_590, %parallel_loop3A_587 : i32
        %parallel_loop3A_592 = arith.remsi %parallel_loop3A_534, %parallel_loop3A_591 : i32
        %parallel_loop3A_593 = arith.constant 0 : i32
        %parallel_loop3A_594 = arith.cmpi ne, %parallel_loop3A_592, %parallel_loop3A_593 : i32
        %parallel_loop3A_595 = arith.constant 0 : i32
        %parallel_loop3A_596 = arith.cmpi slt, %parallel_loop3A_592, %parallel_loop3A_595 : i32
        %parallel_loop3A_597 = arith.constant 0 : i32
        %parallel_loop3A_598 = arith.cmpi slt, %parallel_loop3A_591, %parallel_loop3A_597 : i32
        %parallel_loop3A_599 = arith.xori %parallel_loop3A_596, %parallel_loop3A_598 : i1
        %parallel_loop3A_600 = arith.andi %parallel_loop3A_599, %parallel_loop3A_594 : i1
        %parallel_loop3A_601 = arith.addi %parallel_loop3A_592, %parallel_loop3A_591 : i32
        %parallel_loop3A_602 = arith.select %parallel_loop3A_600, %parallel_loop3A_601, %parallel_loop3A_592 : i32
        %parallel_loop3A_603 = arith.constant 16 : i32
        %parallel_loop3A_604 = arith.muli %parallel_loop3A_602, %parallel_loop3A_603 : i32
        %parallel_loop3A_605 = arith.index_cast %parallel_loop3A_586 : i32 to index
        %parallel_loop3A_606 = arith.index_cast %parallel_loop3A_604 : i32 to index
        %parallel_loop3A_607 = tpu.vector_load %arg11[%parallel_loop3A_605, %parallel_loop3A_606] {strides = array<i32>} : memref<8x128xf32, #tpu.memory_space<vmem>>, vector<1x16xf32>,
        %parallel_loop3A_608 = vector.shape_cast %parallel_loop3A_607 : vector<1x16xf32> to vector<16xf32>
        %parallel_loop3A_609 = vector.shape_cast %parallel_loop3A_557 : vector<16xf32> to vector<1x16xf32>
        tpu.vector_store %arg11[%parallel_loop3A_605, %parallel_loop3A_606], %parallel_loop3A_609 {strides = array<i32>} : memref<8x128xf32, #tpu.memory_space<vmem>>, vector<1x16xf32>,
      } {sc.loop_unroll_factor = 4 : i64, sc.parallel_access}
      %run_scoped3A_325 = arith.constant 0 : i32
      "tpu.region"() ({
        %run_scoped3A_534 = tpu.sem_alloc : memref<!tpu.dma_semaphore, #tpu.memory_space<semaphore_mem>>
        %dma_start3A_535 = arith.constant 0 : i32
        %dma_start3A_536 = tpu.memref_slice %arg9[%run_scoped3A_325, %dma_start3A_535] : memref<2x64xi32, #tpu.memory_space<vmem>> -> memref<1x64xi32, #tpu.memory_space<vmem>>
        %dma_start3A_537 = tpu.memref_squeeze %dma_start3A_536 : memref<1x64xi32, #tpu.memory_space<vmem>> -> memref<64xi32, #tpu.memory_space<vmem>>
        %dma_start3A_538 = arith.constant 0 : i32
        %dma_start3A_539 = arith.constant 0 : i32
        %dma_start3A_540 = tpu.memref_slice %arg7[%dma_start3A_538, %dma_start3A_539] : memref<10008x128xf32, #tpu.memory_space<vmem_shared>> -> memref<10008x128xf32, #tpu.memory_space<vmem_shared>>
        tpu.enqueue_indirect_dma source(%arg12 : memref<64x128xf32, #tpu.memory_space<vmem>>) target(%dma_start3A_540 : memref<10008x128xf32, #tpu.memory_space<vmem_shared>>) offsets(%dma_start3A_537 : memref<64xi32, #tpu.memory_space<vmem>>) semaphore(%run_scoped3A_534 : memref<!tpu.dma_semaphore, #tpu.memory_space<semaphore_mem>>) {add = true}
        %dma_wait3A_541 = arith.constant 0 : i32
        %dma_wait3A_542 = tpu.memref_slice %arg9[%run_scoped3A_325, %dma_wait3A_541] : memref<2x64xi32, #tpu.memory_space<vmem>> -> memref<1x64xi32, #tpu.memory_space<vmem>>
        %dma_wait3A_543 = tpu.memref_squeeze %dma_wait3A_542 : memref<1x64xi32, #tpu.memory_space<vmem>> -> memref<64xi32, #tpu.memory_space<vmem>>
        %dma_wait3A_544 = arith.constant 0 : i32
        %dma_wait3A_545 = arith.constant 0 : i32
        %dma_wait3A_546 = tpu.memref_slice %arg7[%dma_wait3A_544, %dma_wait3A_545] : memref<10008x128xf32, #tpu.memory_space<vmem_shared>> -> memref<10008x128xf32, #tpu.memory_space<vmem_shared>>
        tpu.wait_indirect_dma semaphore(%run_scoped3A_534 : memref<!tpu.dma_semaphore, #tpu.memory_space<semaphore_mem>>) src(%arg12 : memref<64x128xf32, #tpu.memory_space<vmem>>) dst(%dma_wait3A_546 : memref<10008x128xf32, #tpu.memory_space<vmem_shared>>)
        tpu.yield
      }) : () -> ()
      %jit3A_326 = arith.constant 8 : i32
      %div3A_327 = arith.divsi %add3A_296, %jit3A_326 : i32
      %sign3A_328 = arith.constant 0 : i32
      %sign3A_329 = arith.cmpi sgt, %add3A_296, %sign3A_328 : i32
      %sign3A_330 = arith.extui %sign3A_329 : i1 to i32
      %sign3A_331 = arith.constant 0 : i32
      %sign3A_332 = arith.cmpi slt, %add3A_296, %sign3A_331 : i32
      %sign3A_333 = arith.extui %sign3A_332 : i1 to i32
      %sign3A_334 = arith.subi %sign3A_330, %sign3A_333 : i32
      %sign3A_335 = arith.constant 0 : i32
      %sign3A_336 = arith.cmpi sgt, %jit3A_326, %sign3A_335 : i32
      %sign3A_337 = arith.extui %sign3A_336 : i1 to i32
      %sign3A_338 = arith.constant 0 : i32
      %sign3A_339 = arith.cmpi slt, %jit3A_326, %sign3A_338 : i32
      %sign3A_340 = arith.extui %sign3A_339 : i1 to i32
      %sign3A_341 = arith.subi %sign3A_337, %sign3A_340 : i32
      %ne3A_342 = arith.cmpi ne, %sign3A_334, %sign3A_341 : i32
      %rem3A_343 = arith.remsi %add3A_296, %jit3A_326 : i32
      %ne3A_344 = arith.constant 0 : i32
      %ne3A_345 = arith.cmpi ne, %rem3A_343, %ne3A_344 : i32
      %and3A_346 = arith.andi %ne3A_342, %ne3A_345 : i1
      %sub3A_347 = arith.constant 1 : i32
      %sub3A_348 = arith.subi %div3A_327, %sub3A_347 : i32
      %select_n3A_349 = arith.select %and3A_346, %sub3A_348, %div3A_327 : i32
      %multiple_of3A_350 = tpu.assume_multiple %select_n3A_349, 8 : i32
      "tpu.region"() ({
        %run_scoped3A_534 = tpu.sem_alloc : memref<!tpu.dma_semaphore, #tpu.memory_space<semaphore_mem>>
        %dma_start3A_535 = arith.constant 0 : i32
        %dma_start3A_536 = tpu.memref_slice %arg5[%multiple_of3A_350, %dma_start3A_535] : memref<40448x128xf32, #tpu.memory_space<hbm>> -> memref<8x128xf32, #tpu.memory_space<hbm>>
        %dma_start3A_537 = arith.constant 0 : i32
        %dma_start3A_538 = tpu.memref_slice %arg5[%multiple_of3A_350, %dma_start3A_537] : memref<40448x128xf32, #tpu.memory_space<hbm>> -> memref<8x128xf32, #tpu.memory_space<hbm>>
        tpu.enqueue_dma source(%arg11 : memref<8x128xf32, #tpu.memory_space<vmem>>) target(%dma_start3A_538 : memref<8x128xf32, #tpu.memory_space<hbm>>) target_semaphore(%run_scoped3A_534 : memref<!tpu.dma_semaphore, #tpu.memory_space<semaphore_mem>>)
        %dma_wait3A_539 = arith.constant 0 : i32
        %dma_wait3A_540 = tpu.memref_slice %arg5[%multiple_of3A_350, %dma_wait3A_539] : memref<40448x128xf32, #tpu.memory_space<hbm>> -> memref<8x128xf32, #tpu.memory_space<hbm>>
        %dma_wait3A_541 = arith.constant 0 : i32
        %dma_wait3A_542 = tpu.memref_slice %arg5[%multiple_of3A_350, %dma_wait3A_541] : memref<40448x128xf32, #tpu.memory_space<hbm>> -> memref<8x128xf32, #tpu.memory_space<hbm>>
        tpu.wait_dma2 semaphore(%run_scoped3A_534 : memref<!tpu.dma_semaphore, #tpu.memory_space<semaphore_mem>>) src(%arg11 : memref<8x128xf32, #tpu.memory_space<vmem>>) dst(%dma_wait3A_542 : memref<8x128xf32, #tpu.memory_space<hbm>>)
        tpu.yield
      }) : () -> ()
      %add3A_351 = arith.constant 2 : i32
      %add3A_352 = arith.addi %mul3A_244, %add3A_351 : i32
      %mul3A_353 = arith.constant 161792 : i32
      %mul3A_354 = arith.muli %arg0, %mul3A_353 : i32
      %mul3A_355 = arith.constant 16 : i32
      %mul3A_356 = arith.muli %add3A_352, %mul3A_355 : i32
      %add3A_357 = arith.addi %mul3A_356, %arg1 : i32
      %mul3A_358 = arith.constant 64 : i32
      %mul3A_359 = arith.muli %add3A_357, %mul3A_358 : i32
      %add3A_360 = arith.addi %mul3A_354, %mul3A_359 : i32
      %dma_start3A_361 = arith.constant 0 : i32
      %dma_start3A_362 = arith.constant 0 : i32
      %dma_start3A_363 = tpu.memref_slice %arg8[%dma_start3A_361, %dma_start3A_362] : memref<2x128xi32, #tpu.memory_space<vmem>> -> memref<1x64xi32, #tpu.memory_space<vmem>>
      %dma_start3A_364 = tpu.memref_squeeze %dma_start3A_363 : memref<1x64xi32, #tpu.memory_space<vmem>> -> memref<64xi32, #tpu.memory_space<vmem>>
      %dma_start3A_365 = tpu.memref_slice %arg3[%add3A_360] : memref<323584xi32, #tpu.memory_space<hbm>> -> memref<64xi32, #tpu.memory_space<hbm>>
      %dma_start3A_366 = arith.constant 0 : i32
      %dma_start3A_367 = tpu.memref_slice %arg8[%dma_start3A_361, %dma_start3A_366] : memref<2x128xi32, #tpu.memory_space<vmem>> -> memref<1x64xi32, #tpu.memory_space<vmem>>
      %dma_start3A_368 = tpu.memref_squeeze %dma_start3A_367 : memref<1x64xi32, #tpu.memory_space<vmem>> -> memref<64xi32, #tpu.memory_space<vmem>>
      %dma_start3A_369 = tpu.memref_slice %arg3[%add3A_360] : memref<323584xi32, #tpu.memory_space<hbm>> -> memref<64xi32, #tpu.memory_space<hbm>>
      tpu.enqueue_dma source(%dma_start3A_369 : memref<64xi32, #tpu.memory_space<hbm>>) target(%dma_start3A_368 : memref<64xi32, #tpu.memory_space<vmem>>) target_semaphore(%arg14 : memref<!tpu.dma_semaphore, #tpu.memory_space<semaphore_mem>>)
      %dma_start3A_370 = arith.constant 0 : i32
      %dma_start3A_371 = arith.constant 64 : i32
      %dma_start3A_372 = tpu.memref_slice %arg8[%dma_start3A_370, %dma_start3A_371] : memref<2x128xi32, #tpu.memory_space<vmem>> -> memref<1x64xi32, #tpu.memory_space<vmem>>
      %dma_start3A_373 = tpu.memref_squeeze %dma_start3A_372 : memref<1x64xi32, #tpu.memory_space<vmem>> -> memref<64xi32, #tpu.memory_space<vmem>>
      %dma_start3A_374 = tpu.memref_slice %arg4[%add3A_360] : memref<323584xi32, #tpu.memory_space<hbm>> -> memref<64xi32, #tpu.memory_space<hbm>>
      %dma_start3A_375 = arith.constant 64 : i32
      %dma_start3A_376 = tpu.memref_slice %arg8[%dma_start3A_370, %dma_start3A_375] : memref<2x128xi32, #tpu.memory_space<vmem>> -> memref<1x64xi32, #tpu.memory_space<vmem>>
      %dma_start3A_377 = tpu.memref_squeeze %dma_start3A_376 : memref<1x64xi32, #tpu.memory_space<vmem>> -> memref<64xi32, #tpu.memory_space<vmem>>
      %dma_start3A_378 = tpu.memref_slice %arg4[%add3A_360] : memref<323584xi32, #tpu.memory_space<hbm>> -> memref<64xi32, #tpu.memory_space<hbm>>
      tpu.enqueue_dma source(%dma_start3A_378 : memref<64xi32, #tpu.memory_space<hbm>>) target(%dma_start3A_377 : memref<64xi32, #tpu.memory_space<vmem>>) target_semaphore(%arg14 : memref<!tpu.dma_semaphore, #tpu.memory_space<semaphore_mem>>)
      %dma_start3A_379 = arith.constant 0 : i32
      %dma_start3A_380 = arith.constant 0 : i32
      %dma_start3A_381 = tpu.memref_slice %arg9[%dma_start3A_379, %dma_start3A_380] : memref<2x64xi32, #tpu.memory_space<vmem>> -> memref<1x64xi32, #tpu.memory_space<vmem>>
      %dma_start3A_382 = tpu.memref_squeeze %dma_start3A_381 : memref<1x64xi32, #tpu.memory_space<vmem>> -> memref<64xi32, #tpu.memory_space<vmem>>
      %dma_start3A_383 = tpu.memref_slice %arg4[%add3A_360] : memref<323584xi32, #tpu.memory_space<hbm>> -> memref<64xi32, #tpu.memory_space<hbm>>
      %dma_start3A_384 = arith.constant 0 : i32
      %dma_start3A_385 = tpu.memref_slice %arg9[%dma_start3A_379, %dma_start3A_384] : memref<2x64xi32, #tpu.memory_space<vmem>> -> memref<1x64xi32, #tpu.memory_space<vmem>>
      %dma_start3A_386 = tpu.memref_squeeze %dma_start3A_385 : memref<1x64xi32, #tpu.memory_space<vmem>> -> memref<64xi32, #tpu.memory_space<vmem>>
      %dma_start3A_387 = tpu.memref_slice %arg4[%add3A_360] : memref<323584xi32, #tpu.memory_space<hbm>> -> memref<64xi32, #tpu.memory_space<hbm>>
      tpu.enqueue_dma source(%dma_start3A_387 : memref<64xi32, #tpu.memory_space<hbm>>) target(%dma_start3A_386 : memref<64xi32, #tpu.memory_space<vmem>>) target_semaphore(%arg16 : memref<!tpu.dma_semaphore, #tpu.memory_space<semaphore_mem>>)
      %add3A_388 = arith.constant 2 : i32
      %add3A_389 = arith.addi %mul3A_244, %add3A_388 : i32
      %mul3A_390 = arith.constant 161792 : i32
      %mul3A_391 = arith.muli %arg0, %mul3A_390 : i32
      %mul3A_392 = arith.constant 16 : i32
      %mul3A_393 = arith.muli %add3A_389, %mul3A_392 : i32
      %add3A_394 = arith.addi %mul3A_393, %arg1 : i32
      %mul3A_395 = arith.constant 64 : i32
      %mul3A_396 = arith.muli %add3A_394, %mul3A_395 : i32
      %add3A_397 = arith.addi %mul3A_391, %mul3A_396 : i32
      %dma_wait3A_398 = arith.constant 0 : i32
      %dma_wait3A_399 = arith.constant 0 : i32
      %dma_wait3A_400 = tpu.memref_slice %arg8[%dma_wait3A_398, %dma_wait3A_399] : memref<2x128xi32, #tpu.memory_space<vmem>> -> memref<1x64xi32, #tpu.memory_space<vmem>>
      %dma_wait3A_401 = tpu.memref_squeeze %dma_wait3A_400 : memref<1x64xi32, #tpu.memory_space<vmem>> -> memref<64xi32, #tpu.memory_space<vmem>>
      %dma_wait3A_402 = tpu.memref_slice %arg3[%add3A_397] : memref<323584xi32, #tpu.memory_space<hbm>> -> memref<64xi32, #tpu.memory_space<hbm>>
      %dma_wait3A_403 = arith.constant 0 : i32
      %dma_wait3A_404 = tpu.memref_slice %arg8[%dma_wait3A_398, %dma_wait3A_403] : memref<2x128xi32, #tpu.memory_space<vmem>> -> memref<1x64xi32, #tpu.memory_space<vmem>>
      %dma_wait3A_405 = tpu.memref_squeeze %dma_wait3A_404 : memref<1x64xi32, #tpu.memory_space<vmem>> -> memref<64xi32, #tpu.memory_space<vmem>>
      %dma_wait3A_406 = tpu.memref_slice %arg3[%add3A_397] : memref<323584xi32, #tpu.memory_space<hbm>> -> memref<64xi32, #tpu.memory_space<hbm>>
      tpu.wait_dma2 semaphore(%arg14 : memref<!tpu.dma_semaphore, #tpu.memory_space<semaphore_mem>>) src(%dma_wait3A_406 : memref<64xi32, #tpu.memory_space<hbm>>) dst(%dma_wait3A_405 : memref<64xi32, #tpu.memory_space<vmem>>)
      %dma_wait3A_407 = arith.constant 0 : i32
      %dma_wait3A_408 = arith.constant 64 : i32
      %dma_wait3A_409 = tpu.memref_slice %arg8[%dma_wait3A_407, %dma_wait3A_408] : memref<2x128xi32, #tpu.memory_space<vmem>> -> memref<1x64xi32, #tpu.memory_space<vmem>>
      %dma_wait3A_410 = tpu.memref_squeeze %dma_wait3A_409 : memref<1x64xi32, #tpu.memory_space<vmem>> -> memref<64xi32, #tpu.memory_space<vmem>>
      %dma_wait3A_411 = tpu.memref_slice %arg4[%add3A_397] : memref<323584xi32, #tpu.memory_space<hbm>> -> memref<64xi32, #tpu.memory_space<hbm>>
      %dma_wait3A_412 = arith.constant 64 : i32
      %dma_wait3A_413 = tpu.memref_slice %arg8[%dma_wait3A_407, %dma_wait3A_412] : memref<2x128xi32, #tpu.memory_space<vmem>> -> memref<1x64xi32, #tpu.memory_space<vmem>>
      %dma_wait3A_414 = tpu.memref_squeeze %dma_wait3A_413 : memref<1x64xi32, #tpu.memory_space<vmem>> -> memref<64xi32, #tpu.memory_space<vmem>>
      %dma_wait3A_415 = tpu.memref_slice %arg4[%add3A_397] : memref<323584xi32, #tpu.memory_space<hbm>> -> memref<64xi32, #tpu.memory_space<hbm>>
      tpu.wait_dma2 semaphore(%arg14 : memref<!tpu.dma_semaphore, #tpu.memory_space<semaphore_mem>>) src(%dma_wait3A_415 : memref<64xi32, #tpu.memory_space<hbm>>) dst(%dma_wait3A_414 : memref<64xi32, #tpu.memory_space<vmem>>)
      %dma_start3A_416 = arith.constant 0 : i32
      %dma_start3A_417 = arith.constant 0 : i32
      %dma_start3A_418 = arith.constant 0 : i32
      %dma_start3A_419 = arith.constant 0 : i32
      %dma_start3A_420 = tpu.memref_slice %arg10[%dma_start3A_417, %dma_start3A_418, %dma_start3A_419] : memref<2x128x128xf32, #tpu.memory_space<vmem>> -> memref<1x128x128xf32, #tpu.memory_space<vmem>>
      %dma_start3A_421 = tpu.memref_squeeze %dma_start3A_420 : memref<1x128x128xf32, #tpu.memory_space<vmem>> -> memref<128x128xf32, #tpu.memory_space<vmem>>
      %dma_start3A_422 = arith.constant 0 : i32
      %dma_start3A_423 = tpu.memref_slice %arg8[%dma_start3A_416, %dma_start3A_422] : memref<2x128xi32, #tpu.memory_space<vmem>> -> memref<1x128xi32, #tpu.memory_space<vmem>>
      %dma_start3A_424 = tpu.memref_squeeze %dma_start3A_423 : memref<1x128xi32, #tpu.memory_space<vmem>> -> memref<128xi32, #tpu.memory_space<vmem>>
      %dma_start3A_425 = arith.constant 0 : i32
      %dma_start3A_426 = arith.constant 0 : i32
      %dma_start3A_427 = tpu.memref_slice %arg2[%arg0, %dma_start3A_425, %dma_start3A_426] : memref<2x10008x128xf32, #tpu.memory_space<hbm>> -> memref<1x10008x128xf32, #tpu.memory_space<hbm>>
      %dma_start3A_428 = tpu.memref_squeeze %dma_start3A_427 : memref<1x10008x128xf32, #tpu.memory_space<hbm>> -> memref<10008x128xf32, #tpu.memory_space<hbm>>
      %dma_start3A_429 = arith.constant 0 : i32
      %dma_start3A_430 = arith.constant 0 : i32
      %dma_start3A_431 = tpu.memref_slice %dma_start3A_428[%dma_start3A_429, %dma_start3A_430] : memref<10008x128xf32, #tpu.memory_space<hbm>> -> memref<10008x128xf32, #tpu.memory_space<hbm>>
      tpu.enqueue_indirect_dma source(%dma_start3A_431 : memref<10008x128xf32, #tpu.memory_space<hbm>>) target(%dma_start3A_421 : memref<128x128xf32, #tpu.memory_space<vmem>>) offsets(%dma_start3A_424 : memref<128xi32, #tpu.memory_space<vmem>>) semaphore(%arg18 : memref<!tpu.dma_semaphore, #tpu.memory_space<semaphore_mem>>)
      %add3A_432 = arith.constant 1 : i32
      %add3A_433 = arith.addi %mul3A_244, %add3A_432 : i32
      %mul3A_434 = arith.constant 161792 : i32
      %mul3A_435 = arith.muli %arg0, %mul3A_434 : i32
      %mul3A_436 = arith.constant 16 : i32
      %mul3A_437 = arith.muli %add3A_433, %mul3A_436 : i32
      %add3A_438 = arith.addi %mul3A_437, %arg1 : i32
      %mul3A_439 = arith.constant 64 : i32
      %mul3A_440 = arith.muli %add3A_438, %mul3A_439 : i32
      %add3A_441 = arith.addi %mul3A_435, %mul3A_440 : i32
      %dma_wait3A_442 = arith.constant 1 : i32
      %dma_wait3A_443 = arith.constant 1 : i32
      %dma_wait3A_444 = arith.constant 0 : i32
      %dma_wait3A_445 = arith.constant 0 : i32
      %dma_wait3A_446 = tpu.memref_slice %arg10[%dma_wait3A_443, %dma_wait3A_444, %dma_wait3A_445] : memref<2x128x128xf32, #tpu.memory_space<vmem>> -> memref<1x128x128xf32, #tpu.memory_space<vmem>>
      %dma_wait3A_447 = tpu.memref_squeeze %dma_wait3A_446 : memref<1x128x128xf32, #tpu.memory_space<vmem>> -> memref<128x128xf32, #tpu.memory_space<vmem>>
      %dma_wait3A_448 = arith.constant 0 : i32
      %dma_wait3A_449 = tpu.memref_slice %arg8[%dma_wait3A_442, %dma_wait3A_448] : memref<2x128xi32, #tpu.memory_space<vmem>> -> memref<1x128xi32, #tpu.memory_space<vmem>>
      %dma_wait3A_450 = tpu.memref_squeeze %dma_wait3A_449 : memref<1x128xi32, #tpu.memory_space<vmem>> -> memref<128xi32, #tpu.memory_space<vmem>>
      %dma_wait3A_451 = arith.constant 0 : i32
      %dma_wait3A_452 = arith.constant 0 : i32
      %dma_wait3A_453 = tpu.memref_slice %arg2[%arg0, %dma_wait3A_451, %dma_wait3A_452] : memref<2x10008x128xf32, #tpu.memory_space<hbm>> -> memref<1x10008x128xf32, #tpu.memory_space<hbm>>
      %dma_wait3A_454 = tpu.memref_squeeze %dma_wait3A_453 : memref<1x10008x128xf32, #tpu.memory_space<hbm>> -> memref<10008x128xf32, #tpu.memory_space<hbm>>
      %dma_wait3A_455 = arith.constant 0 : i32
      %dma_wait3A_456 = arith.constant 0 : i32
      %dma_wait3A_457 = tpu.memref_slice %dma_wait3A_454[%dma_wait3A_455, %dma_wait3A_456] : memref<10008x128xf32, #tpu.memory_space<hbm>> -> memref<10008x128xf32, #tpu.memory_space<hbm>>
      tpu.wait_indirect_dma semaphore(%arg19 : memref<!tpu.dma_semaphore, #tpu.memory_space<semaphore_mem>>) src(%dma_wait3A_457 : memref<10008x128xf32, #tpu.memory_space<hbm>>) dst(%dma_wait3A_447 : memref<128x128xf32, #tpu.memory_space<vmem>>)
      %dma_wait3A_458 = arith.constant 1 : i32
      %dma_wait3A_459 = arith.constant 0 : i32
      %dma_wait3A_460 = tpu.memref_slice %arg9[%dma_wait3A_458, %dma_wait3A_459] : memref<2x64xi32, #tpu.memory_space<vmem>> -> memref<1x64xi32, #tpu.memory_space<vmem>>
      %dma_wait3A_461 = tpu.memref_squeeze %dma_wait3A_460 : memref<1x64xi32, #tpu.memory_space<vmem>> -> memref<64xi32, #tpu.memory_space<vmem>>
      %dma_wait3A_462 = tpu.memref_slice %arg4[%add3A_441] : memref<323584xi32, #tpu.memory_space<hbm>> -> memref<64xi32, #tpu.memory_space<hbm>>
      %dma_wait3A_463 = arith.constant 0 : i32
      %dma_wait3A_464 = tpu.memref_slice %arg9[%dma_wait3A_458, %dma_wait3A_463] : memref<2x64xi32, #tpu.memory_space<vmem>> -> memref<1x64xi32, #tpu.memory_space<vmem>>
      %dma_wait3A_465 = tpu.memref_squeeze %dma_wait3A_464 : memref<1x64xi32, #tpu.memory_space<vmem>> -> memref<64xi32, #tpu.memory_space<vmem>>
      %dma_wait3A_466 = tpu.memref_slice %arg4[%add3A_441] : memref<323584xi32, #tpu.memory_space<hbm>> -> memref<64xi32, #tpu.memory_space<hbm>>
      tpu.wait_dma2 semaphore(%arg17 : memref<!tpu.dma_semaphore, #tpu.memory_space<semaphore_mem>>) src(%dma_wait3A_466 : memref<64xi32, #tpu.memory_space<hbm>>) dst(%dma_wait3A_465 : memref<64xi32, #tpu.memory_space<vmem>>)
      %parallel_loop3A_467 = arith.constant 0 : i32
      %parallel_loop3A_468 = arith.constant 64 : i32
      %parallel_loop3A_469 = arith.constant 1 : i32
      scf.for %parallel_loop3A_534 = %parallel_loop3A_467 to %parallel_loop3A_468 step %parallel_loop3A_469  : i32 {
        %parallel_loop3A_535 = arith.constant 1 : i32
        %parallel_loop3A_536 = arith.index_cast %parallel_loop3A_535 : i32 to index
        %parallel_loop3A_537 = arith.index_cast %parallel_loop3A_534 : i32 to index
        %parallel_loop3A_538 = arith.constant 0 : index
        %parallel_loop3A_539 = tpu.vector_load %arg10[%parallel_loop3A_536, %parallel_loop3A_537, %parallel_loop3A_538] {strides = array<i32>} : memref<2x128x128xf32, #tpu.memory_space<vmem>>, vector<1x1x16xf32>,
        %parallel_loop3A_540 = vector.shape_cast %parallel_loop3A_539 : vector<1x1x16xf32> to vector<16xf32>
        %parallel_loop3A_541 = arith.constant 64 : i32
        %parallel_loop3A_542 = arith.addi %parallel_loop3A_541, %parallel_loop3A_534 : i32
        %parallel_loop3A_543 = arith.constant 1 : i32
        %parallel_loop3A_544 = arith.index_cast %parallel_loop3A_543 : i32 to index
        %parallel_loop3A_545 = arith.index_cast %parallel_loop3A_542 : i32 to index
        %parallel_loop3A_546 = arith.constant 8 : index
        %parallel_loop3A_547 = tpu.vector_load %arg10[%parallel_loop3A_544, %parallel_loop3A_545, %parallel_loop3A_546] {strides = array<i32>} : memref<2x128x128xf32, #tpu.memory_space<vmem>>, vector<1x1x16xf32>,
        %parallel_loop3A_548 = vector.shape_cast %parallel_loop3A_547 : vector<1x1x16xf32> to vector<16xf32>
        %parallel_loop3A_549 = arith.addf %parallel_loop3A_540, %parallel_loop3A_548 : vector<16xf32>
        %parallel_loop3A_550 = arith.constant 0.000000e+00 : f32
        %parallel_loop3A_551 = vector.broadcast %parallel_loop3A_550 : f32 to vector<16xf32>
        %parallel_loop3A_552 = arith.cmpf oge, %parallel_loop3A_549, %parallel_loop3A_551 : vector<16xf32>
        %parallel_loop3A_553 = arith.constant 2.000000e-01 : f32
        %parallel_loop3A_554 = vector.broadcast %parallel_loop3A_553 : f32 to vector<16xf32>
        %parallel_loop3A_555 = arith.mulf %parallel_loop3A_554, %parallel_loop3A_549 : vector<16xf32>
        %parallel_loop3A_556 = arith.select %parallel_loop3A_552, %parallel_loop3A_549, %parallel_loop3A_555 : vector<16xi1>, vector<16xf32>
        %parallel_loop3A_557 = math.exp %parallel_loop3A_556 : vector<16xf32>
        %parallel_loop3A_558 = arith.index_cast %parallel_loop3A_534 : i32 to index
        %parallel_loop3A_559 = arith.constant 0 : index
        %parallel_loop3A_560 = tpu.vector_load %arg12[%parallel_loop3A_558, %parallel_loop3A_559] {strides = array<i32>} : memref<64x128xf32, #tpu.memory_space<vmem>>, vector<1x16xf32>,
        %parallel_loop3A_561 = vector.shape_cast %parallel_loop3A_560 : vector<1x16xf32> to vector<16xf32>
        %parallel_loop3A_562 = vector.shape_cast %parallel_loop3A_557 : vector<16xf32> to vector<1x16xf32>
        tpu.vector_store %arg12[%parallel_loop3A_558, %parallel_loop3A_559], %parallel_loop3A_562 {strides = array<i32>} : memref<64x128xf32, #tpu.memory_space<vmem>>, vector<1x16xf32>,
        %parallel_loop3A_563 = arith.constant 8 : i32
        %parallel_loop3A_564 = arith.divsi %parallel_loop3A_534, %parallel_loop3A_563 : i32
        %parallel_loop3A_565 = arith.constant 0 : i32
        %parallel_loop3A_566 = arith.cmpi sgt, %parallel_loop3A_534, %parallel_loop3A_565 : i32
        %parallel_loop3A_567 = arith.extui %parallel_loop3A_566 : i1 to i32
        %parallel_loop3A_568 = arith.constant 0 : i32
        %parallel_loop3A_569 = arith.cmpi slt, %parallel_loop3A_534, %parallel_loop3A_568 : i32
        %parallel_loop3A_570 = arith.extui %parallel_loop3A_569 : i1 to i32
        %parallel_loop3A_571 = arith.subi %parallel_loop3A_567, %parallel_loop3A_570 : i32
        %parallel_loop3A_572 = arith.constant 0 : i32
        %parallel_loop3A_573 = arith.cmpi sgt, %parallel_loop3A_563, %parallel_loop3A_572 : i32
        %parallel_loop3A_574 = arith.extui %parallel_loop3A_573 : i1 to i32
        %parallel_loop3A_575 = arith.constant 0 : i32
        %parallel_loop3A_576 = arith.cmpi slt, %parallel_loop3A_563, %parallel_loop3A_575 : i32
        %parallel_loop3A_577 = arith.extui %parallel_loop3A_576 : i1 to i32
        %parallel_loop3A_578 = arith.subi %parallel_loop3A_574, %parallel_loop3A_577 : i32
        %parallel_loop3A_579 = arith.cmpi ne, %parallel_loop3A_571, %parallel_loop3A_578 : i32
        %parallel_loop3A_580 = arith.remsi %parallel_loop3A_534, %parallel_loop3A_563 : i32
        %parallel_loop3A_581 = arith.constant 0 : i32
        %parallel_loop3A_582 = arith.cmpi ne, %parallel_loop3A_580, %parallel_loop3A_581 : i32
        %parallel_loop3A_583 = arith.andi %parallel_loop3A_579, %parallel_loop3A_582 : i1
        %parallel_loop3A_584 = arith.constant 1 : i32
        %parallel_loop3A_585 = arith.subi %parallel_loop3A_564, %parallel_loop3A_584 : i32
        %parallel_loop3A_586 = arith.select %parallel_loop3A_583, %parallel_loop3A_585, %parallel_loop3A_564 : i32
        %parallel_loop3A_587 = arith.constant 8 : i32
        %parallel_loop3A_588 = arith.constant 0 : i32
        %parallel_loop3A_589 = arith.cmpi eq, %parallel_loop3A_587, %parallel_loop3A_588 : i32
        %parallel_loop3A_590 = arith.constant 1 : i32
        %parallel_loop3A_591 = arith.select %parallel_loop3A_589, %parallel_loop3A_590, %parallel_loop3A_587 : i32
        %parallel_loop3A_592 = arith.remsi %parallel_loop3A_534, %parallel_loop3A_591 : i32
        %parallel_loop3A_593 = arith.constant 0 : i32
        %parallel_loop3A_594 = arith.cmpi ne, %parallel_loop3A_592, %parallel_loop3A_593 : i32
        %parallel_loop3A_595 = arith.constant 0 : i32
        %parallel_loop3A_596 = arith.cmpi slt, %parallel_loop3A_592, %parallel_loop3A_595 : i32
        %parallel_loop3A_597 = arith.constant 0 : i32
        %parallel_loop3A_598 = arith.cmpi slt, %parallel_loop3A_591, %parallel_loop3A_597 : i32
        %parallel_loop3A_599 = arith.xori %parallel_loop3A_596, %parallel_loop3A_598 : i1
        %parallel_loop3A_600 = arith.andi %parallel_loop3A_599, %parallel_loop3A_594 : i1
        %parallel_loop3A_601 = arith.addi %parallel_loop3A_592, %parallel_loop3A_591 : i32
        %parallel_loop3A_602 = arith.select %parallel_loop3A_600, %parallel_loop3A_601, %parallel_loop3A_592 : i32
        %parallel_loop3A_603 = arith.constant 16 : i32
        %parallel_loop3A_604 = arith.muli %parallel_loop3A_602, %parallel_loop3A_603 : i32
        %parallel_loop3A_605 = arith.index_cast %parallel_loop3A_586 : i32 to index
        %parallel_loop3A_606 = arith.index_cast %parallel_loop3A_604 : i32 to index
        %parallel_loop3A_607 = tpu.vector_load %arg11[%parallel_loop3A_605, %parallel_loop3A_606] {strides = array<i32>} : memref<8x128xf32, #tpu.memory_space<vmem>>, vector<1x16xf32>,
        %parallel_loop3A_608 = vector.shape_cast %parallel_loop3A_607 : vector<1x16xf32> to vector<16xf32>
        %parallel_loop3A_609 = vector.shape_cast %parallel_loop3A_557 : vector<16xf32> to vector<1x16xf32>
        tpu.vector_store %arg11[%parallel_loop3A_605, %parallel_loop3A_606], %parallel_loop3A_609 {strides = array<i32>} : memref<8x128xf32, #tpu.memory_space<vmem>>, vector<1x16xf32>,
      } {sc.loop_unroll_factor = 4 : i64, sc.parallel_access}
      %run_scoped3A_470 = arith.constant 1 : i32
      "tpu.region"() ({
        %run_scoped3A_534 = tpu.sem_alloc : memref<!tpu.dma_semaphore, #tpu.memory_space<semaphore_mem>>
        %dma_start3A_535 = arith.constant 0 : i32
        %dma_start3A_536 = tpu.memref_slice %arg9[%run_scoped3A_470, %dma_start3A_535] : memref<2x64xi32, #tpu.memory_space<vmem>> -> memref<1x64xi32, #tpu.memory_space<vmem>>
        %dma_start3A_537 = tpu.memref_squeeze %dma_start3A_536 : memref<1x64xi32, #tpu.memory_space<vmem>> -> memref<64xi32, #tpu.memory_space<vmem>>
        %dma_start3A_538 = arith.constant 0 : i32
        %dma_start3A_539 = arith.constant 0 : i32
        %dma_start3A_540 = tpu.memref_slice %arg7[%dma_start3A_538, %dma_start3A_539] : memref<10008x128xf32, #tpu.memory_space<vmem_shared>> -> memref<10008x128xf32, #tpu.memory_space<vmem_shared>>
        tpu.enqueue_indirect_dma source(%arg12 : memref<64x128xf32, #tpu.memory_space<vmem>>) target(%dma_start3A_540 : memref<10008x128xf32, #tpu.memory_space<vmem_shared>>) offsets(%dma_start3A_537 : memref<64xi32, #tpu.memory_space<vmem>>) semaphore(%run_scoped3A_534 : memref<!tpu.dma_semaphore, #tpu.memory_space<semaphore_mem>>) {add = true}
        %dma_wait3A_541 = arith.constant 0 : i32
        %dma_wait3A_542 = tpu.memref_slice %arg9[%run_scoped3A_470, %dma_wait3A_541] : memref<2x64xi32, #tpu.memory_space<vmem>> -> memref<1x64xi32, #tpu.memory_space<vmem>>
        %dma_wait3A_543 = tpu.memref_squeeze %dma_wait3A_542 : memref<1x64xi32, #tpu.memory_space<vmem>> -> memref<64xi32, #tpu.memory_space<vmem>>
        %dma_wait3A_544 = arith.constant 0 : i32
        %dma_wait3A_545 = arith.constant 0 : i32
        %dma_wait3A_546 = tpu.memref_slice %arg7[%dma_wait3A_544, %dma_wait3A_545] : memref<10008x128xf32, #tpu.memory_space<vmem_shared>> -> memref<10008x128xf32, #tpu.memory_space<vmem_shared>>
        tpu.wait_indirect_dma semaphore(%run_scoped3A_534 : memref<!tpu.dma_semaphore, #tpu.memory_space<semaphore_mem>>) src(%arg12 : memref<64x128xf32, #tpu.memory_space<vmem>>) dst(%dma_wait3A_546 : memref<10008x128xf32, #tpu.memory_space<vmem_shared>>)
        tpu.yield
      }) : () -> ()
      %jit3A_471 = arith.constant 8 : i32
      %div3A_472 = arith.divsi %add3A_441, %jit3A_471 : i32
      %sign3A_473 = arith.constant 0 : i32
      %sign3A_474 = arith.cmpi sgt, %add3A_441, %sign3A_473 : i32
      %sign3A_475 = arith.extui %sign3A_474 : i1 to i32
      %sign3A_476 = arith.constant 0 : i32
      %sign3A_477 = arith.cmpi slt, %add3A_441, %sign3A_476 : i32
      %sign3A_478 = arith.extui %sign3A_477 : i1 to i32
      %sign3A_479 = arith.subi %sign3A_475, %sign3A_478 : i32
      %sign3A_480 = arith.constant 0 : i32
      %sign3A_481 = arith.cmpi sgt, %jit3A_471, %sign3A_480 : i32
      %sign3A_482 = arith.extui %sign3A_481 : i1 to i32
      %sign3A_483 = arith.constant 0 : i32
      %sign3A_484 = arith.cmpi slt, %jit3A_471, %sign3A_483 : i32
      %sign3A_485 = arith.extui %sign3A_484 : i1 to i32
      %sign3A_486 = arith.subi %sign3A_482, %sign3A_485 : i32
      %ne3A_487 = arith.cmpi ne, %sign3A_479, %sign3A_486 : i32
      %rem3A_488 = arith.remsi %add3A_441, %jit3A_471 : i32
      %ne3A_489 = arith.constant 0 : i32
      %ne3A_490 = arith.cmpi ne, %rem3A_488, %ne3A_489 : i32
      %and3A_491 = arith.andi %ne3A_487, %ne3A_490 : i1
      %sub3A_492 = arith.constant 1 : i32
      %sub3A_493 = arith.subi %div3A_472, %sub3A_492 : i32
      %select_n3A_494 = arith.select %and3A_491, %sub3A_493, %div3A_472 : i32
      %multiple_of3A_495 = tpu.assume_multiple %select_n3A_494, 8 : i32
      "tpu.region"() ({
        %run_scoped3A_534 = tpu.sem_alloc : memref<!tpu.dma_semaphore, #tpu.memory_space<semaphore_mem>>
        %dma_start3A_535 = arith.constant 0 : i32
        %dma_start3A_536 = tpu.memref_slice %arg5[%multiple_of3A_495, %dma_start3A_535] : memref<40448x128xf32, #tpu.memory_space<hbm>> -> memref<8x128xf32, #tpu.memory_space<hbm>>
        %dma_start3A_537 = arith.constant 0 : i32
        %dma_start3A_538 = tpu.memref_slice %arg5[%multiple_of3A_495, %dma_start3A_537] : memref<40448x128xf32, #tpu.memory_space<hbm>> -> memref<8x128xf32, #tpu.memory_space<hbm>>
        tpu.enqueue_dma source(%arg11 : memref<8x128xf32, #tpu.memory_space<vmem>>) target(%dma_start3A_538 : memref<8x128xf32, #tpu.memory_space<hbm>>) target_semaphore(%run_scoped3A_534 : memref<!tpu.dma_semaphore, #tpu.memory_space<semaphore_mem>>)
        %dma_wait3A_539 = arith.constant 0 : i32
        %dma_wait3A_540 = tpu.memref_slice %arg5[%multiple_of3A_495, %dma_wait3A_539] : memref<40448x128xf32, #tpu.memory_space<hbm>> -> memref<8x128xf32, #tpu.memory_space<hbm>>
        %dma_wait3A_541 = arith.constant 0 : i32
        %dma_wait3A_542 = tpu.memref_slice %arg5[%multiple_of3A_495, %dma_wait3A_541] : memref<40448x128xf32, #tpu.memory_space<hbm>> -> memref<8x128xf32, #tpu.memory_space<hbm>>
        tpu.wait_dma2 semaphore(%run_scoped3A_534 : memref<!tpu.dma_semaphore, #tpu.memory_space<semaphore_mem>>) src(%arg11 : memref<8x128xf32, #tpu.memory_space<vmem>>) dst(%dma_wait3A_542 : memref<8x128xf32, #tpu.memory_space<hbm>>)
        tpu.yield
      }) : () -> ()
      %add3A_496 = arith.constant 3 : i32
      %add3A_497 = arith.addi %mul3A_244, %add3A_496 : i32
      %mul3A_498 = arith.constant 161792 : i32
      %mul3A_499 = arith.muli %arg0, %mul3A_498 : i32
      %mul3A_500 = arith.constant 16 : i32
      %mul3A_501 = arith.muli %add3A_497, %mul3A_500 : i32
      %add3A_502 = arith.addi %mul3A_501, %arg1 : i32
      %mul3A_503 = arith.constant 64 : i32
      %mul3A_504 = arith.muli %add3A_502, %mul3A_503 : i32
      %add3A_505 = arith.addi %mul3A_499, %mul3A_504 : i32
      %dma_start3A_506 = arith.constant 1 : i32
      %dma_start3A_507 = arith.constant 0 : i32
      %dma_start3A_508 = tpu.memref_slice %arg8[%dma_start3A_506, %dma_start3A_507] : memref<2x128xi32, #tpu.memory_space<vmem>> -> memref<1x64xi32, #tpu.memory_space<vmem>>
      %dma_start3A_509 = tpu.memref_squeeze %dma_start3A_508 : memref<1x64xi32, #tpu.memory_space<vmem>> -> memref<64xi32, #tpu.memory_space<vmem>>
      %dma_start3A_510 = tpu.memref_slice %arg3[%add3A_505] : memref<323584xi32, #tpu.memory_space<hbm>> -> memref<64xi32, #tpu.memory_space<hbm>>
      %dma_start3A_511 = arith.constant 0 : i32
      %dma_start3A_512 = tpu.memref_slice %arg8[%dma_start3A_506, %dma_start3A_511] : memref<2x128xi32, #tpu.memory_space<vmem>> -> memref<1x64xi32, #tpu.memory_space<vmem>>
      %dma_start3A_513 = tpu.memref_squeeze %dma_start3A_512 : memref<1x64xi32, #tpu.memory_space<vmem>> -> memref<64xi32, #tpu.memory_space<vmem>>
      %dma_start3A_514 = tpu.memref_slice %arg3[%add3A_505] : memref<323584xi32, #tpu.memory_space<hbm>> -> memref<64xi32, #tpu.memory_space<hbm>>
      tpu.enqueue_dma source(%dma_start3A_514 : memref<64xi32, #tpu.memory_space<hbm>>) target(%dma_start3A_513 : memref<64xi32, #tpu.memory_space<vmem>>) target_semaphore(%arg15 : memref<!tpu.dma_semaphore, #tpu.memory_space<semaphore_mem>>)
      %dma_start3A_515 = arith.constant 1 : i32
      %dma_start3A_516 = arith.constant 64 : i32
      %dma_start3A_517 = tpu.memref_slice %arg8[%dma_start3A_515, %dma_start3A_516] : memref<2x128xi32, #tpu.memory_space<vmem>> -> memref<1x64xi32, #tpu.memory_space<vmem>>
      %dma_start3A_518 = tpu.memref_squeeze %dma_start3A_517 : memref<1x64xi32, #tpu.memory_space<vmem>> -> memref<64xi32, #tpu.memory_space<vmem>>
      %dma_start3A_519 = tpu.memref_slice %arg4[%add3A_505] : memref<323584xi32, #tpu.memory_space<hbm>> -> memref<64xi32, #tpu.memory_space<hbm>>
      %dma_start3A_520 = arith.constant 64 : i32
      %dma_start3A_521 = tpu.memref_slice %arg8[%dma_start3A_515, %dma_start3A_520] : memref<2x128xi32, #tpu.memory_space<vmem>> -> memref<1x64xi32, #tpu.memory_space<vmem>>
      %dma_start3A_522 = tpu.memref_squeeze %dma_start3A_521 : memref<1x64xi32, #tpu.memory_space<vmem>> -> memref<64xi32, #tpu.memory_space<vmem>>
      %dma_start3A_523 = tpu.memref_slice %arg4[%add3A_505] : memref<323584xi32, #tpu.memory_space<hbm>> -> memref<64xi32, #tpu.memory_space<hbm>>
      tpu.enqueue_dma source(%dma_start3A_523 : memref<64xi32, #tpu.memory_space<hbm>>) target(%dma_start3A_522 : memref<64xi32, #tpu.memory_space<vmem>>) target_semaphore(%arg15 : memref<!tpu.dma_semaphore, #tpu.memory_space<semaphore_mem>>)
      %dma_start3A_524 = arith.constant 1 : i32
      %dma_start3A_525 = arith.constant 0 : i32
      %dma_start3A_526 = tpu.memref_slice %arg9[%dma_start3A_524, %dma_start3A_525] : memref<2x64xi32, #tpu.memory_space<vmem>> -> memref<1x64xi32, #tpu.memory_space<vmem>>
      %dma_start3A_527 = tpu.memref_squeeze %dma_start3A_526 : memref<1x64xi32, #tpu.memory_space<vmem>> -> memref<64xi32, #tpu.memory_space<vmem>>
      %dma_start3A_528 = tpu.memref_slice %arg4[%add3A_505] : memref<323584xi32, #tpu.memory_space<hbm>> -> memref<64xi32, #tpu.memory_space<hbm>>
      %dma_start3A_529 = arith.constant 0 : i32
      %dma_start3A_530 = tpu.memref_slice %arg9[%dma_start3A_524, %dma_start3A_529] : memref<2x64xi32, #tpu.memory_space<vmem>> -> memref<1x64xi32, #tpu.memory_space<vmem>>
      %dma_start3A_531 = tpu.memref_squeeze %dma_start3A_530 : memref<1x64xi32, #tpu.memory_space<vmem>> -> memref<64xi32, #tpu.memory_space<vmem>>
      %dma_start3A_532 = tpu.memref_slice %arg4[%add3A_505] : memref<323584xi32, #tpu.memory_space<hbm>> -> memref<64xi32, #tpu.memory_space<hbm>>
      tpu.enqueue_dma source(%dma_start3A_532 : memref<64xi32, #tpu.memory_space<hbm>>) target(%dma_start3A_531 : memref<64xi32, #tpu.memory_space<vmem>>) target_semaphore(%arg17 : memref<!tpu.dma_semaphore, #tpu.memory_space<semaphore_mem>>)
      %scan3A_533 = arith.constant 0 : i32
      scf.yield %scan3A_533 : i32
    }
    %scan3A_137 = arith.constant 78 : i32
    %mul3A_138 = arith.constant 161792 : i32
    %mul3A_139 = arith.muli %arg0, %mul3A_138 : i32
    %add3A_140 = arith.constant 2496 : i32
    %add3A_141 = arith.addi %add3A_140, %arg1 : i32
    %mul3A_142 = arith.constant 64 : i32
    %mul3A_143 = arith.muli %add3A_141, %mul3A_142 : i32
    %add3A_144 = arith.addi %mul3A_139, %mul3A_143 : i32
    %dma_wait3A_145 = arith.constant 0 : i32
    %dma_wait3A_146 = arith.constant 0 : i32
    %dma_wait3A_147 = arith.constant 0 : i32
    %dma_wait3A_148 = arith.constant 0 : i32
    %dma_wait3A_149 = tpu.memref_slice %arg10[%dma_wait3A_146, %dma_wait3A_147, %dma_wait3A_148] : memref<2x128x128xf32, #tpu.memory_space<vmem>> -> memref<1x128x128xf32, #tpu.memory_space<vmem>>
    %dma_wait3A_150 = tpu.memref_squeeze %dma_wait3A_149 : memref<1x128x128xf32, #tpu.memory_space<vmem>> -> memref<128x128xf32, #tpu.memory_space<vmem>>
    %dma_wait3A_151 = arith.constant 0 : i32
    %dma_wait3A_152 = tpu.memref_slice %arg8[%dma_wait3A_145, %dma_wait3A_151] : memref<2x128xi32, #tpu.memory_space<vmem>> -> memref<1x128xi32, #tpu.memory_space<vmem>>
    %dma_wait3A_153 = tpu.memref_squeeze %dma_wait3A_152 : memref<1x128xi32, #tpu.memory_space<vmem>> -> memref<128xi32, #tpu.memory_space<vmem>>
    %dma_wait3A_154 = arith.constant 0 : i32
    %dma_wait3A_155 = arith.constant 0 : i32
    %dma_wait3A_156 = tpu.memref_slice %arg2[%arg0, %dma_wait3A_154, %dma_wait3A_155] : memref<2x10008x128xf32, #tpu.memory_space<hbm>> -> memref<1x10008x128xf32, #tpu.memory_space<hbm>>
    %dma_wait3A_157 = tpu.memref_squeeze %dma_wait3A_156 : memref<1x10008x128xf32, #tpu.memory_space<hbm>> -> memref<10008x128xf32, #tpu.memory_space<hbm>>
    %dma_wait3A_158 = arith.constant 0 : i32
    %dma_wait3A_159 = arith.constant 0 : i32
    %dma_wait3A_160 = tpu.memref_slice %dma_wait3A_157[%dma_wait3A_158, %dma_wait3A_159] : memref<10008x128xf32, #tpu.memory_space<hbm>> -> memref<10008x128xf32, #tpu.memory_space<hbm>>
    tpu.wait_indirect_dma semaphore(%arg18 : memref<!tpu.dma_semaphore, #tpu.memory_space<semaphore_mem>>) src(%dma_wait3A_160 : memref<10008x128xf32, #tpu.memory_space<hbm>>) dst(%dma_wait3A_150 : memref<128x128xf32, #tpu.memory_space<vmem>>)
    %dma_wait3A_161 = arith.constant 0 : i32
    %dma_wait3A_162 = arith.constant 0 : i32
    %dma_wait3A_163 = tpu.memref_slice %arg9[%dma_wait3A_161, %dma_wait3A_162] : memref<2x64xi32, #tpu.memory_space<vmem>> -> memref<1x64xi32, #tpu.memory_space<vmem>>
    %dma_wait3A_164 = tpu.memref_squeeze %dma_wait3A_163 : memref<1x64xi32, #tpu.memory_space<vmem>> -> memref<64xi32, #tpu.memory_space<vmem>>
    %dma_wait3A_165 = tpu.memref_slice %arg4[%add3A_144] : memref<323584xi32, #tpu.memory_space<hbm>> -> memref<64xi32, #tpu.memory_space<hbm>>
    %dma_wait3A_166 = arith.constant 0 : i32
    %dma_wait3A_167 = tpu.memref_slice %arg9[%dma_wait3A_161, %dma_wait3A_166] : memref<2x64xi32, #tpu.memory_space<vmem>> -> memref<1x64xi32, #tpu.memory_space<vmem>>
    %dma_wait3A_168 = tpu.memref_squeeze %dma_wait3A_167 : memref<1x64xi32, #tpu.memory_space<vmem>> -> memref<64xi32, #tpu.memory_space<vmem>>
    %dma_wait3A_169 = tpu.memref_slice %arg4[%add3A_144] : memref<323584xi32, #tpu.memory_space<hbm>> -> memref<64xi32, #tpu.memory_space<hbm>>
    tpu.wait_dma2 semaphore(%arg16 : memref<!tpu.dma_semaphore, #tpu.memory_space<semaphore_mem>>) src(%dma_wait3A_169 : memref<64xi32, #tpu.memory_space<hbm>>) dst(%dma_wait3A_168 : memref<64xi32, #tpu.memory_space<vmem>>)
    %parallel_loop3A = arith.constant 0 : i32
    %parallel_loop3A_170 = arith.constant 64 : i32
    %parallel_loop3A_171 = arith.constant 1 : i32
    scf.for %parallel_loop3A_241 = %parallel_loop3A to %parallel_loop3A_170 step %parallel_loop3A_171  : i32 {
      %parallel_loop3A_242 = arith.constant 0 : i32
      %parallel_loop3A_243 = arith.index_cast %parallel_loop3A_242 : i32 to index
      %parallel_loop3A_244 = arith.index_cast %parallel_loop3A_241 : i32 to index
      %parallel_loop3A_245 = arith.constant 0 : index
      %parallel_loop3A_246 = tpu.vector_load %arg10[%parallel_loop3A_243, %parallel_loop3A_244, %parallel_loop3A_245] {strides = array<i32>} : memref<2x128x128xf32, #tpu.memory_space<vmem>>, vector<1x1x16xf32>,
      %parallel_loop3A_247 = vector.shape_cast %parallel_loop3A_246 : vector<1x1x16xf32> to vector<16xf32>
      %parallel_loop3A_248 = arith.constant 64 : i32
      %parallel_loop3A_249 = arith.addi %parallel_loop3A_248, %parallel_loop3A_241 : i32
      %parallel_loop3A_250 = arith.constant 0 : i32
      %parallel_loop3A_251 = arith.index_cast %parallel_loop3A_250 : i32 to index
      %parallel_loop3A_252 = arith.index_cast %parallel_loop3A_249 : i32 to index
      %parallel_loop3A_253 = arith.constant 8 : index
      %parallel_loop3A_254 = tpu.vector_load %arg10[%parallel_loop3A_251, %parallel_loop3A_252, %parallel_loop3A_253] {strides = array<i32>} : memref<2x128x128xf32, #tpu.memory_space<vmem>>, vector<1x1x16xf32>,
      %parallel_loop3A_255 = vector.shape_cast %parallel_loop3A_254 : vector<1x1x16xf32> to vector<16xf32>
      %parallel_loop3A_256 = arith.addf %parallel_loop3A_247, %parallel_loop3A_255 : vector<16xf32>
      %parallel_loop3A_257 = arith.constant 0.000000e+00 : f32
      %parallel_loop3A_258 = vector.broadcast %parallel_loop3A_257 : f32 to vector<16xf32>
      %parallel_loop3A_259 = arith.cmpf oge, %parallel_loop3A_256, %parallel_loop3A_258 : vector<16xf32>
      %parallel_loop3A_260 = arith.constant 2.000000e-01 : f32
      %parallel_loop3A_261 = vector.broadcast %parallel_loop3A_260 : f32 to vector<16xf32>
      %parallel_loop3A_262 = arith.mulf %parallel_loop3A_261, %parallel_loop3A_256 : vector<16xf32>
      %parallel_loop3A_263 = arith.select %parallel_loop3A_259, %parallel_loop3A_256, %parallel_loop3A_262 : vector<16xi1>, vector<16xf32>
      %parallel_loop3A_264 = math.exp %parallel_loop3A_263 : vector<16xf32>
      %parallel_loop3A_265 = arith.index_cast %parallel_loop3A_241 : i32 to index
      %parallel_loop3A_266 = arith.constant 0 : index
      %parallel_loop3A_267 = tpu.vector_load %arg12[%parallel_loop3A_265, %parallel_loop3A_266] {strides = array<i32>} : memref<64x128xf32, #tpu.memory_space<vmem>>, vector<1x16xf32>,
      %parallel_loop3A_268 = vector.shape_cast %parallel_loop3A_267 : vector<1x16xf32> to vector<16xf32>
      %parallel_loop3A_269 = vector.shape_cast %parallel_loop3A_264 : vector<16xf32> to vector<1x16xf32>
      tpu.vector_store %arg12[%parallel_loop3A_265, %parallel_loop3A_266], %parallel_loop3A_269 {strides = array<i32>} : memref<64x128xf32, #tpu.memory_space<vmem>>, vector<1x16xf32>,
      %parallel_loop3A_270 = arith.constant 8 : i32
      %parallel_loop3A_271 = arith.divsi %parallel_loop3A_241, %parallel_loop3A_270 : i32
      %parallel_loop3A_272 = arith.constant 0 : i32
      %parallel_loop3A_273 = arith.cmpi sgt, %parallel_loop3A_241, %parallel_loop3A_272 : i32
      %parallel_loop3A_274 = arith.extui %parallel_loop3A_273 : i1 to i32
      %parallel_loop3A_275 = arith.constant 0 : i32
      %parallel_loop3A_276 = arith.cmpi slt, %parallel_loop3A_241, %parallel_loop3A_275 : i32
      %parallel_loop3A_277 = arith.extui %parallel_loop3A_276 : i1 to i32
      %parallel_loop3A_278 = arith.subi %parallel_loop3A_274, %parallel_loop3A_277 : i32
      %parallel_loop3A_279 = arith.constant 0 : i32
      %parallel_loop3A_280 = arith.cmpi sgt, %parallel_loop3A_270, %parallel_loop3A_279 : i32
      %parallel_loop3A_281 = arith.extui %parallel_loop3A_280 : i1 to i32
      %parallel_loop3A_282 = arith.constant 0 : i32
      %parallel_loop3A_283 = arith.cmpi slt, %parallel_loop3A_270, %parallel_loop3A_282 : i32
      %parallel_loop3A_284 = arith.extui %parallel_loop3A_283 : i1 to i32
      %parallel_loop3A_285 = arith.subi %parallel_loop3A_281, %parallel_loop3A_284 : i32
      %parallel_loop3A_286 = arith.cmpi ne, %parallel_loop3A_278, %parallel_loop3A_285 : i32
      %parallel_loop3A_287 = arith.remsi %parallel_loop3A_241, %parallel_loop3A_270 : i32
      %parallel_loop3A_288 = arith.constant 0 : i32
      %parallel_loop3A_289 = arith.cmpi ne, %parallel_loop3A_287, %parallel_loop3A_288 : i32
      %parallel_loop3A_290 = arith.andi %parallel_loop3A_286, %parallel_loop3A_289 : i1
      %parallel_loop3A_291 = arith.constant 1 : i32
      %parallel_loop3A_292 = arith.subi %parallel_loop3A_271, %parallel_loop3A_291 : i32
      %parallel_loop3A_293 = arith.select %parallel_loop3A_290, %parallel_loop3A_292, %parallel_loop3A_271 : i32
      %parallel_loop3A_294 = arith.constant 8 : i32
      %parallel_loop3A_295 = arith.constant 0 : i32
      %parallel_loop3A_296 = arith.cmpi eq, %parallel_loop3A_294, %parallel_loop3A_295 : i32
      %parallel_loop3A_297 = arith.constant 1 : i32
      %parallel_loop3A_298 = arith.select %parallel_loop3A_296, %parallel_loop3A_297, %parallel_loop3A_294 : i32
      %parallel_loop3A_299 = arith.remsi %parallel_loop3A_241, %parallel_loop3A_298 : i32
      %parallel_loop3A_300 = arith.constant 0 : i32
      %parallel_loop3A_301 = arith.cmpi ne, %parallel_loop3A_299, %parallel_loop3A_300 : i32
      %parallel_loop3A_302 = arith.constant 0 : i32
      %parallel_loop3A_303 = arith.cmpi slt, %parallel_loop3A_299, %parallel_loop3A_302 : i32
      %parallel_loop3A_304 = arith.constant 0 : i32
      %parallel_loop3A_305 = arith.cmpi slt, %parallel_loop3A_298, %parallel_loop3A_304 : i32
      %parallel_loop3A_306 = arith.xori %parallel_loop3A_303, %parallel_loop3A_305 : i1
      %parallel_loop3A_307 = arith.andi %parallel_loop3A_306, %parallel_loop3A_301 : i1
      %parallel_loop3A_308 = arith.addi %parallel_loop3A_299, %parallel_loop3A_298 : i32
      %parallel_loop3A_309 = arith.select %parallel_loop3A_307, %parallel_loop3A_308, %parallel_loop3A_299 : i32
      %parallel_loop3A_310 = arith.constant 16 : i32
      %parallel_loop3A_311 = arith.muli %parallel_loop3A_309, %parallel_loop3A_310 : i32
      %parallel_loop3A_312 = arith.index_cast %parallel_loop3A_293 : i32 to index
      %parallel_loop3A_313 = arith.index_cast %parallel_loop3A_311 : i32 to index
      %parallel_loop3A_314 = tpu.vector_load %arg11[%parallel_loop3A_312, %parallel_loop3A_313] {strides = array<i32>} : memref<8x128xf32, #tpu.memory_space<vmem>>, vector<1x16xf32>,
      %parallel_loop3A_315 = vector.shape_cast %parallel_loop3A_314 : vector<1x16xf32> to vector<16xf32>
      %parallel_loop3A_316 = vector.shape_cast %parallel_loop3A_264 : vector<16xf32> to vector<1x16xf32>
      tpu.vector_store %arg11[%parallel_loop3A_312, %parallel_loop3A_313], %parallel_loop3A_316 {strides = array<i32>} : memref<8x128xf32, #tpu.memory_space<vmem>>, vector<1x16xf32>,
    } {sc.loop_unroll_factor = 4 : i64, sc.parallel_access}
    %run_scoped3A = arith.constant 0 : i32
    "tpu.region"() ({
      %run_scoped3A_241 = tpu.sem_alloc : memref<!tpu.dma_semaphore, #tpu.memory_space<semaphore_mem>>
      %dma_start3A_242 = arith.constant 0 : i32
      %dma_start3A_243 = tpu.memref_slice %arg9[%run_scoped3A, %dma_start3A_242] : memref<2x64xi32, #tpu.memory_space<vmem>> -> memref<1x64xi32, #tpu.memory_space<vmem>>
      %dma_start3A_244 = tpu.memref_squeeze %dma_start3A_243 : memref<1x64xi32, #tpu.memory_space<vmem>> -> memref<64xi32, #tpu.memory_space<vmem>>
      %dma_start3A_245 = arith.constant 0 : i32
      %dma_start3A_246 = arith.constant 0 : i32
      %dma_start3A_247 = tpu.memref_slice %arg7[%dma_start3A_245, %dma_start3A_246] : memref<10008x128xf32, #tpu.memory_space<vmem_shared>> -> memref<10008x128xf32, #tpu.memory_space<vmem_shared>>
      tpu.enqueue_indirect_dma source(%arg12 : memref<64x128xf32, #tpu.memory_space<vmem>>) target(%dma_start3A_247 : memref<10008x128xf32, #tpu.memory_space<vmem_shared>>) offsets(%dma_start3A_244 : memref<64xi32, #tpu.memory_space<vmem>>) semaphore(%run_scoped3A_241 : memref<!tpu.dma_semaphore, #tpu.memory_space<semaphore_mem>>) {add = true}
      %dma_wait3A_248 = arith.constant 0 : i32
      %dma_wait3A_249 = tpu.memref_slice %arg9[%run_scoped3A, %dma_wait3A_248] : memref<2x64xi32, #tpu.memory_space<vmem>> -> memref<1x64xi32, #tpu.memory_space<vmem>>
      %dma_wait3A_250 = tpu.memref_squeeze %dma_wait3A_249 : memref<1x64xi32, #tpu.memory_space<vmem>> -> memref<64xi32, #tpu.memory_space<vmem>>
      %dma_wait3A_251 = arith.constant 0 : i32
      %dma_wait3A_252 = arith.constant 0 : i32
      %dma_wait3A_253 = tpu.memref_slice %arg7[%dma_wait3A_251, %dma_wait3A_252] : memref<10008x128xf32, #tpu.memory_space<vmem_shared>> -> memref<10008x128xf32, #tpu.memory_space<vmem_shared>>
      tpu.wait_indirect_dma semaphore(%run_scoped3A_241 : memref<!tpu.dma_semaphore, #tpu.memory_space<semaphore_mem>>) src(%arg12 : memref<64x128xf32, #tpu.memory_space<vmem>>) dst(%dma_wait3A_253 : memref<10008x128xf32, #tpu.memory_space<vmem_shared>>)
      tpu.yield
    }) : () -> ()
    %jit3A_172 = arith.constant 8 : i32
    %div3A = arith.divsi %add3A_144, %jit3A_172 : i32
    %sign3A = arith.constant 0 : i32
    %sign3A_173 = arith.cmpi sgt, %add3A_144, %sign3A : i32
    %sign3A_174 = arith.extui %sign3A_173 : i1 to i32
    %sign3A_175 = arith.constant 0 : i32
    %sign3A_176 = arith.cmpi slt, %add3A_144, %sign3A_175 : i32
    %sign3A_177 = arith.extui %sign3A_176 : i1 to i32
    %sign3A_178 = arith.subi %sign3A_174, %sign3A_177 : i32
    %sign3A_179 = arith.constant 0 : i32
    %sign3A_180 = arith.cmpi sgt, %jit3A_172, %sign3A_179 : i32
    %sign3A_181 = arith.extui %sign3A_180 : i1 to i32
    %sign3A_182 = arith.constant 0 : i32
    %sign3A_183 = arith.cmpi slt, %jit3A_172, %sign3A_182 : i32
    %sign3A_184 = arith.extui %sign3A_183 : i1 to i32
    %sign3A_185 = arith.subi %sign3A_181, %sign3A_184 : i32
    %ne3A = arith.cmpi ne, %sign3A_178, %sign3A_185 : i32
    %rem3A = arith.remsi %add3A_144, %jit3A_172 : i32
    %ne3A_186 = arith.constant 0 : i32
    %ne3A_187 = arith.cmpi ne, %rem3A, %ne3A_186 : i32
    %and3A = arith.andi %ne3A, %ne3A_187 : i1
    %sub3A = arith.constant 1 : i32
    %sub3A_188 = arith.subi %div3A, %sub3A : i32
    %select_n3A_189 = arith.select %and3A, %sub3A_188, %div3A : i32
    %multiple_of3A = tpu.assume_multiple %select_n3A_189, 8 : i32
    "tpu.region"() ({
      %run_scoped3A_241 = tpu.sem_alloc : memref<!tpu.dma_semaphore, #tpu.memory_space<semaphore_mem>>
      %dma_start3A_242 = arith.constant 0 : i32
      %dma_start3A_243 = tpu.memref_slice %arg5[%multiple_of3A, %dma_start3A_242] : memref<40448x128xf32, #tpu.memory_space<hbm>> -> memref<8x128xf32, #tpu.memory_space<hbm>>
      %dma_start3A_244 = arith.constant 0 : i32
      %dma_start3A_245 = tpu.memref_slice %arg5[%multiple_of3A, %dma_start3A_244] : memref<40448x128xf32, #tpu.memory_space<hbm>> -> memref<8x128xf32, #tpu.memory_space<hbm>>
      tpu.enqueue_dma source(%arg11 : memref<8x128xf32, #tpu.memory_space<vmem>>) target(%dma_start3A_245 : memref<8x128xf32, #tpu.memory_space<hbm>>) target_semaphore(%run_scoped3A_241 : memref<!tpu.dma_semaphore, #tpu.memory_space<semaphore_mem>>)
      %dma_wait3A_246 = arith.constant 0 : i32
      %dma_wait3A_247 = tpu.memref_slice %arg5[%multiple_of3A, %dma_wait3A_246] : memref<40448x128xf32, #tpu.memory_space<hbm>> -> memref<8x128xf32, #tpu.memory_space<hbm>>
      %dma_wait3A_248 = arith.constant 0 : i32
      %dma_wait3A_249 = tpu.memref_slice %arg5[%multiple_of3A, %dma_wait3A_248] : memref<40448x128xf32, #tpu.memory_space<hbm>> -> memref<8x128xf32, #tpu.memory_space<hbm>>
      tpu.wait_dma2 semaphore(%run_scoped3A_241 : memref<!tpu.dma_semaphore, #tpu.memory_space<semaphore_mem>>) src(%arg11 : memref<8x128xf32, #tpu.memory_space<vmem>>) dst(%dma_wait3A_249 : memref<8x128xf32, #tpu.memory_space<hbm>>)
      tpu.yield
    }) : () -> ()
    %dma_wait3A_190 = arith.constant 1 : i32
    %dma_wait3A_191 = arith.constant 0 : i32
    %dma_wait3A_192 = tpu.memref_slice %arg8[%dma_wait3A_190, %dma_wait3A_191] : memref<2x128xi32, #tpu.memory_space<vmem>> -> memref<1x64xi32, #tpu.memory_space<vmem>>
    %dma_wait3A_193 = tpu.memref_squeeze %dma_wait3A_192 : memref<1x64xi32, #tpu.memory_space<vmem>> -> memref<64xi32, #tpu.memory_space<vmem>>
    %dma_wait3A_194 = arith.constant 0 : i32
    %dma_wait3A_195 = tpu.memref_slice %arg3[%dma_wait3A_194] : memref<323584xi32, #tpu.memory_space<hbm>> -> memref<64xi32, #tpu.memory_space<hbm>>
    %dma_wait3A_196 = arith.constant 0 : i32
    %dma_wait3A_197 = tpu.memref_slice %arg8[%dma_wait3A_190, %dma_wait3A_196] : memref<2x128xi32, #tpu.memory_space<vmem>> -> memref<1x64xi32, #tpu.memory_space<vmem>>
    %dma_wait3A_198 = tpu.memref_squeeze %dma_wait3A_197 : memref<1x64xi32, #tpu.memory_space<vmem>> -> memref<64xi32, #tpu.memory_space<vmem>>
    %dma_wait3A_199 = arith.constant 0 : i32
    %dma_wait3A_200 = tpu.memref_slice %arg3[%dma_wait3A_199] : memref<323584xi32, #tpu.memory_space<hbm>> -> memref<64xi32, #tpu.memory_space<hbm>>
    tpu.wait_dma2 semaphore(%arg15 : memref<!tpu.dma_semaphore, #tpu.memory_space<semaphore_mem>>) src(%dma_wait3A_200 : memref<64xi32, #tpu.memory_space<hbm>>) dst(%dma_wait3A_198 : memref<64xi32, #tpu.memory_space<vmem>>)
    %dma_wait3A_201 = arith.constant 1 : i32
    %dma_wait3A_202 = arith.constant 64 : i32
    %dma_wait3A_203 = tpu.memref_slice %arg8[%dma_wait3A_201, %dma_wait3A_202] : memref<2x128xi32, #tpu.memory_space<vmem>> -> memref<1x64xi32, #tpu.memory_space<vmem>>
    %dma_wait3A_204 = tpu.memref_squeeze %dma_wait3A_203 : memref<1x64xi32, #tpu.memory_space<vmem>> -> memref<64xi32, #tpu.memory_space<vmem>>
    %dma_wait3A_205 = arith.constant 0 : i32
    %dma_wait3A_206 = tpu.memref_slice %arg4[%dma_wait3A_205] : memref<323584xi32, #tpu.memory_space<hbm>> -> memref<64xi32, #tpu.memory_space<hbm>>
    %dma_wait3A_207 = arith.constant 64 : i32
    %dma_wait3A_208 = tpu.memref_slice %arg8[%dma_wait3A_201, %dma_wait3A_207] : memref<2x128xi32, #tpu.memory_space<vmem>> -> memref<1x64xi32, #tpu.memory_space<vmem>>
    %dma_wait3A_209 = tpu.memref_squeeze %dma_wait3A_208 : memref<1x64xi32, #tpu.memory_space<vmem>> -> memref<64xi32, #tpu.memory_space<vmem>>
    %dma_wait3A_210 = arith.constant 0 : i32
    %dma_wait3A_211 = tpu.memref_slice %arg4[%dma_wait3A_210] : memref<323584xi32, #tpu.memory_space<hbm>> -> memref<64xi32, #tpu.memory_space<hbm>>
    tpu.wait_dma2 semaphore(%arg15 : memref<!tpu.dma_semaphore, #tpu.memory_space<semaphore_mem>>) src(%dma_wait3A_211 : memref<64xi32, #tpu.memory_space<hbm>>) dst(%dma_wait3A_209 : memref<64xi32, #tpu.memory_space<vmem>>)
    %dma_wait3A_212 = arith.constant 1 : i32
    %dma_wait3A_213 = arith.constant 0 : i32
    %dma_wait3A_214 = tpu.memref_slice %arg9[%dma_wait3A_212, %dma_wait3A_213] : memref<2x64xi32, #tpu.memory_space<vmem>> -> memref<1x64xi32, #tpu.memory_space<vmem>>
    %dma_wait3A_215 = tpu.memref_squeeze %dma_wait3A_214 : memref<1x64xi32, #tpu.memory_space<vmem>> -> memref<64xi32, #tpu.memory_space<vmem>>
    %dma_wait3A_216 = arith.constant 0 : i32
    %dma_wait3A_217 = tpu.memref_slice %arg4[%dma_wait3A_216] : memref<323584xi32, #tpu.memory_space<hbm>> -> memref<64xi32, #tpu.memory_space<hbm>>
    %dma_wait3A_218 = arith.constant 0 : i32
    %dma_wait3A_219 = tpu.memref_slice %arg9[%dma_wait3A_212, %dma_wait3A_218] : memref<2x64xi32, #tpu.memory_space<vmem>> -> memref<1x64xi32, #tpu.memory_space<vmem>>
    %dma_wait3A_220 = tpu.memref_squeeze %dma_wait3A_219 : memref<1x64xi32, #tpu.memory_space<vmem>> -> memref<64xi32, #tpu.memory_space<vmem>>
    %dma_wait3A_221 = arith.constant 0 : i32
    %dma_wait3A_222 = tpu.memref_slice %arg4[%dma_wait3A_221] : memref<323584xi32, #tpu.memory_space<hbm>> -> memref<64xi32, #tpu.memory_space<hbm>>
    tpu.wait_dma2 semaphore(%arg17 : memref<!tpu.dma_semaphore, #tpu.memory_space<semaphore_mem>>) src(%dma_wait3A_222 : memref<64xi32, #tpu.memory_space<hbm>>) dst(%dma_wait3A_220 : memref<64xi32, #tpu.memory_space<vmem>>)
    %barrier3A_223 = arith.constant 0 : index
    tpu.barrier barrier_id(%barrier3A_223)
    %lt3A_224 = arith.constant 10 : i32
    %lt3A_225 = arith.cmpi slt, %arg1, %lt3A_224 : i32
    %jit3A_226 = arith.constant 16 : i32
    %jit3A_227 = arith.constant 15 : i32
    %select_n3A_228 = arith.select %lt3A_225, %jit3A_226, %jit3A_227 : i32
    %while3A_229 = arith.constant 0 : i32
    %while3A_230 = arith.constant 0 : i32
    %while3A_231 = arith.subi %select_n3A_228, %while3A_229 : i32
    %while3A_232 = arith.addi %while3A_229, %while3A_231 : i32
    %while3A_233 = arith.constant 1 : i32
    %while3A_234 = arith.divsi %while3A_231, %while3A_233 : i32
    %while3A_235 = arith.muli %while3A_234, %while3A_233 : i32
    %while3A_236 = arith.addi %while3A_229, %while3A_235 : i32
    %while3A_237 = arith.constant 1 : i32
    %while3A_238 = scf.for %while3A_241 = %while3A_229 to %while3A_236 step %while3A_237 iter_args(%while3A_242 = %while3A_230) -> (i32)  : i32 {
      %mul3A_243 = arith.constant 16 : i32
      %mul3A_244 = arith.muli %while3A_241, %mul3A_243 : i32
      %add3A_245 = arith.addi %mul3A_244, %arg1 : i32
      %mul3A_246 = arith.constant 40 : i32
      %mul3A_247 = arith.muli %add3A_245, %mul3A_246 : i32
      "tpu.region"() ({
        %run_scoped3A_249 = tpu.sem_alloc : memref<!tpu.dma_semaphore, #tpu.memory_space<semaphore_mem>>
        %dma_start3A_250 = arith.constant 0 : i32
        %dma_start3A_251 = tpu.memref_slice %arg7[%mul3A_247, %dma_start3A_250] : memref<10008x128xf32, #tpu.memory_space<vmem_shared>> -> memref<40x128xf32, #tpu.memory_space<vmem_shared>>
        %dma_start3A_252 = arith.constant 0 : i32
        %dma_start3A_253 = tpu.memref_slice %arg7[%mul3A_247, %dma_start3A_252] : memref<10008x128xf32, #tpu.memory_space<vmem_shared>> -> memref<40x128xf32, #tpu.memory_space<vmem_shared>>
        tpu.enqueue_dma source(%dma_start3A_253 : memref<40x128xf32, #tpu.memory_space<vmem_shared>>) target(%arg13 : memref<40x128xf32, #tpu.memory_space<vmem>>) target_semaphore(%run_scoped3A_249 : memref<!tpu.dma_semaphore, #tpu.memory_space<semaphore_mem>>)
        %dma_wait3A_254 = arith.constant 0 : i32
        %dma_wait3A_255 = tpu.memref_slice %arg7[%mul3A_247, %dma_wait3A_254] : memref<10008x128xf32, #tpu.memory_space<vmem_shared>> -> memref<40x128xf32, #tpu.memory_space<vmem_shared>>
        %dma_wait3A_256 = arith.constant 0 : i32
        %dma_wait3A_257 = tpu.memref_slice %arg7[%mul3A_247, %dma_wait3A_256] : memref<10008x128xf32, #tpu.memory_space<vmem_shared>> -> memref<40x128xf32, #tpu.memory_space<vmem_shared>>
        tpu.wait_dma2 semaphore(%run_scoped3A_249 : memref<!tpu.dma_semaphore, #tpu.memory_space<semaphore_mem>>) src(%dma_wait3A_257 : memref<40x128xf32, #tpu.memory_space<vmem_shared>>) dst(%arg13 : memref<40x128xf32, #tpu.memory_space<vmem>>)
        tpu.yield
      }) : () -> ()
      "tpu.region"() ({
        %run_scoped3A_249 = tpu.sem_alloc : memref<!tpu.dma_semaphore, #tpu.memory_space<semaphore_mem>>
        %dma_start3A_250 = arith.constant 0 : i32
        %dma_start3A_251 = tpu.memref_slice %arg6[%arg0, %mul3A_247, %dma_start3A_250] : memref<2x10000x128xf32, #tpu.memory_space<hbm>> -> memref<1x40x128xf32, #tpu.memory_space<hbm>>
        %dma_start3A_252 = tpu.memref_squeeze %dma_start3A_251 : memref<1x40x128xf32, #tpu.memory_space<hbm>> -> memref<40x128xf32, #tpu.memory_space<hbm>>
        %dma_start3A_253 = arith.constant 0 : i32
        %dma_start3A_254 = tpu.memref_slice %arg6[%arg0, %mul3A_247, %dma_start3A_253] : memref<2x10000x128xf32, #tpu.memory_space<hbm>> -> memref<1x40x128xf32, #tpu.memory_space<hbm>>
        %dma_start3A_255 = tpu.memref_squeeze %dma_start3A_254 : memref<1x40x128xf32, #tpu.memory_space<hbm>> -> memref<40x128xf32, #tpu.memory_space<hbm>>
        tpu.enqueue_dma source(%arg13 : memref<40x128xf32, #tpu.memory_space<vmem>>) target(%dma_start3A_255 : memref<40x128xf32, #tpu.memory_space<hbm>>) target_semaphore(%run_scoped3A_249 : memref<!tpu.dma_semaphore, #tpu.memory_space<semaphore_mem>>)
        %dma_wait3A_256 = arith.constant 0 : i32
        %dma_wait3A_257 = tpu.memref_slice %arg6[%arg0, %mul3A_247, %dma_wait3A_256] : memref<2x10000x128xf32, #tpu.memory_space<hbm>> -> memref<1x40x128xf32, #tpu.memory_space<hbm>>
        %dma_wait3A_258 = tpu.memref_squeeze %dma_wait3A_257 : memref<1x40x128xf32, #tpu.memory_space<hbm>> -> memref<40x128xf32, #tpu.memory_space<hbm>>
        %dma_wait3A_259 = arith.constant 0 : i32
        %dma_wait3A_260 = tpu.memref_slice %arg6[%arg0, %mul3A_247, %dma_wait3A_259] : memref<2x10000x128xf32, #tpu.memory_space<hbm>> -> memref<1x40x128xf32, #tpu.memory_space<hbm>>
        %dma_wait3A_261 = tpu.memref_squeeze %dma_wait3A_260 : memref<1x40x128xf32, #tpu.memory_space<hbm>> -> memref<40x128xf32, #tpu.memory_space<hbm>>
        tpu.wait_dma2 semaphore(%run_scoped3A_249 : memref<!tpu.dma_semaphore, #tpu.memory_space<semaphore_mem>>) src(%arg13 : memref<40x128xf32, #tpu.memory_space<vmem>>) dst(%dma_wait3A_261 : memref<40x128xf32, #tpu.memory_space<hbm>>)
        tpu.yield
      }) : () -> ()
      %while3A_248 = arith.constant 0 : i32
      scf.yield %while3A_248 : i32
    }
    %while3A_239 = arith.constant 1 : i32
    %while3A_240 = scf.for %while3A_241 = %while3A_236 to %while3A_232 step %while3A_239 iter_args(%while3A_242 = %while3A_238) -> (i32)  : i32 {
      %mul3A_243 = arith.constant 16 : i32
      %mul3A_244 = arith.muli %while3A_241, %mul3A_243 : i32
      %add3A_245 = arith.addi %mul3A_244, %arg1 : i32
      %mul3A_246 = arith.constant 40 : i32
      %mul3A_247 = arith.muli %add3A_245, %mul3A_246 : i32
      "tpu.region"() ({
        %run_scoped3A_249 = tpu.sem_alloc : memref<!tpu.dma_semaphore, #tpu.memory_space<semaphore_mem>>
        %dma_start3A_250 = arith.constant 0 : i32
        %dma_start3A_251 = tpu.memref_slice %arg7[%mul3A_247, %dma_start3A_250] : memref<10008x128xf32, #tpu.memory_space<vmem_shared>> -> memref<40x128xf32, #tpu.memory_space<vmem_shared>>
        %dma_start3A_252 = arith.constant 0 : i32
        %dma_start3A_253 = tpu.memref_slice %arg7[%mul3A_247, %dma_start3A_252] : memref<10008x128xf32, #tpu.memory_space<vmem_shared>> -> memref<40x128xf32, #tpu.memory_space<vmem_shared>>
        tpu.enqueue_dma source(%dma_start3A_253 : memref<40x128xf32, #tpu.memory_space<vmem_shared>>) target(%arg13 : memref<40x128xf32, #tpu.memory_space<vmem>>) target_semaphore(%run_scoped3A_249 : memref<!tpu.dma_semaphore, #tpu.memory_space<semaphore_mem>>)
        %dma_wait3A_254 = arith.constant 0 : i32
        %dma_wait3A_255 = tpu.memref_slice %arg7[%mul3A_247, %dma_wait3A_254] : memref<10008x128xf32, #tpu.memory_space<vmem_shared>> -> memref<40x128xf32, #tpu.memory_space<vmem_shared>>
        %dma_wait3A_256 = arith.constant 0 : i32
        %dma_wait3A_257 = tpu.memref_slice %arg7[%mul3A_247, %dma_wait3A_256] : memref<10008x128xf32, #tpu.memory_space<vmem_shared>> -> memref<40x128xf32, #tpu.memory_space<vmem_shared>>
        tpu.wait_dma2 semaphore(%run_scoped3A_249 : memref<!tpu.dma_semaphore, #tpu.memory_space<semaphore_mem>>) src(%dma_wait3A_257 : memref<40x128xf32, #tpu.memory_space<vmem_shared>>) dst(%arg13 : memref<40x128xf32, #tpu.memory_space<vmem>>)
        tpu.yield
      }) : () -> ()
      "tpu.region"() ({
        %run_scoped3A_249 = tpu.sem_alloc : memref<!tpu.dma_semaphore, #tpu.memory_space<semaphore_mem>>
        %dma_start3A_250 = arith.constant 0 : i32
        %dma_start3A_251 = tpu.memref_slice %arg6[%arg0, %mul3A_247, %dma_start3A_250] : memref<2x10000x128xf32, #tpu.memory_space<hbm>> -> memref<1x40x128xf32, #tpu.memory_space<hbm>>
        %dma_start3A_252 = tpu.memref_squeeze %dma_start3A_251 : memref<1x40x128xf32, #tpu.memory_space<hbm>> -> memref<40x128xf32, #tpu.memory_space<hbm>>
        %dma_start3A_253 = arith.constant 0 : i32
        %dma_start3A_254 = tpu.memref_slice %arg6[%arg0, %mul3A_247, %dma_start3A_253] : memref<2x10000x128xf32, #tpu.memory_space<hbm>> -> memref<1x40x128xf32, #tpu.memory_space<hbm>>
        %dma_start3A_255 = tpu.memref_squeeze %dma_start3A_254 : memref<1x40x128xf32, #tpu.memory_space<hbm>> -> memref<40x128xf32, #tpu.memory_space<hbm>>
        tpu.enqueue_dma source(%arg13 : memref<40x128xf32, #tpu.memory_space<vmem>>) target(%dma_start3A_255 : memref<40x128xf32, #tpu.memory_space<hbm>>) target_semaphore(%run_scoped3A_249 : memref<!tpu.dma_semaphore, #tpu.memory_space<semaphore_mem>>)
        %dma_wait3A_256 = arith.constant 0 : i32
        %dma_wait3A_257 = tpu.memref_slice %arg6[%arg0, %mul3A_247, %dma_wait3A_256] : memref<2x10000x128xf32, #tpu.memory_space<hbm>> -> memref<1x40x128xf32, #tpu.memory_space<hbm>>
        %dma_wait3A_258 = tpu.memref_squeeze %dma_wait3A_257 : memref<1x40x128xf32, #tpu.memory_space<hbm>> -> memref<40x128xf32, #tpu.memory_space<hbm>>
        %dma_wait3A_259 = arith.constant 0 : i32
        %dma_wait3A_260 = tpu.memref_slice %arg6[%arg0, %mul3A_247, %dma_wait3A_259] : memref<2x10000x128xf32, #tpu.memory_space<hbm>> -> memref<1x40x128xf32, #tpu.memory_space<hbm>>
        %dma_wait3A_261 = tpu.memref_squeeze %dma_wait3A_260 : memref<1x40x128xf32, #tpu.memory_space<hbm>> -> memref<40x128xf32, #tpu.memory_space<hbm>>
        tpu.wait_dma2 semaphore(%run_scoped3A_249 : memref<!tpu.dma_semaphore, #tpu.memory_space<semaphore_mem>>) src(%arg13 : memref<40x128xf32, #tpu.memory_space<vmem>>) dst(%dma_wait3A_261 : memref<40x128xf32, #tpu.memory_space<hbm>>)
        tpu.yield
      }) : () -> ()
      %while3A_248 = arith.constant 0 : i32
      scf.yield %while3A_248 : i32
    }
    return
  }
}

#map = affine_map<(d0, d1) -> (0, 0, 0)>
#map1 = affine_map<(d0, d1) -> (0, 0)>
#map2 = affine_map<(d0, d1) -> (0)>
module attributes {stable_mosaic.version = 14 : i64} {
  func.func @_sc_m_body(%arg0: i32, %arg1: i32, %arg2: memref<2x10000x128xf32, #tpu.memory_space<hbm>>, %arg3: memref<40448x128xf32, #tpu.memory_space<hbm>>, %arg4: memref<323584xi32, #tpu.memory_space<hbm>>, %arg5: memref<323584xi32, #tpu.memory_space<hbm>>, %arg6: memref<2x10000x128xf32, #tpu.memory_space<hbm>>, %arg7: memref<10008x128xf32, #tpu.memory_space<vmem_shared>>, %arg8: memref<2x64xi32, #tpu.memory_space<vmem>>, %arg9: memref<2x64xi32, #tpu.memory_space<vmem>>, %arg10: memref<2x8x128xf32, #tpu.memory_space<vmem>>, %arg11: memref<2x64x128xf32, #tpu.memory_space<vmem>>, %arg12: memref<40x128xf32, #tpu.memory_space<vmem>>, %arg13: memref<!tpu.dma_semaphore, #tpu.memory_space<semaphore_mem>>, %arg14: memref<!tpu.dma_semaphore, #tpu.memory_space<semaphore_mem>>, %arg15: memref<!tpu.dma_semaphore, #tpu.memory_space<semaphore_mem>>, %arg16: memref<!tpu.dma_semaphore, #tpu.memory_space<semaphore_mem>>, %arg17: memref<!tpu.dma_semaphore, #tpu.memory_space<semaphore_mem>>, %arg18: memref<!tpu.dma_semaphore, #tpu.memory_space<semaphore_mem>>) attributes {dimension_semantics = [#tpu.dimension_semantics<core_parallel>, #tpu.dimension_semantics<subcore_parallel>], iteration_bounds = array<i64: 2, 16>, scalar_prefetch = 0 : i64, scratch_operands = 12 : i64, tpu.core_type = #tpu.core_type<sc_vector_subcore>, window_params = [{transform_indices = #map}, {transform_indices = #map1}, {transform_indices = #map2}, {transform_indices = #map2}, {transform_indices = #map}]} {
    %scan3A = arith.constant 0 : i32
    %scan3A_0 = arith.constant 0 : i32
    %scan3A_1 = arith.constant 40 : i32
    %scan3A_2 = arith.addi %scan3A_0, %scan3A_1 : i32
    %scan3A_3 = arith.constant 1 : i32
    %scan3A_4 = scf.for %scan3A_301 = %scan3A_0 to %scan3A_2 step %scan3A_3 iter_args(%scan3A_302 = %scan3A) -> (i32)  : i32 {
      %broadcast_in_dim3A = arith.constant 0.000000e+00 : f32
      %broadcast_in_dim3A_303 = vector.broadcast %broadcast_in_dim3A : f32 to vector<16xf32>
      %swap3A = arith.index_cast %scan3A_301 : i32 to index
      %swap3A_304 = arith.constant 0 : index
      %swap3A_305 = tpu.vector_load %arg12[%swap3A, %swap3A_304] {strides = array<i32>} : memref<40x128xf32, #tpu.memory_space<vmem>>, vector<1x16xf32>,
      %swap3A_306 = vector.shape_cast %swap3A_305 : vector<1x16xf32> to vector<16xf32>
      %swap3A_307 = vector.shape_cast %broadcast_in_dim3A_303 : vector<16xf32> to vector<1x16xf32>
      tpu.vector_store %arg12[%swap3A, %swap3A_304], %swap3A_307 {strides = array<i32>} : memref<40x128xf32, #tpu.memory_space<vmem>>, vector<1x16xf32>,
      %broadcast_in_dim3A_308 = arith.constant 0.000000e+00 : f32
      %broadcast_in_dim3A_309 = vector.broadcast %broadcast_in_dim3A_308 : f32 to vector<16xf32>
      %swap3A_310 = arith.index_cast %scan3A_301 : i32 to index
      %swap3A_311 = arith.constant 16 : index
      %swap3A_312 = tpu.vector_load %arg12[%swap3A_310, %swap3A_311] {strides = array<i32>} : memref<40x128xf32, #tpu.memory_space<vmem>>, vector<1x16xf32>,
      %swap3A_313 = vector.shape_cast %swap3A_312 : vector<1x16xf32> to vector<16xf32>
      %swap3A_314 = vector.shape_cast %broadcast_in_dim3A_309 : vector<16xf32> to vector<1x16xf32>
      tpu.vector_store %arg12[%swap3A_310, %swap3A_311], %swap3A_314 {strides = array<i32>} : memref<40x128xf32, #tpu.memory_space<vmem>>, vector<1x16xf32>,
      %broadcast_in_dim3A_315 = arith.constant 0.000000e+00 : f32
      %broadcast_in_dim3A_316 = vector.broadcast %broadcast_in_dim3A_315 : f32 to vector<16xf32>
      %swap3A_317 = arith.index_cast %scan3A_301 : i32 to index
      %swap3A_318 = arith.constant 32 : index
      %swap3A_319 = tpu.vector_load %arg12[%swap3A_317, %swap3A_318] {strides = array<i32>} : memref<40x128xf32, #tpu.memory_space<vmem>>, vector<1x16xf32>,
      %swap3A_320 = vector.shape_cast %swap3A_319 : vector<1x16xf32> to vector<16xf32>
      %swap3A_321 = vector.shape_cast %broadcast_in_dim3A_316 : vector<16xf32> to vector<1x16xf32>
      tpu.vector_store %arg12[%swap3A_317, %swap3A_318], %swap3A_321 {strides = array<i32>} : memref<40x128xf32, #tpu.memory_space<vmem>>, vector<1x16xf32>,
      %broadcast_in_dim3A_322 = arith.constant 0.000000e+00 : f32
      %broadcast_in_dim3A_323 = vector.broadcast %broadcast_in_dim3A_322 : f32 to vector<16xf32>
      %swap3A_324 = arith.index_cast %scan3A_301 : i32 to index
      %swap3A_325 = arith.constant 48 : index
      %swap3A_326 = tpu.vector_load %arg12[%swap3A_324, %swap3A_325] {strides = array<i32>} : memref<40x128xf32, #tpu.memory_space<vmem>>, vector<1x16xf32>,
      %swap3A_327 = vector.shape_cast %swap3A_326 : vector<1x16xf32> to vector<16xf32>
      %swap3A_328 = vector.shape_cast %broadcast_in_dim3A_323 : vector<16xf32> to vector<1x16xf32>
      tpu.vector_store %arg12[%swap3A_324, %swap3A_325], %swap3A_328 {strides = array<i32>} : memref<40x128xf32, #tpu.memory_space<vmem>>, vector<1x16xf32>,
      %broadcast_in_dim3A_329 = arith.constant 0.000000e+00 : f32
      %broadcast_in_dim3A_330 = vector.broadcast %broadcast_in_dim3A_329 : f32 to vector<16xf32>
      %swap3A_331 = arith.index_cast %scan3A_301 : i32 to index
      %swap3A_332 = arith.constant 64 : index
      %swap3A_333 = tpu.vector_load %arg12[%swap3A_331, %swap3A_332] {strides = array<i32>} : memref<40x128xf32, #tpu.memory_space<vmem>>, vector<1x16xf32>,
      %swap3A_334 = vector.shape_cast %swap3A_333 : vector<1x16xf32> to vector<16xf32>
      %swap3A_335 = vector.shape_cast %broadcast_in_dim3A_330 : vector<16xf32> to vector<1x16xf32>
      tpu.vector_store %arg12[%swap3A_331, %swap3A_332], %swap3A_335 {strides = array<i32>} : memref<40x128xf32, #tpu.memory_space<vmem>>, vector<1x16xf32>,
      %broadcast_in_dim3A_336 = arith.constant 0.000000e+00 : f32
      %broadcast_in_dim3A_337 = vector.broadcast %broadcast_in_dim3A_336 : f32 to vector<16xf32>
      %swap3A_338 = arith.index_cast %scan3A_301 : i32 to index
      %swap3A_339 = arith.constant 80 : index
      %swap3A_340 = tpu.vector_load %arg12[%swap3A_338, %swap3A_339] {strides = array<i32>} : memref<40x128xf32, #tpu.memory_space<vmem>>, vector<1x16xf32>,
      %swap3A_341 = vector.shape_cast %swap3A_340 : vector<1x16xf32> to vector<16xf32>
      %swap3A_342 = vector.shape_cast %broadcast_in_dim3A_337 : vector<16xf32> to vector<1x16xf32>
      tpu.vector_store %arg12[%swap3A_338, %swap3A_339], %swap3A_342 {strides = array<i32>} : memref<40x128xf32, #tpu.memory_space<vmem>>, vector<1x16xf32>,
      %broadcast_in_dim3A_343 = arith.constant 0.000000e+00 : f32
      %broadcast_in_dim3A_344 = vector.broadcast %broadcast_in_dim3A_343 : f32 to vector<16xf32>
      %swap3A_345 = arith.index_cast %scan3A_301 : i32 to index
      %swap3A_346 = arith.constant 96 : index
      %swap3A_347 = tpu.vector_load %arg12[%swap3A_345, %swap3A_346] {strides = array<i32>} : memref<40x128xf32, #tpu.memory_space<vmem>>, vector<1x16xf32>,
      %swap3A_348 = vector.shape_cast %swap3A_347 : vector<1x16xf32> to vector<16xf32>
      %swap3A_349 = vector.shape_cast %broadcast_in_dim3A_344 : vector<16xf32> to vector<1x16xf32>
      tpu.vector_store %arg12[%swap3A_345, %swap3A_346], %swap3A_349 {strides = array<i32>} : memref<40x128xf32, #tpu.memory_space<vmem>>, vector<1x16xf32>,
      %broadcast_in_dim3A_350 = arith.constant 0.000000e+00 : f32
      %broadcast_in_dim3A_351 = vector.broadcast %broadcast_in_dim3A_350 : f32 to vector<16xf32>
      %swap3A_352 = arith.index_cast %scan3A_301 : i32 to index
      %swap3A_353 = arith.constant 112 : index
      %swap3A_354 = tpu.vector_load %arg12[%swap3A_352, %swap3A_353] {strides = array<i32>} : memref<40x128xf32, #tpu.memory_space<vmem>>, vector<1x16xf32>,
      %swap3A_355 = vector.shape_cast %swap3A_354 : vector<1x16xf32> to vector<16xf32>
      %swap3A_356 = vector.shape_cast %broadcast_in_dim3A_351 : vector<16xf32> to vector<1x16xf32>
      tpu.vector_store %arg12[%swap3A_352, %swap3A_353], %swap3A_356 {strides = array<i32>} : memref<40x128xf32, #tpu.memory_space<vmem>>, vector<1x16xf32>,
      %scan3A_357 = arith.constant 0 : i32
      scf.yield %scan3A_357 : i32
    }
    %scan3A_5 = arith.constant 40 : i32
    %lt3A = arith.constant 10 : i32
    %lt3A_6 = arith.cmpi slt, %arg1, %lt3A : i32
    %jit3A = arith.constant 16 : i32
    %jit3A_7 = arith.constant 15 : i32
    %select_n3A = arith.select %lt3A_6, %jit3A, %jit3A_7 : i32
    %while3A = arith.constant 0 : i32
    %while3A_8 = arith.constant 0 : i32
    %while3A_9 = arith.subi %select_n3A, %while3A : i32
    %while3A_10 = arith.addi %while3A, %while3A_9 : i32
    %while3A_11 = arith.constant 1 : i32
    %while3A_12 = arith.divsi %while3A_9, %while3A_11 : i32
    %while3A_13 = arith.muli %while3A_12, %while3A_11 : i32
    %while3A_14 = arith.addi %while3A, %while3A_13 : i32
    %while3A_15 = arith.constant 1 : i32
    %while3A_16 = scf.for %while3A_301 = %while3A to %while3A_14 step %while3A_15 iter_args(%while3A_302 = %while3A_8) -> (i32)  : i32 {
      %mul3A_303 = arith.constant 16 : i32
      %mul3A_304 = arith.muli %while3A_301, %mul3A_303 : i32
      %add3A_305 = arith.addi %mul3A_304, %arg1 : i32
      %mul3A_306 = arith.constant 40 : i32
      %mul3A_307 = arith.muli %add3A_305, %mul3A_306 : i32
      "tpu.region"() ({
        %run_scoped3A_309 = tpu.sem_alloc : memref<!tpu.dma_semaphore, #tpu.memory_space<semaphore_mem>>
        %dma_start3A_310 = arith.constant 0 : i32
        %dma_start3A_311 = tpu.memref_slice %arg7[%mul3A_307, %dma_start3A_310] : memref<10008x128xf32, #tpu.memory_space<vmem_shared>> -> memref<40x128xf32, #tpu.memory_space<vmem_shared>>
        %dma_start3A_312 = arith.constant 0 : i32
        %dma_start3A_313 = tpu.memref_slice %arg7[%mul3A_307, %dma_start3A_312] : memref<10008x128xf32, #tpu.memory_space<vmem_shared>> -> memref<40x128xf32, #tpu.memory_space<vmem_shared>>
        tpu.enqueue_dma source(%arg12 : memref<40x128xf32, #tpu.memory_space<vmem>>) target(%dma_start3A_313 : memref<40x128xf32, #tpu.memory_space<vmem_shared>>) target_semaphore(%run_scoped3A_309 : memref<!tpu.dma_semaphore, #tpu.memory_space<semaphore_mem>>)
        %dma_wait3A_314 = arith.constant 0 : i32
        %dma_wait3A_315 = tpu.memref_slice %arg7[%mul3A_307, %dma_wait3A_314] : memref<10008x128xf32, #tpu.memory_space<vmem_shared>> -> memref<40x128xf32, #tpu.memory_space<vmem_shared>>
        %dma_wait3A_316 = arith.constant 0 : i32
        %dma_wait3A_317 = tpu.memref_slice %arg7[%mul3A_307, %dma_wait3A_316] : memref<10008x128xf32, #tpu.memory_space<vmem_shared>> -> memref<40x128xf32, #tpu.memory_space<vmem_shared>>
        tpu.wait_dma2 semaphore(%run_scoped3A_309 : memref<!tpu.dma_semaphore, #tpu.memory_space<semaphore_mem>>) src(%arg12 : memref<40x128xf32, #tpu.memory_space<vmem>>) dst(%dma_wait3A_317 : memref<40x128xf32, #tpu.memory_space<vmem_shared>>)
        tpu.yield
      }) : () -> ()
      %while3A_308 = arith.constant 0 : i32
      scf.yield %while3A_308 : i32
    }
    %while3A_17 = arith.constant 1 : i32
    %while3A_18 = scf.for %while3A_301 = %while3A_14 to %while3A_10 step %while3A_17 iter_args(%while3A_302 = %while3A_16) -> (i32)  : i32 {
      %mul3A_303 = arith.constant 16 : i32
      %mul3A_304 = arith.muli %while3A_301, %mul3A_303 : i32
      %add3A_305 = arith.addi %mul3A_304, %arg1 : i32
      %mul3A_306 = arith.constant 40 : i32
      %mul3A_307 = arith.muli %add3A_305, %mul3A_306 : i32
      "tpu.region"() ({
        %run_scoped3A_309 = tpu.sem_alloc : memref<!tpu.dma_semaphore, #tpu.memory_space<semaphore_mem>>
        %dma_start3A_310 = arith.constant 0 : i32
        %dma_start3A_311 = tpu.memref_slice %arg7[%mul3A_307, %dma_start3A_310] : memref<10008x128xf32, #tpu.memory_space<vmem_shared>> -> memref<40x128xf32, #tpu.memory_space<vmem_shared>>
        %dma_start3A_312 = arith.constant 0 : i32
        %dma_start3A_313 = tpu.memref_slice %arg7[%mul3A_307, %dma_start3A_312] : memref<10008x128xf32, #tpu.memory_space<vmem_shared>> -> memref<40x128xf32, #tpu.memory_space<vmem_shared>>
        tpu.enqueue_dma source(%arg12 : memref<40x128xf32, #tpu.memory_space<vmem>>) target(%dma_start3A_313 : memref<40x128xf32, #tpu.memory_space<vmem_shared>>) target_semaphore(%run_scoped3A_309 : memref<!tpu.dma_semaphore, #tpu.memory_space<semaphore_mem>>)
        %dma_wait3A_314 = arith.constant 0 : i32
        %dma_wait3A_315 = tpu.memref_slice %arg7[%mul3A_307, %dma_wait3A_314] : memref<10008x128xf32, #tpu.memory_space<vmem_shared>> -> memref<40x128xf32, #tpu.memory_space<vmem_shared>>
        %dma_wait3A_316 = arith.constant 0 : i32
        %dma_wait3A_317 = tpu.memref_slice %arg7[%mul3A_307, %dma_wait3A_316] : memref<10008x128xf32, #tpu.memory_space<vmem_shared>> -> memref<40x128xf32, #tpu.memory_space<vmem_shared>>
        tpu.wait_dma2 semaphore(%run_scoped3A_309 : memref<!tpu.dma_semaphore, #tpu.memory_space<semaphore_mem>>) src(%arg12 : memref<40x128xf32, #tpu.memory_space<vmem>>) dst(%dma_wait3A_317 : memref<40x128xf32, #tpu.memory_space<vmem_shared>>)
        tpu.yield
      }) : () -> ()
      %while3A_308 = arith.constant 0 : i32
      scf.yield %while3A_308 : i32
    }
    %barrier3A = arith.constant 0 : index
    tpu.barrier barrier_id(%barrier3A)
    %mul3A = arith.constant 161792 : i32
    %mul3A_19 = arith.muli %arg0, %mul3A : i32
    %add3A = arith.constant 0 : i32
    %add3A_20 = arith.addi %add3A, %arg1 : i32
    %mul3A_21 = arith.constant 64 : i32
    %mul3A_22 = arith.muli %add3A_20, %mul3A_21 : i32
    %add3A_23 = arith.addi %mul3A_19, %mul3A_22 : i32
    %dma_start3A = arith.constant 0 : i32
    %dma_start3A_24 = arith.constant 0 : i32
    %dma_start3A_25 = tpu.memref_slice %arg8[%dma_start3A, %dma_start3A_24] : memref<2x64xi32, #tpu.memory_space<vmem>> -> memref<1x64xi32, #tpu.memory_space<vmem>>
    %dma_start3A_26 = tpu.memref_squeeze %dma_start3A_25 : memref<1x64xi32, #tpu.memory_space<vmem>> -> memref<64xi32, #tpu.memory_space<vmem>>
    %dma_start3A_27 = tpu.memref_slice %arg4[%add3A_23] : memref<323584xi32, #tpu.memory_space<hbm>> -> memref<64xi32, #tpu.memory_space<hbm>>
    %dma_start3A_28 = arith.constant 0 : i32
    %dma_start3A_29 = tpu.memref_slice %arg8[%dma_start3A, %dma_start3A_28] : memref<2x64xi32, #tpu.memory_space<vmem>> -> memref<1x64xi32, #tpu.memory_space<vmem>>
    %dma_start3A_30 = tpu.memref_squeeze %dma_start3A_29 : memref<1x64xi32, #tpu.memory_space<vmem>> -> memref<64xi32, #tpu.memory_space<vmem>>
    %dma_start3A_31 = tpu.memref_slice %arg4[%add3A_23] : memref<323584xi32, #tpu.memory_space<hbm>> -> memref<64xi32, #tpu.memory_space<hbm>>
    tpu.enqueue_dma source(%dma_start3A_31 : memref<64xi32, #tpu.memory_space<hbm>>) target(%dma_start3A_30 : memref<64xi32, #tpu.memory_space<vmem>>) target_semaphore(%arg13 : memref<!tpu.dma_semaphore, #tpu.memory_space<semaphore_mem>>)
    %dma_start3A_32 = arith.constant 0 : i32
    %dma_start3A_33 = arith.constant 0 : i32
    %dma_start3A_34 = tpu.memref_slice %arg9[%dma_start3A_32, %dma_start3A_33] : memref<2x64xi32, #tpu.memory_space<vmem>> -> memref<1x64xi32, #tpu.memory_space<vmem>>
    %dma_start3A_35 = tpu.memref_squeeze %dma_start3A_34 : memref<1x64xi32, #tpu.memory_space<vmem>> -> memref<64xi32, #tpu.memory_space<vmem>>
    %dma_start3A_36 = tpu.memref_slice %arg5[%add3A_23] : memref<323584xi32, #tpu.memory_space<hbm>> -> memref<64xi32, #tpu.memory_space<hbm>>
    %dma_start3A_37 = arith.constant 0 : i32
    %dma_start3A_38 = tpu.memref_slice %arg9[%dma_start3A_32, %dma_start3A_37] : memref<2x64xi32, #tpu.memory_space<vmem>> -> memref<1x64xi32, #tpu.memory_space<vmem>>
    %dma_start3A_39 = tpu.memref_squeeze %dma_start3A_38 : memref<1x64xi32, #tpu.memory_space<vmem>> -> memref<64xi32, #tpu.memory_space<vmem>>
    %dma_start3A_40 = tpu.memref_slice %arg5[%add3A_23] : memref<323584xi32, #tpu.memory_space<hbm>> -> memref<64xi32, #tpu.memory_space<hbm>>
    tpu.enqueue_dma source(%dma_start3A_40 : memref<64xi32, #tpu.memory_space<hbm>>) target(%dma_start3A_39 : memref<64xi32, #tpu.memory_space<vmem>>) target_semaphore(%arg15 : memref<!tpu.dma_semaphore, #tpu.memory_space<semaphore_mem>>)
    %jit3A_41 = arith.constant 8 : i32
    %div3A = arith.divsi %add3A_23, %jit3A_41 : i32
    %sign3A = arith.constant 0 : i32
    %sign3A_42 = arith.cmpi sgt, %add3A_23, %sign3A : i32
    %sign3A_43 = arith.extui %sign3A_42 : i1 to i32
    %sign3A_44 = arith.constant 0 : i32
    %sign3A_45 = arith.cmpi slt, %add3A_23, %sign3A_44 : i32
    %sign3A_46 = arith.extui %sign3A_45 : i1 to i32
    %sign3A_47 = arith.subi %sign3A_43, %sign3A_46 : i32
    %sign3A_48 = arith.constant 0 : i32
    %sign3A_49 = arith.cmpi sgt, %jit3A_41, %sign3A_48 : i32
    %sign3A_50 = arith.extui %sign3A_49 : i1 to i32
    %sign3A_51 = arith.constant 0 : i32
    %sign3A_52 = arith.cmpi slt, %jit3A_41, %sign3A_51 : i32
    %sign3A_53 = arith.extui %sign3A_52 : i1 to i32
    %sign3A_54 = arith.subi %sign3A_50, %sign3A_53 : i32
    %ne3A = arith.cmpi ne, %sign3A_47, %sign3A_54 : i32
    %rem3A = arith.remsi %add3A_23, %jit3A_41 : i32
    %ne3A_55 = arith.constant 0 : i32
    %ne3A_56 = arith.cmpi ne, %rem3A, %ne3A_55 : i32
    %and3A = arith.andi %ne3A, %ne3A_56 : i1
    %sub3A = arith.constant 1 : i32
    %sub3A_57 = arith.subi %div3A, %sub3A : i32
    %select_n3A_58 = arith.select %and3A, %sub3A_57, %div3A : i32
    %multiple_of3A = tpu.assume_multiple %select_n3A_58, 8 : i32
    %dma_start3A_59 = arith.constant 0 : i32
    %dma_start3A_60 = arith.constant 0 : i32
    %dma_start3A_61 = arith.constant 0 : i32
    %dma_start3A_62 = tpu.memref_slice %arg10[%dma_start3A_59, %dma_start3A_60, %dma_start3A_61] : memref<2x8x128xf32, #tpu.memory_space<vmem>> -> memref<1x8x128xf32, #tpu.memory_space<vmem>>
    %dma_start3A_63 = tpu.memref_squeeze %dma_start3A_62 : memref<1x8x128xf32, #tpu.memory_space<vmem>> -> memref<8x128xf32, #tpu.memory_space<vmem>>
    %dma_start3A_64 = arith.constant 0 : i32
    %dma_start3A_65 = tpu.memref_slice %arg3[%multiple_of3A, %dma_start3A_64] : memref<40448x128xf32, #tpu.memory_space<hbm>> -> memref<8x128xf32, #tpu.memory_space<hbm>>
    %dma_start3A_66 = arith.constant 0 : i32
    %dma_start3A_67 = arith.constant 0 : i32
    %dma_start3A_68 = tpu.memref_slice %arg10[%dma_start3A_59, %dma_start3A_66, %dma_start3A_67] : memref<2x8x128xf32, #tpu.memory_space<vmem>> -> memref<1x8x128xf32, #tpu.memory_space<vmem>>
    %dma_start3A_69 = tpu.memref_squeeze %dma_start3A_68 : memref<1x8x128xf32, #tpu.memory_space<vmem>> -> memref<8x128xf32, #tpu.memory_space<vmem>>
    %dma_start3A_70 = arith.constant 0 : i32
    %dma_start3A_71 = tpu.memref_slice %arg3[%multiple_of3A, %dma_start3A_70] : memref<40448x128xf32, #tpu.memory_space<hbm>> -> memref<8x128xf32, #tpu.memory_space<hbm>>
    tpu.enqueue_dma source(%dma_start3A_71 : memref<8x128xf32, #tpu.memory_space<hbm>>) target(%dma_start3A_69 : memref<8x128xf32, #tpu.memory_space<vmem>>) target_semaphore(%arg15 : memref<!tpu.dma_semaphore, #tpu.memory_space<semaphore_mem>>)
    %mul3A_72 = arith.constant 161792 : i32
    %mul3A_73 = arith.muli %arg0, %mul3A_72 : i32
    %add3A_74 = arith.constant 0 : i32
    %add3A_75 = arith.addi %add3A_74, %arg1 : i32
    %mul3A_76 = arith.constant 64 : i32
    %mul3A_77 = arith.muli %add3A_75, %mul3A_76 : i32
    %add3A_78 = arith.addi %mul3A_73, %mul3A_77 : i32
    %dma_wait3A = arith.constant 0 : i32
    %dma_wait3A_79 = arith.constant 0 : i32
    %dma_wait3A_80 = tpu.memref_slice %arg8[%dma_wait3A, %dma_wait3A_79] : memref<2x64xi32, #tpu.memory_space<vmem>> -> memref<1x64xi32, #tpu.memory_space<vmem>>
    %dma_wait3A_81 = tpu.memref_squeeze %dma_wait3A_80 : memref<1x64xi32, #tpu.memory_space<vmem>> -> memref<64xi32, #tpu.memory_space<vmem>>
    %dma_wait3A_82 = tpu.memref_slice %arg4[%add3A_78] : memref<323584xi32, #tpu.memory_space<hbm>> -> memref<64xi32, #tpu.memory_space<hbm>>
    %dma_wait3A_83 = arith.constant 0 : i32
    %dma_wait3A_84 = tpu.memref_slice %arg8[%dma_wait3A, %dma_wait3A_83] : memref<2x64xi32, #tpu.memory_space<vmem>> -> memref<1x64xi32, #tpu.memory_space<vmem>>
    %dma_wait3A_85 = tpu.memref_squeeze %dma_wait3A_84 : memref<1x64xi32, #tpu.memory_space<vmem>> -> memref<64xi32, #tpu.memory_space<vmem>>
    %dma_wait3A_86 = tpu.memref_slice %arg4[%add3A_78] : memref<323584xi32, #tpu.memory_space<hbm>> -> memref<64xi32, #tpu.memory_space<hbm>>
    tpu.wait_dma2 semaphore(%arg13 : memref<!tpu.dma_semaphore, #tpu.memory_space<semaphore_mem>>) src(%dma_wait3A_86 : memref<64xi32, #tpu.memory_space<hbm>>) dst(%dma_wait3A_85 : memref<64xi32, #tpu.memory_space<vmem>>)
    %dma_start3A_87 = arith.constant 0 : i32
    %dma_start3A_88 = arith.constant 0 : i32
    %dma_start3A_89 = arith.constant 0 : i32
    %dma_start3A_90 = arith.constant 0 : i32
    %dma_start3A_91 = tpu.memref_slice %arg11[%dma_start3A_88, %dma_start3A_89, %dma_start3A_90] : memref<2x64x128xf32, #tpu.memory_space<vmem>> -> memref<1x64x128xf32, #tpu.memory_space<vmem>>
    %dma_start3A_92 = tpu.memref_squeeze %dma_start3A_91 : memref<1x64x128xf32, #tpu.memory_space<vmem>> -> memref<64x128xf32, #tpu.memory_space<vmem>>
    %dma_start3A_93 = arith.constant 0 : i32
    %dma_start3A_94 = tpu.memref_slice %arg8[%dma_start3A_87, %dma_start3A_93] : memref<2x64xi32, #tpu.memory_space<vmem>> -> memref<1x64xi32, #tpu.memory_space<vmem>>
    %dma_start3A_95 = tpu.memref_squeeze %dma_start3A_94 : memref<1x64xi32, #tpu.memory_space<vmem>> -> memref<64xi32, #tpu.memory_space<vmem>>
    %dma_start3A_96 = arith.constant 0 : i32
    %dma_start3A_97 = arith.constant 0 : i32
    %dma_start3A_98 = tpu.memref_slice %arg2[%arg0, %dma_start3A_96, %dma_start3A_97] : memref<2x10000x128xf32, #tpu.memory_space<hbm>> -> memref<1x10000x128xf32, #tpu.memory_space<hbm>>
    %dma_start3A_99 = tpu.memref_squeeze %dma_start3A_98 : memref<1x10000x128xf32, #tpu.memory_space<hbm>> -> memref<10000x128xf32, #tpu.memory_space<hbm>>
    %dma_start3A_100 = arith.constant 0 : i32
    %dma_start3A_101 = arith.constant 0 : i32
    %dma_start3A_102 = tpu.memref_slice %dma_start3A_99[%dma_start3A_100, %dma_start3A_101] : memref<10000x128xf32, #tpu.memory_space<hbm>> -> memref<10000x128xf32, #tpu.memory_space<hbm>>
    tpu.enqueue_indirect_dma source(%dma_start3A_102 : memref<10000x128xf32, #tpu.memory_space<hbm>>) target(%dma_start3A_92 : memref<64x128xf32, #tpu.memory_space<vmem>>) offsets(%dma_start3A_95 : memref<64xi32, #tpu.memory_space<vmem>>) semaphore(%arg17 : memref<!tpu.dma_semaphore, #tpu.memory_space<semaphore_mem>>)
    %mul3A_103 = arith.constant 161792 : i32
    %mul3A_104 = arith.muli %arg0, %mul3A_103 : i32
    %add3A_105 = arith.constant 16 : i32
    %add3A_106 = arith.addi %add3A_105, %arg1 : i32
    %mul3A_107 = arith.constant 64 : i32
    %mul3A_108 = arith.muli %add3A_106, %mul3A_107 : i32
    %add3A_109 = arith.addi %mul3A_104, %mul3A_108 : i32
    %dma_start3A_110 = arith.constant 1 : i32
    %dma_start3A_111 = arith.constant 0 : i32
    %dma_start3A_112 = tpu.memref_slice %arg8[%dma_start3A_110, %dma_start3A_111] : memref<2x64xi32, #tpu.memory_space<vmem>> -> memref<1x64xi32, #tpu.memory_space<vmem>>
    %dma_start3A_113 = tpu.memref_squeeze %dma_start3A_112 : memref<1x64xi32, #tpu.memory_space<vmem>> -> memref<64xi32, #tpu.memory_space<vmem>>
    %dma_start3A_114 = tpu.memref_slice %arg4[%add3A_109] : memref<323584xi32, #tpu.memory_space<hbm>> -> memref<64xi32, #tpu.memory_space<hbm>>
    %dma_start3A_115 = arith.constant 0 : i32
    %dma_start3A_116 = tpu.memref_slice %arg8[%dma_start3A_110, %dma_start3A_115] : memref<2x64xi32, #tpu.memory_space<vmem>> -> memref<1x64xi32, #tpu.memory_space<vmem>>
    %dma_start3A_117 = tpu.memref_squeeze %dma_start3A_116 : memref<1x64xi32, #tpu.memory_space<vmem>> -> memref<64xi32, #tpu.memory_space<vmem>>
    %dma_start3A_118 = tpu.memref_slice %arg4[%add3A_109] : memref<323584xi32, #tpu.memory_space<hbm>> -> memref<64xi32, #tpu.memory_space<hbm>>
    tpu.enqueue_dma source(%dma_start3A_118 : memref<64xi32, #tpu.memory_space<hbm>>) target(%dma_start3A_117 : memref<64xi32, #tpu.memory_space<vmem>>) target_semaphore(%arg14 : memref<!tpu.dma_semaphore, #tpu.memory_space<semaphore_mem>>)
    %dma_start3A_119 = arith.constant 1 : i32
    %dma_start3A_120 = arith.constant 0 : i32
    %dma_start3A_121 = tpu.memref_slice %arg9[%dma_start3A_119, %dma_start3A_120] : memref<2x64xi32, #tpu.memory_space<vmem>> -> memref<1x64xi32, #tpu.memory_space<vmem>>
    %dma_start3A_122 = tpu.memref_squeeze %dma_start3A_121 : memref<1x64xi32, #tpu.memory_space<vmem>> -> memref<64xi32, #tpu.memory_space<vmem>>
    %dma_start3A_123 = tpu.memref_slice %arg5[%add3A_109] : memref<323584xi32, #tpu.memory_space<hbm>> -> memref<64xi32, #tpu.memory_space<hbm>>
    %dma_start3A_124 = arith.constant 0 : i32
    %dma_start3A_125 = tpu.memref_slice %arg9[%dma_start3A_119, %dma_start3A_124] : memref<2x64xi32, #tpu.memory_space<vmem>> -> memref<1x64xi32, #tpu.memory_space<vmem>>
    %dma_start3A_126 = tpu.memref_squeeze %dma_start3A_125 : memref<1x64xi32, #tpu.memory_space<vmem>> -> memref<64xi32, #tpu.memory_space<vmem>>
    %dma_start3A_127 = tpu.memref_slice %arg5[%add3A_109] : memref<323584xi32, #tpu.memory_space<hbm>> -> memref<64xi32, #tpu.memory_space<hbm>>
    tpu.enqueue_dma source(%dma_start3A_127 : memref<64xi32, #tpu.memory_space<hbm>>) target(%dma_start3A_126 : memref<64xi32, #tpu.memory_space<vmem>>) target_semaphore(%arg16 : memref<!tpu.dma_semaphore, #tpu.memory_space<semaphore_mem>>)
    %jit3A_128 = arith.constant 8 : i32
    %div3A_129 = arith.divsi %add3A_109, %jit3A_128 : i32
    %sign3A_130 = arith.constant 0 : i32
    %sign3A_131 = arith.cmpi sgt, %add3A_109, %sign3A_130 : i32
    %sign3A_132 = arith.extui %sign3A_131 : i1 to i32
    %sign3A_133 = arith.constant 0 : i32
    %sign3A_134 = arith.cmpi slt, %add3A_109, %sign3A_133 : i32
    %sign3A_135 = arith.extui %sign3A_134 : i1 to i32
    %sign3A_136 = arith.subi %sign3A_132, %sign3A_135 : i32
    %sign3A_137 = arith.constant 0 : i32
    %sign3A_138 = arith.cmpi sgt, %jit3A_128, %sign3A_137 : i32
    %sign3A_139 = arith.extui %sign3A_138 : i1 to i32
    %sign3A_140 = arith.constant 0 : i32
    %sign3A_141 = arith.cmpi slt, %jit3A_128, %sign3A_140 : i32
    %sign3A_142 = arith.extui %sign3A_141 : i1 to i32
    %sign3A_143 = arith.subi %sign3A_139, %sign3A_142 : i32
    %ne3A_144 = arith.cmpi ne, %sign3A_136, %sign3A_143 : i32
    %rem3A_145 = arith.remsi %add3A_109, %jit3A_128 : i32
    %ne3A_146 = arith.constant 0 : i32
    %ne3A_147 = arith.cmpi ne, %rem3A_145, %ne3A_146 : i32
    %and3A_148 = arith.andi %ne3A_144, %ne3A_147 : i1
    %sub3A_149 = arith.constant 1 : i32
    %sub3A_150 = arith.subi %div3A_129, %sub3A_149 : i32
    %select_n3A_151 = arith.select %and3A_148, %sub3A_150, %div3A_129 : i32
    %multiple_of3A_152 = tpu.assume_multiple %select_n3A_151, 8 : i32
    %dma_start3A_153 = arith.constant 1 : i32
    %dma_start3A_154 = arith.constant 0 : i32
    %dma_start3A_155 = arith.constant 0 : i32
    %dma_start3A_156 = tpu.memref_slice %arg10[%dma_start3A_153, %dma_start3A_154, %dma_start3A_155] : memref<2x8x128xf32, #tpu.memory_space<vmem>> -> memref<1x8x128xf32, #tpu.memory_space<vmem>>
    %dma_start3A_157 = tpu.memref_squeeze %dma_start3A_156 : memref<1x8x128xf32, #tpu.memory_space<vmem>> -> memref<8x128xf32, #tpu.memory_space<vmem>>
    %dma_start3A_158 = arith.constant 0 : i32
    %dma_start3A_159 = tpu.memref_slice %arg3[%multiple_of3A_152, %dma_start3A_158] : memref<40448x128xf32, #tpu.memory_space<hbm>> -> memref<8x128xf32, #tpu.memory_space<hbm>>
    %dma_start3A_160 = arith.constant 0 : i32
    %dma_start3A_161 = arith.constant 0 : i32
    %dma_start3A_162 = tpu.memref_slice %arg10[%dma_start3A_153, %dma_start3A_160, %dma_start3A_161] : memref<2x8x128xf32, #tpu.memory_space<vmem>> -> memref<1x8x128xf32, #tpu.memory_space<vmem>>
    %dma_start3A_163 = tpu.memref_squeeze %dma_start3A_162 : memref<1x8x128xf32, #tpu.memory_space<vmem>> -> memref<8x128xf32, #tpu.memory_space<vmem>>
    %dma_start3A_164 = arith.constant 0 : i32
    %dma_start3A_165 = tpu.memref_slice %arg3[%multiple_of3A_152, %dma_start3A_164] : memref<40448x128xf32, #tpu.memory_space<hbm>> -> memref<8x128xf32, #tpu.memory_space<hbm>>
    tpu.enqueue_dma source(%dma_start3A_165 : memref<8x128xf32, #tpu.memory_space<hbm>>) target(%dma_start3A_163 : memref<8x128xf32, #tpu.memory_space<vmem>>) target_semaphore(%arg16 : memref<!tpu.dma_semaphore, #tpu.memory_space<semaphore_mem>>)
    %scan3A_166 = arith.constant 0 : i32
    %scan3A_167 = arith.constant 0 : i32
    %scan3A_168 = arith.constant 78 : i32
    %scan3A_169 = arith.addi %scan3A_167, %scan3A_168 : i32
    %scan3A_170 = arith.constant 1 : i32
    %scan3A_171 = scf.for %scan3A_301 = %scan3A_167 to %scan3A_169 step %scan3A_170 iter_args(%scan3A_302 = %scan3A_166) -> (i32)  : i32 {
      %mul3A_303 = arith.constant 2 : i32
      %mul3A_304 = arith.muli %mul3A_303, %scan3A_301 : i32
      %add3A_305 = arith.constant 1 : i32
      %add3A_306 = arith.addi %mul3A_304, %add3A_305 : i32
      %mul3A_307 = arith.constant 161792 : i32
      %mul3A_308 = arith.muli %arg0, %mul3A_307 : i32
      %mul3A_309 = arith.constant 16 : i32
      %mul3A_310 = arith.muli %add3A_306, %mul3A_309 : i32
      %add3A_311 = arith.addi %mul3A_310, %arg1 : i32
      %mul3A_312 = arith.constant 64 : i32
      %mul3A_313 = arith.muli %add3A_311, %mul3A_312 : i32
      %add3A_314 = arith.addi %mul3A_308, %mul3A_313 : i32
      %dma_wait3A_315 = arith.constant 1 : i32
      %dma_wait3A_316 = arith.constant 0 : i32
      %dma_wait3A_317 = tpu.memref_slice %arg8[%dma_wait3A_315, %dma_wait3A_316] : memref<2x64xi32, #tpu.memory_space<vmem>> -> memref<1x64xi32, #tpu.memory_space<vmem>>
      %dma_wait3A_318 = tpu.memref_squeeze %dma_wait3A_317 : memref<1x64xi32, #tpu.memory_space<vmem>> -> memref<64xi32, #tpu.memory_space<vmem>>
      %dma_wait3A_319 = tpu.memref_slice %arg4[%add3A_314] : memref<323584xi32, #tpu.memory_space<hbm>> -> memref<64xi32, #tpu.memory_space<hbm>>
      %dma_wait3A_320 = arith.constant 0 : i32
      %dma_wait3A_321 = tpu.memref_slice %arg8[%dma_wait3A_315, %dma_wait3A_320] : memref<2x64xi32, #tpu.memory_space<vmem>> -> memref<1x64xi32, #tpu.memory_space<vmem>>
      %dma_wait3A_322 = tpu.memref_squeeze %dma_wait3A_321 : memref<1x64xi32, #tpu.memory_space<vmem>> -> memref<64xi32, #tpu.memory_space<vmem>>
      %dma_wait3A_323 = tpu.memref_slice %arg4[%add3A_314] : memref<323584xi32, #tpu.memory_space<hbm>> -> memref<64xi32, #tpu.memory_space<hbm>>
      tpu.wait_dma2 semaphore(%arg14 : memref<!tpu.dma_semaphore, #tpu.memory_space<semaphore_mem>>) src(%dma_wait3A_323 : memref<64xi32, #tpu.memory_space<hbm>>) dst(%dma_wait3A_322 : memref<64xi32, #tpu.memory_space<vmem>>)
      %dma_start3A_324 = arith.constant 1 : i32
      %dma_start3A_325 = arith.constant 1 : i32
      %dma_start3A_326 = arith.constant 0 : i32
      %dma_start3A_327 = arith.constant 0 : i32
      %dma_start3A_328 = tpu.memref_slice %arg11[%dma_start3A_325, %dma_start3A_326, %dma_start3A_327] : memref<2x64x128xf32, #tpu.memory_space<vmem>> -> memref<1x64x128xf32, #tpu.memory_space<vmem>>
      %dma_start3A_329 = tpu.memref_squeeze %dma_start3A_328 : memref<1x64x128xf32, #tpu.memory_space<vmem>> -> memref<64x128xf32, #tpu.memory_space<vmem>>
      %dma_start3A_330 = arith.constant 0 : i32
      %dma_start3A_331 = tpu.memref_slice %arg8[%dma_start3A_324, %dma_start3A_330] : memref<2x64xi32, #tpu.memory_space<vmem>> -> memref<1x64xi32, #tpu.memory_space<vmem>>
      %dma_start3A_332 = tpu.memref_squeeze %dma_start3A_331 : memref<1x64xi32, #tpu.memory_space<vmem>> -> memref<64xi32, #tpu.memory_space<vmem>>
      %dma_start3A_333 = arith.constant 0 : i32
      %dma_start3A_334 = arith.constant 0 : i32
      %dma_start3A_335 = tpu.memref_slice %arg2[%arg0, %dma_start3A_333, %dma_start3A_334] : memref<2x10000x128xf32, #tpu.memory_space<hbm>> -> memref<1x10000x128xf32, #tpu.memory_space<hbm>>
      %dma_start3A_336 = tpu.memref_squeeze %dma_start3A_335 : memref<1x10000x128xf32, #tpu.memory_space<hbm>> -> memref<10000x128xf32, #tpu.memory_space<hbm>>
      %dma_start3A_337 = arith.constant 0 : i32
      %dma_start3A_338 = arith.constant 0 : i32
      %dma_start3A_339 = tpu.memref_slice %dma_start3A_336[%dma_start3A_337, %dma_start3A_338] : memref<10000x128xf32, #tpu.memory_space<hbm>> -> memref<10000x128xf32, #tpu.memory_space<hbm>>
      tpu.enqueue_indirect_dma source(%dma_start3A_339 : memref<10000x128xf32, #tpu.memory_space<hbm>>) target(%dma_start3A_329 : memref<64x128xf32, #tpu.memory_space<vmem>>) offsets(%dma_start3A_332 : memref<64xi32, #tpu.memory_space<vmem>>) semaphore(%arg18 : memref<!tpu.dma_semaphore, #tpu.memory_space<semaphore_mem>>)
      %mul3A_340 = arith.constant 161792 : i32
      %mul3A_341 = arith.muli %arg0, %mul3A_340 : i32
      %mul3A_342 = arith.constant 16 : i32
      %mul3A_343 = arith.muli %mul3A_304, %mul3A_342 : i32
      %add3A_344 = arith.addi %mul3A_343, %arg1 : i32
      %mul3A_345 = arith.constant 64 : i32
      %mul3A_346 = arith.muli %add3A_344, %mul3A_345 : i32
      %add3A_347 = arith.addi %mul3A_341, %mul3A_346 : i32
      %dma_wait3A_348 = arith.constant 0 : i32
      %dma_wait3A_349 = arith.constant 0 : i32
      %dma_wait3A_350 = tpu.memref_slice %arg9[%dma_wait3A_348, %dma_wait3A_349] : memref<2x64xi32, #tpu.memory_space<vmem>> -> memref<1x64xi32, #tpu.memory_space<vmem>>
      %dma_wait3A_351 = tpu.memref_squeeze %dma_wait3A_350 : memref<1x64xi32, #tpu.memory_space<vmem>> -> memref<64xi32, #tpu.memory_space<vmem>>
      %dma_wait3A_352 = tpu.memref_slice %arg5[%add3A_347] : memref<323584xi32, #tpu.memory_space<hbm>> -> memref<64xi32, #tpu.memory_space<hbm>>
      %dma_wait3A_353 = arith.constant 0 : i32
      %dma_wait3A_354 = tpu.memref_slice %arg9[%dma_wait3A_348, %dma_wait3A_353] : memref<2x64xi32, #tpu.memory_space<vmem>> -> memref<1x64xi32, #tpu.memory_space<vmem>>
      %dma_wait3A_355 = tpu.memref_squeeze %dma_wait3A_354 : memref<1x64xi32, #tpu.memory_space<vmem>> -> memref<64xi32, #tpu.memory_space<vmem>>
      %dma_wait3A_356 = tpu.memref_slice %arg5[%add3A_347] : memref<323584xi32, #tpu.memory_space<hbm>> -> memref<64xi32, #tpu.memory_space<hbm>>
      tpu.wait_dma2 semaphore(%arg15 : memref<!tpu.dma_semaphore, #tpu.memory_space<semaphore_mem>>) src(%dma_wait3A_356 : memref<64xi32, #tpu.memory_space<hbm>>) dst(%dma_wait3A_355 : memref<64xi32, #tpu.memory_space<vmem>>)
      %jit3A_357 = arith.constant 8 : i32
      %div3A_358 = arith.divsi %add3A_347, %jit3A_357 : i32
      %sign3A_359 = arith.constant 0 : i32
      %sign3A_360 = arith.cmpi sgt, %add3A_347, %sign3A_359 : i32
      %sign3A_361 = arith.extui %sign3A_360 : i1 to i32
      %sign3A_362 = arith.constant 0 : i32
      %sign3A_363 = arith.cmpi slt, %add3A_347, %sign3A_362 : i32
      %sign3A_364 = arith.extui %sign3A_363 : i1 to i32
      %sign3A_365 = arith.subi %sign3A_361, %sign3A_364 : i32
      %sign3A_366 = arith.constant 0 : i32
      %sign3A_367 = arith.cmpi sgt, %jit3A_357, %sign3A_366 : i32
      %sign3A_368 = arith.extui %sign3A_367 : i1 to i32
      %sign3A_369 = arith.constant 0 : i32
      %sign3A_370 = arith.cmpi slt, %jit3A_357, %sign3A_369 : i32
      %sign3A_371 = arith.extui %sign3A_370 : i1 to i32
      %sign3A_372 = arith.subi %sign3A_368, %sign3A_371 : i32
      %ne3A_373 = arith.cmpi ne, %sign3A_365, %sign3A_372 : i32
      %rem3A_374 = arith.remsi %add3A_347, %jit3A_357 : i32
      %ne3A_375 = arith.constant 0 : i32
      %ne3A_376 = arith.cmpi ne, %rem3A_374, %ne3A_375 : i32
      %and3A_377 = arith.andi %ne3A_373, %ne3A_376 : i1
      %sub3A_378 = arith.constant 1 : i32
      %sub3A_379 = arith.subi %div3A_358, %sub3A_378 : i32
      %select_n3A_380 = arith.select %and3A_377, %sub3A_379, %div3A_358 : i32
      %multiple_of3A_381 = tpu.assume_multiple %select_n3A_380, 8 : i32
      %dma_wait3A_382 = arith.constant 0 : i32
      %dma_wait3A_383 = arith.constant 0 : i32
      %dma_wait3A_384 = arith.constant 0 : i32
      %dma_wait3A_385 = tpu.memref_slice %arg10[%dma_wait3A_382, %dma_wait3A_383, %dma_wait3A_384] : memref<2x8x128xf32, #tpu.memory_space<vmem>> -> memref<1x8x128xf32, #tpu.memory_space<vmem>>
      %dma_wait3A_386 = tpu.memref_squeeze %dma_wait3A_385 : memref<1x8x128xf32, #tpu.memory_space<vmem>> -> memref<8x128xf32, #tpu.memory_space<vmem>>
      %dma_wait3A_387 = arith.constant 0 : i32
      %dma_wait3A_388 = tpu.memref_slice %arg3[%multiple_of3A_381, %dma_wait3A_387] : memref<40448x128xf32, #tpu.memory_space<hbm>> -> memref<8x128xf32, #tpu.memory_space<hbm>>
      %dma_wait3A_389 = arith.constant 0 : i32
      %dma_wait3A_390 = arith.constant 0 : i32
      %dma_wait3A_391 = tpu.memref_slice %arg10[%dma_wait3A_382, %dma_wait3A_389, %dma_wait3A_390] : memref<2x8x128xf32, #tpu.memory_space<vmem>> -> memref<1x8x128xf32, #tpu.memory_space<vmem>>
      %dma_wait3A_392 = tpu.memref_squeeze %dma_wait3A_391 : memref<1x8x128xf32, #tpu.memory_space<vmem>> -> memref<8x128xf32, #tpu.memory_space<vmem>>
      %dma_wait3A_393 = arith.constant 0 : i32
      %dma_wait3A_394 = tpu.memref_slice %arg3[%multiple_of3A_381, %dma_wait3A_393] : memref<40448x128xf32, #tpu.memory_space<hbm>> -> memref<8x128xf32, #tpu.memory_space<hbm>>
      tpu.wait_dma2 semaphore(%arg15 : memref<!tpu.dma_semaphore, #tpu.memory_space<semaphore_mem>>) src(%dma_wait3A_394 : memref<8x128xf32, #tpu.memory_space<hbm>>) dst(%dma_wait3A_392 : memref<8x128xf32, #tpu.memory_space<vmem>>)
      %dma_wait3A_395 = arith.constant 0 : i32
      %dma_wait3A_396 = arith.constant 0 : i32
      %dma_wait3A_397 = arith.constant 0 : i32
      %dma_wait3A_398 = arith.constant 0 : i32
      %dma_wait3A_399 = tpu.memref_slice %arg11[%dma_wait3A_396, %dma_wait3A_397, %dma_wait3A_398] : memref<2x64x128xf32, #tpu.memory_space<vmem>> -> memref<1x64x128xf32, #tpu.memory_space<vmem>>
      %dma_wait3A_400 = tpu.memref_squeeze %dma_wait3A_399 : memref<1x64x128xf32, #tpu.memory_space<vmem>> -> memref<64x128xf32, #tpu.memory_space<vmem>>
      %dma_wait3A_401 = arith.constant 0 : i32
      %dma_wait3A_402 = tpu.memref_slice %arg8[%dma_wait3A_395, %dma_wait3A_401] : memref<2x64xi32, #tpu.memory_space<vmem>> -> memref<1x64xi32, #tpu.memory_space<vmem>>
      %dma_wait3A_403 = tpu.memref_squeeze %dma_wait3A_402 : memref<1x64xi32, #tpu.memory_space<vmem>> -> memref<64xi32, #tpu.memory_space<vmem>>
      %dma_wait3A_404 = arith.constant 0 : i32
      %dma_wait3A_405 = arith.constant 0 : i32
      %dma_wait3A_406 = tpu.memref_slice %arg2[%arg0, %dma_wait3A_404, %dma_wait3A_405] : memref<2x10000x128xf32, #tpu.memory_space<hbm>> -> memref<1x10000x128xf32, #tpu.memory_space<hbm>>
      %dma_wait3A_407 = tpu.memref_squeeze %dma_wait3A_406 : memref<1x10000x128xf32, #tpu.memory_space<hbm>> -> memref<10000x128xf32, #tpu.memory_space<hbm>>
      %dma_wait3A_408 = arith.constant 0 : i32
      %dma_wait3A_409 = arith.constant 0 : i32
      %dma_wait3A_410 = tpu.memref_slice %dma_wait3A_407[%dma_wait3A_408, %dma_wait3A_409] : memref<10000x128xf32, #tpu.memory_space<hbm>> -> memref<10000x128xf32, #tpu.memory_space<hbm>>
      tpu.wait_indirect_dma semaphore(%arg17 : memref<!tpu.dma_semaphore, #tpu.memory_space<semaphore_mem>>) src(%dma_wait3A_410 : memref<10000x128xf32, #tpu.memory_space<hbm>>) dst(%dma_wait3A_400 : memref<64x128xf32, #tpu.memory_space<vmem>>)
      %parallel_loop3A_411 = arith.constant 0 : i32
      %parallel_loop3A_412 = arith.constant 64 : i32
      %parallel_loop3A_413 = arith.constant 1 : i32
      scf.for %parallel_loop3A_662 = %parallel_loop3A_411 to %parallel_loop3A_412 step %parallel_loop3A_413  : i32 {
        %parallel_loop3A_663 = arith.constant 8 : i32
        %parallel_loop3A_664 = arith.divsi %parallel_loop3A_662, %parallel_loop3A_663 : i32
        %parallel_loop3A_665 = arith.constant 0 : i32
        %parallel_loop3A_666 = arith.cmpi sgt, %parallel_loop3A_662, %parallel_loop3A_665 : i32
        %parallel_loop3A_667 = arith.extui %parallel_loop3A_666 : i1 to i32
        %parallel_loop3A_668 = arith.constant 0 : i32
        %parallel_loop3A_669 = arith.cmpi slt, %parallel_loop3A_662, %parallel_loop3A_668 : i32
        %parallel_loop3A_670 = arith.extui %parallel_loop3A_669 : i1 to i32
        %parallel_loop3A_671 = arith.subi %parallel_loop3A_667, %parallel_loop3A_670 : i32
        %parallel_loop3A_672 = arith.constant 0 : i32
        %parallel_loop3A_673 = arith.cmpi sgt, %parallel_loop3A_663, %parallel_loop3A_672 : i32
        %parallel_loop3A_674 = arith.extui %parallel_loop3A_673 : i1 to i32
        %parallel_loop3A_675 = arith.constant 0 : i32
        %parallel_loop3A_676 = arith.cmpi slt, %parallel_loop3A_663, %parallel_loop3A_675 : i32
        %parallel_loop3A_677 = arith.extui %parallel_loop3A_676 : i1 to i32
        %parallel_loop3A_678 = arith.subi %parallel_loop3A_674, %parallel_loop3A_677 : i32
        %parallel_loop3A_679 = arith.cmpi ne, %parallel_loop3A_671, %parallel_loop3A_678 : i32
        %parallel_loop3A_680 = arith.remsi %parallel_loop3A_662, %parallel_loop3A_663 : i32
        %parallel_loop3A_681 = arith.constant 0 : i32
        %parallel_loop3A_682 = arith.cmpi ne, %parallel_loop3A_680, %parallel_loop3A_681 : i32
        %parallel_loop3A_683 = arith.andi %parallel_loop3A_679, %parallel_loop3A_682 : i1
        %parallel_loop3A_684 = arith.constant 1 : i32
        %parallel_loop3A_685 = arith.subi %parallel_loop3A_664, %parallel_loop3A_684 : i32
        %parallel_loop3A_686 = arith.select %parallel_loop3A_683, %parallel_loop3A_685, %parallel_loop3A_664 : i32
        %parallel_loop3A_687 = arith.constant 8 : i32
        %parallel_loop3A_688 = arith.constant 0 : i32
        %parallel_loop3A_689 = arith.cmpi eq, %parallel_loop3A_687, %parallel_loop3A_688 : i32
        %parallel_loop3A_690 = arith.constant 1 : i32
        %parallel_loop3A_691 = arith.select %parallel_loop3A_689, %parallel_loop3A_690, %parallel_loop3A_687 : i32
        %parallel_loop3A_692 = arith.remsi %parallel_loop3A_662, %parallel_loop3A_691 : i32
        %parallel_loop3A_693 = arith.constant 0 : i32
        %parallel_loop3A_694 = arith.cmpi ne, %parallel_loop3A_692, %parallel_loop3A_693 : i32
        %parallel_loop3A_695 = arith.constant 0 : i32
        %parallel_loop3A_696 = arith.cmpi slt, %parallel_loop3A_692, %parallel_loop3A_695 : i32
        %parallel_loop3A_697 = arith.constant 0 : i32
        %parallel_loop3A_698 = arith.cmpi slt, %parallel_loop3A_691, %parallel_loop3A_697 : i32
        %parallel_loop3A_699 = arith.xori %parallel_loop3A_696, %parallel_loop3A_698 : i1
        %parallel_loop3A_700 = arith.andi %parallel_loop3A_699, %parallel_loop3A_694 : i1
        %parallel_loop3A_701 = arith.addi %parallel_loop3A_692, %parallel_loop3A_691 : i32
        %parallel_loop3A_702 = arith.select %parallel_loop3A_700, %parallel_loop3A_701, %parallel_loop3A_692 : i32
        %parallel_loop3A_703 = arith.constant 16 : i32
        %parallel_loop3A_704 = arith.muli %parallel_loop3A_702, %parallel_loop3A_703 : i32
        %parallel_loop3A_705 = arith.constant 0 : i32
        %parallel_loop3A_706 = arith.index_cast %parallel_loop3A_705 : i32 to index
        %parallel_loop3A_707 = arith.index_cast %parallel_loop3A_686 : i32 to index
        %parallel_loop3A_708 = arith.index_cast %parallel_loop3A_704 : i32 to index
        %parallel_loop3A_709 = tpu.vector_load %arg10[%parallel_loop3A_706, %parallel_loop3A_707, %parallel_loop3A_708] {strides = array<i32>} : memref<2x8x128xf32, #tpu.memory_space<vmem>>, vector<1x1x16xf32>,
        %parallel_loop3A_710 = vector.shape_cast %parallel_loop3A_709 : vector<1x1x16xf32> to vector<16xf32>
        %parallel_loop3A_711 = arith.constant 0 : i32
        %parallel_loop3A_712 = arith.index_cast %parallel_loop3A_711 : i32 to index
        %parallel_loop3A_713 = arith.index_cast %parallel_loop3A_662 : i32 to index
        %parallel_loop3A_714 = arith.constant 0 : index
        %parallel_loop3A_715 = tpu.vector_load %arg11[%parallel_loop3A_712, %parallel_loop3A_713, %parallel_loop3A_714] {strides = array<i32>} : memref<2x64x128xf32, #tpu.memory_space<vmem>>, vector<1x1x16xf32>,
        %parallel_loop3A_716 = vector.shape_cast %parallel_loop3A_715 : vector<1x1x16xf32> to vector<16xf32>
        %parallel_loop3A_717 = vector.extract_strided_slice %parallel_loop3A_710 {offsets = [0], sizes = [1], strides = [1]} : vector<16xf32> to vector<1xf32>
        %parallel_loop3A_718 = vector.extract %parallel_loop3A_717[0] : f32 from vector<1xf32>
        %parallel_loop3A_719 = vector.broadcast %parallel_loop3A_718 : f32 to vector<16xf32>
        %parallel_loop3A_720 = arith.mulf %parallel_loop3A_716, %parallel_loop3A_719 : vector<16xf32>
        %parallel_loop3A_721 = arith.constant 0 : i32
        %parallel_loop3A_722 = arith.index_cast %parallel_loop3A_721 : i32 to index
        %parallel_loop3A_723 = arith.index_cast %parallel_loop3A_662 : i32 to index
        %parallel_loop3A_724 = arith.constant 0 : index
        %parallel_loop3A_725 = tpu.vector_load %arg11[%parallel_loop3A_722, %parallel_loop3A_723, %parallel_loop3A_724] {strides = array<i32>} : memref<2x64x128xf32, #tpu.memory_space<vmem>>, vector<1x1x16xf32>,
        %parallel_loop3A_726 = vector.shape_cast %parallel_loop3A_725 : vector<1x1x16xf32> to vector<16xf32>
        %parallel_loop3A_727 = vector.shape_cast %parallel_loop3A_720 : vector<16xf32> to vector<1x1x16xf32>
        tpu.vector_store %arg11[%parallel_loop3A_722, %parallel_loop3A_723, %parallel_loop3A_724], %parallel_loop3A_727 {strides = array<i32>} : memref<2x64x128xf32, #tpu.memory_space<vmem>>, vector<1x1x16xf32>,
        %parallel_loop3A_728 = arith.constant 0 : i32
        %parallel_loop3A_729 = arith.index_cast %parallel_loop3A_728 : i32 to index
        %parallel_loop3A_730 = arith.index_cast %parallel_loop3A_662 : i32 to index
        %parallel_loop3A_731 = arith.constant 16 : index
        %parallel_loop3A_732 = tpu.vector_load %arg11[%parallel_loop3A_729, %parallel_loop3A_730, %parallel_loop3A_731] {strides = array<i32>} : memref<2x64x128xf32, #tpu.memory_space<vmem>>, vector<1x1x16xf32>,
        %parallel_loop3A_733 = vector.shape_cast %parallel_loop3A_732 : vector<1x1x16xf32> to vector<16xf32>
        %parallel_loop3A_734 = vector.extract_strided_slice %parallel_loop3A_710 {offsets = [1], sizes = [1], strides = [1]} : vector<16xf32> to vector<1xf32>
        %parallel_loop3A_735 = vector.extract %parallel_loop3A_734[0] : f32 from vector<1xf32>
        %parallel_loop3A_736 = vector.broadcast %parallel_loop3A_735 : f32 to vector<16xf32>
        %parallel_loop3A_737 = arith.mulf %parallel_loop3A_733, %parallel_loop3A_736 : vector<16xf32>
        %parallel_loop3A_738 = arith.constant 0 : i32
        %parallel_loop3A_739 = arith.index_cast %parallel_loop3A_738 : i32 to index
        %parallel_loop3A_740 = arith.index_cast %parallel_loop3A_662 : i32 to index
        %parallel_loop3A_741 = arith.constant 16 : index
        %parallel_loop3A_742 = tpu.vector_load %arg11[%parallel_loop3A_739, %parallel_loop3A_740, %parallel_loop3A_741] {strides = array<i32>} : memref<2x64x128xf32, #tpu.memory_space<vmem>>, vector<1x1x16xf32>,
        %parallel_loop3A_743 = vector.shape_cast %parallel_loop3A_742 : vector<1x1x16xf32> to vector<16xf32>
        %parallel_loop3A_744 = vector.shape_cast %parallel_loop3A_737 : vector<16xf32> to vector<1x1x16xf32>
        tpu.vector_store %arg11[%parallel_loop3A_739, %parallel_loop3A_740, %parallel_loop3A_741], %parallel_loop3A_744 {strides = array<i32>} : memref<2x64x128xf32, #tpu.memory_space<vmem>>, vector<1x1x16xf32>,
        %parallel_loop3A_745 = arith.constant 0 : i32
        %parallel_loop3A_746 = arith.index_cast %parallel_loop3A_745 : i32 to index
        %parallel_loop3A_747 = arith.index_cast %parallel_loop3A_662 : i32 to index
        %parallel_loop3A_748 = arith.constant 32 : index
        %parallel_loop3A_749 = tpu.vector_load %arg11[%parallel_loop3A_746, %parallel_loop3A_747, %parallel_loop3A_748] {strides = array<i32>} : memref<2x64x128xf32, #tpu.memory_space<vmem>>, vector<1x1x16xf32>,
        %parallel_loop3A_750 = vector.shape_cast %parallel_loop3A_749 : vector<1x1x16xf32> to vector<16xf32>
        %parallel_loop3A_751 = vector.extract_strided_slice %parallel_loop3A_710 {offsets = [2], sizes = [1], strides = [1]} : vector<16xf32> to vector<1xf32>
        %parallel_loop3A_752 = vector.extract %parallel_loop3A_751[0] : f32 from vector<1xf32>
        %parallel_loop3A_753 = vector.broadcast %parallel_loop3A_752 : f32 to vector<16xf32>
        %parallel_loop3A_754 = arith.mulf %parallel_loop3A_750, %parallel_loop3A_753 : vector<16xf32>
        %parallel_loop3A_755 = arith.constant 0 : i32
        %parallel_loop3A_756 = arith.index_cast %parallel_loop3A_755 : i32 to index
        %parallel_loop3A_757 = arith.index_cast %parallel_loop3A_662 : i32 to index
        %parallel_loop3A_758 = arith.constant 32 : index
        %parallel_loop3A_759 = tpu.vector_load %arg11[%parallel_loop3A_756, %parallel_loop3A_757, %parallel_loop3A_758] {strides = array<i32>} : memref<2x64x128xf32, #tpu.memory_space<vmem>>, vector<1x1x16xf32>,
        %parallel_loop3A_760 = vector.shape_cast %parallel_loop3A_759 : vector<1x1x16xf32> to vector<16xf32>
        %parallel_loop3A_761 = vector.shape_cast %parallel_loop3A_754 : vector<16xf32> to vector<1x1x16xf32>
        tpu.vector_store %arg11[%parallel_loop3A_756, %parallel_loop3A_757, %parallel_loop3A_758], %parallel_loop3A_761 {strides = array<i32>} : memref<2x64x128xf32, #tpu.memory_space<vmem>>, vector<1x1x16xf32>,
        %parallel_loop3A_762 = arith.constant 0 : i32
        %parallel_loop3A_763 = arith.index_cast %parallel_loop3A_762 : i32 to index
        %parallel_loop3A_764 = arith.index_cast %parallel_loop3A_662 : i32 to index
        %parallel_loop3A_765 = arith.constant 48 : index
        %parallel_loop3A_766 = tpu.vector_load %arg11[%parallel_loop3A_763, %parallel_loop3A_764, %parallel_loop3A_765] {strides = array<i32>} : memref<2x64x128xf32, #tpu.memory_space<vmem>>, vector<1x1x16xf32>,
        %parallel_loop3A_767 = vector.shape_cast %parallel_loop3A_766 : vector<1x1x16xf32> to vector<16xf32>
        %parallel_loop3A_768 = vector.extract_strided_slice %parallel_loop3A_710 {offsets = [3], sizes = [1], strides = [1]} : vector<16xf32> to vector<1xf32>
        %parallel_loop3A_769 = vector.extract %parallel_loop3A_768[0] : f32 from vector<1xf32>
        %parallel_loop3A_770 = vector.broadcast %parallel_loop3A_769 : f32 to vector<16xf32>
        %parallel_loop3A_771 = arith.mulf %parallel_loop3A_767, %parallel_loop3A_770 : vector<16xf32>
        %parallel_loop3A_772 = arith.constant 0 : i32
        %parallel_loop3A_773 = arith.index_cast %parallel_loop3A_772 : i32 to index
        %parallel_loop3A_774 = arith.index_cast %parallel_loop3A_662 : i32 to index
        %parallel_loop3A_775 = arith.constant 48 : index
        %parallel_loop3A_776 = tpu.vector_load %arg11[%parallel_loop3A_773, %parallel_loop3A_774, %parallel_loop3A_775] {strides = array<i32>} : memref<2x64x128xf32, #tpu.memory_space<vmem>>, vector<1x1x16xf32>,
        %parallel_loop3A_777 = vector.shape_cast %parallel_loop3A_776 : vector<1x1x16xf32> to vector<16xf32>
        %parallel_loop3A_778 = vector.shape_cast %parallel_loop3A_771 : vector<16xf32> to vector<1x1x16xf32>
        tpu.vector_store %arg11[%parallel_loop3A_773, %parallel_loop3A_774, %parallel_loop3A_775], %parallel_loop3A_778 {strides = array<i32>} : memref<2x64x128xf32, #tpu.memory_space<vmem>>, vector<1x1x16xf32>,
        %parallel_loop3A_779 = arith.constant 0 : i32
        %parallel_loop3A_780 = arith.index_cast %parallel_loop3A_779 : i32 to index
        %parallel_loop3A_781 = arith.index_cast %parallel_loop3A_662 : i32 to index
        %parallel_loop3A_782 = arith.constant 64 : index
        %parallel_loop3A_783 = tpu.vector_load %arg11[%parallel_loop3A_780, %parallel_loop3A_781, %parallel_loop3A_782] {strides = array<i32>} : memref<2x64x128xf32, #tpu.memory_space<vmem>>, vector<1x1x16xf32>,
        %parallel_loop3A_784 = vector.shape_cast %parallel_loop3A_783 : vector<1x1x16xf32> to vector<16xf32>
        %parallel_loop3A_785 = vector.extract_strided_slice %parallel_loop3A_710 {offsets = [4], sizes = [1], strides = [1]} : vector<16xf32> to vector<1xf32>
        %parallel_loop3A_786 = vector.extract %parallel_loop3A_785[0] : f32 from vector<1xf32>
        %parallel_loop3A_787 = vector.broadcast %parallel_loop3A_786 : f32 to vector<16xf32>
        %parallel_loop3A_788 = arith.mulf %parallel_loop3A_784, %parallel_loop3A_787 : vector<16xf32>
        %parallel_loop3A_789 = arith.constant 0 : i32
        %parallel_loop3A_790 = arith.index_cast %parallel_loop3A_789 : i32 to index
        %parallel_loop3A_791 = arith.index_cast %parallel_loop3A_662 : i32 to index
        %parallel_loop3A_792 = arith.constant 64 : index
        %parallel_loop3A_793 = tpu.vector_load %arg11[%parallel_loop3A_790, %parallel_loop3A_791, %parallel_loop3A_792] {strides = array<i32>} : memref<2x64x128xf32, #tpu.memory_space<vmem>>, vector<1x1x16xf32>,
        %parallel_loop3A_794 = vector.shape_cast %parallel_loop3A_793 : vector<1x1x16xf32> to vector<16xf32>
        %parallel_loop3A_795 = vector.shape_cast %parallel_loop3A_788 : vector<16xf32> to vector<1x1x16xf32>
        tpu.vector_store %arg11[%parallel_loop3A_790, %parallel_loop3A_791, %parallel_loop3A_792], %parallel_loop3A_795 {strides = array<i32>} : memref<2x64x128xf32, #tpu.memory_space<vmem>>, vector<1x1x16xf32>,
        %parallel_loop3A_796 = arith.constant 0 : i32
        %parallel_loop3A_797 = arith.index_cast %parallel_loop3A_796 : i32 to index
        %parallel_loop3A_798 = arith.index_cast %parallel_loop3A_662 : i32 to index
        %parallel_loop3A_799 = arith.constant 80 : index
        %parallel_loop3A_800 = tpu.vector_load %arg11[%parallel_loop3A_797, %parallel_loop3A_798, %parallel_loop3A_799] {strides = array<i32>} : memref<2x64x128xf32, #tpu.memory_space<vmem>>, vector<1x1x16xf32>,
        %parallel_loop3A_801 = vector.shape_cast %parallel_loop3A_800 : vector<1x1x16xf32> to vector<16xf32>
        %parallel_loop3A_802 = vector.extract_strided_slice %parallel_loop3A_710 {offsets = [5], sizes = [1], strides = [1]} : vector<16xf32> to vector<1xf32>
        %parallel_loop3A_803 = vector.extract %parallel_loop3A_802[0] : f32 from vector<1xf32>
        %parallel_loop3A_804 = vector.broadcast %parallel_loop3A_803 : f32 to vector<16xf32>
        %parallel_loop3A_805 = arith.mulf %parallel_loop3A_801, %parallel_loop3A_804 : vector<16xf32>
        %parallel_loop3A_806 = arith.constant 0 : i32
        %parallel_loop3A_807 = arith.index_cast %parallel_loop3A_806 : i32 to index
        %parallel_loop3A_808 = arith.index_cast %parallel_loop3A_662 : i32 to index
        %parallel_loop3A_809 = arith.constant 80 : index
        %parallel_loop3A_810 = tpu.vector_load %arg11[%parallel_loop3A_807, %parallel_loop3A_808, %parallel_loop3A_809] {strides = array<i32>} : memref<2x64x128xf32, #tpu.memory_space<vmem>>, vector<1x1x16xf32>,
        %parallel_loop3A_811 = vector.shape_cast %parallel_loop3A_810 : vector<1x1x16xf32> to vector<16xf32>
        %parallel_loop3A_812 = vector.shape_cast %parallel_loop3A_805 : vector<16xf32> to vector<1x1x16xf32>
        tpu.vector_store %arg11[%parallel_loop3A_807, %parallel_loop3A_808, %parallel_loop3A_809], %parallel_loop3A_812 {strides = array<i32>} : memref<2x64x128xf32, #tpu.memory_space<vmem>>, vector<1x1x16xf32>,
        %parallel_loop3A_813 = arith.constant 0 : i32
        %parallel_loop3A_814 = arith.index_cast %parallel_loop3A_813 : i32 to index
        %parallel_loop3A_815 = arith.index_cast %parallel_loop3A_662 : i32 to index
        %parallel_loop3A_816 = arith.constant 96 : index
        %parallel_loop3A_817 = tpu.vector_load %arg11[%parallel_loop3A_814, %parallel_loop3A_815, %parallel_loop3A_816] {strides = array<i32>} : memref<2x64x128xf32, #tpu.memory_space<vmem>>, vector<1x1x16xf32>,
        %parallel_loop3A_818 = vector.shape_cast %parallel_loop3A_817 : vector<1x1x16xf32> to vector<16xf32>
        %parallel_loop3A_819 = vector.extract_strided_slice %parallel_loop3A_710 {offsets = [6], sizes = [1], strides = [1]} : vector<16xf32> to vector<1xf32>
        %parallel_loop3A_820 = vector.extract %parallel_loop3A_819[0] : f32 from vector<1xf32>
        %parallel_loop3A_821 = vector.broadcast %parallel_loop3A_820 : f32 to vector<16xf32>
        %parallel_loop3A_822 = arith.mulf %parallel_loop3A_818, %parallel_loop3A_821 : vector<16xf32>
        %parallel_loop3A_823 = arith.constant 0 : i32
        %parallel_loop3A_824 = arith.index_cast %parallel_loop3A_823 : i32 to index
        %parallel_loop3A_825 = arith.index_cast %parallel_loop3A_662 : i32 to index
        %parallel_loop3A_826 = arith.constant 96 : index
        %parallel_loop3A_827 = tpu.vector_load %arg11[%parallel_loop3A_824, %parallel_loop3A_825, %parallel_loop3A_826] {strides = array<i32>} : memref<2x64x128xf32, #tpu.memory_space<vmem>>, vector<1x1x16xf32>,
        %parallel_loop3A_828 = vector.shape_cast %parallel_loop3A_827 : vector<1x1x16xf32> to vector<16xf32>
        %parallel_loop3A_829 = vector.shape_cast %parallel_loop3A_822 : vector<16xf32> to vector<1x1x16xf32>
        tpu.vector_store %arg11[%parallel_loop3A_824, %parallel_loop3A_825, %parallel_loop3A_826], %parallel_loop3A_829 {strides = array<i32>} : memref<2x64x128xf32, #tpu.memory_space<vmem>>, vector<1x1x16xf32>,
        %parallel_loop3A_830 = arith.constant 0 : i32
        %parallel_loop3A_831 = arith.index_cast %parallel_loop3A_830 : i32 to index
        %parallel_loop3A_832 = arith.index_cast %parallel_loop3A_662 : i32 to index
        %parallel_loop3A_833 = arith.constant 112 : index
        %parallel_loop3A_834 = tpu.vector_load %arg11[%parallel_loop3A_831, %parallel_loop3A_832, %parallel_loop3A_833] {strides = array<i32>} : memref<2x64x128xf32, #tpu.memory_space<vmem>>, vector<1x1x16xf32>,
        %parallel_loop3A_835 = vector.shape_cast %parallel_loop3A_834 : vector<1x1x16xf32> to vector<16xf32>
        %parallel_loop3A_836 = vector.extract_strided_slice %parallel_loop3A_710 {offsets = [7], sizes = [1], strides = [1]} : vector<16xf32> to vector<1xf32>
        %parallel_loop3A_837 = vector.extract %parallel_loop3A_836[0] : f32 from vector<1xf32>
        %parallel_loop3A_838 = vector.broadcast %parallel_loop3A_837 : f32 to vector<16xf32>
        %parallel_loop3A_839 = arith.mulf %parallel_loop3A_835, %parallel_loop3A_838 : vector<16xf32>
        %parallel_loop3A_840 = arith.constant 0 : i32
        %parallel_loop3A_841 = arith.index_cast %parallel_loop3A_840 : i32 to index
        %parallel_loop3A_842 = arith.index_cast %parallel_loop3A_662 : i32 to index
        %parallel_loop3A_843 = arith.constant 112 : index
        %parallel_loop3A_844 = tpu.vector_load %arg11[%parallel_loop3A_841, %parallel_loop3A_842, %parallel_loop3A_843] {strides = array<i32>} : memref<2x64x128xf32, #tpu.memory_space<vmem>>, vector<1x1x16xf32>,
        %parallel_loop3A_845 = vector.shape_cast %parallel_loop3A_844 : vector<1x1x16xf32> to vector<16xf32>
        %parallel_loop3A_846 = vector.shape_cast %parallel_loop3A_839 : vector<16xf32> to vector<1x1x16xf32>
        tpu.vector_store %arg11[%parallel_loop3A_841, %parallel_loop3A_842, %parallel_loop3A_843], %parallel_loop3A_846 {strides = array<i32>} : memref<2x64x128xf32, #tpu.memory_space<vmem>>, vector<1x1x16xf32>,
      } {sc.loop_unroll_factor = 4 : i64, sc.parallel_access}
      %run_scoped3A_414 = arith.constant 0 : i32
      %run_scoped3A_415 = arith.constant 0 : i32
      "tpu.region"() ({
        %run_scoped3A_662 = tpu.sem_alloc : memref<!tpu.dma_semaphore, #tpu.memory_space<semaphore_mem>>
        %dma_start3A_663 = arith.constant 0 : i32
        %dma_start3A_664 = arith.constant 0 : i32
        %dma_start3A_665 = tpu.memref_slice %arg11[%run_scoped3A_414, %dma_start3A_663, %dma_start3A_664] : memref<2x64x128xf32, #tpu.memory_space<vmem>> -> memref<1x64x128xf32, #tpu.memory_space<vmem>>
        %dma_start3A_666 = tpu.memref_squeeze %dma_start3A_665 : memref<1x64x128xf32, #tpu.memory_space<vmem>> -> memref<64x128xf32, #tpu.memory_space<vmem>>
        %dma_start3A_667 = arith.constant 0 : i32
        %dma_start3A_668 = tpu.memref_slice %arg9[%run_scoped3A_415, %dma_start3A_667] : memref<2x64xi32, #tpu.memory_space<vmem>> -> memref<1x64xi32, #tpu.memory_space<vmem>>
        %dma_start3A_669 = tpu.memref_squeeze %dma_start3A_668 : memref<1x64xi32, #tpu.memory_space<vmem>> -> memref<64xi32, #tpu.memory_space<vmem>>
        %dma_start3A_670 = arith.constant 0 : i32
        %dma_start3A_671 = arith.constant 0 : i32
        %dma_start3A_672 = tpu.memref_slice %arg7[%dma_start3A_670, %dma_start3A_671] : memref<10008x128xf32, #tpu.memory_space<vmem_shared>> -> memref<10008x128xf32, #tpu.memory_space<vmem_shared>>
        tpu.enqueue_indirect_dma source(%dma_start3A_666 : memref<64x128xf32, #tpu.memory_space<vmem>>) target(%dma_start3A_672 : memref<10008x128xf32, #tpu.memory_space<vmem_shared>>) offsets(%dma_start3A_669 : memref<64xi32, #tpu.memory_space<vmem>>) semaphore(%run_scoped3A_662 : memref<!tpu.dma_semaphore, #tpu.memory_space<semaphore_mem>>) {add = true}
        %dma_wait3A_673 = arith.constant 0 : i32
        %dma_wait3A_674 = arith.constant 0 : i32
        %dma_wait3A_675 = tpu.memref_slice %arg11[%run_scoped3A_414, %dma_wait3A_673, %dma_wait3A_674] : memref<2x64x128xf32, #tpu.memory_space<vmem>> -> memref<1x64x128xf32, #tpu.memory_space<vmem>>
        %dma_wait3A_676 = tpu.memref_squeeze %dma_wait3A_675 : memref<1x64x128xf32, #tpu.memory_space<vmem>> -> memref<64x128xf32, #tpu.memory_space<vmem>>
        %dma_wait3A_677 = arith.constant 0 : i32
        %dma_wait3A_678 = tpu.memref_slice %arg9[%run_scoped3A_415, %dma_wait3A_677] : memref<2x64xi32, #tpu.memory_space<vmem>> -> memref<1x64xi32, #tpu.memory_space<vmem>>
        %dma_wait3A_679 = tpu.memref_squeeze %dma_wait3A_678 : memref<1x64xi32, #tpu.memory_space<vmem>> -> memref<64xi32, #tpu.memory_space<vmem>>
        %dma_wait3A_680 = arith.constant 0 : i32
        %dma_wait3A_681 = arith.constant 0 : i32
        %dma_wait3A_682 = tpu.memref_slice %arg7[%dma_wait3A_680, %dma_wait3A_681] : memref<10008x128xf32, #tpu.memory_space<vmem_shared>> -> memref<10008x128xf32, #tpu.memory_space<vmem_shared>>
        tpu.wait_indirect_dma semaphore(%run_scoped3A_662 : memref<!tpu.dma_semaphore, #tpu.memory_space<semaphore_mem>>) src(%dma_wait3A_676 : memref<64x128xf32, #tpu.memory_space<vmem>>) dst(%dma_wait3A_682 : memref<10008x128xf32, #tpu.memory_space<vmem_shared>>)
        tpu.yield
      }) : () -> ()
      %add3A_416 = arith.constant 2 : i32
      %add3A_417 = arith.addi %mul3A_304, %add3A_416 : i32
      %mul3A_418 = arith.constant 161792 : i32
      %mul3A_419 = arith.muli %arg0, %mul3A_418 : i32
      %mul3A_420 = arith.constant 16 : i32
      %mul3A_421 = arith.muli %add3A_417, %mul3A_420 : i32
      %add3A_422 = arith.addi %mul3A_421, %arg1 : i32
      %mul3A_423 = arith.constant 64 : i32
      %mul3A_424 = arith.muli %add3A_422, %mul3A_423 : i32
      %add3A_425 = arith.addi %mul3A_419, %mul3A_424 : i32
      %dma_start3A_426 = arith.constant 0 : i32
      %dma_start3A_427 = arith.constant 0 : i32
      %dma_start3A_428 = tpu.memref_slice %arg8[%dma_start3A_426, %dma_start3A_427] : memref<2x64xi32, #tpu.memory_space<vmem>> -> memref<1x64xi32, #tpu.memory_space<vmem>>
      %dma_start3A_429 = tpu.memref_squeeze %dma_start3A_428 : memref<1x64xi32, #tpu.memory_space<vmem>> -> memref<64xi32, #tpu.memory_space<vmem>>
      %dma_start3A_430 = tpu.memref_slice %arg4[%add3A_425] : memref<323584xi32, #tpu.memory_space<hbm>> -> memref<64xi32, #tpu.memory_space<hbm>>
      %dma_start3A_431 = arith.constant 0 : i32
      %dma_start3A_432 = tpu.memref_slice %arg8[%dma_start3A_426, %dma_start3A_431] : memref<2x64xi32, #tpu.memory_space<vmem>> -> memref<1x64xi32, #tpu.memory_space<vmem>>
      %dma_start3A_433 = tpu.memref_squeeze %dma_start3A_432 : memref<1x64xi32, #tpu.memory_space<vmem>> -> memref<64xi32, #tpu.memory_space<vmem>>
      %dma_start3A_434 = tpu.memref_slice %arg4[%add3A_425] : memref<323584xi32, #tpu.memory_space<hbm>> -> memref<64xi32, #tpu.memory_space<hbm>>
      tpu.enqueue_dma source(%dma_start3A_434 : memref<64xi32, #tpu.memory_space<hbm>>) target(%dma_start3A_433 : memref<64xi32, #tpu.memory_space<vmem>>) target_semaphore(%arg13 : memref<!tpu.dma_semaphore, #tpu.memory_space<semaphore_mem>>)
      %dma_start3A_435 = arith.constant 0 : i32
      %dma_start3A_436 = arith.constant 0 : i32
      %dma_start3A_437 = tpu.memref_slice %arg9[%dma_start3A_435, %dma_start3A_436] : memref<2x64xi32, #tpu.memory_space<vmem>> -> memref<1x64xi32, #tpu.memory_space<vmem>>
      %dma_start3A_438 = tpu.memref_squeeze %dma_start3A_437 : memref<1x64xi32, #tpu.memory_space<vmem>> -> memref<64xi32, #tpu.memory_space<vmem>>
      %dma_start3A_439 = tpu.memref_slice %arg5[%add3A_425] : memref<323584xi32, #tpu.memory_space<hbm>> -> memref<64xi32, #tpu.memory_space<hbm>>
      %dma_start3A_440 = arith.constant 0 : i32
      %dma_start3A_441 = tpu.memref_slice %arg9[%dma_start3A_435, %dma_start3A_440] : memref<2x64xi32, #tpu.memory_space<vmem>> -> memref<1x64xi32, #tpu.memory_space<vmem>>
      %dma_start3A_442 = tpu.memref_squeeze %dma_start3A_441 : memref<1x64xi32, #tpu.memory_space<vmem>> -> memref<64xi32, #tpu.memory_space<vmem>>
      %dma_start3A_443 = tpu.memref_slice %arg5[%add3A_425] : memref<323584xi32, #tpu.memory_space<hbm>> -> memref<64xi32, #tpu.memory_space<hbm>>
      tpu.enqueue_dma source(%dma_start3A_443 : memref<64xi32, #tpu.memory_space<hbm>>) target(%dma_start3A_442 : memref<64xi32, #tpu.memory_space<vmem>>) target_semaphore(%arg15 : memref<!tpu.dma_semaphore, #tpu.memory_space<semaphore_mem>>)
      %jit3A_444 = arith.constant 8 : i32
      %div3A_445 = arith.divsi %add3A_425, %jit3A_444 : i32
      %sign3A_446 = arith.constant 0 : i32
      %sign3A_447 = arith.cmpi sgt, %add3A_425, %sign3A_446 : i32
      %sign3A_448 = arith.extui %sign3A_447 : i1 to i32
      %sign3A_449 = arith.constant 0 : i32
      %sign3A_450 = arith.cmpi slt, %add3A_425, %sign3A_449 : i32
      %sign3A_451 = arith.extui %sign3A_450 : i1 to i32
      %sign3A_452 = arith.subi %sign3A_448, %sign3A_451 : i32
      %sign3A_453 = arith.constant 0 : i32
      %sign3A_454 = arith.cmpi sgt, %jit3A_444, %sign3A_453 : i32
      %sign3A_455 = arith.extui %sign3A_454 : i1 to i32
      %sign3A_456 = arith.constant 0 : i32
      %sign3A_457 = arith.cmpi slt, %jit3A_444, %sign3A_456 : i32
      %sign3A_458 = arith.extui %sign3A_457 : i1 to i32
      %sign3A_459 = arith.subi %sign3A_455, %sign3A_458 : i32
      %ne3A_460 = arith.cmpi ne, %sign3A_452, %sign3A_459 : i32
      %rem3A_461 = arith.remsi %add3A_425, %jit3A_444 : i32
      %ne3A_462 = arith.constant 0 : i32
      %ne3A_463 = arith.cmpi ne, %rem3A_461, %ne3A_462 : i32
      %and3A_464 = arith.andi %ne3A_460, %ne3A_463 : i1
      %sub3A_465 = arith.constant 1 : i32
      %sub3A_466 = arith.subi %div3A_445, %sub3A_465 : i32
      %select_n3A_467 = arith.select %and3A_464, %sub3A_466, %div3A_445 : i32
      %multiple_of3A_468 = tpu.assume_multiple %select_n3A_467, 8 : i32
      %dma_start3A_469 = arith.constant 0 : i32
      %dma_start3A_470 = arith.constant 0 : i32
      %dma_start3A_471 = arith.constant 0 : i32
      %dma_start3A_472 = tpu.memref_slice %arg10[%dma_start3A_469, %dma_start3A_470, %dma_start3A_471] : memref<2x8x128xf32, #tpu.memory_space<vmem>> -> memref<1x8x128xf32, #tpu.memory_space<vmem>>
      %dma_start3A_473 = tpu.memref_squeeze %dma_start3A_472 : memref<1x8x128xf32, #tpu.memory_space<vmem>> -> memref<8x128xf32, #tpu.memory_space<vmem>>
      %dma_start3A_474 = arith.constant 0 : i32
      %dma_start3A_475 = tpu.memref_slice %arg3[%multiple_of3A_468, %dma_start3A_474] : memref<40448x128xf32, #tpu.memory_space<hbm>> -> memref<8x128xf32, #tpu.memory_space<hbm>>
      %dma_start3A_476 = arith.constant 0 : i32
      %dma_start3A_477 = arith.constant 0 : i32
      %dma_start3A_478 = tpu.memref_slice %arg10[%dma_start3A_469, %dma_start3A_476, %dma_start3A_477] : memref<2x8x128xf32, #tpu.memory_space<vmem>> -> memref<1x8x128xf32, #tpu.memory_space<vmem>>
      %dma_start3A_479 = tpu.memref_squeeze %dma_start3A_478 : memref<1x8x128xf32, #tpu.memory_space<vmem>> -> memref<8x128xf32, #tpu.memory_space<vmem>>
      %dma_start3A_480 = arith.constant 0 : i32
      %dma_start3A_481 = tpu.memref_slice %arg3[%multiple_of3A_468, %dma_start3A_480] : memref<40448x128xf32, #tpu.memory_space<hbm>> -> memref<8x128xf32, #tpu.memory_space<hbm>>
      tpu.enqueue_dma source(%dma_start3A_481 : memref<8x128xf32, #tpu.memory_space<hbm>>) target(%dma_start3A_479 : memref<8x128xf32, #tpu.memory_space<vmem>>) target_semaphore(%arg15 : memref<!tpu.dma_semaphore, #tpu.memory_space<semaphore_mem>>)
      %add3A_482 = arith.constant 2 : i32
      %add3A_483 = arith.addi %mul3A_304, %add3A_482 : i32
      %mul3A_484 = arith.constant 161792 : i32
      %mul3A_485 = arith.muli %arg0, %mul3A_484 : i32
      %mul3A_486 = arith.constant 16 : i32
      %mul3A_487 = arith.muli %add3A_483, %mul3A_486 : i32
      %add3A_488 = arith.addi %mul3A_487, %arg1 : i32
      %mul3A_489 = arith.constant 64 : i32
      %mul3A_490 = arith.muli %add3A_488, %mul3A_489 : i32
      %add3A_491 = arith.addi %mul3A_485, %mul3A_490 : i32
      %dma_wait3A_492 = arith.constant 0 : i32
      %dma_wait3A_493 = arith.constant 0 : i32
      %dma_wait3A_494 = tpu.memref_slice %arg8[%dma_wait3A_492, %dma_wait3A_493] : memref<2x64xi32, #tpu.memory_space<vmem>> -> memref<1x64xi32, #tpu.memory_space<vmem>>
      %dma_wait3A_495 = tpu.memref_squeeze %dma_wait3A_494 : memref<1x64xi32, #tpu.memory_space<vmem>> -> memref<64xi32, #tpu.memory_space<vmem>>
      %dma_wait3A_496 = tpu.memref_slice %arg4[%add3A_491] : memref<323584xi32, #tpu.memory_space<hbm>> -> memref<64xi32, #tpu.memory_space<hbm>>
      %dma_wait3A_497 = arith.constant 0 : i32
      %dma_wait3A_498 = tpu.memref_slice %arg8[%dma_wait3A_492, %dma_wait3A_497] : memref<2x64xi32, #tpu.memory_space<vmem>> -> memref<1x64xi32, #tpu.memory_space<vmem>>
      %dma_wait3A_499 = tpu.memref_squeeze %dma_wait3A_498 : memref<1x64xi32, #tpu.memory_space<vmem>> -> memref<64xi32, #tpu.memory_space<vmem>>
      %dma_wait3A_500 = tpu.memref_slice %arg4[%add3A_491] : memref<323584xi32, #tpu.memory_space<hbm>> -> memref<64xi32, #tpu.memory_space<hbm>>
      tpu.wait_dma2 semaphore(%arg13 : memref<!tpu.dma_semaphore, #tpu.memory_space<semaphore_mem>>) src(%dma_wait3A_500 : memref<64xi32, #tpu.memory_space<hbm>>) dst(%dma_wait3A_499 : memref<64xi32, #tpu.memory_space<vmem>>)
      %dma_start3A_501 = arith.constant 0 : i32
      %dma_start3A_502 = arith.constant 0 : i32
      %dma_start3A_503 = arith.constant 0 : i32
      %dma_start3A_504 = arith.constant 0 : i32
      %dma_start3A_505 = tpu.memref_slice %arg11[%dma_start3A_502, %dma_start3A_503, %dma_start3A_504] : memref<2x64x128xf32, #tpu.memory_space<vmem>> -> memref<1x64x128xf32, #tpu.memory_space<vmem>>
      %dma_start3A_506 = tpu.memref_squeeze %dma_start3A_505 : memref<1x64x128xf32, #tpu.memory_space<vmem>> -> memref<64x128xf32, #tpu.memory_space<vmem>>
      %dma_start3A_507 = arith.constant 0 : i32
      %dma_start3A_508 = tpu.memref_slice %arg8[%dma_start3A_501, %dma_start3A_507] : memref<2x64xi32, #tpu.memory_space<vmem>> -> memref<1x64xi32, #tpu.memory_space<vmem>>
      %dma_start3A_509 = tpu.memref_squeeze %dma_start3A_508 : memref<1x64xi32, #tpu.memory_space<vmem>> -> memref<64xi32, #tpu.memory_space<vmem>>
      %dma_start3A_510 = arith.constant 0 : i32
      %dma_start3A_511 = arith.constant 0 : i32
      %dma_start3A_512 = tpu.memref_slice %arg2[%arg0, %dma_start3A_510, %dma_start3A_511] : memref<2x10000x128xf32, #tpu.memory_space<hbm>> -> memref<1x10000x128xf32, #tpu.memory_space<hbm>>
      %dma_start3A_513 = tpu.memref_squeeze %dma_start3A_512 : memref<1x10000x128xf32, #tpu.memory_space<hbm>> -> memref<10000x128xf32, #tpu.memory_space<hbm>>
      %dma_start3A_514 = arith.constant 0 : i32
      %dma_start3A_515 = arith.constant 0 : i32
      %dma_start3A_516 = tpu.memref_slice %dma_start3A_513[%dma_start3A_514, %dma_start3A_515] : memref<10000x128xf32, #tpu.memory_space<hbm>> -> memref<10000x128xf32, #tpu.memory_space<hbm>>
      tpu.enqueue_indirect_dma source(%dma_start3A_516 : memref<10000x128xf32, #tpu.memory_space<hbm>>) target(%dma_start3A_506 : memref<64x128xf32, #tpu.memory_space<vmem>>) offsets(%dma_start3A_509 : memref<64xi32, #tpu.memory_space<vmem>>) semaphore(%arg17 : memref<!tpu.dma_semaphore, #tpu.memory_space<semaphore_mem>>)
      %add3A_517 = arith.constant 1 : i32
      %add3A_518 = arith.addi %mul3A_304, %add3A_517 : i32
      %mul3A_519 = arith.constant 161792 : i32
      %mul3A_520 = arith.muli %arg0, %mul3A_519 : i32
      %mul3A_521 = arith.constant 16 : i32
      %mul3A_522 = arith.muli %add3A_518, %mul3A_521 : i32
      %add3A_523 = arith.addi %mul3A_522, %arg1 : i32
      %mul3A_524 = arith.constant 64 : i32
      %mul3A_525 = arith.muli %add3A_523, %mul3A_524 : i32
      %add3A_526 = arith.addi %mul3A_520, %mul3A_525 : i32
      %dma_wait3A_527 = arith.constant 1 : i32
      %dma_wait3A_528 = arith.constant 0 : i32
      %dma_wait3A_529 = tpu.memref_slice %arg9[%dma_wait3A_527, %dma_wait3A_528] : memref<2x64xi32, #tpu.memory_space<vmem>> -> memref<1x64xi32, #tpu.memory_space<vmem>>
      %dma_wait3A_530 = tpu.memref_squeeze %dma_wait3A_529 : memref<1x64xi32, #tpu.memory_space<vmem>> -> memref<64xi32, #tpu.memory_space<vmem>>
      %dma_wait3A_531 = tpu.memref_slice %arg5[%add3A_526] : memref<323584xi32, #tpu.memory_space<hbm>> -> memref<64xi32, #tpu.memory_space<hbm>>
      %dma_wait3A_532 = arith.constant 0 : i32
      %dma_wait3A_533 = tpu.memref_slice %arg9[%dma_wait3A_527, %dma_wait3A_532] : memref<2x64xi32, #tpu.memory_space<vmem>> -> memref<1x64xi32, #tpu.memory_space<vmem>>
      %dma_wait3A_534 = tpu.memref_squeeze %dma_wait3A_533 : memref<1x64xi32, #tpu.memory_space<vmem>> -> memref<64xi32, #tpu.memory_space<vmem>>
      %dma_wait3A_535 = tpu.memref_slice %arg5[%add3A_526] : memref<323584xi32, #tpu.memory_space<hbm>> -> memref<64xi32, #tpu.memory_space<hbm>>
      tpu.wait_dma2 semaphore(%arg16 : memref<!tpu.dma_semaphore, #tpu.memory_space<semaphore_mem>>) src(%dma_wait3A_535 : memref<64xi32, #tpu.memory_space<hbm>>) dst(%dma_wait3A_534 : memref<64xi32, #tpu.memory_space<vmem>>)
      %jit3A_536 = arith.constant 8 : i32
      %div3A_537 = arith.divsi %add3A_526, %jit3A_536 : i32
      %sign3A_538 = arith.constant 0 : i32
      %sign3A_539 = arith.cmpi sgt, %add3A_526, %sign3A_538 : i32
      %sign3A_540 = arith.extui %sign3A_539 : i1 to i32
      %sign3A_541 = arith.constant 0 : i32
      %sign3A_542 = arith.cmpi slt, %add3A_526, %sign3A_541 : i32
      %sign3A_543 = arith.extui %sign3A_542 : i1 to i32
      %sign3A_544 = arith.subi %sign3A_540, %sign3A_543 : i32
      %sign3A_545 = arith.constant 0 : i32
      %sign3A_546 = arith.cmpi sgt, %jit3A_536, %sign3A_545 : i32
      %sign3A_547 = arith.extui %sign3A_546 : i1 to i32
      %sign3A_548 = arith.constant 0 : i32
      %sign3A_549 = arith.cmpi slt, %jit3A_536, %sign3A_548 : i32
      %sign3A_550 = arith.extui %sign3A_549 : i1 to i32
      %sign3A_551 = arith.subi %sign3A_547, %sign3A_550 : i32
      %ne3A_552 = arith.cmpi ne, %sign3A_544, %sign3A_551 : i32
      %rem3A_553 = arith.remsi %add3A_526, %jit3A_536 : i32
      %ne3A_554 = arith.constant 0 : i32
      %ne3A_555 = arith.cmpi ne, %rem3A_553, %ne3A_554 : i32
      %and3A_556 = arith.andi %ne3A_552, %ne3A_555 : i1
      %sub3A_557 = arith.constant 1 : i32
      %sub3A_558 = arith.subi %div3A_537, %sub3A_557 : i32
      %select_n3A_559 = arith.select %and3A_556, %sub3A_558, %div3A_537 : i32
      %multiple_of3A_560 = tpu.assume_multiple %select_n3A_559, 8 : i32
      %dma_wait3A_561 = arith.constant 1 : i32
      %dma_wait3A_562 = arith.constant 0 : i32
      %dma_wait3A_563 = arith.constant 0 : i32
      %dma_wait3A_564 = tpu.memref_slice %arg10[%dma_wait3A_561, %dma_wait3A_562, %dma_wait3A_563] : memref<2x8x128xf32, #tpu.memory_space<vmem>> -> memref<1x8x128xf32, #tpu.memory_space<vmem>>
      %dma_wait3A_565 = tpu.memref_squeeze %dma_wait3A_564 : memref<1x8x128xf32, #tpu.memory_space<vmem>> -> memref<8x128xf32, #tpu.memory_space<vmem>>
      %dma_wait3A_566 = arith.constant 0 : i32
      %dma_wait3A_567 = tpu.memref_slice %arg3[%multiple_of3A_560, %dma_wait3A_566] : memref<40448x128xf32, #tpu.memory_space<hbm>> -> memref<8x128xf32, #tpu.memory_space<hbm>>
      %dma_wait3A_568 = arith.constant 0 : i32
      %dma_wait3A_569 = arith.constant 0 : i32
      %dma_wait3A_570 = tpu.memref_slice %arg10[%dma_wait3A_561, %dma_wait3A_568, %dma_wait3A_569] : memref<2x8x128xf32, #tpu.memory_space<vmem>> -> memref<1x8x128xf32, #tpu.memory_space<vmem>>
      %dma_wait3A_571 = tpu.memref_squeeze %dma_wait3A_570 : memref<1x8x128xf32, #tpu.memory_space<vmem>> -> memref<8x128xf32, #tpu.memory_space<vmem>>
      %dma_wait3A_572 = arith.constant 0 : i32
      %dma_wait3A_573 = tpu.memref_slice %arg3[%multiple_of3A_560, %dma_wait3A_572] : memref<40448x128xf32, #tpu.memory_space<hbm>> -> memref<8x128xf32, #tpu.memory_space<hbm>>
      tpu.wait_dma2 semaphore(%arg16 : memref<!tpu.dma_semaphore, #tpu.memory_space<semaphore_mem>>) src(%dma_wait3A_573 : memref<8x128xf32, #tpu.memory_space<hbm>>) dst(%dma_wait3A_571 : memref<8x128xf32, #tpu.memory_space<vmem>>)
      %dma_wait3A_574 = arith.constant 1 : i32
      %dma_wait3A_575 = arith.constant 1 : i32
      %dma_wait3A_576 = arith.constant 0 : i32
      %dma_wait3A_577 = arith.constant 0 : i32
      %dma_wait3A_578 = tpu.memref_slice %arg11[%dma_wait3A_575, %dma_wait3A_576, %dma_wait3A_577] : memref<2x64x128xf32, #tpu.memory_space<vmem>> -> memref<1x64x128xf32, #tpu.memory_space<vmem>>
      %dma_wait3A_579 = tpu.memref_squeeze %dma_wait3A_578 : memref<1x64x128xf32, #tpu.memory_space<vmem>> -> memref<64x128xf32, #tpu.memory_space<vmem>>
      %dma_wait3A_580 = arith.constant 0 : i32
      %dma_wait3A_581 = tpu.memref_slice %arg8[%dma_wait3A_574, %dma_wait3A_580] : memref<2x64xi32, #tpu.memory_space<vmem>> -> memref<1x64xi32, #tpu.memory_space<vmem>>
      %dma_wait3A_582 = tpu.memref_squeeze %dma_wait3A_581 : memref<1x64xi32, #tpu.memory_space<vmem>> -> memref<64xi32, #tpu.memory_space<vmem>>
      %dma_wait3A_583 = arith.constant 0 : i32
      %dma_wait3A_584 = arith.constant 0 : i32
      %dma_wait3A_585 = tpu.memref_slice %arg2[%arg0, %dma_wait3A_583, %dma_wait3A_584] : memref<2x10000x128xf32, #tpu.memory_space<hbm>> -> memref<1x10000x128xf32, #tpu.memory_space<hbm>>
      %dma_wait3A_586 = tpu.memref_squeeze %dma_wait3A_585 : memref<1x10000x128xf32, #tpu.memory_space<hbm>> -> memref<10000x128xf32, #tpu.memory_space<hbm>>
      %dma_wait3A_587 = arith.constant 0 : i32
      %dma_wait3A_588 = arith.constant 0 : i32
      %dma_wait3A_589 = tpu.memref_slice %dma_wait3A_586[%dma_wait3A_587, %dma_wait3A_588] : memref<10000x128xf32, #tpu.memory_space<hbm>> -> memref<10000x128xf32, #tpu.memory_space<hbm>>
      tpu.wait_indirect_dma semaphore(%arg18 : memref<!tpu.dma_semaphore, #tpu.memory_space<semaphore_mem>>) src(%dma_wait3A_589 : memref<10000x128xf32, #tpu.memory_space<hbm>>) dst(%dma_wait3A_579 : memref<64x128xf32, #tpu.memory_space<vmem>>)
      %parallel_loop3A_590 = arith.constant 0 : i32
      %parallel_loop3A_591 = arith.constant 64 : i32
      %parallel_loop3A_592 = arith.constant 1 : i32
      scf.for %parallel_loop3A_662 = %parallel_loop3A_590 to %parallel_loop3A_591 step %parallel_loop3A_592  : i32 {
        %parallel_loop3A_663 = arith.constant 8 : i32
        %parallel_loop3A_664 = arith.divsi %parallel_loop3A_662, %parallel_loop3A_663 : i32
        %parallel_loop3A_665 = arith.constant 0 : i32
        %parallel_loop3A_666 = arith.cmpi sgt, %parallel_loop3A_662, %parallel_loop3A_665 : i32
        %parallel_loop3A_667 = arith.extui %parallel_loop3A_666 : i1 to i32
        %parallel_loop3A_668 = arith.constant 0 : i32
        %parallel_loop3A_669 = arith.cmpi slt, %parallel_loop3A_662, %parallel_loop3A_668 : i32
        %parallel_loop3A_670 = arith.extui %parallel_loop3A_669 : i1 to i32
        %parallel_loop3A_671 = arith.subi %parallel_loop3A_667, %parallel_loop3A_670 : i32
        %parallel_loop3A_672 = arith.constant 0 : i32
        %parallel_loop3A_673 = arith.cmpi sgt, %parallel_loop3A_663, %parallel_loop3A_672 : i32
        %parallel_loop3A_674 = arith.extui %parallel_loop3A_673 : i1 to i32
        %parallel_loop3A_675 = arith.constant 0 : i32
        %parallel_loop3A_676 = arith.cmpi slt, %parallel_loop3A_663, %parallel_loop3A_675 : i32
        %parallel_loop3A_677 = arith.extui %parallel_loop3A_676 : i1 to i32
        %parallel_loop3A_678 = arith.subi %parallel_loop3A_674, %parallel_loop3A_677 : i32
        %parallel_loop3A_679 = arith.cmpi ne, %parallel_loop3A_671, %parallel_loop3A_678 : i32
        %parallel_loop3A_680 = arith.remsi %parallel_loop3A_662, %parallel_loop3A_663 : i32
        %parallel_loop3A_681 = arith.constant 0 : i32
        %parallel_loop3A_682 = arith.cmpi ne, %parallel_loop3A_680, %parallel_loop3A_681 : i32
        %parallel_loop3A_683 = arith.andi %parallel_loop3A_679, %parallel_loop3A_682 : i1
        %parallel_loop3A_684 = arith.constant 1 : i32
        %parallel_loop3A_685 = arith.subi %parallel_loop3A_664, %parallel_loop3A_684 : i32
        %parallel_loop3A_686 = arith.select %parallel_loop3A_683, %parallel_loop3A_685, %parallel_loop3A_664 : i32
        %parallel_loop3A_687 = arith.constant 8 : i32
        %parallel_loop3A_688 = arith.constant 0 : i32
        %parallel_loop3A_689 = arith.cmpi eq, %parallel_loop3A_687, %parallel_loop3A_688 : i32
        %parallel_loop3A_690 = arith.constant 1 : i32
        %parallel_loop3A_691 = arith.select %parallel_loop3A_689, %parallel_loop3A_690, %parallel_loop3A_687 : i32
        %parallel_loop3A_692 = arith.remsi %parallel_loop3A_662, %parallel_loop3A_691 : i32
        %parallel_loop3A_693 = arith.constant 0 : i32
        %parallel_loop3A_694 = arith.cmpi ne, %parallel_loop3A_692, %parallel_loop3A_693 : i32
        %parallel_loop3A_695 = arith.constant 0 : i32
        %parallel_loop3A_696 = arith.cmpi slt, %parallel_loop3A_692, %parallel_loop3A_695 : i32
        %parallel_loop3A_697 = arith.constant 0 : i32
        %parallel_loop3A_698 = arith.cmpi slt, %parallel_loop3A_691, %parallel_loop3A_697 : i32
        %parallel_loop3A_699 = arith.xori %parallel_loop3A_696, %parallel_loop3A_698 : i1
        %parallel_loop3A_700 = arith.andi %parallel_loop3A_699, %parallel_loop3A_694 : i1
        %parallel_loop3A_701 = arith.addi %parallel_loop3A_692, %parallel_loop3A_691 : i32
        %parallel_loop3A_702 = arith.select %parallel_loop3A_700, %parallel_loop3A_701, %parallel_loop3A_692 : i32
        %parallel_loop3A_703 = arith.constant 16 : i32
        %parallel_loop3A_704 = arith.muli %parallel_loop3A_702, %parallel_loop3A_703 : i32
        %parallel_loop3A_705 = arith.constant 1 : i32
        %parallel_loop3A_706 = arith.index_cast %parallel_loop3A_705 : i32 to index
        %parallel_loop3A_707 = arith.index_cast %parallel_loop3A_686 : i32 to index
        %parallel_loop3A_708 = arith.index_cast %parallel_loop3A_704 : i32 to index
        %parallel_loop3A_709 = tpu.vector_load %arg10[%parallel_loop3A_706, %parallel_loop3A_707, %parallel_loop3A_708] {strides = array<i32>} : memref<2x8x128xf32, #tpu.memory_space<vmem>>, vector<1x1x16xf32>,
        %parallel_loop3A_710 = vector.shape_cast %parallel_loop3A_709 : vector<1x1x16xf32> to vector<16xf32>
        %parallel_loop3A_711 = arith.constant 1 : i32
        %parallel_loop3A_712 = arith.index_cast %parallel_loop3A_711 : i32 to index
        %parallel_loop3A_713 = arith.index_cast %parallel_loop3A_662 : i32 to index
        %parallel_loop3A_714 = arith.constant 0 : index
        %parallel_loop3A_715 = tpu.vector_load %arg11[%parallel_loop3A_712, %parallel_loop3A_713, %parallel_loop3A_714] {strides = array<i32>} : memref<2x64x128xf32, #tpu.memory_space<vmem>>, vector<1x1x16xf32>,
        %parallel_loop3A_716 = vector.shape_cast %parallel_loop3A_715 : vector<1x1x16xf32> to vector<16xf32>
        %parallel_loop3A_717 = vector.extract_strided_slice %parallel_loop3A_710 {offsets = [0], sizes = [1], strides = [1]} : vector<16xf32> to vector<1xf32>
        %parallel_loop3A_718 = vector.extract %parallel_loop3A_717[0] : f32 from vector<1xf32>
        %parallel_loop3A_719 = vector.broadcast %parallel_loop3A_718 : f32 to vector<16xf32>
        %parallel_loop3A_720 = arith.mulf %parallel_loop3A_716, %parallel_loop3A_719 : vector<16xf32>
        %parallel_loop3A_721 = arith.constant 1 : i32
        %parallel_loop3A_722 = arith.index_cast %parallel_loop3A_721 : i32 to index
        %parallel_loop3A_723 = arith.index_cast %parallel_loop3A_662 : i32 to index
        %parallel_loop3A_724 = arith.constant 0 : index
        %parallel_loop3A_725 = tpu.vector_load %arg11[%parallel_loop3A_722, %parallel_loop3A_723, %parallel_loop3A_724] {strides = array<i32>} : memref<2x64x128xf32, #tpu.memory_space<vmem>>, vector<1x1x16xf32>,
        %parallel_loop3A_726 = vector.shape_cast %parallel_loop3A_725 : vector<1x1x16xf32> to vector<16xf32>
        %parallel_loop3A_727 = vector.shape_cast %parallel_loop3A_720 : vector<16xf32> to vector<1x1x16xf32>
        tpu.vector_store %arg11[%parallel_loop3A_722, %parallel_loop3A_723, %parallel_loop3A_724], %parallel_loop3A_727 {strides = array<i32>} : memref<2x64x128xf32, #tpu.memory_space<vmem>>, vector<1x1x16xf32>,
        %parallel_loop3A_728 = arith.constant 1 : i32
        %parallel_loop3A_729 = arith.index_cast %parallel_loop3A_728 : i32 to index
        %parallel_loop3A_730 = arith.index_cast %parallel_loop3A_662 : i32 to index
        %parallel_loop3A_731 = arith.constant 16 : index
        %parallel_loop3A_732 = tpu.vector_load %arg11[%parallel_loop3A_729, %parallel_loop3A_730, %parallel_loop3A_731] {strides = array<i32>} : memref<2x64x128xf32, #tpu.memory_space<vmem>>, vector<1x1x16xf32>,
        %parallel_loop3A_733 = vector.shape_cast %parallel_loop3A_732 : vector<1x1x16xf32> to vector<16xf32>
        %parallel_loop3A_734 = vector.extract_strided_slice %parallel_loop3A_710 {offsets = [1], sizes = [1], strides = [1]} : vector<16xf32> to vector<1xf32>
        %parallel_loop3A_735 = vector.extract %parallel_loop3A_734[0] : f32 from vector<1xf32>
        %parallel_loop3A_736 = vector.broadcast %parallel_loop3A_735 : f32 to vector<16xf32>
        %parallel_loop3A_737 = arith.mulf %parallel_loop3A_733, %parallel_loop3A_736 : vector<16xf32>
        %parallel_loop3A_738 = arith.constant 1 : i32
        %parallel_loop3A_739 = arith.index_cast %parallel_loop3A_738 : i32 to index
        %parallel_loop3A_740 = arith.index_cast %parallel_loop3A_662 : i32 to index
        %parallel_loop3A_741 = arith.constant 16 : index
        %parallel_loop3A_742 = tpu.vector_load %arg11[%parallel_loop3A_739, %parallel_loop3A_740, %parallel_loop3A_741] {strides = array<i32>} : memref<2x64x128xf32, #tpu.memory_space<vmem>>, vector<1x1x16xf32>,
        %parallel_loop3A_743 = vector.shape_cast %parallel_loop3A_742 : vector<1x1x16xf32> to vector<16xf32>
        %parallel_loop3A_744 = vector.shape_cast %parallel_loop3A_737 : vector<16xf32> to vector<1x1x16xf32>
        tpu.vector_store %arg11[%parallel_loop3A_739, %parallel_loop3A_740, %parallel_loop3A_741], %parallel_loop3A_744 {strides = array<i32>} : memref<2x64x128xf32, #tpu.memory_space<vmem>>, vector<1x1x16xf32>,
        %parallel_loop3A_745 = arith.constant 1 : i32
        %parallel_loop3A_746 = arith.index_cast %parallel_loop3A_745 : i32 to index
        %parallel_loop3A_747 = arith.index_cast %parallel_loop3A_662 : i32 to index
        %parallel_loop3A_748 = arith.constant 32 : index
        %parallel_loop3A_749 = tpu.vector_load %arg11[%parallel_loop3A_746, %parallel_loop3A_747, %parallel_loop3A_748] {strides = array<i32>} : memref<2x64x128xf32, #tpu.memory_space<vmem>>, vector<1x1x16xf32>,
        %parallel_loop3A_750 = vector.shape_cast %parallel_loop3A_749 : vector<1x1x16xf32> to vector<16xf32>
        %parallel_loop3A_751 = vector.extract_strided_slice %parallel_loop3A_710 {offsets = [2], sizes = [1], strides = [1]} : vector<16xf32> to vector<1xf32>
        %parallel_loop3A_752 = vector.extract %parallel_loop3A_751[0] : f32 from vector<1xf32>
        %parallel_loop3A_753 = vector.broadcast %parallel_loop3A_752 : f32 to vector<16xf32>
        %parallel_loop3A_754 = arith.mulf %parallel_loop3A_750, %parallel_loop3A_753 : vector<16xf32>
        %parallel_loop3A_755 = arith.constant 1 : i32
        %parallel_loop3A_756 = arith.index_cast %parallel_loop3A_755 : i32 to index
        %parallel_loop3A_757 = arith.index_cast %parallel_loop3A_662 : i32 to index
        %parallel_loop3A_758 = arith.constant 32 : index
        %parallel_loop3A_759 = tpu.vector_load %arg11[%parallel_loop3A_756, %parallel_loop3A_757, %parallel_loop3A_758] {strides = array<i32>} : memref<2x64x128xf32, #tpu.memory_space<vmem>>, vector<1x1x16xf32>,
        %parallel_loop3A_760 = vector.shape_cast %parallel_loop3A_759 : vector<1x1x16xf32> to vector<16xf32>
        %parallel_loop3A_761 = vector.shape_cast %parallel_loop3A_754 : vector<16xf32> to vector<1x1x16xf32>
        tpu.vector_store %arg11[%parallel_loop3A_756, %parallel_loop3A_757, %parallel_loop3A_758], %parallel_loop3A_761 {strides = array<i32>} : memref<2x64x128xf32, #tpu.memory_space<vmem>>, vector<1x1x16xf32>,
        %parallel_loop3A_762 = arith.constant 1 : i32
        %parallel_loop3A_763 = arith.index_cast %parallel_loop3A_762 : i32 to index
        %parallel_loop3A_764 = arith.index_cast %parallel_loop3A_662 : i32 to index
        %parallel_loop3A_765 = arith.constant 48 : index
        %parallel_loop3A_766 = tpu.vector_load %arg11[%parallel_loop3A_763, %parallel_loop3A_764, %parallel_loop3A_765] {strides = array<i32>} : memref<2x64x128xf32, #tpu.memory_space<vmem>>, vector<1x1x16xf32>,
        %parallel_loop3A_767 = vector.shape_cast %parallel_loop3A_766 : vector<1x1x16xf32> to vector<16xf32>
        %parallel_loop3A_768 = vector.extract_strided_slice %parallel_loop3A_710 {offsets = [3], sizes = [1], strides = [1]} : vector<16xf32> to vector<1xf32>
        %parallel_loop3A_769 = vector.extract %parallel_loop3A_768[0] : f32 from vector<1xf32>
        %parallel_loop3A_770 = vector.broadcast %parallel_loop3A_769 : f32 to vector<16xf32>
        %parallel_loop3A_771 = arith.mulf %parallel_loop3A_767, %parallel_loop3A_770 : vector<16xf32>
        %parallel_loop3A_772 = arith.constant 1 : i32
        %parallel_loop3A_773 = arith.index_cast %parallel_loop3A_772 : i32 to index
        %parallel_loop3A_774 = arith.index_cast %parallel_loop3A_662 : i32 to index
        %parallel_loop3A_775 = arith.constant 48 : index
        %parallel_loop3A_776 = tpu.vector_load %arg11[%parallel_loop3A_773, %parallel_loop3A_774, %parallel_loop3A_775] {strides = array<i32>} : memref<2x64x128xf32, #tpu.memory_space<vmem>>, vector<1x1x16xf32>,
        %parallel_loop3A_777 = vector.shape_cast %parallel_loop3A_776 : vector<1x1x16xf32> to vector<16xf32>
        %parallel_loop3A_778 = vector.shape_cast %parallel_loop3A_771 : vector<16xf32> to vector<1x1x16xf32>
        tpu.vector_store %arg11[%parallel_loop3A_773, %parallel_loop3A_774, %parallel_loop3A_775], %parallel_loop3A_778 {strides = array<i32>} : memref<2x64x128xf32, #tpu.memory_space<vmem>>, vector<1x1x16xf32>,
        %parallel_loop3A_779 = arith.constant 1 : i32
        %parallel_loop3A_780 = arith.index_cast %parallel_loop3A_779 : i32 to index
        %parallel_loop3A_781 = arith.index_cast %parallel_loop3A_662 : i32 to index
        %parallel_loop3A_782 = arith.constant 64 : index
        %parallel_loop3A_783 = tpu.vector_load %arg11[%parallel_loop3A_780, %parallel_loop3A_781, %parallel_loop3A_782] {strides = array<i32>} : memref<2x64x128xf32, #tpu.memory_space<vmem>>, vector<1x1x16xf32>,
        %parallel_loop3A_784 = vector.shape_cast %parallel_loop3A_783 : vector<1x1x16xf32> to vector<16xf32>
        %parallel_loop3A_785 = vector.extract_strided_slice %parallel_loop3A_710 {offsets = [4], sizes = [1], strides = [1]} : vector<16xf32> to vector<1xf32>
        %parallel_loop3A_786 = vector.extract %parallel_loop3A_785[0] : f32 from vector<1xf32>
        %parallel_loop3A_787 = vector.broadcast %parallel_loop3A_786 : f32 to vector<16xf32>
        %parallel_loop3A_788 = arith.mulf %parallel_loop3A_784, %parallel_loop3A_787 : vector<16xf32>
        %parallel_loop3A_789 = arith.constant 1 : i32
        %parallel_loop3A_790 = arith.index_cast %parallel_loop3A_789 : i32 to index
        %parallel_loop3A_791 = arith.index_cast %parallel_loop3A_662 : i32 to index
        %parallel_loop3A_792 = arith.constant 64 : index
        %parallel_loop3A_793 = tpu.vector_load %arg11[%parallel_loop3A_790, %parallel_loop3A_791, %parallel_loop3A_792] {strides = array<i32>} : memref<2x64x128xf32, #tpu.memory_space<vmem>>, vector<1x1x16xf32>,
        %parallel_loop3A_794 = vector.shape_cast %parallel_loop3A_793 : vector<1x1x16xf32> to vector<16xf32>
        %parallel_loop3A_795 = vector.shape_cast %parallel_loop3A_788 : vector<16xf32> to vector<1x1x16xf32>
        tpu.vector_store %arg11[%parallel_loop3A_790, %parallel_loop3A_791, %parallel_loop3A_792], %parallel_loop3A_795 {strides = array<i32>} : memref<2x64x128xf32, #tpu.memory_space<vmem>>, vector<1x1x16xf32>,
        %parallel_loop3A_796 = arith.constant 1 : i32
        %parallel_loop3A_797 = arith.index_cast %parallel_loop3A_796 : i32 to index
        %parallel_loop3A_798 = arith.index_cast %parallel_loop3A_662 : i32 to index
        %parallel_loop3A_799 = arith.constant 80 : index
        %parallel_loop3A_800 = tpu.vector_load %arg11[%parallel_loop3A_797, %parallel_loop3A_798, %parallel_loop3A_799] {strides = array<i32>} : memref<2x64x128xf32, #tpu.memory_space<vmem>>, vector<1x1x16xf32>,
        %parallel_loop3A_801 = vector.shape_cast %parallel_loop3A_800 : vector<1x1x16xf32> to vector<16xf32>
        %parallel_loop3A_802 = vector.extract_strided_slice %parallel_loop3A_710 {offsets = [5], sizes = [1], strides = [1]} : vector<16xf32> to vector<1xf32>
        %parallel_loop3A_803 = vector.extract %parallel_loop3A_802[0] : f32 from vector<1xf32>
        %parallel_loop3A_804 = vector.broadcast %parallel_loop3A_803 : f32 to vector<16xf32>
        %parallel_loop3A_805 = arith.mulf %parallel_loop3A_801, %parallel_loop3A_804 : vector<16xf32>
        %parallel_loop3A_806 = arith.constant 1 : i32
        %parallel_loop3A_807 = arith.index_cast %parallel_loop3A_806 : i32 to index
        %parallel_loop3A_808 = arith.index_cast %parallel_loop3A_662 : i32 to index
        %parallel_loop3A_809 = arith.constant 80 : index
        %parallel_loop3A_810 = tpu.vector_load %arg11[%parallel_loop3A_807, %parallel_loop3A_808, %parallel_loop3A_809] {strides = array<i32>} : memref<2x64x128xf32, #tpu.memory_space<vmem>>, vector<1x1x16xf32>,
        %parallel_loop3A_811 = vector.shape_cast %parallel_loop3A_810 : vector<1x1x16xf32> to vector<16xf32>
        %parallel_loop3A_812 = vector.shape_cast %parallel_loop3A_805 : vector<16xf32> to vector<1x1x16xf32>
        tpu.vector_store %arg11[%parallel_loop3A_807, %parallel_loop3A_808, %parallel_loop3A_809], %parallel_loop3A_812 {strides = array<i32>} : memref<2x64x128xf32, #tpu.memory_space<vmem>>, vector<1x1x16xf32>,
        %parallel_loop3A_813 = arith.constant 1 : i32
        %parallel_loop3A_814 = arith.index_cast %parallel_loop3A_813 : i32 to index
        %parallel_loop3A_815 = arith.index_cast %parallel_loop3A_662 : i32 to index
        %parallel_loop3A_816 = arith.constant 96 : index
        %parallel_loop3A_817 = tpu.vector_load %arg11[%parallel_loop3A_814, %parallel_loop3A_815, %parallel_loop3A_816] {strides = array<i32>} : memref<2x64x128xf32, #tpu.memory_space<vmem>>, vector<1x1x16xf32>,
        %parallel_loop3A_818 = vector.shape_cast %parallel_loop3A_817 : vector<1x1x16xf32> to vector<16xf32>
        %parallel_loop3A_819 = vector.extract_strided_slice %parallel_loop3A_710 {offsets = [6], sizes = [1], strides = [1]} : vector<16xf32> to vector<1xf32>
        %parallel_loop3A_820 = vector.extract %parallel_loop3A_819[0] : f32 from vector<1xf32>
        %parallel_loop3A_821 = vector.broadcast %parallel_loop3A_820 : f32 to vector<16xf32>
        %parallel_loop3A_822 = arith.mulf %parallel_loop3A_818, %parallel_loop3A_821 : vector<16xf32>
        %parallel_loop3A_823 = arith.constant 1 : i32
        %parallel_loop3A_824 = arith.index_cast %parallel_loop3A_823 : i32 to index
        %parallel_loop3A_825 = arith.index_cast %parallel_loop3A_662 : i32 to index
        %parallel_loop3A_826 = arith.constant 96 : index
        %parallel_loop3A_827 = tpu.vector_load %arg11[%parallel_loop3A_824, %parallel_loop3A_825, %parallel_loop3A_826] {strides = array<i32>} : memref<2x64x128xf32, #tpu.memory_space<vmem>>, vector<1x1x16xf32>,
        %parallel_loop3A_828 = vector.shape_cast %parallel_loop3A_827 : vector<1x1x16xf32> to vector<16xf32>
        %parallel_loop3A_829 = vector.shape_cast %parallel_loop3A_822 : vector<16xf32> to vector<1x1x16xf32>
        tpu.vector_store %arg11[%parallel_loop3A_824, %parallel_loop3A_825, %parallel_loop3A_826], %parallel_loop3A_829 {strides = array<i32>} : memref<2x64x128xf32, #tpu.memory_space<vmem>>, vector<1x1x16xf32>,
        %parallel_loop3A_830 = arith.constant 1 : i32
        %parallel_loop3A_831 = arith.index_cast %parallel_loop3A_830 : i32 to index
        %parallel_loop3A_832 = arith.index_cast %parallel_loop3A_662 : i32 to index
        %parallel_loop3A_833 = arith.constant 112 : index
        %parallel_loop3A_834 = tpu.vector_load %arg11[%parallel_loop3A_831, %parallel_loop3A_832, %parallel_loop3A_833] {strides = array<i32>} : memref<2x64x128xf32, #tpu.memory_space<vmem>>, vector<1x1x16xf32>,
        %parallel_loop3A_835 = vector.shape_cast %parallel_loop3A_834 : vector<1x1x16xf32> to vector<16xf32>
        %parallel_loop3A_836 = vector.extract_strided_slice %parallel_loop3A_710 {offsets = [7], sizes = [1], strides = [1]} : vector<16xf32> to vector<1xf32>
        %parallel_loop3A_837 = vector.extract %parallel_loop3A_836[0] : f32 from vector<1xf32>
        %parallel_loop3A_838 = vector.broadcast %parallel_loop3A_837 : f32 to vector<16xf32>
        %parallel_loop3A_839 = arith.mulf %parallel_loop3A_835, %parallel_loop3A_838 : vector<16xf32>
        %parallel_loop3A_840 = arith.constant 1 : i32
        %parallel_loop3A_841 = arith.index_cast %parallel_loop3A_840 : i32 to index
        %parallel_loop3A_842 = arith.index_cast %parallel_loop3A_662 : i32 to index
        %parallel_loop3A_843 = arith.constant 112 : index
        %parallel_loop3A_844 = tpu.vector_load %arg11[%parallel_loop3A_841, %parallel_loop3A_842, %parallel_loop3A_843] {strides = array<i32>} : memref<2x64x128xf32, #tpu.memory_space<vmem>>, vector<1x1x16xf32>,
        %parallel_loop3A_845 = vector.shape_cast %parallel_loop3A_844 : vector<1x1x16xf32> to vector<16xf32>
        %parallel_loop3A_846 = vector.shape_cast %parallel_loop3A_839 : vector<16xf32> to vector<1x1x16xf32>
        tpu.vector_store %arg11[%parallel_loop3A_841, %parallel_loop3A_842, %parallel_loop3A_843], %parallel_loop3A_846 {strides = array<i32>} : memref<2x64x128xf32, #tpu.memory_space<vmem>>, vector<1x1x16xf32>,
      } {sc.loop_unroll_factor = 4 : i64, sc.parallel_access}
      %run_scoped3A_593 = arith.constant 1 : i32
      %run_scoped3A_594 = arith.constant 1 : i32
      "tpu.region"() ({
        %run_scoped3A_662 = tpu.sem_alloc : memref<!tpu.dma_semaphore, #tpu.memory_space<semaphore_mem>>
        %dma_start3A_663 = arith.constant 0 : i32
        %dma_start3A_664 = arith.constant 0 : i32
        %dma_start3A_665 = tpu.memref_slice %arg11[%run_scoped3A_593, %dma_start3A_663, %dma_start3A_664] : memref<2x64x128xf32, #tpu.memory_space<vmem>> -> memref<1x64x128xf32, #tpu.memory_space<vmem>>
        %dma_start3A_666 = tpu.memref_squeeze %dma_start3A_665 : memref<1x64x128xf32, #tpu.memory_space<vmem>> -> memref<64x128xf32, #tpu.memory_space<vmem>>
        %dma_start3A_667 = arith.constant 0 : i32
        %dma_start3A_668 = tpu.memref_slice %arg9[%run_scoped3A_594, %dma_start3A_667] : memref<2x64xi32, #tpu.memory_space<vmem>> -> memref<1x64xi32, #tpu.memory_space<vmem>>
        %dma_start3A_669 = tpu.memref_squeeze %dma_start3A_668 : memref<1x64xi32, #tpu.memory_space<vmem>> -> memref<64xi32, #tpu.memory_space<vmem>>
        %dma_start3A_670 = arith.constant 0 : i32
        %dma_start3A_671 = arith.constant 0 : i32
        %dma_start3A_672 = tpu.memref_slice %arg7[%dma_start3A_670, %dma_start3A_671] : memref<10008x128xf32, #tpu.memory_space<vmem_shared>> -> memref<10008x128xf32, #tpu.memory_space<vmem_shared>>
        tpu.enqueue_indirect_dma source(%dma_start3A_666 : memref<64x128xf32, #tpu.memory_space<vmem>>) target(%dma_start3A_672 : memref<10008x128xf32, #tpu.memory_space<vmem_shared>>) offsets(%dma_start3A_669 : memref<64xi32, #tpu.memory_space<vmem>>) semaphore(%run_scoped3A_662 : memref<!tpu.dma_semaphore, #tpu.memory_space<semaphore_mem>>) {add = true}
        %dma_wait3A_673 = arith.constant 0 : i32
        %dma_wait3A_674 = arith.constant 0 : i32
        %dma_wait3A_675 = tpu.memref_slice %arg11[%run_scoped3A_593, %dma_wait3A_673, %dma_wait3A_674] : memref<2x64x128xf32, #tpu.memory_space<vmem>> -> memref<1x64x128xf32, #tpu.memory_space<vmem>>
        %dma_wait3A_676 = tpu.memref_squeeze %dma_wait3A_675 : memref<1x64x128xf32, #tpu.memory_space<vmem>> -> memref<64x128xf32, #tpu.memory_space<vmem>>
        %dma_wait3A_677 = arith.constant 0 : i32
        %dma_wait3A_678 = tpu.memref_slice %arg9[%run_scoped3A_594, %dma_wait3A_677] : memref<2x64xi32, #tpu.memory_space<vmem>> -> memref<1x64xi32, #tpu.memory_space<vmem>>
        %dma_wait3A_679 = tpu.memref_squeeze %dma_wait3A_678 : memref<1x64xi32, #tpu.memory_space<vmem>> -> memref<64xi32, #tpu.memory_space<vmem>>
        %dma_wait3A_680 = arith.constant 0 : i32
        %dma_wait3A_681 = arith.constant 0 : i32
        %dma_wait3A_682 = tpu.memref_slice %arg7[%dma_wait3A_680, %dma_wait3A_681] : memref<10008x128xf32, #tpu.memory_space<vmem_shared>> -> memref<10008x128xf32, #tpu.memory_space<vmem_shared>>
        tpu.wait_indirect_dma semaphore(%run_scoped3A_662 : memref<!tpu.dma_semaphore, #tpu.memory_space<semaphore_mem>>) src(%dma_wait3A_676 : memref<64x128xf32, #tpu.memory_space<vmem>>) dst(%dma_wait3A_682 : memref<10008x128xf32, #tpu.memory_space<vmem_shared>>)
        tpu.yield
      }) : () -> ()
      %add3A_595 = arith.constant 3 : i32
      %add3A_596 = arith.addi %mul3A_304, %add3A_595 : i32
      %mul3A_597 = arith.constant 161792 : i32
      %mul3A_598 = arith.muli %arg0, %mul3A_597 : i32
      %mul3A_599 = arith.constant 16 : i32
      %mul3A_600 = arith.muli %add3A_596, %mul3A_599 : i32
      %add3A_601 = arith.addi %mul3A_600, %arg1 : i32
      %mul3A_602 = arith.constant 64 : i32
      %mul3A_603 = arith.muli %add3A_601, %mul3A_602 : i32
      %add3A_604 = arith.addi %mul3A_598, %mul3A_603 : i32
      %dma_start3A_605 = arith.constant 1 : i32
      %dma_start3A_606 = arith.constant 0 : i32
      %dma_start3A_607 = tpu.memref_slice %arg8[%dma_start3A_605, %dma_start3A_606] : memref<2x64xi32, #tpu.memory_space<vmem>> -> memref<1x64xi32, #tpu.memory_space<vmem>>
      %dma_start3A_608 = tpu.memref_squeeze %dma_start3A_607 : memref<1x64xi32, #tpu.memory_space<vmem>> -> memref<64xi32, #tpu.memory_space<vmem>>
      %dma_start3A_609 = tpu.memref_slice %arg4[%add3A_604] : memref<323584xi32, #tpu.memory_space<hbm>> -> memref<64xi32, #tpu.memory_space<hbm>>
      %dma_start3A_610 = arith.constant 0 : i32
      %dma_start3A_611 = tpu.memref_slice %arg8[%dma_start3A_605, %dma_start3A_610] : memref<2x64xi32, #tpu.memory_space<vmem>> -> memref<1x64xi32, #tpu.memory_space<vmem>>
      %dma_start3A_612 = tpu.memref_squeeze %dma_start3A_611 : memref<1x64xi32, #tpu.memory_space<vmem>> -> memref<64xi32, #tpu.memory_space<vmem>>
      %dma_start3A_613 = tpu.memref_slice %arg4[%add3A_604] : memref<323584xi32, #tpu.memory_space<hbm>> -> memref<64xi32, #tpu.memory_space<hbm>>
      tpu.enqueue_dma source(%dma_start3A_613 : memref<64xi32, #tpu.memory_space<hbm>>) target(%dma_start3A_612 : memref<64xi32, #tpu.memory_space<vmem>>) target_semaphore(%arg14 : memref<!tpu.dma_semaphore, #tpu.memory_space<semaphore_mem>>)
      %dma_start3A_614 = arith.constant 1 : i32
      %dma_start3A_615 = arith.constant 0 : i32
      %dma_start3A_616 = tpu.memref_slice %arg9[%dma_start3A_614, %dma_start3A_615] : memref<2x64xi32, #tpu.memory_space<vmem>> -> memref<1x64xi32, #tpu.memory_space<vmem>>
      %dma_start3A_617 = tpu.memref_squeeze %dma_start3A_616 : memref<1x64xi32, #tpu.memory_space<vmem>> -> memref<64xi32, #tpu.memory_space<vmem>>
      %dma_start3A_618 = tpu.memref_slice %arg5[%add3A_604] : memref<323584xi32, #tpu.memory_space<hbm>> -> memref<64xi32, #tpu.memory_space<hbm>>
      %dma_start3A_619 = arith.constant 0 : i32
      %dma_start3A_620 = tpu.memref_slice %arg9[%dma_start3A_614, %dma_start3A_619] : memref<2x64xi32, #tpu.memory_space<vmem>> -> memref<1x64xi32, #tpu.memory_space<vmem>>
      %dma_start3A_621 = tpu.memref_squeeze %dma_start3A_620 : memref<1x64xi32, #tpu.memory_space<vmem>> -> memref<64xi32, #tpu.memory_space<vmem>>
      %dma_start3A_622 = tpu.memref_slice %arg5[%add3A_604] : memref<323584xi32, #tpu.memory_space<hbm>> -> memref<64xi32, #tpu.memory_space<hbm>>
      tpu.enqueue_dma source(%dma_start3A_622 : memref<64xi32, #tpu.memory_space<hbm>>) target(%dma_start3A_621 : memref<64xi32, #tpu.memory_space<vmem>>) target_semaphore(%arg16 : memref<!tpu.dma_semaphore, #tpu.memory_space<semaphore_mem>>)
      %jit3A_623 = arith.constant 8 : i32
      %div3A_624 = arith.divsi %add3A_604, %jit3A_623 : i32
      %sign3A_625 = arith.constant 0 : i32
      %sign3A_626 = arith.cmpi sgt, %add3A_604, %sign3A_625 : i32
      %sign3A_627 = arith.extui %sign3A_626 : i1 to i32
      %sign3A_628 = arith.constant 0 : i32
      %sign3A_629 = arith.cmpi slt, %add3A_604, %sign3A_628 : i32
      %sign3A_630 = arith.extui %sign3A_629 : i1 to i32
      %sign3A_631 = arith.subi %sign3A_627, %sign3A_630 : i32
      %sign3A_632 = arith.constant 0 : i32
      %sign3A_633 = arith.cmpi sgt, %jit3A_623, %sign3A_632 : i32
      %sign3A_634 = arith.extui %sign3A_633 : i1 to i32
      %sign3A_635 = arith.constant 0 : i32
      %sign3A_636 = arith.cmpi slt, %jit3A_623, %sign3A_635 : i32
      %sign3A_637 = arith.extui %sign3A_636 : i1 to i32
      %sign3A_638 = arith.subi %sign3A_634, %sign3A_637 : i32
      %ne3A_639 = arith.cmpi ne, %sign3A_631, %sign3A_638 : i32
      %rem3A_640 = arith.remsi %add3A_604, %jit3A_623 : i32
      %ne3A_641 = arith.constant 0 : i32
      %ne3A_642 = arith.cmpi ne, %rem3A_640, %ne3A_641 : i32
      %and3A_643 = arith.andi %ne3A_639, %ne3A_642 : i1
      %sub3A_644 = arith.constant 1 : i32
      %sub3A_645 = arith.subi %div3A_624, %sub3A_644 : i32
      %select_n3A_646 = arith.select %and3A_643, %sub3A_645, %div3A_624 : i32
      %multiple_of3A_647 = tpu.assume_multiple %select_n3A_646, 8 : i32
      %dma_start3A_648 = arith.constant 1 : i32
      %dma_start3A_649 = arith.constant 0 : i32
      %dma_start3A_650 = arith.constant 0 : i32
      %dma_start3A_651 = tpu.memref_slice %arg10[%dma_start3A_648, %dma_start3A_649, %dma_start3A_650] : memref<2x8x128xf32, #tpu.memory_space<vmem>> -> memref<1x8x128xf32, #tpu.memory_space<vmem>>
      %dma_start3A_652 = tpu.memref_squeeze %dma_start3A_651 : memref<1x8x128xf32, #tpu.memory_space<vmem>> -> memref<8x128xf32, #tpu.memory_space<vmem>>
      %dma_start3A_653 = arith.constant 0 : i32
      %dma_start3A_654 = tpu.memref_slice %arg3[%multiple_of3A_647, %dma_start3A_653] : memref<40448x128xf32, #tpu.memory_space<hbm>> -> memref<8x128xf32, #tpu.memory_space<hbm>>
      %dma_start3A_655 = arith.constant 0 : i32
      %dma_start3A_656 = arith.constant 0 : i32
      %dma_start3A_657 = tpu.memref_slice %arg10[%dma_start3A_648, %dma_start3A_655, %dma_start3A_656] : memref<2x8x128xf32, #tpu.memory_space<vmem>> -> memref<1x8x128xf32, #tpu.memory_space<vmem>>
      %dma_start3A_658 = tpu.memref_squeeze %dma_start3A_657 : memref<1x8x128xf32, #tpu.memory_space<vmem>> -> memref<8x128xf32, #tpu.memory_space<vmem>>
      %dma_start3A_659 = arith.constant 0 : i32
      %dma_start3A_660 = tpu.memref_slice %arg3[%multiple_of3A_647, %dma_start3A_659] : memref<40448x128xf32, #tpu.memory_space<hbm>> -> memref<8x128xf32, #tpu.memory_space<hbm>>
      tpu.enqueue_dma source(%dma_start3A_660 : memref<8x128xf32, #tpu.memory_space<hbm>>) target(%dma_start3A_658 : memref<8x128xf32, #tpu.memory_space<vmem>>) target_semaphore(%arg16 : memref<!tpu.dma_semaphore, #tpu.memory_space<semaphore_mem>>)
      %scan3A_661 = arith.constant 0 : i32
      scf.yield %scan3A_661 : i32
    }
    %scan3A_172 = arith.constant 78 : i32
    %mul3A_173 = arith.constant 161792 : i32
    %mul3A_174 = arith.muli %arg0, %mul3A_173 : i32
    %add3A_175 = arith.constant 2496 : i32
    %add3A_176 = arith.addi %add3A_175, %arg1 : i32
    %mul3A_177 = arith.constant 64 : i32
    %mul3A_178 = arith.muli %add3A_176, %mul3A_177 : i32
    %add3A_179 = arith.addi %mul3A_174, %mul3A_178 : i32
    %dma_wait3A_180 = arith.constant 0 : i32
    %dma_wait3A_181 = arith.constant 0 : i32
    %dma_wait3A_182 = tpu.memref_slice %arg9[%dma_wait3A_180, %dma_wait3A_181] : memref<2x64xi32, #tpu.memory_space<vmem>> -> memref<1x64xi32, #tpu.memory_space<vmem>>
    %dma_wait3A_183 = tpu.memref_squeeze %dma_wait3A_182 : memref<1x64xi32, #tpu.memory_space<vmem>> -> memref<64xi32, #tpu.memory_space<vmem>>
    %dma_wait3A_184 = tpu.memref_slice %arg5[%add3A_179] : memref<323584xi32, #tpu.memory_space<hbm>> -> memref<64xi32, #tpu.memory_space<hbm>>
    %dma_wait3A_185 = arith.constant 0 : i32
    %dma_wait3A_186 = tpu.memref_slice %arg9[%dma_wait3A_180, %dma_wait3A_185] : memref<2x64xi32, #tpu.memory_space<vmem>> -> memref<1x64xi32, #tpu.memory_space<vmem>>
    %dma_wait3A_187 = tpu.memref_squeeze %dma_wait3A_186 : memref<1x64xi32, #tpu.memory_space<vmem>> -> memref<64xi32, #tpu.memory_space<vmem>>
    %dma_wait3A_188 = tpu.memref_slice %arg5[%add3A_179] : memref<323584xi32, #tpu.memory_space<hbm>> -> memref<64xi32, #tpu.memory_space<hbm>>
    tpu.wait_dma2 semaphore(%arg15 : memref<!tpu.dma_semaphore, #tpu.memory_space<semaphore_mem>>) src(%dma_wait3A_188 : memref<64xi32, #tpu.memory_space<hbm>>) dst(%dma_wait3A_187 : memref<64xi32, #tpu.memory_space<vmem>>)
    %jit3A_189 = arith.constant 8 : i32
    %div3A_190 = arith.divsi %add3A_179, %jit3A_189 : i32
    %sign3A_191 = arith.constant 0 : i32
    %sign3A_192 = arith.cmpi sgt, %add3A_179, %sign3A_191 : i32
    %sign3A_193 = arith.extui %sign3A_192 : i1 to i32
    %sign3A_194 = arith.constant 0 : i32
    %sign3A_195 = arith.cmpi slt, %add3A_179, %sign3A_194 : i32
    %sign3A_196 = arith.extui %sign3A_195 : i1 to i32
    %sign3A_197 = arith.subi %sign3A_193, %sign3A_196 : i32
    %sign3A_198 = arith.constant 0 : i32
    %sign3A_199 = arith.cmpi sgt, %jit3A_189, %sign3A_198 : i32
    %sign3A_200 = arith.extui %sign3A_199 : i1 to i32
    %sign3A_201 = arith.constant 0 : i32
    %sign3A_202 = arith.cmpi slt, %jit3A_189, %sign3A_201 : i32
    %sign3A_203 = arith.extui %sign3A_202 : i1 to i32
    %sign3A_204 = arith.subi %sign3A_200, %sign3A_203 : i32
    %ne3A_205 = arith.cmpi ne, %sign3A_197, %sign3A_204 : i32
    %rem3A_206 = arith.remsi %add3A_179, %jit3A_189 : i32
    %ne3A_207 = arith.constant 0 : i32
    %ne3A_208 = arith.cmpi ne, %rem3A_206, %ne3A_207 : i32
    %and3A_209 = arith.andi %ne3A_205, %ne3A_208 : i1
    %sub3A_210 = arith.constant 1 : i32
    %sub3A_211 = arith.subi %div3A_190, %sub3A_210 : i32
    %select_n3A_212 = arith.select %and3A_209, %sub3A_211, %div3A_190 : i32
    %multiple_of3A_213 = tpu.assume_multiple %select_n3A_212, 8 : i32
    %dma_wait3A_214 = arith.constant 0 : i32
    %dma_wait3A_215 = arith.constant 0 : i32
    %dma_wait3A_216 = arith.constant 0 : i32
    %dma_wait3A_217 = tpu.memref_slice %arg10[%dma_wait3A_214, %dma_wait3A_215, %dma_wait3A_216] : memref<2x8x128xf32, #tpu.memory_space<vmem>> -> memref<1x8x128xf32, #tpu.memory_space<vmem>>
    %dma_wait3A_218 = tpu.memref_squeeze %dma_wait3A_217 : memref<1x8x128xf32, #tpu.memory_space<vmem>> -> memref<8x128xf32, #tpu.memory_space<vmem>>
    %dma_wait3A_219 = arith.constant 0 : i32
    %dma_wait3A_220 = tpu.memref_slice %arg3[%multiple_of3A_213, %dma_wait3A_219] : memref<40448x128xf32, #tpu.memory_space<hbm>> -> memref<8x128xf32, #tpu.memory_space<hbm>>
    %dma_wait3A_221 = arith.constant 0 : i32
    %dma_wait3A_222 = arith.constant 0 : i32
    %dma_wait3A_223 = tpu.memref_slice %arg10[%dma_wait3A_214, %dma_wait3A_221, %dma_wait3A_222] : memref<2x8x128xf32, #tpu.memory_space<vmem>> -> memref<1x8x128xf32, #tpu.memory_space<vmem>>
    %dma_wait3A_224 = tpu.memref_squeeze %dma_wait3A_223 : memref<1x8x128xf32, #tpu.memory_space<vmem>> -> memref<8x128xf32, #tpu.memory_space<vmem>>
    %dma_wait3A_225 = arith.constant 0 : i32
    %dma_wait3A_226 = tpu.memref_slice %arg3[%multiple_of3A_213, %dma_wait3A_225] : memref<40448x128xf32, #tpu.memory_space<hbm>> -> memref<8x128xf32, #tpu.memory_space<hbm>>
    tpu.wait_dma2 semaphore(%arg15 : memref<!tpu.dma_semaphore, #tpu.memory_space<semaphore_mem>>) src(%dma_wait3A_226 : memref<8x128xf32, #tpu.memory_space<hbm>>) dst(%dma_wait3A_224 : memref<8x128xf32, #tpu.memory_space<vmem>>)
    %dma_wait3A_227 = arith.constant 0 : i32
    %dma_wait3A_228 = arith.constant 0 : i32
    %dma_wait3A_229 = arith.constant 0 : i32
    %dma_wait3A_230 = arith.constant 0 : i32
    %dma_wait3A_231 = tpu.memref_slice %arg11[%dma_wait3A_228, %dma_wait3A_229, %dma_wait3A_230] : memref<2x64x128xf32, #tpu.memory_space<vmem>> -> memref<1x64x128xf32, #tpu.memory_space<vmem>>
    %dma_wait3A_232 = tpu.memref_squeeze %dma_wait3A_231 : memref<1x64x128xf32, #tpu.memory_space<vmem>> -> memref<64x128xf32, #tpu.memory_space<vmem>>
    %dma_wait3A_233 = arith.constant 0 : i32
    %dma_wait3A_234 = tpu.memref_slice %arg8[%dma_wait3A_227, %dma_wait3A_233] : memref<2x64xi32, #tpu.memory_space<vmem>> -> memref<1x64xi32, #tpu.memory_space<vmem>>
    %dma_wait3A_235 = tpu.memref_squeeze %dma_wait3A_234 : memref<1x64xi32, #tpu.memory_space<vmem>> -> memref<64xi32, #tpu.memory_space<vmem>>
    %dma_wait3A_236 = arith.constant 0 : i32
    %dma_wait3A_237 = arith.constant 0 : i32
    %dma_wait3A_238 = tpu.memref_slice %arg2[%arg0, %dma_wait3A_236, %dma_wait3A_237] : memref<2x10000x128xf32, #tpu.memory_space<hbm>> -> memref<1x10000x128xf32, #tpu.memory_space<hbm>>
    %dma_wait3A_239 = tpu.memref_squeeze %dma_wait3A_238 : memref<1x10000x128xf32, #tpu.memory_space<hbm>> -> memref<10000x128xf32, #tpu.memory_space<hbm>>
    %dma_wait3A_240 = arith.constant 0 : i32
    %dma_wait3A_241 = arith.constant 0 : i32
    %dma_wait3A_242 = tpu.memref_slice %dma_wait3A_239[%dma_wait3A_240, %dma_wait3A_241] : memref<10000x128xf32, #tpu.memory_space<hbm>> -> memref<10000x128xf32, #tpu.memory_space<hbm>>
    tpu.wait_indirect_dma semaphore(%arg17 : memref<!tpu.dma_semaphore, #tpu.memory_space<semaphore_mem>>) src(%dma_wait3A_242 : memref<10000x128xf32, #tpu.memory_space<hbm>>) dst(%dma_wait3A_232 : memref<64x128xf32, #tpu.memory_space<vmem>>)
    %parallel_loop3A = arith.constant 0 : i32
    %parallel_loop3A_243 = arith.constant 64 : i32
    %parallel_loop3A_244 = arith.constant 1 : i32
    scf.for %parallel_loop3A_301 = %parallel_loop3A to %parallel_loop3A_243 step %parallel_loop3A_244  : i32 {
      %parallel_loop3A_302 = arith.constant 8 : i32
      %parallel_loop3A_303 = arith.divsi %parallel_loop3A_301, %parallel_loop3A_302 : i32
      %parallel_loop3A_304 = arith.constant 0 : i32
      %parallel_loop3A_305 = arith.cmpi sgt, %parallel_loop3A_301, %parallel_loop3A_304 : i32
      %parallel_loop3A_306 = arith.extui %parallel_loop3A_305 : i1 to i32
      %parallel_loop3A_307 = arith.constant 0 : i32
      %parallel_loop3A_308 = arith.cmpi slt, %parallel_loop3A_301, %parallel_loop3A_307 : i32
      %parallel_loop3A_309 = arith.extui %parallel_loop3A_308 : i1 to i32
      %parallel_loop3A_310 = arith.subi %parallel_loop3A_306, %parallel_loop3A_309 : i32
      %parallel_loop3A_311 = arith.constant 0 : i32
      %parallel_loop3A_312 = arith.cmpi sgt, %parallel_loop3A_302, %parallel_loop3A_311 : i32
      %parallel_loop3A_313 = arith.extui %parallel_loop3A_312 : i1 to i32
      %parallel_loop3A_314 = arith.constant 0 : i32
      %parallel_loop3A_315 = arith.cmpi slt, %parallel_loop3A_302, %parallel_loop3A_314 : i32
      %parallel_loop3A_316 = arith.extui %parallel_loop3A_315 : i1 to i32
      %parallel_loop3A_317 = arith.subi %parallel_loop3A_313, %parallel_loop3A_316 : i32
      %parallel_loop3A_318 = arith.cmpi ne, %parallel_loop3A_310, %parallel_loop3A_317 : i32
      %parallel_loop3A_319 = arith.remsi %parallel_loop3A_301, %parallel_loop3A_302 : i32
      %parallel_loop3A_320 = arith.constant 0 : i32
      %parallel_loop3A_321 = arith.cmpi ne, %parallel_loop3A_319, %parallel_loop3A_320 : i32
      %parallel_loop3A_322 = arith.andi %parallel_loop3A_318, %parallel_loop3A_321 : i1
      %parallel_loop3A_323 = arith.constant 1 : i32
      %parallel_loop3A_324 = arith.subi %parallel_loop3A_303, %parallel_loop3A_323 : i32
      %parallel_loop3A_325 = arith.select %parallel_loop3A_322, %parallel_loop3A_324, %parallel_loop3A_303 : i32
      %parallel_loop3A_326 = arith.constant 8 : i32
      %parallel_loop3A_327 = arith.constant 0 : i32
      %parallel_loop3A_328 = arith.cmpi eq, %parallel_loop3A_326, %parallel_loop3A_327 : i32
      %parallel_loop3A_329 = arith.constant 1 : i32
      %parallel_loop3A_330 = arith.select %parallel_loop3A_328, %parallel_loop3A_329, %parallel_loop3A_326 : i32
      %parallel_loop3A_331 = arith.remsi %parallel_loop3A_301, %parallel_loop3A_330 : i32
      %parallel_loop3A_332 = arith.constant 0 : i32
      %parallel_loop3A_333 = arith.cmpi ne, %parallel_loop3A_331, %parallel_loop3A_332 : i32
      %parallel_loop3A_334 = arith.constant 0 : i32
      %parallel_loop3A_335 = arith.cmpi slt, %parallel_loop3A_331, %parallel_loop3A_334 : i32
      %parallel_loop3A_336 = arith.constant 0 : i32
      %parallel_loop3A_337 = arith.cmpi slt, %parallel_loop3A_330, %parallel_loop3A_336 : i32
      %parallel_loop3A_338 = arith.xori %parallel_loop3A_335, %parallel_loop3A_337 : i1
      %parallel_loop3A_339 = arith.andi %parallel_loop3A_338, %parallel_loop3A_333 : i1
      %parallel_loop3A_340 = arith.addi %parallel_loop3A_331, %parallel_loop3A_330 : i32
      %parallel_loop3A_341 = arith.select %parallel_loop3A_339, %parallel_loop3A_340, %parallel_loop3A_331 : i32
      %parallel_loop3A_342 = arith.constant 16 : i32
      %parallel_loop3A_343 = arith.muli %parallel_loop3A_341, %parallel_loop3A_342 : i32
      %parallel_loop3A_344 = arith.constant 0 : i32
      %parallel_loop3A_345 = arith.index_cast %parallel_loop3A_344 : i32 to index
      %parallel_loop3A_346 = arith.index_cast %parallel_loop3A_325 : i32 to index
      %parallel_loop3A_347 = arith.index_cast %parallel_loop3A_343 : i32 to index
      %parallel_loop3A_348 = tpu.vector_load %arg10[%parallel_loop3A_345, %parallel_loop3A_346, %parallel_loop3A_347] {strides = array<i32>} : memref<2x8x128xf32, #tpu.memory_space<vmem>>, vector<1x1x16xf32>,
      %parallel_loop3A_349 = vector.shape_cast %parallel_loop3A_348 : vector<1x1x16xf32> to vector<16xf32>
      %parallel_loop3A_350 = arith.constant 0 : i32
      %parallel_loop3A_351 = arith.index_cast %parallel_loop3A_350 : i32 to index
      %parallel_loop3A_352 = arith.index_cast %parallel_loop3A_301 : i32 to index
      %parallel_loop3A_353 = arith.constant 0 : index
      %parallel_loop3A_354 = tpu.vector_load %arg11[%parallel_loop3A_351, %parallel_loop3A_352, %parallel_loop3A_353] {strides = array<i32>} : memref<2x64x128xf32, #tpu.memory_space<vmem>>, vector<1x1x16xf32>,
      %parallel_loop3A_355 = vector.shape_cast %parallel_loop3A_354 : vector<1x1x16xf32> to vector<16xf32>
      %parallel_loop3A_356 = vector.extract_strided_slice %parallel_loop3A_349 {offsets = [0], sizes = [1], strides = [1]} : vector<16xf32> to vector<1xf32>
      %parallel_loop3A_357 = vector.extract %parallel_loop3A_356[0] : f32 from vector<1xf32>
      %parallel_loop3A_358 = vector.broadcast %parallel_loop3A_357 : f32 to vector<16xf32>
      %parallel_loop3A_359 = arith.mulf %parallel_loop3A_355, %parallel_loop3A_358 : vector<16xf32>
      %parallel_loop3A_360 = arith.constant 0 : i32
      %parallel_loop3A_361 = arith.index_cast %parallel_loop3A_360 : i32 to index
      %parallel_loop3A_362 = arith.index_cast %parallel_loop3A_301 : i32 to index
      %parallel_loop3A_363 = arith.constant 0 : index
      %parallel_loop3A_364 = tpu.vector_load %arg11[%parallel_loop3A_361, %parallel_loop3A_362, %parallel_loop3A_363] {strides = array<i32>} : memref<2x64x128xf32, #tpu.memory_space<vmem>>, vector<1x1x16xf32>,
      %parallel_loop3A_365 = vector.shape_cast %parallel_loop3A_364 : vector<1x1x16xf32> to vector<16xf32>
      %parallel_loop3A_366 = vector.shape_cast %parallel_loop3A_359 : vector<16xf32> to vector<1x1x16xf32>
      tpu.vector_store %arg11[%parallel_loop3A_361, %parallel_loop3A_362, %parallel_loop3A_363], %parallel_loop3A_366 {strides = array<i32>} : memref<2x64x128xf32, #tpu.memory_space<vmem>>, vector<1x1x16xf32>,
      %parallel_loop3A_367 = arith.constant 0 : i32
      %parallel_loop3A_368 = arith.index_cast %parallel_loop3A_367 : i32 to index
      %parallel_loop3A_369 = arith.index_cast %parallel_loop3A_301 : i32 to index
      %parallel_loop3A_370 = arith.constant 16 : index
      %parallel_loop3A_371 = tpu.vector_load %arg11[%parallel_loop3A_368, %parallel_loop3A_369, %parallel_loop3A_370] {strides = array<i32>} : memref<2x64x128xf32, #tpu.memory_space<vmem>>, vector<1x1x16xf32>,
      %parallel_loop3A_372 = vector.shape_cast %parallel_loop3A_371 : vector<1x1x16xf32> to vector<16xf32>
      %parallel_loop3A_373 = vector.extract_strided_slice %parallel_loop3A_349 {offsets = [1], sizes = [1], strides = [1]} : vector<16xf32> to vector<1xf32>
      %parallel_loop3A_374 = vector.extract %parallel_loop3A_373[0] : f32 from vector<1xf32>
      %parallel_loop3A_375 = vector.broadcast %parallel_loop3A_374 : f32 to vector<16xf32>
      %parallel_loop3A_376 = arith.mulf %parallel_loop3A_372, %parallel_loop3A_375 : vector<16xf32>
      %parallel_loop3A_377 = arith.constant 0 : i32
      %parallel_loop3A_378 = arith.index_cast %parallel_loop3A_377 : i32 to index
      %parallel_loop3A_379 = arith.index_cast %parallel_loop3A_301 : i32 to index
      %parallel_loop3A_380 = arith.constant 16 : index
      %parallel_loop3A_381 = tpu.vector_load %arg11[%parallel_loop3A_378, %parallel_loop3A_379, %parallel_loop3A_380] {strides = array<i32>} : memref<2x64x128xf32, #tpu.memory_space<vmem>>, vector<1x1x16xf32>,
      %parallel_loop3A_382 = vector.shape_cast %parallel_loop3A_381 : vector<1x1x16xf32> to vector<16xf32>
      %parallel_loop3A_383 = vector.shape_cast %parallel_loop3A_376 : vector<16xf32> to vector<1x1x16xf32>
      tpu.vector_store %arg11[%parallel_loop3A_378, %parallel_loop3A_379, %parallel_loop3A_380], %parallel_loop3A_383 {strides = array<i32>} : memref<2x64x128xf32, #tpu.memory_space<vmem>>, vector<1x1x16xf32>,
      %parallel_loop3A_384 = arith.constant 0 : i32
      %parallel_loop3A_385 = arith.index_cast %parallel_loop3A_384 : i32 to index
      %parallel_loop3A_386 = arith.index_cast %parallel_loop3A_301 : i32 to index
      %parallel_loop3A_387 = arith.constant 32 : index
      %parallel_loop3A_388 = tpu.vector_load %arg11[%parallel_loop3A_385, %parallel_loop3A_386, %parallel_loop3A_387] {strides = array<i32>} : memref<2x64x128xf32, #tpu.memory_space<vmem>>, vector<1x1x16xf32>,
      %parallel_loop3A_389 = vector.shape_cast %parallel_loop3A_388 : vector<1x1x16xf32> to vector<16xf32>
      %parallel_loop3A_390 = vector.extract_strided_slice %parallel_loop3A_349 {offsets = [2], sizes = [1], strides = [1]} : vector<16xf32> to vector<1xf32>
      %parallel_loop3A_391 = vector.extract %parallel_loop3A_390[0] : f32 from vector<1xf32>
      %parallel_loop3A_392 = vector.broadcast %parallel_loop3A_391 : f32 to vector<16xf32>
      %parallel_loop3A_393 = arith.mulf %parallel_loop3A_389, %parallel_loop3A_392 : vector<16xf32>
      %parallel_loop3A_394 = arith.constant 0 : i32
      %parallel_loop3A_395 = arith.index_cast %parallel_loop3A_394 : i32 to index
      %parallel_loop3A_396 = arith.index_cast %parallel_loop3A_301 : i32 to index
      %parallel_loop3A_397 = arith.constant 32 : index
      %parallel_loop3A_398 = tpu.vector_load %arg11[%parallel_loop3A_395, %parallel_loop3A_396, %parallel_loop3A_397] {strides = array<i32>} : memref<2x64x128xf32, #tpu.memory_space<vmem>>, vector<1x1x16xf32>,
      %parallel_loop3A_399 = vector.shape_cast %parallel_loop3A_398 : vector<1x1x16xf32> to vector<16xf32>
      %parallel_loop3A_400 = vector.shape_cast %parallel_loop3A_393 : vector<16xf32> to vector<1x1x16xf32>
      tpu.vector_store %arg11[%parallel_loop3A_395, %parallel_loop3A_396, %parallel_loop3A_397], %parallel_loop3A_400 {strides = array<i32>} : memref<2x64x128xf32, #tpu.memory_space<vmem>>, vector<1x1x16xf32>,
      %parallel_loop3A_401 = arith.constant 0 : i32
      %parallel_loop3A_402 = arith.index_cast %parallel_loop3A_401 : i32 to index
      %parallel_loop3A_403 = arith.index_cast %parallel_loop3A_301 : i32 to index
      %parallel_loop3A_404 = arith.constant 48 : index
      %parallel_loop3A_405 = tpu.vector_load %arg11[%parallel_loop3A_402, %parallel_loop3A_403, %parallel_loop3A_404] {strides = array<i32>} : memref<2x64x128xf32, #tpu.memory_space<vmem>>, vector<1x1x16xf32>,
      %parallel_loop3A_406 = vector.shape_cast %parallel_loop3A_405 : vector<1x1x16xf32> to vector<16xf32>
      %parallel_loop3A_407 = vector.extract_strided_slice %parallel_loop3A_349 {offsets = [3], sizes = [1], strides = [1]} : vector<16xf32> to vector<1xf32>
      %parallel_loop3A_408 = vector.extract %parallel_loop3A_407[0] : f32 from vector<1xf32>
      %parallel_loop3A_409 = vector.broadcast %parallel_loop3A_408 : f32 to vector<16xf32>
      %parallel_loop3A_410 = arith.mulf %parallel_loop3A_406, %parallel_loop3A_409 : vector<16xf32>
      %parallel_loop3A_411 = arith.constant 0 : i32
      %parallel_loop3A_412 = arith.index_cast %parallel_loop3A_411 : i32 to index
      %parallel_loop3A_413 = arith.index_cast %parallel_loop3A_301 : i32 to index
      %parallel_loop3A_414 = arith.constant 48 : index
      %parallel_loop3A_415 = tpu.vector_load %arg11[%parallel_loop3A_412, %parallel_loop3A_413, %parallel_loop3A_414] {strides = array<i32>} : memref<2x64x128xf32, #tpu.memory_space<vmem>>, vector<1x1x16xf32>,
      %parallel_loop3A_416 = vector.shape_cast %parallel_loop3A_415 : vector<1x1x16xf32> to vector<16xf32>
      %parallel_loop3A_417 = vector.shape_cast %parallel_loop3A_410 : vector<16xf32> to vector<1x1x16xf32>
      tpu.vector_store %arg11[%parallel_loop3A_412, %parallel_loop3A_413, %parallel_loop3A_414], %parallel_loop3A_417 {strides = array<i32>} : memref<2x64x128xf32, #tpu.memory_space<vmem>>, vector<1x1x16xf32>,
      %parallel_loop3A_418 = arith.constant 0 : i32
      %parallel_loop3A_419 = arith.index_cast %parallel_loop3A_418 : i32 to index
      %parallel_loop3A_420 = arith.index_cast %parallel_loop3A_301 : i32 to index
      %parallel_loop3A_421 = arith.constant 64 : index
      %parallel_loop3A_422 = tpu.vector_load %arg11[%parallel_loop3A_419, %parallel_loop3A_420, %parallel_loop3A_421] {strides = array<i32>} : memref<2x64x128xf32, #tpu.memory_space<vmem>>, vector<1x1x16xf32>,
      %parallel_loop3A_423 = vector.shape_cast %parallel_loop3A_422 : vector<1x1x16xf32> to vector<16xf32>
      %parallel_loop3A_424 = vector.extract_strided_slice %parallel_loop3A_349 {offsets = [4], sizes = [1], strides = [1]} : vector<16xf32> to vector<1xf32>
      %parallel_loop3A_425 = vector.extract %parallel_loop3A_424[0] : f32 from vector<1xf32>
      %parallel_loop3A_426 = vector.broadcast %parallel_loop3A_425 : f32 to vector<16xf32>
      %parallel_loop3A_427 = arith.mulf %parallel_loop3A_423, %parallel_loop3A_426 : vector<16xf32>
      %parallel_loop3A_428 = arith.constant 0 : i32
      %parallel_loop3A_429 = arith.index_cast %parallel_loop3A_428 : i32 to index
      %parallel_loop3A_430 = arith.index_cast %parallel_loop3A_301 : i32 to index
      %parallel_loop3A_431 = arith.constant 64 : index
      %parallel_loop3A_432 = tpu.vector_load %arg11[%parallel_loop3A_429, %parallel_loop3A_430, %parallel_loop3A_431] {strides = array<i32>} : memref<2x64x128xf32, #tpu.memory_space<vmem>>, vector<1x1x16xf32>,
      %parallel_loop3A_433 = vector.shape_cast %parallel_loop3A_432 : vector<1x1x16xf32> to vector<16xf32>
      %parallel_loop3A_434 = vector.shape_cast %parallel_loop3A_427 : vector<16xf32> to vector<1x1x16xf32>
      tpu.vector_store %arg11[%parallel_loop3A_429, %parallel_loop3A_430, %parallel_loop3A_431], %parallel_loop3A_434 {strides = array<i32>} : memref<2x64x128xf32, #tpu.memory_space<vmem>>, vector<1x1x16xf32>,
      %parallel_loop3A_435 = arith.constant 0 : i32
      %parallel_loop3A_436 = arith.index_cast %parallel_loop3A_435 : i32 to index
      %parallel_loop3A_437 = arith.index_cast %parallel_loop3A_301 : i32 to index
      %parallel_loop3A_438 = arith.constant 80 : index
      %parallel_loop3A_439 = tpu.vector_load %arg11[%parallel_loop3A_436, %parallel_loop3A_437, %parallel_loop3A_438] {strides = array<i32>} : memref<2x64x128xf32, #tpu.memory_space<vmem>>, vector<1x1x16xf32>,
      %parallel_loop3A_440 = vector.shape_cast %parallel_loop3A_439 : vector<1x1x16xf32> to vector<16xf32>
      %parallel_loop3A_441 = vector.extract_strided_slice %parallel_loop3A_349 {offsets = [5], sizes = [1], strides = [1]} : vector<16xf32> to vector<1xf32>
      %parallel_loop3A_442 = vector.extract %parallel_loop3A_441[0] : f32 from vector<1xf32>
      %parallel_loop3A_443 = vector.broadcast %parallel_loop3A_442 : f32 to vector<16xf32>
      %parallel_loop3A_444 = arith.mulf %parallel_loop3A_440, %parallel_loop3A_443 : vector<16xf32>
      %parallel_loop3A_445 = arith.constant 0 : i32
      %parallel_loop3A_446 = arith.index_cast %parallel_loop3A_445 : i32 to index
      %parallel_loop3A_447 = arith.index_cast %parallel_loop3A_301 : i32 to index
      %parallel_loop3A_448 = arith.constant 80 : index
      %parallel_loop3A_449 = tpu.vector_load %arg11[%parallel_loop3A_446, %parallel_loop3A_447, %parallel_loop3A_448] {strides = array<i32>} : memref<2x64x128xf32, #tpu.memory_space<vmem>>, vector<1x1x16xf32>,
      %parallel_loop3A_450 = vector.shape_cast %parallel_loop3A_449 : vector<1x1x16xf32> to vector<16xf32>
      %parallel_loop3A_451 = vector.shape_cast %parallel_loop3A_444 : vector<16xf32> to vector<1x1x16xf32>
      tpu.vector_store %arg11[%parallel_loop3A_446, %parallel_loop3A_447, %parallel_loop3A_448], %parallel_loop3A_451 {strides = array<i32>} : memref<2x64x128xf32, #tpu.memory_space<vmem>>, vector<1x1x16xf32>,
      %parallel_loop3A_452 = arith.constant 0 : i32
      %parallel_loop3A_453 = arith.index_cast %parallel_loop3A_452 : i32 to index
      %parallel_loop3A_454 = arith.index_cast %parallel_loop3A_301 : i32 to index
      %parallel_loop3A_455 = arith.constant 96 : index
      %parallel_loop3A_456 = tpu.vector_load %arg11[%parallel_loop3A_453, %parallel_loop3A_454, %parallel_loop3A_455] {strides = array<i32>} : memref<2x64x128xf32, #tpu.memory_space<vmem>>, vector<1x1x16xf32>,
      %parallel_loop3A_457 = vector.shape_cast %parallel_loop3A_456 : vector<1x1x16xf32> to vector<16xf32>
      %parallel_loop3A_458 = vector.extract_strided_slice %parallel_loop3A_349 {offsets = [6], sizes = [1], strides = [1]} : vector<16xf32> to vector<1xf32>
      %parallel_loop3A_459 = vector.extract %parallel_loop3A_458[0] : f32 from vector<1xf32>
      %parallel_loop3A_460 = vector.broadcast %parallel_loop3A_459 : f32 to vector<16xf32>
      %parallel_loop3A_461 = arith.mulf %parallel_loop3A_457, %parallel_loop3A_460 : vector<16xf32>
      %parallel_loop3A_462 = arith.constant 0 : i32
      %parallel_loop3A_463 = arith.index_cast %parallel_loop3A_462 : i32 to index
      %parallel_loop3A_464 = arith.index_cast %parallel_loop3A_301 : i32 to index
      %parallel_loop3A_465 = arith.constant 96 : index
      %parallel_loop3A_466 = tpu.vector_load %arg11[%parallel_loop3A_463, %parallel_loop3A_464, %parallel_loop3A_465] {strides = array<i32>} : memref<2x64x128xf32, #tpu.memory_space<vmem>>, vector<1x1x16xf32>,
      %parallel_loop3A_467 = vector.shape_cast %parallel_loop3A_466 : vector<1x1x16xf32> to vector<16xf32>
      %parallel_loop3A_468 = vector.shape_cast %parallel_loop3A_461 : vector<16xf32> to vector<1x1x16xf32>
      tpu.vector_store %arg11[%parallel_loop3A_463, %parallel_loop3A_464, %parallel_loop3A_465], %parallel_loop3A_468 {strides = array<i32>} : memref<2x64x128xf32, #tpu.memory_space<vmem>>, vector<1x1x16xf32>,
      %parallel_loop3A_469 = arith.constant 0 : i32
      %parallel_loop3A_470 = arith.index_cast %parallel_loop3A_469 : i32 to index
      %parallel_loop3A_471 = arith.index_cast %parallel_loop3A_301 : i32 to index
      %parallel_loop3A_472 = arith.constant 112 : index
      %parallel_loop3A_473 = tpu.vector_load %arg11[%parallel_loop3A_470, %parallel_loop3A_471, %parallel_loop3A_472] {strides = array<i32>} : memref<2x64x128xf32, #tpu.memory_space<vmem>>, vector<1x1x16xf32>,
      %parallel_loop3A_474 = vector.shape_cast %parallel_loop3A_473 : vector<1x1x16xf32> to vector<16xf32>
      %parallel_loop3A_475 = vector.extract_strided_slice %parallel_loop3A_349 {offsets = [7], sizes = [1], strides = [1]} : vector<16xf32> to vector<1xf32>
      %parallel_loop3A_476 = vector.extract %parallel_loop3A_475[0] : f32 from vector<1xf32>
      %parallel_loop3A_477 = vector.broadcast %parallel_loop3A_476 : f32 to vector<16xf32>
      %parallel_loop3A_478 = arith.mulf %parallel_loop3A_474, %parallel_loop3A_477 : vector<16xf32>
      %parallel_loop3A_479 = arith.constant 0 : i32
      %parallel_loop3A_480 = arith.index_cast %parallel_loop3A_479 : i32 to index
      %parallel_loop3A_481 = arith.index_cast %parallel_loop3A_301 : i32 to index
      %parallel_loop3A_482 = arith.constant 112 : index
      %parallel_loop3A_483 = tpu.vector_load %arg11[%parallel_loop3A_480, %parallel_loop3A_481, %parallel_loop3A_482] {strides = array<i32>} : memref<2x64x128xf32, #tpu.memory_space<vmem>>, vector<1x1x16xf32>,
      %parallel_loop3A_484 = vector.shape_cast %parallel_loop3A_483 : vector<1x1x16xf32> to vector<16xf32>
      %parallel_loop3A_485 = vector.shape_cast %parallel_loop3A_478 : vector<16xf32> to vector<1x1x16xf32>
      tpu.vector_store %arg11[%parallel_loop3A_480, %parallel_loop3A_481, %parallel_loop3A_482], %parallel_loop3A_485 {strides = array<i32>} : memref<2x64x128xf32, #tpu.memory_space<vmem>>, vector<1x1x16xf32>,
    } {sc.loop_unroll_factor = 4 : i64, sc.parallel_access}
    %run_scoped3A = arith.constant 0 : i32
    %run_scoped3A_245 = arith.constant 0 : i32
    "tpu.region"() ({
      %run_scoped3A_301 = tpu.sem_alloc : memref<!tpu.dma_semaphore, #tpu.memory_space<semaphore_mem>>
      %dma_start3A_302 = arith.constant 0 : i32
      %dma_start3A_303 = arith.constant 0 : i32
      %dma_start3A_304 = tpu.memref_slice %arg11[%run_scoped3A, %dma_start3A_302, %dma_start3A_303] : memref<2x64x128xf32, #tpu.memory_space<vmem>> -> memref<1x64x128xf32, #tpu.memory_space<vmem>>
      %dma_start3A_305 = tpu.memref_squeeze %dma_start3A_304 : memref<1x64x128xf32, #tpu.memory_space<vmem>> -> memref<64x128xf32, #tpu.memory_space<vmem>>
      %dma_start3A_306 = arith.constant 0 : i32
      %dma_start3A_307 = tpu.memref_slice %arg9[%run_scoped3A_245, %dma_start3A_306] : memref<2x64xi32, #tpu.memory_space<vmem>> -> memref<1x64xi32, #tpu.memory_space<vmem>>
      %dma_start3A_308 = tpu.memref_squeeze %dma_start3A_307 : memref<1x64xi32, #tpu.memory_space<vmem>> -> memref<64xi32, #tpu.memory_space<vmem>>
      %dma_start3A_309 = arith.constant 0 : i32
      %dma_start3A_310 = arith.constant 0 : i32
      %dma_start3A_311 = tpu.memref_slice %arg7[%dma_start3A_309, %dma_start3A_310] : memref<10008x128xf32, #tpu.memory_space<vmem_shared>> -> memref<10008x128xf32, #tpu.memory_space<vmem_shared>>
      tpu.enqueue_indirect_dma source(%dma_start3A_305 : memref<64x128xf32, #tpu.memory_space<vmem>>) target(%dma_start3A_311 : memref<10008x128xf32, #tpu.memory_space<vmem_shared>>) offsets(%dma_start3A_308 : memref<64xi32, #tpu.memory_space<vmem>>) semaphore(%run_scoped3A_301 : memref<!tpu.dma_semaphore, #tpu.memory_space<semaphore_mem>>) {add = true}
      %dma_wait3A_312 = arith.constant 0 : i32
      %dma_wait3A_313 = arith.constant 0 : i32
      %dma_wait3A_314 = tpu.memref_slice %arg11[%run_scoped3A, %dma_wait3A_312, %dma_wait3A_313] : memref<2x64x128xf32, #tpu.memory_space<vmem>> -> memref<1x64x128xf32, #tpu.memory_space<vmem>>
      %dma_wait3A_315 = tpu.memref_squeeze %dma_wait3A_314 : memref<1x64x128xf32, #tpu.memory_space<vmem>> -> memref<64x128xf32, #tpu.memory_space<vmem>>
      %dma_wait3A_316 = arith.constant 0 : i32
      %dma_wait3A_317 = tpu.memref_slice %arg9[%run_scoped3A_245, %dma_wait3A_316] : memref<2x64xi32, #tpu.memory_space<vmem>> -> memref<1x64xi32, #tpu.memory_space<vmem>>
      %dma_wait3A_318 = tpu.memref_squeeze %dma_wait3A_317 : memref<1x64xi32, #tpu.memory_space<vmem>> -> memref<64xi32, #tpu.memory_space<vmem>>
      %dma_wait3A_319 = arith.constant 0 : i32
      %dma_wait3A_320 = arith.constant 0 : i32
      %dma_wait3A_321 = tpu.memref_slice %arg7[%dma_wait3A_319, %dma_wait3A_320] : memref<10008x128xf32, #tpu.memory_space<vmem_shared>> -> memref<10008x128xf32, #tpu.memory_space<vmem_shared>>
      tpu.wait_indirect_dma semaphore(%run_scoped3A_301 : memref<!tpu.dma_semaphore, #tpu.memory_space<semaphore_mem>>) src(%dma_wait3A_315 : memref<64x128xf32, #tpu.memory_space<vmem>>) dst(%dma_wait3A_321 : memref<10008x128xf32, #tpu.memory_space<vmem_shared>>)
      tpu.yield
    }) : () -> ()
    %dma_wait3A_246 = arith.constant 1 : i32
    %dma_wait3A_247 = arith.constant 0 : i32
    %dma_wait3A_248 = tpu.memref_slice %arg8[%dma_wait3A_246, %dma_wait3A_247] : memref<2x64xi32, #tpu.memory_space<vmem>> -> memref<1x64xi32, #tpu.memory_space<vmem>>
    %dma_wait3A_249 = tpu.memref_squeeze %dma_wait3A_248 : memref<1x64xi32, #tpu.memory_space<vmem>> -> memref<64xi32, #tpu.memory_space<vmem>>
    %dma_wait3A_250 = arith.constant 0 : i32
    %dma_wait3A_251 = tpu.memref_slice %arg4[%dma_wait3A_250] : memref<323584xi32, #tpu.memory_space<hbm>> -> memref<64xi32, #tpu.memory_space<hbm>>
    %dma_wait3A_252 = arith.constant 0 : i32
    %dma_wait3A_253 = tpu.memref_slice %arg8[%dma_wait3A_246, %dma_wait3A_252] : memref<2x64xi32, #tpu.memory_space<vmem>> -> memref<1x64xi32, #tpu.memory_space<vmem>>
    %dma_wait3A_254 = tpu.memref_squeeze %dma_wait3A_253 : memref<1x64xi32, #tpu.memory_space<vmem>> -> memref<64xi32, #tpu.memory_space<vmem>>
    %dma_wait3A_255 = arith.constant 0 : i32
    %dma_wait3A_256 = tpu.memref_slice %arg4[%dma_wait3A_255] : memref<323584xi32, #tpu.memory_space<hbm>> -> memref<64xi32, #tpu.memory_space<hbm>>
    tpu.wait_dma2 semaphore(%arg14 : memref<!tpu.dma_semaphore, #tpu.memory_space<semaphore_mem>>) src(%dma_wait3A_256 : memref<64xi32, #tpu.memory_space<hbm>>) dst(%dma_wait3A_254 : memref<64xi32, #tpu.memory_space<vmem>>)
    %dma_wait3A_257 = arith.constant 1 : i32
    %dma_wait3A_258 = arith.constant 0 : i32
    %dma_wait3A_259 = tpu.memref_slice %arg9[%dma_wait3A_257, %dma_wait3A_258] : memref<2x64xi32, #tpu.memory_space<vmem>> -> memref<1x64xi32, #tpu.memory_space<vmem>>
    %dma_wait3A_260 = tpu.memref_squeeze %dma_wait3A_259 : memref<1x64xi32, #tpu.memory_space<vmem>> -> memref<64xi32, #tpu.memory_space<vmem>>
    %dma_wait3A_261 = arith.constant 0 : i32
    %dma_wait3A_262 = tpu.memref_slice %arg5[%dma_wait3A_261] : memref<323584xi32, #tpu.memory_space<hbm>> -> memref<64xi32, #tpu.memory_space<hbm>>
    %dma_wait3A_263 = arith.constant 0 : i32
    %dma_wait3A_264 = tpu.memref_slice %arg9[%dma_wait3A_257, %dma_wait3A_263] : memref<2x64xi32, #tpu.memory_space<vmem>> -> memref<1x64xi32, #tpu.memory_space<vmem>>
    %dma_wait3A_265 = tpu.memref_squeeze %dma_wait3A_264 : memref<1x64xi32, #tpu.memory_space<vmem>> -> memref<64xi32, #tpu.memory_space<vmem>>
    %dma_wait3A_266 = arith.constant 0 : i32
    %dma_wait3A_267 = tpu.memref_slice %arg5[%dma_wait3A_266] : memref<323584xi32, #tpu.memory_space<hbm>> -> memref<64xi32, #tpu.memory_space<hbm>>
    tpu.wait_dma2 semaphore(%arg16 : memref<!tpu.dma_semaphore, #tpu.memory_space<semaphore_mem>>) src(%dma_wait3A_267 : memref<64xi32, #tpu.memory_space<hbm>>) dst(%dma_wait3A_265 : memref<64xi32, #tpu.memory_space<vmem>>)
    %dma_wait3A_268 = arith.constant 1 : i32
    %dma_wait3A_269 = arith.constant 0 : i32
    %dma_wait3A_270 = arith.constant 0 : i32
    %dma_wait3A_271 = tpu.memref_slice %arg10[%dma_wait3A_268, %dma_wait3A_269, %dma_wait3A_270] : memref<2x8x128xf32, #tpu.memory_space<vmem>> -> memref<1x8x128xf32, #tpu.memory_space<vmem>>
    %dma_wait3A_272 = tpu.memref_squeeze %dma_wait3A_271 : memref<1x8x128xf32, #tpu.memory_space<vmem>> -> memref<8x128xf32, #tpu.memory_space<vmem>>
    %dma_wait3A_273 = arith.constant 0 : i32
    %dma_wait3A_274 = arith.constant 0 : i32
    %dma_wait3A_275 = tpu.memref_slice %arg3[%dma_wait3A_273, %dma_wait3A_274] : memref<40448x128xf32, #tpu.memory_space<hbm>> -> memref<8x128xf32, #tpu.memory_space<hbm>>
    %dma_wait3A_276 = arith.constant 0 : i32
    %dma_wait3A_277 = arith.constant 0 : i32
    %dma_wait3A_278 = tpu.memref_slice %arg10[%dma_wait3A_268, %dma_wait3A_276, %dma_wait3A_277] : memref<2x8x128xf32, #tpu.memory_space<vmem>> -> memref<1x8x128xf32, #tpu.memory_space<vmem>>
    %dma_wait3A_279 = tpu.memref_squeeze %dma_wait3A_278 : memref<1x8x128xf32, #tpu.memory_space<vmem>> -> memref<8x128xf32, #tpu.memory_space<vmem>>
    %dma_wait3A_280 = arith.constant 0 : i32
    %dma_wait3A_281 = arith.constant 0 : i32
    %dma_wait3A_282 = tpu.memref_slice %arg3[%dma_wait3A_280, %dma_wait3A_281] : memref<40448x128xf32, #tpu.memory_space<hbm>> -> memref<8x128xf32, #tpu.memory_space<hbm>>
    tpu.wait_dma2 semaphore(%arg16 : memref<!tpu.dma_semaphore, #tpu.memory_space<semaphore_mem>>) src(%dma_wait3A_282 : memref<8x128xf32, #tpu.memory_space<hbm>>) dst(%dma_wait3A_279 : memref<8x128xf32, #tpu.memory_space<vmem>>)
    %barrier3A_283 = arith.constant 0 : index
    tpu.barrier barrier_id(%barrier3A_283)
    %lt3A_284 = arith.constant 10 : i32
    %lt3A_285 = arith.cmpi slt, %arg1, %lt3A_284 : i32
    %jit3A_286 = arith.constant 16 : i32
    %jit3A_287 = arith.constant 15 : i32
    %select_n3A_288 = arith.select %lt3A_285, %jit3A_286, %jit3A_287 : i32
    %while3A_289 = arith.constant 0 : i32
    %while3A_290 = arith.constant 0 : i32
    %while3A_291 = arith.subi %select_n3A_288, %while3A_289 : i32
    %while3A_292 = arith.addi %while3A_289, %while3A_291 : i32
    %while3A_293 = arith.constant 1 : i32
    %while3A_294 = arith.divsi %while3A_291, %while3A_293 : i32
    %while3A_295 = arith.muli %while3A_294, %while3A_293 : i32
    %while3A_296 = arith.addi %while3A_289, %while3A_295 : i32
    %while3A_297 = arith.constant 1 : i32
    %while3A_298 = scf.for %while3A_301 = %while3A_289 to %while3A_296 step %while3A_297 iter_args(%while3A_302 = %while3A_290) -> (i32)  : i32 {
      %mul3A_303 = arith.constant 16 : i32
      %mul3A_304 = arith.muli %while3A_301, %mul3A_303 : i32
      %add3A_305 = arith.addi %mul3A_304, %arg1 : i32
      %mul3A_306 = arith.constant 40 : i32
      %mul3A_307 = arith.muli %add3A_305, %mul3A_306 : i32
      "tpu.region"() ({
        %run_scoped3A_309 = tpu.sem_alloc : memref<!tpu.dma_semaphore, #tpu.memory_space<semaphore_mem>>
        %dma_start3A_310 = arith.constant 0 : i32
        %dma_start3A_311 = tpu.memref_slice %arg7[%mul3A_307, %dma_start3A_310] : memref<10008x128xf32, #tpu.memory_space<vmem_shared>> -> memref<40x128xf32, #tpu.memory_space<vmem_shared>>
        %dma_start3A_312 = arith.constant 0 : i32
        %dma_start3A_313 = tpu.memref_slice %arg7[%mul3A_307, %dma_start3A_312] : memref<10008x128xf32, #tpu.memory_space<vmem_shared>> -> memref<40x128xf32, #tpu.memory_space<vmem_shared>>
        tpu.enqueue_dma source(%dma_start3A_313 : memref<40x128xf32, #tpu.memory_space<vmem_shared>>) target(%arg12 : memref<40x128xf32, #tpu.memory_space<vmem>>) target_semaphore(%run_scoped3A_309 : memref<!tpu.dma_semaphore, #tpu.memory_space<semaphore_mem>>)
        %dma_wait3A_314 = arith.constant 0 : i32
        %dma_wait3A_315 = tpu.memref_slice %arg7[%mul3A_307, %dma_wait3A_314] : memref<10008x128xf32, #tpu.memory_space<vmem_shared>> -> memref<40x128xf32, #tpu.memory_space<vmem_shared>>
        %dma_wait3A_316 = arith.constant 0 : i32
        %dma_wait3A_317 = tpu.memref_slice %arg7[%mul3A_307, %dma_wait3A_316] : memref<10008x128xf32, #tpu.memory_space<vmem_shared>> -> memref<40x128xf32, #tpu.memory_space<vmem_shared>>
        tpu.wait_dma2 semaphore(%run_scoped3A_309 : memref<!tpu.dma_semaphore, #tpu.memory_space<semaphore_mem>>) src(%dma_wait3A_317 : memref<40x128xf32, #tpu.memory_space<vmem_shared>>) dst(%arg12 : memref<40x128xf32, #tpu.memory_space<vmem>>)
        tpu.yield
      }) : () -> ()
      "tpu.region"() ({
        %run_scoped3A_309 = tpu.sem_alloc : memref<!tpu.dma_semaphore, #tpu.memory_space<semaphore_mem>>
        %dma_start3A_310 = arith.constant 0 : i32
        %dma_start3A_311 = tpu.memref_slice %arg6[%arg0, %mul3A_307, %dma_start3A_310] : memref<2x10000x128xf32, #tpu.memory_space<hbm>> -> memref<1x40x128xf32, #tpu.memory_space<hbm>>
        %dma_start3A_312 = tpu.memref_squeeze %dma_start3A_311 : memref<1x40x128xf32, #tpu.memory_space<hbm>> -> memref<40x128xf32, #tpu.memory_space<hbm>>
        %dma_start3A_313 = arith.constant 0 : i32
        %dma_start3A_314 = tpu.memref_slice %arg6[%arg0, %mul3A_307, %dma_start3A_313] : memref<2x10000x128xf32, #tpu.memory_space<hbm>> -> memref<1x40x128xf32, #tpu.memory_space<hbm>>
        %dma_start3A_315 = tpu.memref_squeeze %dma_start3A_314 : memref<1x40x128xf32, #tpu.memory_space<hbm>> -> memref<40x128xf32, #tpu.memory_space<hbm>>
        tpu.enqueue_dma source(%arg12 : memref<40x128xf32, #tpu.memory_space<vmem>>) target(%dma_start3A_315 : memref<40x128xf32, #tpu.memory_space<hbm>>) target_semaphore(%run_scoped3A_309 : memref<!tpu.dma_semaphore, #tpu.memory_space<semaphore_mem>>)
        %dma_wait3A_316 = arith.constant 0 : i32
        %dma_wait3A_317 = tpu.memref_slice %arg6[%arg0, %mul3A_307, %dma_wait3A_316] : memref<2x10000x128xf32, #tpu.memory_space<hbm>> -> memref<1x40x128xf32, #tpu.memory_space<hbm>>
        %dma_wait3A_318 = tpu.memref_squeeze %dma_wait3A_317 : memref<1x40x128xf32, #tpu.memory_space<hbm>> -> memref<40x128xf32, #tpu.memory_space<hbm>>
        %dma_wait3A_319 = arith.constant 0 : i32
        %dma_wait3A_320 = tpu.memref_slice %arg6[%arg0, %mul3A_307, %dma_wait3A_319] : memref<2x10000x128xf32, #tpu.memory_space<hbm>> -> memref<1x40x128xf32, #tpu.memory_space<hbm>>
        %dma_wait3A_321 = tpu.memref_squeeze %dma_wait3A_320 : memref<1x40x128xf32, #tpu.memory_space<hbm>> -> memref<40x128xf32, #tpu.memory_space<hbm>>
        tpu.wait_dma2 semaphore(%run_scoped3A_309 : memref<!tpu.dma_semaphore, #tpu.memory_space<semaphore_mem>>) src(%arg12 : memref<40x128xf32, #tpu.memory_space<vmem>>) dst(%dma_wait3A_321 : memref<40x128xf32, #tpu.memory_space<hbm>>)
        tpu.yield
      }) : () -> ()
      %while3A_308 = arith.constant 0 : i32
      scf.yield %while3A_308 : i32
    }
    %while3A_299 = arith.constant 1 : i32
    %while3A_300 = scf.for %while3A_301 = %while3A_296 to %while3A_292 step %while3A_299 iter_args(%while3A_302 = %while3A_298) -> (i32)  : i32 {
      %mul3A_303 = arith.constant 16 : i32
      %mul3A_304 = arith.muli %while3A_301, %mul3A_303 : i32
      %add3A_305 = arith.addi %mul3A_304, %arg1 : i32
      %mul3A_306 = arith.constant 40 : i32
      %mul3A_307 = arith.muli %add3A_305, %mul3A_306 : i32
      "tpu.region"() ({
        %run_scoped3A_309 = tpu.sem_alloc : memref<!tpu.dma_semaphore, #tpu.memory_space<semaphore_mem>>
        %dma_start3A_310 = arith.constant 0 : i32
        %dma_start3A_311 = tpu.memref_slice %arg7[%mul3A_307, %dma_start3A_310] : memref<10008x128xf32, #tpu.memory_space<vmem_shared>> -> memref<40x128xf32, #tpu.memory_space<vmem_shared>>
        %dma_start3A_312 = arith.constant 0 : i32
        %dma_start3A_313 = tpu.memref_slice %arg7[%mul3A_307, %dma_start3A_312] : memref<10008x128xf32, #tpu.memory_space<vmem_shared>> -> memref<40x128xf32, #tpu.memory_space<vmem_shared>>
        tpu.enqueue_dma source(%dma_start3A_313 : memref<40x128xf32, #tpu.memory_space<vmem_shared>>) target(%arg12 : memref<40x128xf32, #tpu.memory_space<vmem>>) target_semaphore(%run_scoped3A_309 : memref<!tpu.dma_semaphore, #tpu.memory_space<semaphore_mem>>)
        %dma_wait3A_314 = arith.constant 0 : i32
        %dma_wait3A_315 = tpu.memref_slice %arg7[%mul3A_307, %dma_wait3A_314] : memref<10008x128xf32, #tpu.memory_space<vmem_shared>> -> memref<40x128xf32, #tpu.memory_space<vmem_shared>>
        %dma_wait3A_316 = arith.constant 0 : i32
        %dma_wait3A_317 = tpu.memref_slice %arg7[%mul3A_307, %dma_wait3A_316] : memref<10008x128xf32, #tpu.memory_space<vmem_shared>> -> memref<40x128xf32, #tpu.memory_space<vmem_shared>>
        tpu.wait_dma2 semaphore(%run_scoped3A_309 : memref<!tpu.dma_semaphore, #tpu.memory_space<semaphore_mem>>) src(%dma_wait3A_317 : memref<40x128xf32, #tpu.memory_space<vmem_shared>>) dst(%arg12 : memref<40x128xf32, #tpu.memory_space<vmem>>)
        tpu.yield
      }) : () -> ()
      "tpu.region"() ({
        %run_scoped3A_309 = tpu.sem_alloc : memref<!tpu.dma_semaphore, #tpu.memory_space<semaphore_mem>>
        %dma_start3A_310 = arith.constant 0 : i32
        %dma_start3A_311 = tpu.memref_slice %arg6[%arg0, %mul3A_307, %dma_start3A_310] : memref<2x10000x128xf32, #tpu.memory_space<hbm>> -> memref<1x40x128xf32, #tpu.memory_space<hbm>>
        %dma_start3A_312 = tpu.memref_squeeze %dma_start3A_311 : memref<1x40x128xf32, #tpu.memory_space<hbm>> -> memref<40x128xf32, #tpu.memory_space<hbm>>
        %dma_start3A_313 = arith.constant 0 : i32
        %dma_start3A_314 = tpu.memref_slice %arg6[%arg0, %mul3A_307, %dma_start3A_313] : memref<2x10000x128xf32, #tpu.memory_space<hbm>> -> memref<1x40x128xf32, #tpu.memory_space<hbm>>
        %dma_start3A_315 = tpu.memref_squeeze %dma_start3A_314 : memref<1x40x128xf32, #tpu.memory_space<hbm>> -> memref<40x128xf32, #tpu.memory_space<hbm>>
        tpu.enqueue_dma source(%arg12 : memref<40x128xf32, #tpu.memory_space<vmem>>) target(%dma_start3A_315 : memref<40x128xf32, #tpu.memory_space<hbm>>) target_semaphore(%run_scoped3A_309 : memref<!tpu.dma_semaphore, #tpu.memory_space<semaphore_mem>>)
        %dma_wait3A_316 = arith.constant 0 : i32
        %dma_wait3A_317 = tpu.memref_slice %arg6[%arg0, %mul3A_307, %dma_wait3A_316] : memref<2x10000x128xf32, #tpu.memory_space<hbm>> -> memref<1x40x128xf32, #tpu.memory_space<hbm>>
        %dma_wait3A_318 = tpu.memref_squeeze %dma_wait3A_317 : memref<1x40x128xf32, #tpu.memory_space<hbm>> -> memref<40x128xf32, #tpu.memory_space<hbm>>
        %dma_wait3A_319 = arith.constant 0 : i32
        %dma_wait3A_320 = tpu.memref_slice %arg6[%arg0, %mul3A_307, %dma_wait3A_319] : memref<2x10000x128xf32, #tpu.memory_space<hbm>> -> memref<1x40x128xf32, #tpu.memory_space<hbm>>
        %dma_wait3A_321 = tpu.memref_squeeze %dma_wait3A_320 : memref<1x40x128xf32, #tpu.memory_space<hbm>> -> memref<40x128xf32, #tpu.memory_space<hbm>>
        tpu.wait_dma2 semaphore(%run_scoped3A_309 : memref<!tpu.dma_semaphore, #tpu.memory_space<semaphore_mem>>) src(%arg12 : memref<40x128xf32, #tpu.memory_space<vmem>>) dst(%dma_wait3A_321 : memref<40x128xf32, #tpu.memory_space<hbm>>)
        tpu.yield
      }) : () -> ()
      %while3A_308 = arith.constant 0 : i32
      scf.yield %while3A_308 : i32
    }
    return
  }
}

module attributes {stable_mosaic.version = 14 : i64} {
  func.func @_proj_body(%arg0: i32, %arg1: memref<1000x256xf32, #tpu.memory_space<vmem>>, %arg2: memref<1000x256xf32, #tpu.memory_space<vmem>>, %arg3: memref<256x128xf32, #tpu.memory_space<vmem>>, %arg4: memref<1x128xf32, #tpu.memory_space<vmem>>, %arg5: memref<256x128xf32, #tpu.memory_space<vmem>>, %arg6: memref<1x128xf32, #tpu.memory_space<vmem>>, %arg7: memref<128x64xf32, #tpu.memory_space<vmem>>, %arg8: memref<128x64xf32, #tpu.memory_space<vmem>>, %arg9: memref<1000x128xf32, #tpu.memory_space<vmem>>, %arg10: memref<1000x128xf32, #tpu.memory_space<vmem>>, %arg11: memref<1000x64xf32, #tpu.memory_space<vmem>>, %arg12: memref<1000x64xf32, #tpu.memory_space<vmem>>) attributes {dimension_semantics = [#tpu.dimension_semantics<arbitrary>], iteration_bounds = array<i64: 10>, scalar_prefetch = 0 : i64, scratch_operands = 0 : i64, tpu.core_type = #tpu.core_type<tc>, window_params = [{transform_indices = @transform_0, window_bounds = array<i64: 1000, 256>}, {transform_indices = @transform_1, window_bounds = array<i64: 1000, 256>}, {pipeline_mode = #tpu.pipeline_mode<synchronous>, transform_indices = @transform_2, window_bounds = array<i64: 256, 128>}, {pipeline_mode = #tpu.pipeline_mode<synchronous>, transform_indices = @transform_3, window_bounds = array<i64: 1, 128>}, {pipeline_mode = #tpu.pipeline_mode<synchronous>, transform_indices = @transform_4, window_bounds = array<i64: 256, 128>}, {pipeline_mode = #tpu.pipeline_mode<synchronous>, transform_indices = @transform_5, window_bounds = array<i64: 1, 128>}, {pipeline_mode = #tpu.pipeline_mode<synchronous>, transform_indices = @transform_6, window_bounds = array<i64: 128, 64>}, {pipeline_mode = #tpu.pipeline_mode<synchronous>, transform_indices = @transform_7, window_bounds = array<i64: 128, 64>}, {transform_indices = @transform_8, window_bounds = array<i64: 1000, 128>}, {transform_indices = @transform_9, window_bounds = array<i64: 1000, 128>}, {transform_indices = @transform_10, window_bounds = array<i64: 1000, 64>}, {transform_indices = @transform_11, window_bounds = array<i64: 1000, 64>}]} {
    %get3A = arith.constant 0 : index
    %get3A_0 = arith.constant 0 : index
    %get3A_1 = vector.load %arg1[%get3A, %get3A_0] : memref<1000x256xf32, #tpu.memory_space<vmem>>, vector<1000x256xf32>
    %get3A_2 = arith.constant 0 : index
    %get3A_3 = arith.constant 0 : index
    %get3A_4 = vector.load %arg3[%get3A_2, %get3A_3] : memref<256x128xf32, #tpu.memory_space<vmem>>, vector<256x128xf32>
    %dot_general3A = arith.constant dense<0.000000e+00> : vector<1000x128xf32>
    %dot_general3A_5 = tpu.matmul %get3A_1, %get3A_4, %dot_general3A {dimension_numbers = #tpu.dot_dimension_numbers<[1], [0], [0], [1], [0, 0, 1, 1], [], []>, transpose_lhs_hint = false} : vector<1000x256xf32>, vector<256x128xf32>, vector<1000x128xf32> -> vector<1000x128xf32>
    %get3A_6 = arith.constant 0 : index
    %get3A_7 = arith.constant 0 : index
    %get3A_8 = vector.load %arg4[%get3A_6, %get3A_7] : memref<1x128xf32, #tpu.memory_space<vmem>>, vector<1x128xf32>
    %add3A = vector.broadcast %get3A_8 : vector<1x128xf32> to vector<1000x128xf32>
    %add3A_9 = arith.addf %dot_general3A_5, %add3A : vector<1000x128xf32>
    %get3A_10 = arith.constant 0 : index
    %get3A_11 = arith.constant 0 : index
    %get3A_12 = vector.load %arg2[%get3A_10, %get3A_11] : memref<1000x256xf32, #tpu.memory_space<vmem>>, vector<1000x256xf32>
    %get3A_13 = arith.constant 0 : index
    %get3A_14 = arith.constant 0 : index
    %get3A_15 = vector.load %arg5[%get3A_13, %get3A_14] : memref<256x128xf32, #tpu.memory_space<vmem>>, vector<256x128xf32>
    %dot_general3A_16 = arith.constant dense<0.000000e+00> : vector<1000x128xf32>
    %dot_general3A_17 = tpu.matmul %get3A_12, %get3A_15, %dot_general3A_16 {dimension_numbers = #tpu.dot_dimension_numbers<[1], [0], [0], [1], [0, 0, 1, 1], [], []>, transpose_lhs_hint = false} : vector<1000x256xf32>, vector<256x128xf32>, vector<1000x128xf32> -> vector<1000x128xf32>
    %get3A_18 = arith.constant 0 : index
    %get3A_19 = arith.constant 0 : index
    %get3A_20 = vector.load %arg6[%get3A_18, %get3A_19] : memref<1x128xf32, #tpu.memory_space<vmem>>, vector<1x128xf32>
    %add3A_21 = vector.broadcast %get3A_20 : vector<1x128xf32> to vector<1000x128xf32>
    %add3A_22 = arith.addf %dot_general3A_17, %add3A_21 : vector<1000x128xf32>
    %swap3A = arith.constant 0 : index
    %swap3A_23 = arith.constant 0 : index
    %swap3A_24 = vector.load %arg9[%swap3A, %swap3A_23] : memref<1000x128xf32, #tpu.memory_space<vmem>>, vector<1000x128xf32>
    tpu.vector_store %arg9[%swap3A, %swap3A_23], %add3A_9 {strides = array<i32>} : memref<1000x128xf32, #tpu.memory_space<vmem>>, vector<1000x128xf32>,
    %swap3A_25 = arith.constant 0 : index
    %swap3A_26 = arith.constant 0 : index
    %swap3A_27 = vector.load %arg10[%swap3A_25, %swap3A_26] : memref<1000x128xf32, #tpu.memory_space<vmem>>, vector<1000x128xf32>
    tpu.vector_store %arg10[%swap3A_25, %swap3A_26], %add3A_22 {strides = array<i32>} : memref<1000x128xf32, #tpu.memory_space<vmem>>, vector<1000x128xf32>,
    %get3A_28 = arith.constant 0 : index
    %get3A_29 = arith.constant 0 : index
    %get3A_30 = vector.load %arg7[%get3A_28, %get3A_29] : memref<128x64xf32, #tpu.memory_space<vmem>>, vector<128x64xf32>
    %dot_general3A_31 = arith.constant dense<0.000000e+00> : vector<1000x64xf32>
    %dot_general3A_32 = tpu.matmul %add3A_9, %get3A_30, %dot_general3A_31 {dimension_numbers = #tpu.dot_dimension_numbers<[1], [0], [0], [1], [0, 0, 1, 1], [], []>, transpose_lhs_hint = false} : vector<1000x128xf32>, vector<128x64xf32>, vector<1000x64xf32> -> vector<1000x64xf32>
    %swap3A_33 = arith.constant 0 : index
    %swap3A_34 = arith.constant 0 : index
    %swap3A_35 = vector.load %arg11[%swap3A_33, %swap3A_34] : memref<1000x64xf32, #tpu.memory_space<vmem>>, vector<1000x64xf32>
    tpu.vector_store %arg11[%swap3A_33, %swap3A_34], %dot_general3A_32 {strides = array<i32>} : memref<1000x64xf32, #tpu.memory_space<vmem>>, vector<1000x64xf32>,
    %get3A_36 = arith.constant 0 : index
    %get3A_37 = arith.constant 0 : index
    %get3A_38 = vector.load %arg8[%get3A_36, %get3A_37] : memref<128x64xf32, #tpu.memory_space<vmem>>, vector<128x64xf32>
    %dot_general3A_39 = arith.constant dense<0.000000e+00> : vector<1000x64xf32>
    %dot_general3A_40 = tpu.matmul %add3A_22, %get3A_38, %dot_general3A_39 {dimension_numbers = #tpu.dot_dimension_numbers<[1], [0], [0], [1], [0, 0, 1, 1], [], []>, transpose_lhs_hint = false} : vector<1000x128xf32>, vector<128x64xf32>, vector<1000x64xf32> -> vector<1000x64xf32>
    %swap3A_41 = arith.constant 0 : index
    %swap3A_42 = arith.constant 0 : index
    %swap3A_43 = vector.load %arg12[%swap3A_41, %swap3A_42] : memref<1000x64xf32, #tpu.memory_space<vmem>>, vector<1000x64xf32>
    tpu.vector_store %arg12[%swap3A_41, %swap3A_42], %dot_general3A_40 {strides = array<i32>} : memref<1000x64xf32, #tpu.memory_space<vmem>>, vector<1000x64xf32>,
    return
  }
  func.func @transform_0(%arg0: i32) -> (i32, i32) {
    %c0_i32 = arith.constant 0 : i32
    %c0_i32_0 = arith.constant 0 : i32
    return %arg0, %c0_i32 : i32, i32
  }
  func.func @transform_1(%arg0: i32) -> (i32, i32) {
    %c0_i32 = arith.constant 0 : i32
    %c0_i32_0 = arith.constant 0 : i32
    return %arg0, %c0_i32 : i32, i32
  }
  func.func @transform_2(%arg0: i32) -> (i32, i32) {
    %c0_i32 = arith.constant 0 : i32
    %c0_i32_0 = arith.constant 0 : i32
    %c0_i32_1 = arith.constant 0 : i32
    return %c0_i32, %c0_i32_0 : i32, i32
  }
  func.func @transform_3(%arg0: i32) -> (i32, i32) {
    %c0_i32 = arith.constant 0 : i32
    %c0_i32_0 = arith.constant 0 : i32
    %c0_i32_1 = arith.constant 0 : i32
    return %c0_i32, %c0_i32_0 : i32, i32
  }
  func.func @transform_4(%arg0: i32) -> (i32, i32) {
    %c0_i32 = arith.constant 0 : i32
    %c0_i32_0 = arith.constant 0 : i32
    %c0_i32_1 = arith.constant 0 : i32
    return %c0_i32, %c0_i32_0 : i32, i32
  }
  func.func @transform_5(%arg0: i32) -> (i32, i32) {
    %c0_i32 = arith.constant 0 : i32
    %c0_i32_0 = arith.constant 0 : i32
    %c0_i32_1 = arith.constant 0 : i32
    return %c0_i32, %c0_i32_0 : i32, i32
  }
  func.func @transform_6(%arg0: i32) -> (i32, i32) {
    %c0_i32 = arith.constant 0 : i32
    %c0_i32_0 = arith.constant 0 : i32
    %c0_i32_1 = arith.constant 0 : i32
    return %c0_i32, %c0_i32_0 : i32, i32
  }
  func.func @transform_7(%arg0: i32) -> (i32, i32) {
    %c0_i32 = arith.constant 0 : i32
    %c0_i32_0 = arith.constant 0 : i32
    %c0_i32_1 = arith.constant 0 : i32
    return %c0_i32, %c0_i32_0 : i32, i32
  }
  func.func @transform_8(%arg0: i32) -> (i32, i32) {
    %c0_i32 = arith.constant 0 : i32
    %c0_i32_0 = arith.constant 0 : i32
    return %arg0, %c0_i32 : i32, i32
  }
  func.func @transform_9(%arg0: i32) -> (i32, i32) {
    %c0_i32 = arith.constant 0 : i32
    %c0_i32_0 = arith.constant 0 : i32
    return %arg0, %c0_i32 : i32, i32
  }
  func.func @transform_10(%arg0: i32) -> (i32, i32) {
    %c0_i32 = arith.constant 0 : i32
    %c0_i32_0 = arith.constant 0 : i32
    return %arg0, %c0_i32 : i32, i32
  }
  func.func @transform_11(%arg0: i32) -> (i32, i32) {
    %c0_i32 = arith.constant 0 : i32
    %c0_i32_0 = arith.constant 0 : i32
    return %arg0, %c0_i32 : i32, i32
  }
}

module attributes {stable_mosaic.version = 14 : i64} {
  func.func @_norm_body(%arg0: i32, %arg1: i32, %arg2: memref<1x1000x128xf32, #tpu.memory_space<vmem>>, %arg3: memref<1x1000x128xf32, #tpu.memory_space<vmem>>, %arg4: memref<128x128xf32, #tpu.memory_space<vmem>>, %arg5: memref<128x128xf32, #tpu.memory_space<vmem>>, %arg6: memref<1x128xf32, #tpu.memory_space<vmem>>, %arg7: memref<1x1000x128xf32, #tpu.memory_space<vmem>>, %arg8: memref<2x128xf32, #tpu.memory_space<vmem>>) attributes {dimension_semantics = [#tpu.dimension_semantics<arbitrary>, #tpu.dimension_semantics<arbitrary>], iteration_bounds = array<i64: 2, 10>, scalar_prefetch = 0 : i64, scratch_operands = 0 : i64, tpu.core_type = #tpu.core_type<tc>, window_params = [{transform_indices = @transform_0, window_bounds = array<i64: 1, 1000, 128>}, {transform_indices = @transform_1, window_bounds = array<i64: 1, 1000, 128>}, {pipeline_mode = #tpu.pipeline_mode<synchronous>, transform_indices = @transform_2, window_bounds = array<i64: 128, 128>}, {pipeline_mode = #tpu.pipeline_mode<synchronous>, transform_indices = @transform_3, window_bounds = array<i64: 128, 128>}, {pipeline_mode = #tpu.pipeline_mode<synchronous>, transform_indices = @transform_4, window_bounds = array<i64: 1, 128>}, {transform_indices = @transform_5, window_bounds = array<i64: 1, 1000, 128>}, {pipeline_mode = #tpu.pipeline_mode<synchronous>, transform_indices = @transform_6, window_bounds = array<i64: 2, 128>}]} {
    %get3A = arith.constant 0 : index
    %get3A_0 = arith.constant 0 : index
    %get3A_1 = arith.constant 0 : index
    %get3A_2 = vector.load %arg3[%get3A, %get3A_0, %get3A_1] : memref<1x1000x128xf32, #tpu.memory_space<vmem>>, vector<1x1000x128xf32>
    %get3A_3 = vector.shape_cast %get3A_2 : vector<1x1000x128xf32> to vector<1000x128xf32>
    %get3A_4 = arith.constant 0 : index
    %get3A_5 = arith.constant 0 : index
    %get3A_6 = vector.load %arg4[%get3A_4, %get3A_5] : memref<128x128xf32, #tpu.memory_space<vmem>>, vector<128x128xf32>
    %dot_general3A = arith.constant dense<0.000000e+00> : vector<1000x128xf32>
    %dot_general3A_7 = tpu.matmul %get3A_3, %get3A_6, %dot_general3A {dimension_numbers = #tpu.dot_dimension_numbers<[1], [0], [0], [1], [0, 0, 1, 1], [], []>, transpose_lhs_hint = false} : vector<1000x128xf32>, vector<128x128xf32>, vector<1000x128xf32> -> vector<1000x128xf32>
    %get3A_8 = arith.constant 0 : index
    %get3A_9 = arith.constant 0 : index
    %get3A_10 = arith.constant 0 : index
    %get3A_11 = vector.load %arg2[%get3A_8, %get3A_9, %get3A_10] : memref<1x1000x128xf32, #tpu.memory_space<vmem>>, vector<1x1000x128xf32>
    %get3A_12 = vector.shape_cast %get3A_11 : vector<1x1000x128xf32> to vector<1000x128xf32>
    %gt3A = arith.constant 0.000000e+00 : f32
    %gt3A_13 = vector.broadcast %gt3A : f32 to vector<1000x128xf32>
    %gt3A_14 = arith.cmpf ogt, %dot_general3A_7, %gt3A_13 : vector<1000x128xf32>
    %div3A = arith.divf %get3A_12, %dot_general3A_7 : vector<1000x128xf32>
    %jit3A = arith.constant 0.000000e+00 : f32
    %broadcast_in_dim3A = vector.broadcast %jit3A : f32 to vector<1000x128xf32>
    %select_n3A = arith.select %gt3A_14, %div3A, %broadcast_in_dim3A : vector<1000x128xi1>, vector<1000x128xf32>
    %max3A = arith.constant 0.000000e+00 : f32
    %max3A_15 = vector.broadcast %max3A : f32 to vector<1000x128xf32>
    %max3A_16 = arith.maximumf %select_n3A, %max3A_15 : vector<1000x128xf32>
    %swap3A = arith.constant 0 : index
    %swap3A_17 = arith.constant 0 : index
    %swap3A_18 = arith.constant 0 : index
    %swap3A_19 = vector.load %arg7[%swap3A, %swap3A_17, %swap3A_18] : memref<1x1000x128xf32, #tpu.memory_space<vmem>>, vector<1x1000x128xf32>
    %swap3A_20 = vector.shape_cast %swap3A_19 : vector<1x1000x128xf32> to vector<1000x128xf32>
    %swap3A_21 = vector.shape_cast %max3A_16 : vector<1000x128xf32> to vector<1x1000x128xf32>
    tpu.vector_store %arg7[%swap3A, %swap3A_17, %swap3A_18], %swap3A_21 {strides = array<i32>} : memref<1x1000x128xf32, #tpu.memory_space<vmem>>, vector<1x1000x128xf32>,
    %get3A_22 = arith.constant 0 : index
    %get3A_23 = arith.constant 0 : index
    %get3A_24 = vector.load %arg5[%get3A_22, %get3A_23] : memref<128x128xf32, #tpu.memory_space<vmem>>, vector<128x128xf32>
    %dot_general3A_25 = arith.constant dense<0.000000e+00> : vector<1000x128xf32>
    %dot_general3A_26 = tpu.matmul %max3A_16, %get3A_24, %dot_general3A_25 {dimension_numbers = #tpu.dot_dimension_numbers<[1], [0], [0], [1], [0, 0, 1, 1], [], []>, transpose_lhs_hint = false} : vector<1000x128xf32>, vector<128x128xf32>, vector<1000x128xf32> -> vector<1000x128xf32>
    %get3A_27 = arith.constant 0 : index
    %get3A_28 = arith.constant 0 : index
    %get3A_29 = vector.load %arg6[%get3A_27, %get3A_28] : memref<1x128xf32, #tpu.memory_space<vmem>>, vector<1x128xf32>
    %add3A = vector.broadcast %get3A_29 : vector<1x128xf32> to vector<1000x128xf32>
    %add3A_30 = arith.addf %dot_general3A_26, %add3A : vector<1000x128xf32>
    %tanh3A = math.tanh %add3A_30 : vector<1000x128xf32>
    %reduce_sum3A = arith.constant dense<0.000000e+00> : vector<128xf32>
    %reduce_sum3A_31 = vector.multi_reduction <add>, %tanh3A, %reduce_sum3A [0] : vector<1000x128xf32> to vector<128xf32>
    %broadcast_in_dim3A_32 = vector.shape_cast %reduce_sum3A_31 : vector<128xf32> to vector<1x128xf32>
    %eq3A = arith.constant 0 : i32
    %eq3A_33 = arith.cmpi eq, %arg0, %eq3A : i32
    %eq3A_34 = arith.constant 0 : i32
    %eq3A_35 = arith.cmpi eq, %arg1, %eq3A_34 : i32
    %and3A = arith.andi %eq3A_33, %eq3A_35 : i1
    %convert_element_type3A = arith.extui %and3A : i1 to i32
    %cond3A = arith.constant 0 : i32
    %cond3A_36 = arith.cmpi ne, %convert_element_type3A, %cond3A : i32
    scf.if %cond3A_36 {
      %broadcast_in_dim3A_51 = arith.constant 0.000000e+00 : f32
      %broadcast_in_dim3A_52 = vector.broadcast %broadcast_in_dim3A_51 : f32 to vector<2x128xf32>
      %swap3A_53 = arith.constant 0 : index
      %swap3A_54 = arith.constant 0 : index
      %swap3A_55 = vector.load %arg8[%swap3A_53, %swap3A_54] : memref<2x128xf32, #tpu.memory_space<vmem>>, vector<2x128xf32>
      tpu.vector_store %arg8[%swap3A_53, %swap3A_54], %broadcast_in_dim3A_52 {strides = array<i32>} : memref<2x128xf32, #tpu.memory_space<vmem>>, vector<2x128xf32>,
    } else {
    }
    %iota3A = tpu.iota {dimensions = array<i32: 0>} : vector<2x128xi32>
    %get3A_37 = arith.constant 0 : index
    %get3A_38 = arith.constant 0 : index
    %get3A_39 = vector.load %arg8[%get3A_37, %get3A_38] : memref<2x128xf32, #tpu.memory_space<vmem>>, vector<2x128xf32>
    %eq3A_40 = vector.broadcast %arg0 : i32 to vector<2x128xi32>
    %eq3A_41 = arith.cmpi eq, %iota3A, %eq3A_40 : vector<2x128xi32>
    %jit3A_42 = arith.constant 0.000000e+00 : f32
    %broadcast_in_dim3A_43 = vector.shape_cast %broadcast_in_dim3A_32 : vector<1x128xf32> to vector<1x128xf32>
    %broadcast_in_dim3A_44 = vector.broadcast %broadcast_in_dim3A_43 : vector<1x128xf32> to vector<2x128xf32>
    %broadcast_in_dim3A_45 = vector.broadcast %jit3A_42 : f32 to vector<2x128xf32>
    %select_n3A_46 = arith.select %eq3A_41, %broadcast_in_dim3A_44, %broadcast_in_dim3A_45 : vector<2x128xi1>, vector<2x128xf32>
    %add3A_47 = arith.addf %get3A_39, %select_n3A_46 : vector<2x128xf32>
    %swap3A_48 = arith.constant 0 : index
    %swap3A_49 = arith.constant 0 : index
    %swap3A_50 = vector.load %arg8[%swap3A_48, %swap3A_49] : memref<2x128xf32, #tpu.memory_space<vmem>>, vector<2x128xf32>
    tpu.vector_store %arg8[%swap3A_48, %swap3A_49], %add3A_47 {strides = array<i32>} : memref<2x128xf32, #tpu.memory_space<vmem>>, vector<2x128xf32>,
    return
  }
  func.func @transform_0(%arg0: i32, %arg1: i32) -> (i32, i32, i32) {
    %c0_i32 = arith.constant 0 : i32
    %c0_i32_0 = arith.constant 0 : i32
    return %arg0, %arg1, %c0_i32 : i32, i32, i32
  }
  func.func @transform_1(%arg0: i32, %arg1: i32) -> (i32, i32, i32) {
    %c0_i32 = arith.constant 0 : i32
    %c0_i32_0 = arith.constant 0 : i32
    return %arg0, %arg1, %c0_i32 : i32, i32, i32
  }
  func.func @transform_2(%arg0: i32, %arg1: i32) -> (i32, i32) {
    %c0_i32 = arith.constant 0 : i32
    %c0_i32_0 = arith.constant 0 : i32
    %c0_i32_1 = arith.constant 0 : i32
    return %c0_i32, %c0_i32_0 : i32, i32
  }
  func.func @transform_3(%arg0: i32, %arg1: i32) -> (i32, i32) {
    %c0_i32 = arith.constant 0 : i32
    %c0_i32_0 = arith.constant 0 : i32
    %c0_i32_1 = arith.constant 0 : i32
    return %c0_i32, %c0_i32_0 : i32, i32
  }
  func.func @transform_4(%arg0: i32, %arg1: i32) -> (i32, i32) {
    %c0_i32 = arith.constant 0 : i32
    %c0_i32_0 = arith.constant 0 : i32
    %c0_i32_1 = arith.constant 0 : i32
    return %c0_i32, %c0_i32_0 : i32, i32
  }
  func.func @transform_5(%arg0: i32, %arg1: i32) -> (i32, i32, i32) {
    %c0_i32 = arith.constant 0 : i32
    %c0_i32_0 = arith.constant 0 : i32
    return %arg0, %arg1, %c0_i32 : i32, i32, i32
  }
  func.func @transform_6(%arg0: i32, %arg1: i32) -> (i32, i32) {
    %c0_i32 = arith.constant 0 : i32
    %c0_i32_0 = arith.constant 0 : i32
    %c0_i32_1 = arith.constant 0 : i32
    return %c0_i32, %c0_i32_0 : i32, i32
  }
}

module attributes {stable_mosaic.version = 14 : i64} {
  func.func @_fin_body(%arg0: i32, %arg1: memref<2xf32, #tpu.memory_space<smem>>, %arg2: memref<2x1000x128xf32, #tpu.memory_space<vmem>>, %arg3: memref<128x128xf32, #tpu.memory_space<vmem>>, %arg4: memref<1x128xf32, #tpu.memory_space<vmem>>, %arg5: memref<1000x128xf32, #tpu.memory_space<vmem>>) attributes {dimension_semantics = [#tpu.dimension_semantics<arbitrary>], iteration_bounds = array<i64: 10>, scalar_prefetch = 0 : i64, scratch_operands = 0 : i64, tpu.core_type = #tpu.core_type<tc>, window_params = [{transform_indices = @transform_0, window_bounds = array<i64: 2>}, {transform_indices = @transform_1, window_bounds = array<i64: 2, 1000, 128>}, {pipeline_mode = #tpu.pipeline_mode<synchronous>, transform_indices = @transform_2, window_bounds = array<i64: 128, 128>}, {pipeline_mode = #tpu.pipeline_mode<synchronous>, transform_indices = @transform_3, window_bounds = array<i64: 1, 128>}, {transform_indices = @transform_4, window_bounds = array<i64: 1000, 128>}]} {
    %get3A = arith.constant 0 : index
    %get3A_0 = memref.load %arg1[%get3A] : memref<2xf32, #tpu.memory_space<smem>>
    %get3A_1 = arith.constant 0 : index
    %get3A_2 = arith.constant 0 : index
    %get3A_3 = arith.constant 0 : index
    %get3A_4 = vector.load %arg2[%get3A_1, %get3A_2, %get3A_3] : memref<2x1000x128xf32, #tpu.memory_space<vmem>>, vector<1x1000x128xf32>
    %get3A_5 = vector.shape_cast %get3A_4 : vector<1x1000x128xf32> to vector<1000x128xf32>
    %mul3A = vector.broadcast %get3A_0 : f32 to vector<1000x128xf32>
    %mul3A_6 = arith.mulf %mul3A, %get3A_5 : vector<1000x128xf32>
    %get3A_7 = arith.constant 1 : index
    %get3A_8 = memref.load %arg1[%get3A_7] : memref<2xf32, #tpu.memory_space<smem>>
    %get3A_9 = arith.constant 1 : index
    %get3A_10 = arith.constant 0 : index
    %get3A_11 = arith.constant 0 : index
    %get3A_12 = vector.load %arg2[%get3A_9, %get3A_10, %get3A_11] : memref<2x1000x128xf32, #tpu.memory_space<vmem>>, vector<1x1000x128xf32>
    %get3A_13 = vector.shape_cast %get3A_12 : vector<1x1000x128xf32> to vector<1000x128xf32>
    %mul3A_14 = vector.broadcast %get3A_8 : f32 to vector<1000x128xf32>
    %mul3A_15 = arith.mulf %mul3A_14, %get3A_13 : vector<1000x128xf32>
    %add3A = arith.addf %mul3A_6, %mul3A_15 : vector<1000x128xf32>
    %get3A_16 = arith.constant 0 : index
    %get3A_17 = arith.constant 0 : index
    %get3A_18 = vector.load %arg3[%get3A_16, %get3A_17] : memref<128x128xf32, #tpu.memory_space<vmem>>, vector<128x128xf32>
    %dot_general3A = arith.constant dense<0.000000e+00> : vector<1000x128xf32>
    %dot_general3A_19 = tpu.matmul %add3A, %get3A_18, %dot_general3A {dimension_numbers = #tpu.dot_dimension_numbers<[1], [0], [0], [1], [0, 0, 1, 1], [], []>, transpose_lhs_hint = false} : vector<1000x128xf32>, vector<128x128xf32>, vector<1000x128xf32> -> vector<1000x128xf32>
    %get3A_20 = arith.constant 0 : index
    %get3A_21 = arith.constant 0 : index
    %get3A_22 = vector.load %arg4[%get3A_20, %get3A_21] : memref<1x128xf32, #tpu.memory_space<vmem>>, vector<1x128xf32>
    %add3A_23 = vector.broadcast %get3A_22 : vector<1x128xf32> to vector<1000x128xf32>
    %add3A_24 = arith.addf %dot_general3A_19, %add3A_23 : vector<1000x128xf32>
    %swap3A = arith.constant 0 : index
    %swap3A_25 = arith.constant 0 : index
    %swap3A_26 = vector.load %arg5[%swap3A, %swap3A_25] : memref<1000x128xf32, #tpu.memory_space<vmem>>, vector<1000x128xf32>
    tpu.vector_store %arg5[%swap3A, %swap3A_25], %add3A_24 {strides = array<i32>} : memref<1000x128xf32, #tpu.memory_space<vmem>>, vector<1000x128xf32>,
    return
  }
  func.func @transform_0(%arg0: i32) -> i32 {
    %c0_i32 = arith.constant 0 : i32
    %c0_i32_0 = arith.constant 0 : i32
    return %c0_i32 : i32
  }
  func.func @transform_1(%arg0: i32) -> (i32, i32, i32) {
    %c0_i32 = arith.constant 0 : i32
    %c0_i32_0 = arith.constant 0 : i32
    %c0_i32_1 = arith.constant 0 : i32
    return %c0_i32, %arg0, %c0_i32_0 : i32, i32, i32
  }
  func.func @transform_2(%arg0: i32) -> (i32, i32) {
    %c0_i32 = arith.constant 0 : i32
    %c0_i32_0 = arith.constant 0 : i32
    %c0_i32_1 = arith.constant 0 : i32
    return %c0_i32, %c0_i32_0 : i32, i32
  }
  func.func @transform_3(%arg0: i32) -> (i32, i32) {
    %c0_i32 = arith.constant 0 : i32
    %c0_i32_0 = arith.constant 0 : i32
    %c0_i32_1 = arith.constant 0 : i32
    return %c0_i32, %c0_i32_0 : i32, i32
  }
  func.func @transform_4(%arg0: i32) -> (i32, i32) {
    %c0_i32 = arith.constant 0 : i32
    %c0_i32_0 = arith.constant 0 : i32
    return %arg0, %c0_i32 : i32, i32
  }
}

</mosaic_0001>

<sc_bundles>
// kernel: kernel.10.cloned.1.call-start
scs
__scs_entry_jumppad:
0x0: {  	(pc) =	sbr.rel $0x88, $3  }
0x1: {  	(tag) =	ssettag $0x0;
	lr =	simm.s32 $0x1  }
0x2: {  	[smem:$0x3F90] =	sst lr;
	_ =	strace $0xD0000000  }
0x3: {  	_ = 	snop  }
0x4: {  	_ = 	snop  }
0x5: {  	_ = 	snop  }
0x6: {  	_ = 	snop  }
0x7: {  	_ = 	snop  }
__scs_overlays_trampoline_lowered:
0x8: {  	[smem:$0x3F9F] =	sst s0  }
0x9: {  	[smem:$0x3FA0] =	sst s1  }
0xa: {  	[smem:$0x3FA1] =	sst s2  }
0xb: {  	[smem:$0x3FA2] =	sst s3  }
0xc: {  	[smem:$0x3FA3] =	sst s4  }
0xd: {  	[smem:$0x3FA4] =	sst s5  }
0xe: {  	[smem:$0x3FA5] =	sst s6  }
0xf: {  	[smem:$0x3FA6] =	sst s7  }
0x10: {  	[smem:$0x3FA7] =	sst s8  }
0x11: {  	[smem:$0x3FA8] =	sst s9;
	s0 =	simm.s32 @!p0 $0x0  }
0x12: {  	s1 =	sld [smem:$0x3F8E];
	s0 =	simm.s32 @p0 $0x1  }
0x13: {  	[smem:$0x3FA9] =	sst s0;
	s0 =	simm.s32 @!p1 $0x0  }
0x14: {  	s2 =	sld [smem:$0x3F8D];
	s0 =	simm.s32 @p1 $0x1  }
0x15: {  	[smem:$0x3FAA] =	sst s0;
	s0 =	simm.s32 @!p2 $0x0  }
0x16: {  	s3 =	sld [smem:$0x3FDB];
	s0 =	simm.s32 @p2 $0x1  }
0x17: {  	s4 =	simm.s32 $0x1BF5;
	[smem:$0x3FAC] =	sst s0  }
0x18: {  	s0 =	sld [smem:$0x3F8F];
	_ =	swait.ge [sflag:s4], $0x0  }
0x19: {  	s7 =	sld [smem:$0x3F90]  }
0x1a: {  	s8 =	sadd.s32 $0xFFFFE003, lr  }
0x1b: {  	s9 =	sadd.s32 $0xFFFFFEF7, lr;
	s5 =	simm.s32 $0xFFFFFFFF;
	p2 =	slt.u32 s8, $0xFFFFF086  }
0x1c: {  	p1 =	slt.u32 s9, $0xF7A;
	s5 =	simm.s32 @!p2 $0x0  }
0x1d: {  	s5 =	simm.s32 @p1 $0x1;
	p0 =	seq.s32 s7, s2  }
0x1e: {  	s7 =	smul.u32 @!p0 $0xF7A, s2;
	p2 =	seq.s32 @!p0 s5, $0x0  }
0x1f: {  	s9 =	smul.u32 $0xF7A, s1;
	s8 =	simm.s32 @!p0 $0x1BF5;
	p2 =	por !p2, p0  }
0x20: {  	[sflag:s8] =	ssyncset.s32 @!p0 $0xFFFFF086;
	s6 =	sadd.s32 @!p0 s3, s7;
	s7 =	simm.s32 @!p0 $0x108  }
0x21: {  	s3 =	sadd.s32 s3, s9;
	s6 =	sadd.s32 @!p0 $0x88, s6;
	s7 =	simm.s32 @p2 $0x1082  }
0x22: {  	[simem:s7], [sflag:s8] =	dma.local @!p0 [hbm:s6], $0xF7A  }
0x23: {  	s9 =	sor.u32 $0xD0000000, s2;
	s6 =	simm.s32 $0x108;
	_ =	swait.ge @!p0 [sflag:s8], $0x0  }
0x24: {  	s3 =	sadd.s32 $0x88, s3;
	s6 =	simm.s32 @!p1 $0x1082;
	[sflag:s4] =	ssyncset.s32 $0xFFFFF086  }
0x25: {  	[simem:s6], [sflag:s4] =	dma.local [hbm:s3], $0xF7A  }
0x26: {  	[smem:$0x3F90] =	sst s1;
	(tag) =	ssettag s2;
	_ =	strace s9  }
0x27: {  	s1 =	sld [smem:$0x3FA0]  }
0x28: {  	s2 =	sld [smem:$0x3FA1]  }
0x29: {  	s4 =	sld [smem:$0x3FA3]  }
0x2a: {  	p0 =	seq.s32 s5, $0x0;
	s5 =	sld [smem:$0x3FA4]  }
0x2b: {  	s6 =	sld [smem:$0x3FA5]  }
0x2c: {  	s7 =	sld [smem:$0x3FA6]  }
0x2d: {  	s3 =	simm.s32 $0x108;
	s8 =	sld [smem:$0x3FA7]  }
0x2e: {  	s3 =	simm.s32 @!p0 $0x1082;
	s9 =	sld [smem:$0x3FA8]  }
0x2f: {  	lr =	sadd.s32 s0, s3;
	s0 =	sld [smem:$0x3F9F]  }
0x30: {  	s3 =	sld [smem:$0x3FA2]  }
0x31: {  	[smem:$0x3FAB] =	sst s10  }
0x32: {  	s10 =	sld [smem:$0x3FA9];
	_ =	sdelay $0x3  }
0x33: {  	p0 =	seq.s32 s10, $0x1;
	s10 =	sld [smem:$0x3FAB];
	_ =	sdelay $0x3  }
0x34: {  	[smem:$0x3FAB] =	sst s10  }
0x35: {  	s10 =	sld [smem:$0x3FAA];
	_ =	sdelay $0x3  }
0x36: {  	p1 =	seq.s32 s10, $0x1;
	s10 =	sld [smem:$0x3FAB];
	_ =	sdelay $0x3  }
0x37: {  	[smem:$0x3FAB] =	sst s10  }
0x38: {  	s10 =	sld [smem:$0x3FAC]  }
0x39: {  	_ = 	snop;
	(pc) =	sbr.ind lr, $3  }
0x3a: {  	_ = 	snop  }
0x3b: {  	_ = 	snop  }
0x3c: {  	p2 =	seq.s32 s10, $0x1;
	s10 =	sld [smem:$0x3FAB]  }
0x3d: {  	_ =	shalt  }
0x3e: {  	_ =	shalt  }
0x3f: {  	_ =	shalt  }
0x40: {  	_ =	shalt  }
0x41: {  	_ =	shalt  }
0x42: {  	_ =	shalt  }
0x43: {  	_ =	shalt  }
0x44: {  	_ =	shalt  }
0x45: {  	_ =	shalt  }
0x46: {  	_ =	shalt  }
0x47: {  	_ =	shalt  }
0x48: {  	_ =	shalt  }
0x49: {  	_ =	shalt  }
0x4a: {  	_ =	shalt  }
0x4b: {  	_ =	shalt  }
0x4c: {  	_ =	shalt  }
0x4d: {  	_ =	shalt  }
0x4e: {  	_ =	shalt  }
0x4f: {  	_ =	shalt  }
0x50: {  	_ =	shalt  }
0x51: {  	_ =	shalt  }
0x52: {  	_ =	shalt  }
0x53: {  	_ =	shalt  }
0x54: {  	_ =	shalt  }
0x55: {  	_ =	shalt  }
0x56: {  	_ =	shalt  }
0x57: {  	_ =	shalt  }
0x58: {  	_ =	shalt  }
0x59: {  	_ =	shalt  }
0x5a: {  	_ =	shalt  }
0x5b: {  	_ =	shalt  }
0x5c: {  	_ =	shalt  }
0x5d: {  	_ =	shalt  }
0x5e: {  	_ =	shalt  }
0x5f: {  	_ =	shalt  }
0x60: {  	_ =	shalt  }
0x61: {  	_ =	shalt  }
0x62: {  	_ =	shalt  }
0x63: {  	_ =	shalt  }
0x64: {  	_ =	shalt  }
0x65: {  	_ =	shalt  }
0x66: {  	_ =	shalt  }
0x67: {  	_ =	shalt  }
0x68: {  	_ =	shalt  }
0x69: {  	_ =	shalt  }
0x6a: {  	_ =	shalt  }
0x6b: {  	_ =	shalt  }
0x6c: {  	_ =	shalt  }
0x6d: {  	_ =	shalt  }
0x6e: {  	_ =	shalt  }
0x6f: {  	_ =	shalt  }
0x70: {  	_ =	shalt  }
0x71: {  	_ =	shalt  }
0x72: {  	_ =	shalt  }
0x73: {  	_ =	shalt  }
0x74: {  	_ =	shalt  }
0x75: {  	_ =	shalt  }
0x76: {  	_ =	shalt  }
0x77: {  	_ =	shalt  }
0x78: {  	_ =	shalt  }
0x79: {  	_ =	shalt  }
0x7a: {  	_ =	shalt  }
0x7b: {  	_ =	shalt  }
0x7c: {  	_ =	shalt  }
0x7d: {  	_ =	shalt  }
0x7e: {  	_ =	shalt  }
0x7f: {  	_ =	shalt  }
0x80: {  	_ =	shalt  }
0x81: {  	_ =	shalt  }
0x82: {  	_ =	shalt  }
0x83: {  	_ =	shalt  }
0x84: {  	_ =	shalt  }
0x85: {  	_ =	shalt  }
0x86: {  	_ =	shalt  }
0x87: {  	_ =	shalt  }
.Lfunc_end0:
.L_simem_size_0:
called_computation.1_lowered:
.L_overlay_start_0:
0x88: {  	s2 =	sld [smem:$0x3FD9]  }
0x89: {  	s3 =	sld [smem:$0x3FFE];
	_ =	sdelay $0x1  }
0x8a: {  	s1 =	srdreg.scid  }
0x8b: {  	s0 =	sand.u32 $0x1, s1  }
0x8c: {  	s17 =	sshll.u32 s0, $0xA;
	s2 =	sadd.s32 s3, s2  }
0x8d: {  	s2 =	sadd.s32 s2, s17  }
0x8e: {  	[smem:$0x3FB7] =	sst s2  }
0x8f: {  	_ = 	snop  }
0x90: {  	s2 =	sld [smem:$0x3FD0];
	(tm) =	ssettm $0x1  }
0x91: {  	s18 =	sld [smem:$0x3FFB];
	_ =	sdelay $0x3  }
0x92: {  	_ =	strace s18  }
0x93: {  	s3 =	sld [smem:$0x3FFC];
	_ =	sdelay $0x3  }
0x94: {  	_ =	strace s3  }
0x95: {  	s3 =	sld [smem:$0x3FFD];
	_ =	sdelay $0x3  }
0x96: {  	_ =	strace s3  }
0x97: {  	_ =	strace $0x8FFFFFFF  }
0x98: {  	s19 =	sld [smem:$0x3FDB];
	_ =	sdelay $0x1  }
0x99: {  	s4 =	simm.s32 $_scs_section_size  }
0x9a: {  	s5 =	simm.s32 $_size__tile_overlayer_lowered;
	s6 =	simm.s32 $_tile_overlayer_lowered  }
0x9b: {  	s22 =	simm.s32 $0x1BFF;
	s21 =	sshll.u32 s6, $0x1;
	s3 =	sadd.s32 s4, s19  }
0x9c: {  	s7 =	simm.s32 $0x0;
	s20 =	sshll.u32 s5, $0x1;
	s5 =	sadd.s32 s21, s3  }
0x9d: {  	[timem:s7], [sflag:s22] =	dma.local [hbm:s5], s20  }
0x9e: {  	_ =	swait.ge [sflag:s22], s20  }
0x9f: {  	s4 =	ssub.s32 $0x0, s20;
	[sflag:s22] =	ssyncset.done $0x0  }
0xa0: {  	[sflag:s22] =	ssyncadd.s32 s4;
	_ =	sdelay $0x1  }
0xa1: {  	s23 =	simm.s32 $0x1B8B  }
0xa2: {  	_ =	swait.ge [sflag:s23], $0x1  }
0xa3: {  	[sflag:s23] =	ssyncset.done $0x0  }
0xa4: {  	s25 =	simm.s32 $0x1B8E;
	s24 =	sld [smem:$0x3FFE];
	[sflag:s23] =	ssyncadd.s32 $0xFFFFFFFF  }
0xa5: {  	s26 =	simm.s32 $execute0_lowered;
	[smem:$0x3FD2] =	sst s25  }
0xa6: {  	s5 =	sshll.u32 s26, $0x1;
	_ =	strace $0x80000049;
	[dreg:$0x1] =	wrdreg $0xFFFFFFFF  }
0xa7: {  	s28 =	simm.s32 $_size_execute0_lowered;
	s3 =	sadd.s32 s3, s5;
	[dreg:$0x0] =	wrdreg $0x0  }
0xa8: {  	s5 =	sshll.u32 s28, $0x1;
	[dreg:$0x2] =	wrdreg s3  }
0xa9: {  	[dreg:$0x3] =	wrdreg s5  }
0xaa: {  	[dreg:$0x4] =	wrdreg $0xC0  }
0xab: {  	_ =	task [dreg:s7], $0x5FFFF  }
0xac: {  	[dreg:$0x1] =	wrdreg $0xFFFFFFFF  }
0xad: {  	[dreg:$0x0] =	wrdreg $0x60  }
0xae: {  	[dreg:$0x2] =	wrdreg s24  }
0xaf: {  	[dreg:$0x3] =	wrdreg s2  }
0xb0: {  	[dreg:$0x4] =	wrdreg $0x0  }
0xb1: {  	[dreg:$0x5] =	wrdreg $0x9  }
0xb2: {  	_ =	task.clear_ibuf [dreg:s7], $0x6FFFF;
	_ =	strace $0x90000049  }
0xb3: {  	s29 =	simm.s32 $0x9;
	_ =	strace $0x8000004B  }
0xb4: {  	_ =	swait.ge [sflag:s29], $0x1  }
0xb5: {  	[sflag:s29] =	ssyncadd.s32 $0xFFFFFFFF  }
0xb6: {  	_ =	strace $0x9000004B  }
0xb7: {  	_ =	sfence  }
0xb8: {  	s30 =	sld [smem:$0x0];
	_ =	sdelay $0x2  }
0xb9: {  	s31 =	sshll.u32 s1, $0xD;
	s1 =	sshrl.u32 s1, $0x2  }
0xba: {  	s3 =	sand.u32 $0x4000, s31;
	s1 =	sadd.s32 s1, s30  }
0xbb: {  	s0 =	sor.u32 s3, s0;
	s1 =	sshll.u32 s1, $0x11  }
0xbc: {  	s0 =	sor.u32 s1, s0  }
0xbd: {  	s0 =	sadd.s32 $0x8F2B, s0  }
0xbe: {  	[sflag:s0] =	ssyncadd.remote.s32 $0x1  }
0xbf: {  	_ =	sfence.sel $0xFFFF  }
0xc0: {  	[dreg:$0x0] =	wrdreg $0xFFFFFFFF;
	(pc) =	sbr.abs _section_cstart, $3  }
0xc1: {  	[dreg:$0x1] =	wrdreg $0xFFFFFFFF  }
0xc2: {  	_ =	task.clear_ibuf [dreg:s7], $0x2FFFF;
	_ =	strace $0x9FFFFFFF  }
0xc3: {  	(tm) =	ssettm $0x7FFFFFFF  }
tec
execute0_lowered:
.L_overlay_start_1:
0x0: {  	(tag) =	ssettag $0x1  }
0x1: {  	s0 =	rddreg [dreg:$0x0]  }
0x2: {  	s11 =	rddreg [dreg:$0x1]  }
0x3: {  	s1 =	srdreg.scid;
	s12 =	rddreg [dreg:$0x2]  }
0x4: {  	s3 =	simm.s32 $0x0;
	s14 =	stileid.u32;
	s17 =	simm.s32 $0x10  }
0x5: {  	s28 =	simm.s32 $0x1;
	s29 =	simm.s32 $0x40;
	s30 =	simm.s32 $0x142C0  }
0x6: {  	s31 =	simm.s32 $0x13A40;
	s1 =	sand.u32 $0x1, s1;
	[smem:$0x7FF] =	sst s3  }
0x7: {  	s5 =	sadd.s32 $0x58E00, s0;
	s7 =	sadd.s32 $0x4F000, s0;
	s9 =	sshll.u32 s14, $0x6  }
0x8: {  	s8 =	sadd.s32 $0xC00, s0;
	p0 =	slt.u32 s14, $0xA;
	s20 =	smul.u32 $0x5000, s14  }
0x9: {  	s22 =	smul.u32 $0x1400, s14;
	s23 =	sor.u32 $0x20, s14;
	s24 =	sor.u32 $0x30, s14  }
0xa: {  	s14 =	simm.s32 $0x5;
	s2 =	smul.u32 $0x138800, s1;
	_ =	strace $0x8000004A  }
0xb: {  	s6 =	smul.u32 $0x27800, s1;
	s1 =	ssub.s32 $0x2, s1;
	[dreg:$0xb] =	wrdreg s23  }
0xc: {  	s17 =	simm.s32 @!p0 $0xF;
	[dreg:$0xc] =	wrdreg s24;
	s23 =	simm.s32 $0x7  }
0xd: {  	s24 =	simm.s32 $0x138C0;
	s25 =	sshrl.u32 s1, $0x1;
	s4 =	sshrl.u32 s2, $0x3  }
0xe: {  	[dreg:$0x4] =	wrdreg s17;
	s9 =	sor.u32 s9, s6;
	s4 =	sadd.s32 s4, s0  }
0xf: {  	s10 =	sshrl.u32 s9, $0x3;
	s0 =	ssub.s32 s1, s25;
	s15 =	sshll.u32 s9, $0x1  }
0x10: {  	s9 =	sor.u32 $0x400, s9;
	s25 =	sshrl.u32 s20, $0x2;
	s26 =	sadd.s32 s11, s10  }
0x11: {  	s13 =	sadd.s32 s7, s10;
	s1 =	sadd.s32 s5, s15;
	[dreg:$0x5] =	wrdreg s26  }
0x12: {  	s16 =	sshrl.u32 s9, $0x3;
	s19 =	sshll.u32 s9, $0x1;
	[dreg:$0x6] =	wrdreg s13  }
0x13: {  	s0 =	smax.u32 s0, $0x1;
	s9 =	sadd.s32 s25, s12;
	[dreg:$0x7] =	wrdreg s1  }
0x14: {  	s25 =	simm.s32 $0x139C0;
	s10 =	simm.s32 $0x2;
	[dreg:$0xd] =	wrdreg s0  }
0x15: {  	s12 =	simm.s32 $0x3;
	s18 =	sadd.s32 s11, s16;
	[dreg:$0xe] =	wrdreg s9  }
0x16: {  	s15 =	simm.s32 $0x4;
	s1 =	sadd.s32 s7, s16;
	[dreg:$0x8] =	wrdreg s18  }
0x17: {  	s13 =	sadd.s32 $0x145000, s4;
	s21 =	sadd.s32 s5, s19;
	[dreg:$0x9] =	wrdreg s1  }
0x18: {  	s26 =	sadd.s32 s22, s2;
	s22 =	simm.s32 $0x182C0;
	[dreg:$0xa] =	wrdreg s21  }
0x19: {  	s11 =	simm.s32 $0x162C0;
	s16 =	simm.s32 $0x6;
	[dreg:$0xf] =	wrdreg s26  }
0x1a: {  	v0 =	vimm.f32 $0.0e+00;
	s26 =	simm.s32 $0x13940;
	s1 =	simm.s32 $0x0;
	s21 =	simm.s32 $0x0  }
.LBB2_1:
0x1b: {  	[dreg:$0x10] =	wrdreg s1;
	s1 =	simm.s32 $0x0;
	s2 =	simm.s32 $0x200  }
.LBB2_2:
0x1c: {  	p0 =	sne.s32 s2, $0x4E00;
	[tilespmem:s1+$0x18330] =	vst v0  }
0x1d: {  	[tilespmem:s1+$0x182C0] =	vst v0  }
0x1e: {  	[tilespmem:s1+$0x182D0] =	vst v0  }
.Ltmp0:
0x1f: {  	[tilespmem:s1+$0x182E0] =	vst v0;
	(pc) =	sbr.rel @p0 .LBB2_2-.Ltmp0, $4  }
0x20: {  	[tilespmem:s1+$0x182F0] =	vst v0  }
0x21: {  	[tilespmem:s1+$0x18300] =	vst v0  }
0x22: {  	[tilespmem:s1+$0x18310] =	vst v0  }
0x23: {  	[tilespmem:s1+$0x18320] =	vst v0;
	s1 =	sshra.s32 s2, $0x2;
	s2 =	sadd.s32 $0x200, s2  }
0x24: {  	[tilespmem:s1+$0x18330] =	vst v0  }
0x25: {  	[tilespmem:s1+$0x182C0] =	vst v0  }
0x26: {  	[tilespmem:s1+$0x182D0] =	vst v0  }
0x27: {  	[tilespmem:s1+$0x182E0] =	vst v0  }
0x28: {  	[tilespmem:s1+$0x182F0] =	vst v0  }
0x29: {  	[tilespmem:s1+$0x18300] =	vst v0;
	p0 =	sne.s32 s17, $0x1  }
.Ltmp1:
0x2a: {  	[tilespmem:s1+$0x18310] =	vst v0;
	(pc) =	sbr.rel @!p0 .LBB2_5-.Ltmp1, $4  }
0x2b: {  	[tilespmem:s1+$0x18320] =	vst v0  }
0x2c: {  	[spmem:s9] =	stream.linear.scatter [tilespmem:s22], [sflag:$0x7], $0x1400, $0x38;
	[tilespmem:$0x196C0] =	vst v63  }
0x2d: {  	_ =	swait.ge [sflag:s23], $0x1400  }
0x2e: {  	s1 =	sadd.s32 $0xFFFFFFFF, s17;
	s2 =	smov.u32 s9;
	[sflag:s23] =	ssyncset.done $0x0  }
.LBB2_4:
0x2f: {  	p1 =	sne.s32 s1, $0x1;
	[sflag:s23] =	ssyncadd.s32 $0xFFFFEC00;
	s2 =	sadd.s32 $0x14000, s2  }
.Ltmp2:
0x30: {  	s1 =	sadd.s32 $0xFFFFFFFF, s1;
	(pc) =	sbr.rel @p1 .LBB2_4-.Ltmp2, $4  }
0x31: {  	_ = 	snop  }
0x32: {  	[spmem:s2] =	stream.linear.scatter [tilespmem:s22], [sflag:$0x7], $0x1400, $0x38;
	[tilespmem:$0x196C0] =	vst v63  }
0x33: {  	_ =	swait.ge [sflag:s23], $0x1400  }
0x34: {  	[sflag:s23] =	ssyncset.done $0x0  }
.LBB2_5:
0x35: {  	[sflag:s23] =	ssyncadd.s32 $0xFFFFEC00  }
0x36: {  	[bflag:$0x0] =	sbarrier.arrive $0xFFFF  }
0x37: {  	s0 =	rddreg [dreg:$0x5]  }
0x38: {  	[tilespmem:s24], [sflag:$0x1] =	stream.linear.gather [hbm4b:s0+s21], $0x40, $0x38;
	[tilespmem:$0x196C0] =	vst v63  }
0x39: {  	s9 =	rddreg [dreg:$0x6]  }
0x3a: {  	[tilespmem:s25], [sflag:$0x3] =	stream.linear.gather [hbm4b:s9+s21], $0x40, $0x38;
	[tilespmem:$0x196C0] =	vst v63  }
0x3b: {  	s1 =	simm.s32 $0x13AC0;
	s17 =	rddreg [dreg:$0x7]  }
0x3c: {  	[tilespmem:s1], [sflag:$0x3] =	stream.linear.gather [hbm4b:s17+s21], $0x400, $0x38;
	[tilespmem:$0x196C0] =	vst v63  }
0x3d: {  	_ =	swait.ge [sflag:s28], $0x40  }
0x3e: {  	[sflag:s28] =	ssyncset.done $0x0  }
0x3f: {  	[sflag:s28] =	ssyncadd.s32 $0xFFFFFFC0  }
0x40: {  	[tilespmem:s30], [sflag:$0x5] =	stream.indirect.gather [hbm4b:s13+s29], $0x80, s24, s29, $0xb8;
	[tilespmem:$0x196C0] =	vst v63  }
0x41: {  	s18 =	rddreg [dreg:$0x8]  }
0x42: {  	[tilespmem:s26], [sflag:$0x2] =	stream.linear.gather [hbm4b:s18+s21], $0x40, $0x38;
	[tilespmem:$0x196C0] =	vst v63  }
0x43: {  	s19 =	rddreg [dreg:$0x9]  }
0x44: {  	[tilespmem:s31], [sflag:$0x4] =	stream.linear.gather [hbm4b:s19+s21], $0x40, $0x38;
	[tilespmem:$0x196C0] =	vst v63  }
0x45: {  	s9 =	simm.s32 $0x0;
	s20 =	rddreg [dreg:$0xa];
	s31 =	simm.s32 $0x13EC0  }
0x46: {  	[tilespmem:s31], [sflag:$0x4] =	stream.linear.gather [hbm4b:s20+s21], $0x400, $0x38;
	[tilespmem:$0x196C0] =	vst v63  }
.LBB2_6:
0x47: {  	_ =	swait.ge [sflag:s10], $0x40  }
0x48: {  	[sflag:s10] =	ssyncset.done $0x0  }
0x49: {  	[sflag:s10] =	ssyncadd.s32 $0xFFFFFFC0  }
0x4a: {  	[tilespmem:s11], [sflag:$0x6] =	stream.indirect.gather [hbm4b:s13+s29], $0x80, s26, s29, $0xb8;
	[tilespmem:$0x196C0] =	vst v63  }
0x4b: {  	_ =	swait.ge [sflag:s12], $0x40  }
0x4c: {  	[sflag:s12] =	ssyncset.done $0x0  }
0x4d: {  	[sflag:s12] =	ssyncadd.s32 $0xFFFFFFC0  }
0x4e: {  	_ =	swait.ge [sflag:s12], $0x400  }
0x4f: {  	[sflag:s12] =	ssyncset.done $0x0  }
0x50: {  	s1 =	sand.u32 $0xE00, s21;
	s2 =	simm.s32 $0x30;
	[sflag:s12] =	ssyncadd.s32 $0xFFFFFC00  }
0x51: {  	s4 =	simm.s32 $0x10;
	s1 =	sshrl.u32 s1, $0x2;
	_ =	swait.ge [sflag:s14], $0x2000  }
0x52: {  	s2 =	sand.u32 $0x70, s2;
	s1 =	sadd.s32 $0x13AC0, s1;
	[sflag:s14] =	ssyncset.done $0x0  }
0x53: {  	s4 =	sand.u32 $0x50, s4;
	s2 =	sadd.s32 s2, s1;
	[sflag:s14] =	ssyncadd.s32 $0xFFFFE000  }
0x54: {  	s20 =	sand.u32 $0x40, s21;
	s4 =	sadd.s32 s4, s1;
	v3 =	vld [tilespmem:s2+$0x0]  }
0x55: {  	s31 =	sadd.s32 s20, s1;
	v2 =	vld [tilespmem:s4+$0x0]  }
0x56: {  	s19 =	simm.s32 $0x143C0;
	v5 =	vld [tilespmem:s31+$0x0]  }
0x57: {  	v4 =	vld [tilespmem:s19+$0xF0]  }
0x58: {  	v11 =	vld [tilespmem:s19+$0xFFFFFF00]  }
0x59: {  	v12 =	vld [tilespmem:s19+$0xFFFFFF10];
	v1 =	vbroadcast v3, $0x0;
	v7 =	vbroadcast v3, $0x7  }
0x5a: {  	v15 =	vld [tilespmem:s19+$0xFFFFFF20];
	v13 =	vbroadcast v2, $0x0;
	v14 =	vbroadcast v2, $0x1  }
0x5b: {  	s26 =	simm.s32 $0x20;
	v20 =	vld [tilespmem:s19+$0xFFFFFF30];
	v16 =	vbroadcast v2, $0x2;
	v18 =	vbroadcast v5, $0x0  }
0x5c: {  	s2 =	sand.u32 $0x60, s26;
	v23 =	vld [tilespmem:s19+$0xFFFFFF40];
	v19 =	vbroadcast v5, $0x1;
	v21 =	vbroadcast v5, $0x2  }
0x5d: {  	v25 =	vld [tilespmem:s19+$0xFFFFFF50];
	s1 =	sadd.s32 s2, s1;
	v22 =	vbroadcast v5, $0x3;
	v24 =	vbroadcast v5, $0x4  }
0x5e: {  	v6 =	vld [tilespmem:s1+$0x0];
	v26 =	vbroadcast v5, $0x5;
	v28 =	vbroadcast v5, $0x6  }
0x5f: {  	v27 =	vld [tilespmem:s19+$0xFFFFFF60];
	v29 =	vbroadcast v5, $0x7;
	v31 =	vbroadcast v2, $0x3  }
0x60: {  	v30 =	vld [tilespmem:s19+$0xFFFFFF70];
	v32 =	vbroadcast v2, $0x4;
	v34 =	vbroadcast v2, $0x5  }
0x61: {  	v33 =	vld [tilespmem:s19+$0xFFFFFF80];
	v35 =	vbroadcast v2, $0x6;
	v37 =	vbroadcast v2, $0x7  }
0x62: {  	v36 =	vld [tilespmem:s19+$0xFFFFFF90];
	v5 =	vbroadcast v3, $0x3;
	v2 =	vbroadcast v3, $0x5  }
0x63: {  	v39 =	vld [tilespmem:s19+$0xFFFFFFA0];
	v17 =	vmul.f32 v4, v7;
	v38 =	vbroadcast v6, $0x0  }
0x64: {  	v42 =	vld [tilespmem:s19+$0xFFFFFFB0];
	v40 =	vbroadcast v6, $0x1;
	v41 =	vbroadcast v6, $0x2  }
0x65: {  	v45 =	vld [tilespmem:s19+$0xFFFFFFC0];
	v43 =	vbroadcast v6, $0x3;
	v44 =	vbroadcast v6, $0x4  }
0x66: {  	v46 =	vld [tilespmem:s19+$0xFFFFFFD0];
	v10 =	vbroadcast v6, $0x5;
	v9 =	vbroadcast v6, $0x6  }
0x67: {  	v47 =	vld [tilespmem:s19+$0xFFFFFFE0];
	v8 =	vbroadcast v6, $0x7;
	v7 =	vbroadcast v3, $0x1  }
0x68: {  	v48 =	vld [tilespmem:s19+$0xFFFFFFF0];
	v6 =	vbroadcast v3, $0x2;
	v4 =	vbroadcast v3, $0x4  }
0x69: {  	v49 =	vld [tilespmem:s19+$0x0];
	v11 =	vmul.f32 v18, v11;
	v3 =	vbroadcast v3, $0x6  }
0x6a: {  	v50 =	vld [tilespmem:s19+$0x30];
	v12 =	vmul.f32 v12, v19;
	v15 =	vmul.f32 v15, v21;
	[tilespmem:s19+$0xF0] =	vst v17  }
0x6b: {  	v18 =	vmul.f32 v23, v24;
	v23 =	vld [tilespmem:s19+$0x20];
	v24 =	vmul.f32 v27, v28;
	[tilespmem:s19+$0xFFFFFF00] =	vst v11  }
0x6c: {  	v13 =	vmul.f32 v13, v33;
	v28 =	vmul.f32 v36, v14;
	v27 =	vld [tilespmem:s19+$0x60];
	[tilespmem:s19+$0xFFFFFF10] =	vst v12  }
0x6d: {  	v21 =	vmul.f32 v39, v16;
	v19 =	vmul.f32 v45, v32;
	v17 =	vld [tilespmem:s19+$0x10];
	[tilespmem:s19+$0xFFFFFF20] =	vst v15  }
0x6e: {  	v12 =	vmul.f32 v25, v26;
	v25 =	vmul.f32 v30, v29;
	v29 =	vld [tilespmem:s19+$0x40];
	[tilespmem:s19+$0xFFFFFF40] =	vst v18  }
0x6f: {  	v16 =	vmul.f32 v48, v37;
	v11 =	vmul.f32 v20, v22;
	v22 =	vld [tilespmem:s19+$0x50];
	[tilespmem:s19+$0xFFFFFF60] =	vst v24  }
0x70: {  	v20 =	vmul.f32 v42, v31;
	v18 =	vmul.f32 v46, v34;
	v26 =	vld [tilespmem:s19+$0x70];
	[tilespmem:s19+$0xFFFFFF80] =	vst v13  }
0x71: {  	v15 =	vmul.f32 v47, v35;
	v14 =	vmul.f32 v38, v49;
	v24 =	vld [tilespmem:s19+$0x80];
	[tilespmem:s19+$0xFFFFFF50] =	vst v12  }
0x72: {  	s20 =	simm.s32 $0x143C0;
	v13 =	vmul.f32 v50, v43;
	[tilespmem:s19+$0xFFFFFF70] =	vst v25;
	v25 =	vld [tilespmem:s19+$0x90];
	v12 =	vmul.f32 v23, v41  }
0x73: {  	s4 =	simm.s32 $0x0;
	s26 =	simm.s32 $0x0;
	s1 =	simm.s32 $0x100;
	[tilespmem:s19+$0xFFFFFF30] =	vst v11;
	v23 =	vld [tilespmem:s19+$0xA0];
	v17 =	vmul.f32 v17, v40;
	v11 =	vmul.f32 v29, v44  }
.LBB2_7:
0x74: {  	s2 =	sand.u32 $0xE00, s1;
	s4 =	sadd.s32 $0x4, s4;
	[tilespmem:s19+$0xFFFFFF90] =	vst v28;
	v10 =	vmul.f32 v22, v10;
	v9 =	vmul.f32 v27, v9;
	v22 =	vld [tilespmem:s19+$0xB0];
	s26 =	sadd.s32 $0x40, s26  }
0x75: {  	s2 =	sshrl.u32 s2, $0x2;
	s17 =	sadd.s32 $0x30, s26;
	p1 =	slt.u32 s4, $0x3C;
	[tilespmem:s19+$0xFFFFFFA0] =	vst v21;
	v8 =	vmul.f32 v26, v8;
	v21 =	vld [tilespmem:s19+$0xC0]  }
0x76: {  	s18 =	sadd.s32 $0x10, s26;
	s2 =	sadd.s32 $0x13AC0, s2;
	s17 =	sand.u32 $0x70, s17;
	[tilespmem:s19+$0xFFFFFFB0] =	vst v20;
	v20 =	vmul.f32 v1, v24;
	v1 =	vld [tilespmem:s19+$0xD0]  }
0x77: {  	s11 =	sadd.s32 $0x20, s26;
	s18 =	sand.u32 $0x50, s18;
	s17 =	sadd.s32 s17, s2;
	[tilespmem:s19+$0xFFFFFFC0] =	vst v19;
	v7 =	vmul.f32 v25, v7;
	v19 =	vld [tilespmem:s19+$0xE0]  }
0x78: {  	s31 =	sand.u32 $0x40, s26;
	s11 =	sand.u32 $0x60, s11;
	s18 =	sadd.s32 s18, s2;
	v24 =	vld [tilespmem:s17+$0x0];
	[tilespmem:s19+$0xFFFFFFD0] =	vst v18;
	v6 =	vmul.f32 v23, v6  }
0x79: {  	s17 =	sadd.s32 s31, s2;
	s2 =	sadd.s32 s11, s2;
	s19 =	sadd.s32 $0x200, s19;
	v18 =	vld [tilespmem:s18+$0x0];
	[tilespmem:s20+$0xFFFFFFE0] =	vst v15;
	v5 =	vmul.f32 v22, v5  }
0x7a: {  	v15 =	vld [tilespmem:s19+$0xF0];
	[tilespmem:s20+$0xFFFFFFF0] =	vst v16;
	v4 =	vmul.f32 v21, v4  }
0x7b: {  	v16 =	vld [tilespmem:s17+$0x0];
	[tilespmem:s20+$0x0] =	vst v14;
	v2 =	vmul.f32 v1, v2  }
0x7c: {  	v14 =	vld [tilespmem:s2+$0x0];
	[tilespmem:s20+$0x10] =	vst v17;
	v3 =	vmul.f32 v19, v3  }
0x7d: {  	v17 =	vld [tilespmem:s19+$0xFFFFFF00];
	v1 =	vbroadcast v24, $0x0;
	v19 =	vbroadcast v24, $0x7;
	[tilespmem:s20+$0x20] =	vst v12  }
0x7e: {  	v12 =	vld [tilespmem:s19+$0xFFFFFF10];
	v21 =	vbroadcast v18, $0x0;
	v22 =	vbroadcast v18, $0x1;
	[tilespmem:s20+$0x30] =	vst v13  }
0x7f: {  	v23 =	vbroadcast v18, $0x2;
	v13 =	vld [tilespmem:s19+$0xFFFFFF20];
	v15 =	vmul.f32 v15, v19;
	[tilespmem:s20+$0x40] =	vst v11  }
0x80: {  	v11 =	vbroadcast v16, $0x0;
	v19 =	vbroadcast v16, $0x1;
	v25 =	vld [tilespmem:s19+$0xFFFFFF30];
	[tilespmem:s20+$0x50] =	vst v10  }
0x81: {  	v26 =	vbroadcast v16, $0x2;
	v27 =	vbroadcast v16, $0x3;
	v28 =	vld [tilespmem:s19+$0xFFFFFF40];
	[tilespmem:s19+$0xF0] =	vst v15  }
0x82: {  	v30 =	vbroadcast v16, $0x5;
	v15 =	vbroadcast v16, $0x4;
	v29 =	vld [tilespmem:s19+$0xFFFFFF50];
	[tilespmem:s20+$0x60] =	vst v9  }
0x83: {  	v32 =	vbroadcast v16, $0x6;
	v16 =	vbroadcast v16, $0x7;
	v31 =	vld [tilespmem:s19+$0xFFFFFF60];
	[tilespmem:s20+$0x70] =	vst v8  }
0x84: {  	v34 =	vbroadcast v18, $0x3;
	v35 =	vbroadcast v18, $0x4;
	v33 =	vld [tilespmem:s19+$0xFFFFFF70];
	[tilespmem:s20+$0x80] =	vst v20  }
0x85: {  	v36 =	vbroadcast v18, $0x5;
	v37 =	vbroadcast v18, $0x6;
	v20 =	vld [tilespmem:s19+$0xFFFFFF80];
	[tilespmem:s20+$0x90] =	vst v7  }
0x86: {  	v39 =	vbroadcast v18, $0x7;
	v40 =	vbroadcast v14, $0x0;
	v38 =	vld [tilespmem:s19+$0xFFFFFF90];
	[tilespmem:s20+$0xA0] =	vst v6  }
0x87: {  	v41 =	vbroadcast v14, $0x1;
	v42 =	vbroadcast v14, $0x2;
	v18 =	vld [tilespmem:s19+$0xFFFFFFA0];
	[tilespmem:s20+$0xB0] =	vst v5  }
0x88: {  	v44 =	vbroadcast v14, $0x3;
	v45 =	vbroadcast v14, $0x4;
	v43 =	vld [tilespmem:s19+$0xFFFFFFB0];
	[tilespmem:s20+$0xC0] =	vst v4  }
0x89: {  	v10 =	vbroadcast v14, $0x5;
	v9 =	vbroadcast v14, $0x6;
	v46 =	vld [tilespmem:s19+$0xFFFFFFC0];
	[tilespmem:s20+$0xD0] =	vst v2  }
0x8a: {  	v8 =	vbroadcast v14, $0x7;
	v7 =	vbroadcast v24, $0x1;
	v47 =	vld [tilespmem:s19+$0xFFFFFFD0];
	[tilespmem:s20+$0xE0] =	vst v3;
	s20 =	smov.u32 s19  }
0x8b: {  	v6 =	vbroadcast v24, $0x2;
	v5 =	vbroadcast v24, $0x3;
	v14 =	vld [tilespmem:s19+$0xFFFFFFE0]  }
0x8c: {  	v4 =	vbroadcast v24, $0x4;
	v2 =	vbroadcast v24, $0x5;
	v48 =	vld [tilespmem:s19+$0xFFFFFFF0]  }
0x8d: {  	v11 =	vmul.f32 v11, v17;
	v3 =	vbroadcast v24, $0x6;
	v17 =	vld [tilespmem:s19+$0x0]  }
0x8e: {  	v12 =	vmul.f32 v12, v19;
	v13 =	vmul.f32 v13, v26;
	v49 =	vld [tilespmem:s19+$0x10]  }
0x8f: {  	v15 =	vmul.f32 v28, v15;
	[tilespmem:s19+$0xFFFFFF00] =	vst v11;
	v11 =	vmul.f32 v25, v27;
	v25 =	vld [tilespmem:s19+$0x20]  }
0x90: {  	v24 =	vmul.f32 v31, v32;
	[tilespmem:s19+$0xFFFFFF10] =	vst v12;
	v12 =	vmul.f32 v29, v30;
	v29 =	vld [tilespmem:s19+$0x30]  }
0x91: {  	v30 =	vmul.f32 v21, v20;
	[tilespmem:s19+$0xFFFFFF20] =	vst v13;
	v13 =	vmul.f32 v33, v16;
	v31 =	vld [tilespmem:s19+$0x40]  }
0x92: {  	v28 =	vmul.f32 v38, v22;
	v21 =	vmul.f32 v18, v23;
	[tilespmem:s19+$0xFFFFFF30] =	vst v11;
	v22 =	vld [tilespmem:s19+$0x50]  }
.Ltmp3:
0x93: {  	v19 =	vmul.f32 v46, v35;
	v20 =	vmul.f32 v43, v34;
	[tilespmem:s19+$0xFFFFFF40] =	vst v15;
	v27 =	vld [tilespmem:s19+$0x60];
	(pc) =	sbr.rel @p1 .LBB2_7-.Ltmp3, $4  }
0x94: {  	v18 =	vmul.f32 v47, v36;
	v15 =	vmul.f32 v14, v37;
	[tilespmem:s19+$0xFFFFFF50] =	vst v12;
	v26 =	vld [tilespmem:s19+$0x70]  }
0x95: {  	v16 =	vmul.f32 v48, v39;
	v14 =	vmul.f32 v40, v17;
	[tilespmem:s19+$0xFFFFFF60] =	vst v24;
	v24 =	vld [tilespmem:s19+$0x80]  }
0x96: {  	v17 =	vmul.f32 v49, v41;
	v12 =	vmul.f32 v25, v42;
	[tilespmem:s19+$0xFFFFFF70] =	vst v13;
	v25 =	vld [tilespmem:s19+$0x90]  }
0x97: {  	s1 =	sadd.s32 $0x100, s1;
	v13 =	vmul.f32 v29, v44;
	v11 =	vmul.f32 v31, v45;
	[tilespmem:s19+$0xFFFFFF80] =	vst v30;
	v23 =	vld [tilespmem:s19+$0xA0]  }
0x98: {  	[tilespmem:s19+$0xFFFFFF90] =	vst v28  }
0x99: {  	[tilespmem:s19+$0xFFFFFFA0] =	vst v21  }
0x9a: {  	[tilespmem:s19+$0xFFFFFFB0] =	vst v20  }
0x9b: {  	[tilespmem:s19+$0xFFFFFFC0] =	vst v19  }
0x9c: {  	[tilespmem:s19+$0xFFFFFFD0] =	vst v18  }
0x9d: {  	[tilespmem:s20+$0x0] =	vst v14  }
0x9e: {  	[tilespmem:s20+$0x10] =	vst v17  }
0x9f: {  	[tilespmem:s20+$0x20] =	vst v12  }
0xa0: {  	[tilespmem:s20+$0xFFFFFFE0] =	vst v15  }
0xa1: {  	[tilespmem:s20+$0xFFFFFFF0] =	vst v16  }
0xa2: {  	v10 =	vmul.f32 v22, v10;
	[tilespmem:s20+$0x30] =	vst v13  }
0xa3: {  	v9 =	vmul.f32 v27, v9;
	v12 =	vld [tilespmem:s19+$0xB0];
	[tilespmem:s20+$0x40] =	vst v11  }
0xa4: {  	v8 =	vmul.f32 v26, v8;
	v11 =	vld [tilespmem:s19+$0xC0];
	[tilespmem:s20+$0x50] =	vst v10  }
0xa5: {  	v1 =	vmul.f32 v1, v24;
	v10 =	vld [tilespmem:s19+$0xD0];
	[tilespmem:s20+$0x60] =	vst v9  }
0xa6: {  	v9 =	vld [tilespmem:s19+$0xE0];
	v7 =	vmul.f32 v25, v7;
	[tilespmem:s20+$0x70] =	vst v8  }
0xa7: {  	v6 =	vmul.f32 v23, v6;
	[tilespmem:s20+$0x80] =	vst v1  }
0xa8: {  	v1 =	vmul.f32 v12, v5;
	[tilespmem:s20+$0x90] =	vst v7  }
0xa9: {  	v4 =	vmul.f32 v11, v4;
	[tilespmem:s20+$0xA0] =	vst v6  }
0xaa: {  	v2 =	vmul.f32 v10, v2;
	[tilespmem:s20+$0xB0] =	vst v1  }
0xab: {  	v1 =	vmul.f32 v9, v3;
	[tilespmem:s20+$0xC0] =	vst v4  }
0xac: {  	[tilespmem:s20+$0xD0] =	vst v2  }
0xad: {  	s0 =	rddreg [dreg:$0x2];
	[tilespmem:s20+$0xE0] =	vst v1  }
0xae: {  	[spmem:s0] =	stream.indirect.scatter.add.f32 [tilespmem:s30], [sflag:$0x7], $0x80, s25, s29, $0xb8;
	[tilespmem:$0x196C0] =	vst v63  }
0xaf: {  	s20 =	sshll.u32 s9, $0x5;
	s26 =	rddreg [dreg:$0xb]  }
0xb0: {  	s1 =	sadd.s32 s26, s20;
	_ =	swait.ge [sflag:s23], $0x2000  }
0xb1: {  	s1 =	sshll.u32 s1, $0x6;
	[sflag:s23] =	ssyncset.done $0x0  }
0xb2: {  	s1 =	sadd.s32 s6, s1;
	[sflag:s23] =	ssyncadd.s32 $0xFFFFE000  }
0xb3: {  	s2 =	sshrl.u32 s1, $0x3;
	s31 =	rddreg [dreg:$0x1]  }
0xb4: {  	s19 =	simm.s32 $0x0;
	s4 =	sadd.s32 s31, s2  }
0xb5: {  	[tilespmem:s24], [sflag:$0x1] =	stream.linear.gather [hbm4b:s4+s19], $0x40, $0x38;
	[tilespmem:$0x196C0] =	vst v63  }
0xb6: {  	s1 =	sshll.u32 s1, $0x1;
	s2 =	sadd.s32 s7, s2  }
0xb7: {  	[tilespmem:s25], [sflag:$0x3] =	stream.linear.gather [hbm4b:s2+s19], $0x40, $0x38;
	[tilespmem:$0x196C0] =	vst v63  }
0xb8: {  	s1 =	sadd.s32 s5, s1;
	s2 =	simm.s32 $0x13AC0  }
0xb9: {  	[tilespmem:s2], [sflag:$0x3] =	stream.linear.gather [hbm4b:s1+s19], $0x400, $0x38;
	[tilespmem:$0x196C0] =	vst v63  }
0xba: {  	_ =	swait.ge [sflag:s28], $0x40  }
0xbb: {  	[sflag:s28] =	ssyncset.done $0x0  }
0xbc: {  	[sflag:s28] =	ssyncadd.s32 $0xFFFFFFC0  }
0xbd: {  	[tilespmem:s30], [sflag:$0x5] =	stream.indirect.gather [hbm4b:s13+s29], $0x80, s24, s29, $0xb8;
	[tilespmem:$0x196C0] =	vst v63  }
0xbe: {  	_ =	swait.ge [sflag:s15], $0x40  }
0xbf: {  	[sflag:s15] =	ssyncset.done $0x0  }
0xc0: {  	[sflag:s15] =	ssyncadd.s32 $0xFFFFFFC0  }
0xc1: {  	_ =	swait.ge [sflag:s15], $0x400  }
0xc2: {  	[sflag:s15] =	ssyncset.done $0x0  }
0xc3: {  	s11 =	simm.s32 $0x30;
	s4 =	sand.u32 $0xE00, s19;
	[sflag:s15] =	ssyncadd.s32 $0xFFFFFC00  }
0xc4: {  	s17 =	simm.s32 $0x10;
	s1 =	sshrl.u32 s4, $0x2;
	_ =	swait.ge [sflag:s16], $0x2000  }
0xc5: {  	s2 =	sand.u32 $0x70, s11;
	s1 =	sadd.s32 $0x13EC0, s1;
	[sflag:s16] =	ssyncset.done $0x0  }
0xc6: {  	s4 =	sand.u32 $0x50, s17;
	s2 =	sadd.s32 s2, s1;
	[sflag:s16] =	ssyncadd.s32 $0xFFFFE000  }
0xc7: {  	s11 =	sand.u32 $0x40, s19;
	s4 =	sadd.s32 s4, s1;
	v3 =	vld [tilespmem:s2+$0x0]  }
0xc8: {  	s31 =	sadd.s32 s11, s1;
	v2 =	vld [tilespmem:s4+$0x0]  }
0xc9: {  	s26 =	simm.s32 $0x164B0;
	v5 =	vld [tilespmem:s31+$0x0]  }
0xca: {  	v4 =	vld [tilespmem:s26+$0x0]  }
0xcb: {  	v11 =	vld [tilespmem:s26+$0xFFFFFE10]  }
0xcc: {  	v12 =	vld [tilespmem:s26+$0xFFFFFE20];
	v1 =	vbroadcast v3, $0x0;
	v7 =	vbroadcast v3, $0x7  }
0xcd: {  	v15 =	vld [tilespmem:s26+$0xFFFFFE30];
	v13 =	vbroadcast v2, $0x0;
	v14 =	vbroadcast v2, $0x1  }
0xce: {  	s18 =	simm.s32 $0x20;
	v20 =	vld [tilespmem:s26+$0xFFFFFE40];
	v16 =	vbroadcast v2, $0x2;
	v18 =	vbroadcast v5, $0x0  }
0xcf: {  	s2 =	sand.u32 $0x60, s18;
	v23 =	vld [tilespmem:s26+$0xFFFFFE50];
	v19 =	vbroadcast v5, $0x1;
	v21 =	vbroadcast v5, $0x2  }
0xd0: {  	v25 =	vld [tilespmem:s26+$0xFFFFFE60];
	s1 =	sadd.s32 s2, s1;
	v22 =	vbroadcast v5, $0x3;
	v24 =	vbroadcast v5, $0x4  }
0xd1: {  	v6 =	vld [tilespmem:s1+$0x0];
	v26 =	vbroadcast v5, $0x5;
	v28 =	vbroadcast v5, $0x6  }
0xd2: {  	v27 =	vld [tilespmem:s26+$0xFFFFFE70];
	v29 =	vbroadcast v5, $0x7;
	v31 =	vbroadcast v2, $0x3  }
0xd3: {  	v30 =	vld [tilespmem:s26+$0xFFFFFE80];
	v32 =	vbroadcast v2, $0x4;
	v34 =	vbroadcast v2, $0x5  }
0xd4: {  	v33 =	vld [tilespmem:s26+$0xFFFFFE90];
	v35 =	vbroadcast v2, $0x6;
	v37 =	vbroadcast v2, $0x7  }
0xd5: {  	v36 =	vld [tilespmem:s26+$0xFFFFFEA0];
	v5 =	vbroadcast v3, $0x3;
	v2 =	vbroadcast v3, $0x5  }
0xd6: {  	v39 =	vld [tilespmem:s26+$0xFFFFFEB0];
	v17 =	vmul.f32 v4, v7;
	v38 =	vbroadcast v6, $0x0  }
0xd7: {  	v42 =	vld [tilespmem:s26+$0xFFFFFEC0];
	v40 =	vbroadcast v6, $0x1;
	v41 =	vbroadcast v6, $0x2  }
0xd8: {  	v45 =	vld [tilespmem:s26+$0xFFFFFED0];
	v43 =	vbroadcast v6, $0x3;
	v44 =	vbroadcast v6, $0x4  }
0xd9: {  	v46 =	vld [tilespmem:s26+$0xFFFFFEE0];
	v10 =	vbroadcast v6, $0x5;
	v9 =	vbroadcast v6, $0x6  }
0xda: {  	v47 =	vld [tilespmem:s26+$0xFFFFFEF0];
	v8 =	vbroadcast v6, $0x7;
	v7 =	vbroadcast v3, $0x1  }
0xdb: {  	v48 =	vld [tilespmem:s26+$0xFFFFFF00];
	v6 =	vbroadcast v3, $0x2;
	v4 =	vbroadcast v3, $0x4  }
0xdc: {  	v49 =	vld [tilespmem:s26+$0xFFFFFF10];
	v11 =	vmul.f32 v18, v11;
	v3 =	vbroadcast v3, $0x6  }
0xdd: {  	v50 =	vld [tilespmem:s26+$0xFFFFFF20];
	v12 =	vmul.f32 v12, v19;
	v15 =	vmul.f32 v15, v21;
	[tilespmem:s26+$0x0] =	vst v17  }
0xde: {  	v51 =	vld [tilespmem:s26+$0xFFFFFF40];
	v29 =	vmul.f32 v30, v29;
	v13 =	vmul.f32 v13, v33;
	[tilespmem:s26+$0xFFFFFE10] =	vst v11  }
0xdf: {  	v30 =	vld [tilespmem:s26+$0xFFFFFF50];
	v21 =	vmul.f32 v39, v16;
	v19 =	vmul.f32 v45, v32;
	[tilespmem:s26+$0xFFFFFE20] =	vst v12  }
0xe0: {  	v18 =	vmul.f32 v46, v34;
	v17 =	vmul.f32 v23, v24;
	v23 =	vld [tilespmem:s26+$0xFFFFFF30];
	[tilespmem:s26+$0xFFFFFE30] =	vst v15  }
0xe1: {  	v11 =	vmul.f32 v20, v22;
	v12 =	vmul.f32 v25, v26;
	v22 =	vld [tilespmem:s26+$0xFFFFFF60];
	[tilespmem:s26+$0xFFFFFE80] =	vst v29  }
0xe2: {  	v24 =	vmul.f32 v27, v28;
	v28 =	vmul.f32 v36, v14;
	v27 =	vld [tilespmem:s26+$0xFFFFFF70];
	[tilespmem:s26+$0xFFFFFE90] =	vst v13  }
0xe3: {  	v20 =	vmul.f32 v42, v31;
	v15 =	vmul.f32 v47, v35;
	v26 =	vld [tilespmem:s26+$0xFFFFFF80];
	[tilespmem:s26+$0xFFFFFE40] =	vst v11  }
0xe4: {  	v14 =	vmul.f32 v38, v49;
	v25 =	vld [tilespmem:s26+$0xFFFFFF90];
	v16 =	vmul.f32 v50, v40;
	[tilespmem:s26+$0xFFFFFE50] =	vst v17  }
0xe5: {  	v13 =	vmul.f32 v51, v43;
	[tilespmem:s26+$0xFFFFFE70] =	vst v24;
	v17 =	vmul.f32 v48, v37;
	v24 =	vld [tilespmem:s26+$0xFFFFFFA0]  }
0xe6: {  	s4 =	simm.s32 $0x164B0;
	s2 =	simm.s32 $0x100;
	s1 =	simm.s32 $0x0;
	[tilespmem:s26+$0xFFFFFE60] =	vst v12;
	v11 =	vmul.f32 v30, v44;
	v12 =	vmul.f32 v23, v41;
	v23 =	vld [tilespmem:s26+$0xFFFFFFB0]  }
.LBB2_9:
0xe7: {  	s11 =	sand.u32 $0xE00, s2;
	s1 =	sadd.s32 $0x4, s1;
	[tilespmem:s26+$0xFFFFFEA0] =	vst v28;
	v10 =	vmul.f32 v22, v10;
	v9 =	vmul.f32 v27, v9;
	v22 =	vld [tilespmem:s26+$0xFFFFFFC0];
	s19 =	sadd.s32 $0x40, s19  }
0xe8: {  	s11 =	sshrl.u32 s11, $0x2;
	s17 =	sadd.s32 $0x30, s19;
	p1 =	slt.u32 s1, $0x3C;
	[tilespmem:s26+$0xFFFFFEB0] =	vst v21;
	v8 =	vmul.f32 v26, v8;
	v21 =	vld [tilespmem:s26+$0xFFFFFFD0]  }
0xe9: {  	s18 =	sadd.s32 $0x10, s19;
	s11 =	sadd.s32 $0x13EC0, s11;
	s17 =	sand.u32 $0x70, s17;
	[tilespmem:s26+$0xFFFFFEC0] =	vst v20;
	v20 =	vmul.f32 v1, v25;
	v1 =	vld [tilespmem:s26+$0xFFFFFFE0]  }
0xea: {  	s31 =	sadd.s32 $0x20, s19;
	s18 =	sand.u32 $0x50, s18;
	s17 =	sadd.s32 s17, s11;
	[tilespmem:s26+$0xFFFFFED0] =	vst v19;
	v7 =	vmul.f32 v24, v7;
	v19 =	vld [tilespmem:s26+$0xFFFFFFF0]  }
0xeb: {  	s0 =	sand.u32 $0x40, s19;
	s31 =	sand.u32 $0x60, s31;
	s18 =	sadd.s32 s18, s11;
	v24 =	vld [tilespmem:s17+$0x0];
	[tilespmem:s26+$0xFFFFFEE0] =	vst v18;
	v6 =	vmul.f32 v23, v6  }
0xec: {  	s0 =	sadd.s32 s0, s11;
	s11 =	sadd.s32 s31, s11;
	s26 =	sadd.s32 $0x200, s26;
	v18 =	vld [tilespmem:s18+$0x0];
	[tilespmem:s4+$0xFFFFFEF0] =	vst v15;
	v5 =	vmul.f32 v22, v5  }
0xed: {  	v15 =	vld [tilespmem:s26+$0x0];
	[tilespmem:s4+$0xFFFFFF00] =	vst v17;
	v4 =	vmul.f32 v21, v4  }
0xee: {  	v17 =	vld [tilespmem:s0+$0x0];
	[tilespmem:s4+$0xFFFFFF10] =	vst v14;
	v2 =	vmul.f32 v1, v2  }
0xef: {  	v14 =	vld [tilespmem:s11+$0x0];
	[tilespmem:s4+$0xFFFFFF20] =	vst v16;
	v3 =	vmul.f32 v19, v3  }
0xf0: {  	v16 =	vld [tilespmem:s26+$0xFFFFFE10];
	v1 =	vbroadcast v24, $0x0;
	v19 =	vbroadcast v24, $0x7;
	[tilespmem:s4+$0xFFFFFF30] =	vst v12  }
0xf1: {  	v12 =	vld [tilespmem:s26+$0xFFFFFE20];
	v21 =	vbroadcast v18, $0x0;
	v22 =	vbroadcast v18, $0x1;
	[tilespmem:s4+$0xFFFFFF40] =	vst v13  }
0xf2: {  	v23 =	vbroadcast v18, $0x2;
	v13 =	vld [tilespmem:s26+$0xFFFFFE30];
	v15 =	vmul.f32 v15, v19;
	[tilespmem:s4+$0xFFFFFF50] =	vst v11  }
0xf3: {  	v11 =	vbroadcast v17, $0x0;
	v19 =	vbroadcast v17, $0x1;
	v25 =	vld [tilespmem:s26+$0xFFFFFE40];
	[tilespmem:s4+$0xFFFFFF60] =	vst v10  }
0xf4: {  	v26 =	vbroadcast v17, $0x2;
	v27 =	vbroadcast v17, $0x3;
	v28 =	vld [tilespmem:s26+$0xFFFFFE50];
	[tilespmem:s26+$0x0] =	vst v15  }
0xf5: {  	v30 =	vbroadcast v17, $0x5;
	v15 =	vbroadcast v17, $0x4;
	v29 =	vld [tilespmem:s26+$0xFFFFFE60];
	[tilespmem:s4+$0xFFFFFF70] =	vst v9  }
0xf6: {  	v32 =	vbroadcast v17, $0x6;
	v17 =	vbroadcast v17, $0x7;
	v31 =	vld [tilespmem:s26+$0xFFFFFE70];
	[tilespmem:s4+$0xFFFFFF80] =	vst v8  }
0xf7: {  	v34 =	vbroadcast v18, $0x3;
	v35 =	vbroadcast v18, $0x4;
	v33 =	vld [tilespmem:s26+$0xFFFFFE80];
	[tilespmem:s4+$0xFFFFFF90] =	vst v20  }
0xf8: {  	v36 =	vbroadcast v18, $0x5;
	v37 =	vbroadcast v18, $0x6;
	v20 =	vld [tilespmem:s26+$0xFFFFFE90];
	[tilespmem:s4+$0xFFFFFFA0] =	vst v7  }
0xf9: {  	v39 =	vbroadcast v18, $0x7;
	v40 =	vbroadcast v14, $0x0;
	v38 =	vld [tilespmem:s26+$0xFFFFFEA0];
	[tilespmem:s4+$0xFFFFFFB0] =	vst v6  }
0xfa: {  	v41 =	vbroadcast v14, $0x1;
	v42 =	vbroadcast v14, $0x2;
	v18 =	vld [tilespmem:s26+$0xFFFFFEB0];
	[tilespmem:s4+$0xFFFFFFC0] =	vst v5  }
0xfb: {  	v44 =	vbroadcast v14, $0x3;
	v45 =	vbroadcast v14, $0x4;
	v43 =	vld [tilespmem:s26+$0xFFFFFEC0];
	[tilespmem:s4+$0xFFFFFFD0] =	vst v4  }
0xfc: {  	v10 =	vbroadcast v14, $0x5;
	v9 =	vbroadcast v14, $0x6;
	v46 =	vld [tilespmem:s26+$0xFFFFFED0];
	[tilespmem:s4+$0xFFFFFFE0] =	vst v2  }
0xfd: {  	v8 =	vbroadcast v14, $0x7;
	v7 =	vbroadcast v24, $0x1;
	v47 =	vld [tilespmem:s26+$0xFFFFFEE0];
	[tilespmem:s4+$0xFFFFFFF0] =	vst v3;
	s4 =	smov.u32 s26  }
0xfe: {  	v6 =	vbroadcast v24, $0x2;
	v5 =	vbroadcast v24, $0x3;
	v14 =	vld [tilespmem:s26+$0xFFFFFEF0]  }
0xff: {  	v4 =	vbroadcast v24, $0x4;
	v2 =	vbroadcast v24, $0x5;
	v48 =	vld [tilespmem:s26+$0xFFFFFF00]  }
0x100: {  	v11 =	vmul.f32 v11, v16;
	v3 =	vbroadcast v24, $0x6;
	v16 =	vld [tilespmem:s26+$0xFFFFFF10]  }
0x101: {  	v12 =	vmul.f32 v12, v19;
	v13 =	vmul.f32 v13, v26;
	v24 =	vld [tilespmem:s26+$0xFFFFFF20]  }
0x102: {  	v15 =	vmul.f32 v28, v15;
	[tilespmem:s26+$0xFFFFFE10] =	vst v11;
	v11 =	vmul.f32 v25, v27;
	v49 =	vld [tilespmem:s26+$0xFFFFFF30]  }
0x103: {  	v25 =	vmul.f32 v31, v32;
	[tilespmem:s26+$0xFFFFFE20] =	vst v12;
	v12 =	vmul.f32 v29, v30;
	v29 =	vld [tilespmem:s26+$0xFFFFFF40]  }
0x104: {  	v30 =	vmul.f32 v21, v20;
	[tilespmem:s26+$0xFFFFFE30] =	vst v13;
	v13 =	vmul.f32 v33, v17;
	v31 =	vld [tilespmem:s26+$0xFFFFFF50]  }
0x105: {  	v28 =	vmul.f32 v38, v22;
	v21 =	vmul.f32 v18, v23;
	[tilespmem:s26+$0xFFFFFE40] =	vst v11;
	v22 =	vld [tilespmem:s26+$0xFFFFFF60]  }
.Ltmp4:
0x106: {  	v19 =	vmul.f32 v46, v35;
	v20 =	vmul.f32 v43, v34;
	[tilespmem:s26+$0xFFFFFE50] =	vst v15;
	v27 =	vld [tilespmem:s26+$0xFFFFFF70];
	(pc) =	sbr.rel @p1 .LBB2_9-.Ltmp4, $4  }
0x107: {  	v18 =	vmul.f32 v47, v36;
	v15 =	vmul.f32 v14, v37;
	[tilespmem:s26+$0xFFFFFE60] =	vst v12;
	v26 =	vld [tilespmem:s26+$0xFFFFFF80]  }
0x108: {  	v17 =	vmul.f32 v48, v39;
	v14 =	vmul.f32 v40, v16;
	[tilespmem:s26+$0xFFFFFE70] =	vst v25;
	v25 =	vld [tilespmem:s26+$0xFFFFFF90]  }
0x109: {  	v16 =	vmul.f32 v24, v41;
	v12 =	vmul.f32 v49, v42;
	[tilespmem:s26+$0xFFFFFE80] =	vst v13;
	v24 =	vld [tilespmem:s26+$0xFFFFFFA0]  }
0x10a: {  	s2 =	sadd.s32 $0x100, s2;
	v13 =	vmul.f32 v29, v44;
	v11 =	vmul.f32 v31, v45;
	[tilespmem:s26+$0xFFFFFE90] =	vst v30;
	v23 =	vld [tilespmem:s26+$0xFFFFFFB0]  }
0x10b: {  	[tilespmem:s26+$0xFFFFFEA0] =	vst v28  }
0x10c: {  	[tilespmem:s26+$0xFFFFFEB0] =	vst v21  }
0x10d: {  	[tilespmem:s26+$0xFFFFFEC0] =	vst v20  }
0x10e: {  	[tilespmem:s26+$0xFFFFFED0] =	vst v19  }
0x10f: {  	[tilespmem:s26+$0xFFFFFEE0] =	vst v18  }
0x110: {  	[tilespmem:s4+$0xFFFFFF10] =	vst v14  }
0x111: {  	[tilespmem:s4+$0xFFFFFF20] =	vst v16  }
0x112: {  	[tilespmem:s4+$0xFFFFFF30] =	vst v12  }
0x113: {  	[tilespmem:s4+$0xFFFFFEF0] =	vst v15  }
0x114: {  	[tilespmem:s4+$0xFFFFFF00] =	vst v17  }
0x115: {  	v10 =	vmul.f32 v22, v10;
	[tilespmem:s4+$0xFFFFFF40] =	vst v13  }
0x116: {  	v9 =	vmul.f32 v27, v9;
	v60 =	vld [tilespmem:s26+$0xFFFFFFC0];
	[tilespmem:s4+$0xFFFFFF50] =	vst v11  }
0x117: {  	v61 =	vld [tilespmem:s26+$0xFFFFFFD0];
	v8 =	vmul.f32 v26, v8;
	[tilespmem:s4+$0xFFFFFF60] =	vst v10  }
0x118: {  	v62 =	vld [tilespmem:s26+$0xFFFFFFE0];
	v1 =	vmul.f32 v1, v25;
	[tilespmem:s4+$0xFFFFFF70] =	vst v9  }
0x119: {  	v63 =	vld [tilespmem:s26+$0xFFFFFFF0];
	v7 =	vmul.f32 v24, v7;
	[tilespmem:s4+$0xFFFFFF80] =	vst v8  }
0x11a: {  	v6 =	vmul.f32 v23, v6;
	[tilespmem:s4+$0xFFFFFF90] =	vst v1  }
0x11b: {  	v1 =	vmul.f32 v60, v5;
	[tilespmem:s4+$0xFFFFFFA0] =	vst v7  }
0x11c: {  	v4 =	vmul.f32 v61, v4;
	[tilespmem:s4+$0xFFFFFFB0] =	vst v6  }
0x11d: {  	v2 =	vmul.f32 v62, v2;
	[tilespmem:s4+$0xFFFFFFC0] =	vst v1  }
0x11e: {  	v1 =	vmul.f32 v63, v3;
	[tilespmem:s4+$0xFFFFFFD0] =	vst v4  }
0x11f: {  	[tilespmem:s4+$0xFFFFFFE0] =	vst v2  }
0x120: {  	s0 =	rddreg [dreg:$0x2];
	s18 =	simm.s32 $0x13A40;
	s11 =	simm.s32 $0x162C0;
	[tilespmem:s4+$0xFFFFFFF0] =	vst v1  }
0x121: {  	[spmem:s0] =	stream.indirect.scatter.add.f32 [tilespmem:s11], [sflag:$0x7], $0x80, s18, s29, $0xb8;
	[tilespmem:$0x196C0] =	vst v63  }
0x122: {  	s19 =	rddreg [dreg:$0xc]  }
0x123: {  	s0 =	sadd.s32 s19, s20;
	_ =	swait.ge [sflag:s23], $0x2000  }
0x124: {  	s0 =	sshll.u32 s0, $0x6;
	[sflag:s23] =	ssyncset.done $0x0  }
0x125: {  	s0 =	sadd.s32 s6, s0;
	[sflag:s23] =	ssyncadd.s32 $0xFFFFE000  }
0x126: {  	s9 =	sadd.s32 $0x1, s9;
	s1 =	sshrl.u32 s0, $0x3;
	s2 =	rddreg [dreg:$0x1]  }
0x127: {  	s26 =	simm.s32 $0x13940;
	p1 =	sne.s32 s9, $0x4E;
	s2 =	sadd.s32 s2, s1  }
0x128: {  	[tilespmem:s26], [sflag:$0x2] =	stream.linear.gather [hbm4b:s2+s3], $0x40, $0x38;
	[tilespmem:$0x196C0] =	vst v63  }
.Ltmp5:
0x129: {  	_ = 	snop;
	(pc) =	sbr.rel @p1 .LBB2_6-.Ltmp5, $4  }
0x12a: {  	s0 =	sshll.u32 s0, $0x1;
	s1 =	sadd.s32 s7, s1  }
0x12b: {  	[tilespmem:s18], [sflag:$0x4] =	stream.linear.gather [hbm4b:s1+s3], $0x40, $0x38;
	[tilespmem:$0x196C0] =	vst v63  }
0x12c: {  	s31 =	simm.s32 $0x13A40;
	s20 =	simm.s32 $0x13EC0;
	s0 =	sadd.s32 s5, s0  }
0x12d: {  	[tilespmem:s20], [sflag:$0x4] =	stream.linear.gather [hbm4b:s0+s3], $0x400, $0x38;
	[tilespmem:$0x196C0] =	vst v63  }
0x12e: {  	_ =	swait.ge [sflag:s12], $0x40  }
0x12f: {  	[sflag:s12] =	ssyncset.done $0x0  }
0x130: {  	[sflag:s12] =	ssyncadd.s32 $0xFFFFFFC0  }
0x131: {  	_ =	swait.ge [sflag:s12], $0x400  }
0x132: {  	s19 =	simm.s32 $0x0;
	[sflag:s12] =	ssyncset.done $0x0  }
0x133: {  	s1 =	simm.s32 $0x30;
	s0 =	sand.u32 $0xE00, s19;
	[sflag:s12] =	ssyncadd.s32 $0xFFFFFC00  }
0x134: {  	s2 =	simm.s32 $0x10;
	s0 =	sshrl.u32 s0, $0x2;
	_ =	swait.ge [sflag:s14], $0x2000  }
0x135: {  	s1 =	sand.u32 $0x70, s1;
	s0 =	sadd.s32 $0x13AC0, s0;
	[sflag:s14] =	ssyncset.done $0x0  }
0x136: {  	s2 =	sand.u32 $0x50, s2;
	s1 =	sadd.s32 s1, s0;
	[sflag:s14] =	ssyncadd.s32 $0xFFFFE000  }
0x137: {  	s4 =	sand.u32 $0x40, s19;
	s2 =	sadd.s32 s2, s0;
	v3 =	vld [tilespmem:s1+$0x0]  }
0x138: {  	s20 =	sadd.s32 s4, s0;
	v2 =	vld [tilespmem:s2+$0x0]  }
0x139: {  	s9 =	simm.s32 $0x143C0;
	v5 =	vld [tilespmem:s20+$0x0]  }
0x13a: {  	v4 =	vld [tilespmem:s9+$0xF0]  }
0x13b: {  	v11 =	vld [tilespmem:s9+$0xFFFFFF00]  }
0x13c: {  	v12 =	vld [tilespmem:s9+$0xFFFFFF10];
	v1 =	vbroadcast v3, $0x0;
	v7 =	vbroadcast v3, $0x7  }
0x13d: {  	v15 =	vld [tilespmem:s9+$0xFFFFFF20];
	v13 =	vbroadcast v2, $0x0;
	v14 =	vbroadcast v2, $0x1  }
0x13e: {  	s18 =	simm.s32 $0x20;
	v20 =	vld [tilespmem:s9+$0xFFFFFF30];
	v16 =	vbroadcast v2, $0x2;
	v18 =	vbroadcast v5, $0x0  }
0x13f: {  	s1 =	sand.u32 $0x60, s18;
	v23 =	vld [tilespmem:s9+$0xFFFFFF40];
	v19 =	vbroadcast v5, $0x1;
	v21 =	vbroadcast v5, $0x2  }
0x140: {  	v25 =	vld [tilespmem:s9+$0xFFFFFF50];
	s0 =	sadd.s32 s1, s0;
	v22 =	vbroadcast v5, $0x3;
	v24 =	vbroadcast v5, $0x4  }
0x141: {  	v6 =	vld [tilespmem:s0+$0x0];
	v26 =	vbroadcast v5, $0x5;
	v28 =	vbroadcast v5, $0x6  }
0x142: {  	v27 =	vld [tilespmem:s9+$0xFFFFFF60];
	v29 =	vbroadcast v5, $0x7;
	v31 =	vbroadcast v2, $0x3  }
0x143: {  	v30 =	vld [tilespmem:s9+$0xFFFFFF70];
	v32 =	vbroadcast v2, $0x4;
	v34 =	vbroadcast v2, $0x5  }
0x144: {  	v33 =	vld [tilespmem:s9+$0xFFFFFF80];
	v35 =	vbroadcast v2, $0x6;
	v37 =	vbroadcast v2, $0x7  }
0x145: {  	v36 =	vld [tilespmem:s9+$0xFFFFFF90];
	v5 =	vbroadcast v3, $0x3;
	v2 =	vbroadcast v3, $0x5  }
0x146: {  	v39 =	vld [tilespmem:s9+$0xFFFFFFA0];
	v17 =	vmul.f32 v4, v7;
	v38 =	vbroadcast v6, $0x0  }
0x147: {  	v42 =	vld [tilespmem:s9+$0xFFFFFFB0];
	v40 =	vbroadcast v6, $0x1;
	v41 =	vbroadcast v6, $0x2  }
0x148: {  	v45 =	vld [tilespmem:s9+$0xFFFFFFC0];
	v43 =	vbroadcast v6, $0x3;
	v44 =	vbroadcast v6, $0x4  }
0x149: {  	v46 =	vld [tilespmem:s9+$0xFFFFFFD0];
	v10 =	vbroadcast v6, $0x5;
	v9 =	vbroadcast v6, $0x6  }
0x14a: {  	v47 =	vld [tilespmem:s9+$0xFFFFFFE0];
	v8 =	vbroadcast v6, $0x7;
	v7 =	vbroadcast v3, $0x1  }
0x14b: {  	v48 =	vld [tilespmem:s9+$0xFFFFFFF0];
	v6 =	vbroadcast v3, $0x2;
	v4 =	vbroadcast v3, $0x4  }
0x14c: {  	v49 =	vld [tilespmem:s9+$0x0];
	v11 =	vmul.f32 v18, v11;
	v3 =	vbroadcast v3, $0x6  }
0x14d: {  	v50 =	vld [tilespmem:s9+$0x10];
	v12 =	vmul.f32 v12, v19;
	v15 =	vmul.f32 v15, v21;
	[tilespmem:s9+$0xF0] =	vst v17  }
0x14e: {  	v51 =	vld [tilespmem:s9+$0x30];
	v29 =	vmul.f32 v30, v29;
	v13 =	vmul.f32 v13, v33;
	[tilespmem:s9+$0xFFFFFF00] =	vst v11  }
0x14f: {  	v30 =	vld [tilespmem:s9+$0x40];
	v21 =	vmul.f32 v39, v16;
	v19 =	vmul.f32 v45, v32;
	[tilespmem:s9+$0xFFFFFF10] =	vst v12  }
0x150: {  	v18 =	vmul.f32 v46, v34;
	v17 =	vmul.f32 v23, v24;
	v23 =	vld [tilespmem:s9+$0x20];
	[tilespmem:s9+$0xFFFFFF20] =	vst v15  }
0x151: {  	v11 =	vmul.f32 v20, v22;
	v12 =	vmul.f32 v25, v26;
	v22 =	vld [tilespmem:s9+$0x50];
	[tilespmem:s9+$0xFFFFFF70] =	vst v29  }
0x152: {  	v24 =	vmul.f32 v27, v28;
	v28 =	vmul.f32 v36, v14;
	v27 =	vld [tilespmem:s9+$0x60];
	[tilespmem:s9+$0xFFFFFF80] =	vst v13  }
0x153: {  	v20 =	vmul.f32 v42, v31;
	v15 =	vmul.f32 v47, v35;
	v26 =	vld [tilespmem:s9+$0x70];
	[tilespmem:s9+$0xFFFFFF30] =	vst v11  }
0x154: {  	v14 =	vmul.f32 v38, v49;
	v25 =	vld [tilespmem:s9+$0x80];
	v16 =	vmul.f32 v50, v40;
	[tilespmem:s9+$0xFFFFFF40] =	vst v17  }
0x155: {  	v13 =	vmul.f32 v51, v43;
	[tilespmem:s9+$0xFFFFFF60] =	vst v24;
	v17 =	vmul.f32 v48, v37;
	v24 =	vld [tilespmem:s9+$0x90]  }
0x156: {  	s4 =	simm.s32 $0x143C0;
	s2 =	simm.s32 $0x100;
	s1 =	simm.s32 $0x0;
	[tilespmem:s9+$0xFFFFFF50] =	vst v12;
	v11 =	vmul.f32 v30, v44;
	v12 =	vmul.f32 v23, v41;
	v23 =	vld [tilespmem:s9+$0xA0]  }
.LBB2_12:
0x157: {  	s0 =	sand.u32 $0xE00, s2;
	s1 =	sadd.s32 $0x4, s1;
	[tilespmem:s9+$0xFFFFFF90] =	vst v28;
	v10 =	vmul.f32 v22, v10;
	v9 =	vmul.f32 v27, v9;
	v22 =	vld [tilespmem:s9+$0xB0];
	s19 =	sadd.s32 $0x40, s19  }
0x158: {  	s0 =	sshrl.u32 s0, $0x2;
	s11 =	sadd.s32 $0x30, s19;
	p1 =	slt.u32 s1, $0x3C;
	[tilespmem:s9+$0xFFFFFFA0] =	vst v21;
	v8 =	vmul.f32 v26, v8;
	v21 =	vld [tilespmem:s9+$0xC0]  }
0x159: {  	s17 =	sadd.s32 $0x10, s19;
	s0 =	sadd.s32 $0x13AC0, s0;
	s11 =	sand.u32 $0x70, s11;
	[tilespmem:s9+$0xFFFFFFB0] =	vst v20;
	v20 =	vmul.f32 v1, v25;
	v1 =	vld [tilespmem:s9+$0xD0]  }
0x15a: {  	s18 =	sadd.s32 $0x20, s19;
	s17 =	sand.u32 $0x50, s17;
	s11 =	sadd.s32 s11, s0;
	[tilespmem:s9+$0xFFFFFFC0] =	vst v19;
	v7 =	vmul.f32 v24, v7;
	v19 =	vld [tilespmem:s9+$0xE0]  }
0x15b: {  	s20 =	sand.u32 $0x40, s19;
	s18 =	sand.u32 $0x60, s18;
	s17 =	sadd.s32 s17, s0;
	v24 =	vld [tilespmem:s11+$0x0];
	[tilespmem:s9+$0xFFFFFFD0] =	vst v18;
	v6 =	vmul.f32 v23, v6  }
0x15c: {  	s11 =	sadd.s32 s20, s0;
	s0 =	sadd.s32 s18, s0;
	s9 =	sadd.s32 $0x200, s9;
	v18 =	vld [tilespmem:s17+$0x0];
	[tilespmem:s4+$0xFFFFFFE0] =	vst v15;
	v5 =	vmul.f32 v22, v5  }
0x15d: {  	v15 =	vld [tilespmem:s9+$0xF0];
	[tilespmem:s4+$0xFFFFFFF0] =	vst v17;
	v4 =	vmul.f32 v21, v4  }
0x15e: {  	v17 =	vld [tilespmem:s11+$0x0];
	[tilespmem:s4+$0x0] =	vst v14;
	v2 =	vmul.f32 v1, v2  }
0x15f: {  	v14 =	vld [tilespmem:s0+$0x0];
	[tilespmem:s4+$0x10] =	vst v16;
	v3 =	vmul.f32 v19, v3  }
0x160: {  	v16 =	vld [tilespmem:s9+$0xFFFFFF00];
	v1 =	vbroadcast v24, $0x0;
	v19 =	vbroadcast v24, $0x7;
	[tilespmem:s4+$0x20] =	vst v12  }
0x161: {  	v12 =	vld [tilespmem:s9+$0xFFFFFF10];
	v21 =	vbroadcast v18, $0x0;
	v22 =	vbroadcast v18, $0x1;
	[tilespmem:s4+$0x30] =	vst v13  }
0x162: {  	v23 =	vbroadcast v18, $0x2;
	v13 =	vld [tilespmem:s9+$0xFFFFFF20];
	v15 =	vmul.f32 v15, v19;
	[tilespmem:s4+$0x40] =	vst v11  }
0x163: {  	v11 =	vbroadcast v17, $0x0;
	v19 =	vbroadcast v17, $0x1;
	v25 =	vld [tilespmem:s9+$0xFFFFFF30];
	[tilespmem:s4+$0x50] =	vst v10  }
0x164: {  	v26 =	vbroadcast v17, $0x2;
	v27 =	vbroadcast v17, $0x3;
	v28 =	vld [tilespmem:s9+$0xFFFFFF40];
	[tilespmem:s9+$0xF0] =	vst v15  }
0x165: {  	v30 =	vbroadcast v17, $0x5;
	v15 =	vbroadcast v17, $0x4;
	v29 =	vld [tilespmem:s9+$0xFFFFFF50];
	[tilespmem:s4+$0x60] =	vst v9  }
0x166: {  	v32 =	vbroadcast v17, $0x6;
	v17 =	vbroadcast v17, $0x7;
	v31 =	vld [tilespmem:s9+$0xFFFFFF60];
	[tilespmem:s4+$0x70] =	vst v8  }
0x167: {  	v34 =	vbroadcast v18, $0x3;
	v35 =	vbroadcast v18, $0x4;
	v33 =	vld [tilespmem:s9+$0xFFFFFF70];
	[tilespmem:s4+$0x80] =	vst v20  }
0x168: {  	v36 =	vbroadcast v18, $0x5;
	v37 =	vbroadcast v18, $0x6;
	v20 =	vld [tilespmem:s9+$0xFFFFFF80];
	[tilespmem:s4+$0x90] =	vst v7  }
0x169: {  	v39 =	vbroadcast v18, $0x7;
	v40 =	vbroadcast v14, $0x0;
	v38 =	vld [tilespmem:s9+$0xFFFFFF90];
	[tilespmem:s4+$0xA0] =	vst v6  }
0x16a: {  	v41 =	vbroadcast v14, $0x1;
	v42 =	vbroadcast v14, $0x2;
	v18 =	vld [tilespmem:s9+$0xFFFFFFA0];
	[tilespmem:s4+$0xB0] =	vst v5  }
0x16b: {  	v44 =	vbroadcast v14, $0x3;
	v45 =	vbroadcast v14, $0x4;
	v43 =	vld [tilespmem:s9+$0xFFFFFFB0];
	[tilespmem:s4+$0xC0] =	vst v4  }
0x16c: {  	v10 =	vbroadcast v14, $0x5;
	v9 =	vbroadcast v14, $0x6;
	v46 =	vld [tilespmem:s9+$0xFFFFFFC0];
	[tilespmem:s4+$0xD0] =	vst v2  }
0x16d: {  	v8 =	vbroadcast v14, $0x7;
	v7 =	vbroadcast v24, $0x1;
	v47 =	vld [tilespmem:s9+$0xFFFFFFD0];
	[tilespmem:s4+$0xE0] =	vst v3;
	s4 =	smov.u32 s9  }
0x16e: {  	v6 =	vbroadcast v24, $0x2;
	v5 =	vbroadcast v24, $0x3;
	v14 =	vld [tilespmem:s9+$0xFFFFFFE0]  }
0x16f: {  	v4 =	vbroadcast v24, $0x4;
	v2 =	vbroadcast v24, $0x5;
	v48 =	vld [tilespmem:s9+$0xFFFFFFF0]  }
0x170: {  	v11 =	vmul.f32 v11, v16;
	v3 =	vbroadcast v24, $0x6;
	v16 =	vld [tilespmem:s9+$0x0]  }
0x171: {  	v12 =	vmul.f32 v12, v19;
	v13 =	vmul.f32 v13, v26;
	v24 =	vld [tilespmem:s9+$0x10]  }
0x172: {  	v15 =	vmul.f32 v28, v15;
	[tilespmem:s9+$0xFFFFFF00] =	vst v11;
	v11 =	vmul.f32 v25, v27;
	v49 =	vld [tilespmem:s9+$0x20]  }
0x173: {  	v25 =	vmul.f32 v31, v32;
	[tilespmem:s9+$0xFFFFFF10] =	vst v12;
	v12 =	vmul.f32 v29, v30;
	v29 =	vld [tilespmem:s9+$0x30]  }
0x174: {  	v30 =	vmul.f32 v21, v20;
	[tilespmem:s9+$0xFFFFFF20] =	vst v13;
	v13 =	vmul.f32 v33, v17;
	v31 =	vld [tilespmem:s9+$0x40]  }
0x175: {  	v28 =	vmul.f32 v38, v22;
	v21 =	vmul.f32 v18, v23;
	[tilespmem:s9+$0xFFFFFF30] =	vst v11;
	v22 =	vld [tilespmem:s9+$0x50]  }
.Ltmp6:
0x176: {  	v19 =	vmul.f32 v46, v35;
	v20 =	vmul.f32 v43, v34;
	[tilespmem:s9+$0xFFFFFF40] =	vst v15;
	v27 =	vld [tilespmem:s9+$0x60];
	(pc) =	sbr.rel @p1 .LBB2_12-.Ltmp6, $4  }
0x177: {  	v18 =	vmul.f32 v47, v36;
	v15 =	vmul.f32 v14, v37;
	[tilespmem:s9+$0xFFFFFF50] =	vst v12;
	v26 =	vld [tilespmem:s9+$0x70]  }
0x178: {  	v17 =	vmul.f32 v48, v39;
	v14 =	vmul.f32 v40, v16;
	[tilespmem:s9+$0xFFFFFF60] =	vst v25;
	v25 =	vld [tilespmem:s9+$0x80]  }
0x179: {  	v16 =	vmul.f32 v24, v41;
	v12 =	vmul.f32 v49, v42;
	[tilespmem:s9+$0xFFFFFF70] =	vst v13;
	v24 =	vld [tilespmem:s9+$0x90]  }
0x17a: {  	s2 =	sadd.s32 $0x100, s2;
	v13 =	vmul.f32 v29, v44;
	v11 =	vmul.f32 v31, v45;
	[tilespmem:s9+$0xFFFFFF80] =	vst v30;
	v23 =	vld [tilespmem:s9+$0xA0]  }
0x17b: {  	[tilespmem:s9+$0xFFFFFF90] =	vst v28  }
0x17c: {  	[tilespmem:s9+$0xFFFFFFA0] =	vst v21  }
0x17d: {  	[tilespmem:s9+$0xFFFFFFB0] =	vst v20  }
0x17e: {  	[tilespmem:s9+$0xFFFFFFC0] =	vst v19  }
0x17f: {  	[tilespmem:s9+$0xFFFFFFD0] =	vst v18  }
0x180: {  	[tilespmem:s4+$0x0] =	vst v14  }
0x181: {  	[tilespmem:s4+$0x10] =	vst v16  }
0x182: {  	[tilespmem:s4+$0x20] =	vst v12  }
0x183: {  	[tilespmem:s4+$0xFFFFFFE0] =	vst v15  }
0x184: {  	[tilespmem:s4+$0xFFFFFFF0] =	vst v17  }
0x185: {  	v10 =	vmul.f32 v22, v10;
	[tilespmem:s4+$0x30] =	vst v13  }
0x186: {  	v9 =	vmul.f32 v27, v9;
	v60 =	vld [tilespmem:s9+$0xB0];
	[tilespmem:s4+$0x40] =	vst v11  }
0x187: {  	v61 =	vld [tilespmem:s9+$0xC0];
	v8 =	vmul.f32 v26, v8;
	[tilespmem:s4+$0x50] =	vst v10  }
0x188: {  	v62 =	vld [tilespmem:s9+$0xD0];
	v1 =	vmul.f32 v1, v25;
	[tilespmem:s4+$0x60] =	vst v9  }
0x189: {  	v63 =	vld [tilespmem:s9+$0xE0];
	v7 =	vmul.f32 v24, v7;
	[tilespmem:s4+$0x70] =	vst v8  }
0x18a: {  	v6 =	vmul.f32 v23, v6;
	[tilespmem:s4+$0x80] =	vst v1  }
0x18b: {  	v1 =	vmul.f32 v60, v5;
	[tilespmem:s4+$0x90] =	vst v7  }
0x18c: {  	v4 =	vmul.f32 v61, v4;
	[tilespmem:s4+$0xA0] =	vst v6  }
0x18d: {  	v2 =	vmul.f32 v62, v2;
	[tilespmem:s4+$0xB0] =	vst v1  }
0x18e: {  	v1 =	vmul.f32 v63, v3;
	[tilespmem:s4+$0xC0] =	vst v4  }
0x18f: {  	[tilespmem:s4+$0xD0] =	vst v2  }
0x190: {  	s0 =	rddreg [dreg:$0x2];
	[tilespmem:s4+$0xE0] =	vst v1  }
0x191: {  	[spmem:s0] =	stream.indirect.scatter.add.f32 [tilespmem:s30], [sflag:$0x7], $0x80, s25, s29, $0xb8;
	[tilespmem:$0x196C0] =	vst v63  }
0x192: {  	_ =	swait.ge [sflag:s23], $0x2000  }
0x193: {  	[sflag:s23] =	ssyncset.done $0x0  }
0x194: {  	[sflag:s23] =	ssyncadd.s32 $0xFFFFE000  }
0x195: {  	_ =	swait.ge [sflag:s10], $0x40  }
0x196: {  	[sflag:s10] =	ssyncset.done $0x0  }
0x197: {  	[sflag:s10] =	ssyncadd.s32 $0xFFFFFFC0  }
0x198: {  	_ =	swait.ge [sflag:s15], $0x40  }
0x199: {  	[sflag:s15] =	ssyncset.done $0x0  }
0x19a: {  	[sflag:s15] =	ssyncadd.s32 $0xFFFFFFC0  }
0x19b: {  	_ =	swait.ge [sflag:s15], $0x400  }
0x19c: {  	[sflag:s15] =	ssyncset.done $0x0  }
0x19d: {  	[sflag:s15] =	ssyncadd.s32 $0xFFFFFC00  }
0x19e: {  	[bflag:$0x0] =	sbarrier.arrive $0xFFFF  }
0x19f: {  	s9 =	rddreg [dreg:$0xe]  }
0x1a0: {  	[tilespmem:s22], [sflag:$0x7] =	stream.linear.gather [spmem:s9], $0x1400, $0x38;
	[tilespmem:$0x196C0] =	vst v63  }
0x1a1: {  	_ =	swait.ge [sflag:s23], $0x1400  }
0x1a2: {  	s4 =	rddreg [dreg:$0xf]  }
0x1a3: {  	[sflag:s23] =	ssyncset.done $0x0;
	s20 =	sshrl.u32 s4, $0x3  }
.Ltmp7:
0x1a4: {  	[sflag:s23] =	ssyncadd.s32 $0xFFFFEC00;
	s0 =	sadd.s32 s8, s20;
	(pc) =	sbr.rel @!p0 .LBB2_15-.Ltmp7, $4  }
0x1a5: {  	[hbm4b:s0+s3] =	stream.linear.scatter [tilespmem:s22], [sflag:$0x7], $0x1400, $0x38;
	[tilespmem:$0x196C0] =	vst v63  }
0x1a6: {  	_ =	swait.ge [sflag:s23], $0x1400  }
0x1a7: {  	s17 =	rddreg [dreg:$0x4]  }
0x1a8: {  	s2 =	smov.u32 s9;
	[sflag:s23] =	ssyncset.done $0x0;
	s1 =	sadd.s32 $0xFFFFFFFF, s17  }
.LBB2_14:
0x1a9: {  	[sflag:s23] =	ssyncadd.s32 $0xFFFFEC00;
	s2 =	sadd.s32 $0x14000, s2;
	s4 =	sadd.s32 $0x14000, s4  }
0x1aa: {  	[tilespmem:s22], [sflag:$0x7] =	stream.linear.gather [spmem:s2], $0x1400, $0x38;
	[tilespmem:$0x196C0] =	vst v63  }
0x1ab: {  	p0 =	sne.s32 s1, $0x1;
	s1 =	sadd.s32 $0xFFFFFFFF, s1;
	_ =	swait.ge [sflag:s23], $0x1400  }
.Ltmp8:
0x1ac: {  	s0 =	sshrl.u32 s4, $0x3;
	[sflag:s23] =	ssyncset.done $0x0;
	(pc) =	sbr.rel @p0 .LBB2_14-.Ltmp8, $4  }
0x1ad: {  	s0 =	sadd.s32 s8, s0;
	[sflag:s23] =	ssyncadd.s32 $0xFFFFEC00  }
0x1ae: {  	[hbm4b:s0+s3] =	stream.linear.scatter [tilespmem:s22], [sflag:$0x7], $0x1400, $0x38;
	[tilespmem:$0x196C0] =	vst v63  }
0x1af: {  	_ =	swait.ge [sflag:s23], $0x1400  }
0x1b0: {  	[sflag:s23] =	ssyncset.done $0x0  }
.LBB2_15:
0x1b1: {  	s1 =	rddreg [dreg:$0x10]  }
0x1b2: {  	s0 =	rddreg [dreg:$0xd];
	s1 =	sadd.s32 $0x1, s1  }
0x1b3: {  	p0 =	sne.s32 s1, s0  }
.Ltmp9:
0x1b4: {  	_ = 	snop;
	(pc) =	sbr.rel @p0 .LBB2_1-.Ltmp9, $2  }
0x1b5: {  	_ =	sdelay $0x2  }
0x1b6: {  	[sflag:s23] =	ssyncadd.s32 $0xFFFFEC00;
	s11 =	simm.s32 $0x162C0  }
0x1b7: {  	_ =	sfence.sel $0x180000  }
0x1b8: {  	[bflag:$0x0] =	sbarrier.arrive $0xFFFF  }
0x1b9: {  	_ =	strace $0x9000004A  }
0x1ba: {  	s0 =	stileid.u32;
	[bflag:$0x2] =	sbarrier.arrive $0xFFFF  }
0x1bb: {  	p0 =	sne.s32 s0, $0x0;
	s0 =	rddreg [dreg:$0x3]  }
0x1bc: {  	s0 =	sadd.s32 @!p0 $0x100000, s0  }
0x1bd: {  	[sflag:s0] =	ssyncadd.tile.s32 @!p0 $0x1;
	_ =	shalt  }
.Lfunc_end2:
_tile_overlayer_lowered:
.L_overlay_start_2:
0x1be: {  	(tag) =	ssettag $0x2  }
0x1bf: {  	s0 =	rddreg [dreg:$0x0];
	s2 =	stileid.u32  }
0x1c0: {  	s1 =	rddreg [dreg:$0x1];
	p0 =	sne.s32 s2, $0x0  }
0x1c1: {  	s3 =	rddreg [dreg:$0x2];
	[bflag:$0x3] =	sbarrier.arrive $0xFFFF;
	s2 =	simm.s32 @!p0 $0x1C07  }
0x1c2: {  	[timem:s3], [sflag:s2] =	dma.local @!p0 [hbm:s0], s1  }
0x1c3: {  	s0 =	simm.s32 @!p0 $0x7  }
0x1c4: {  	_ =	swait.ge @!p0 [sflag:s0], s1  }
0x1c5: {  	s1 =	ssub.s32 @!p0 $0x0, s1;
	[sflag:s0] =	ssyncset.done @!p0 $0x0  }
0x1c6: {  	[sflag:s0] =	ssyncadd.s32 @!p0 s1  }
0x1c7: {  	[bflag:$0x3] =	sbarrier.arrive $0xFFFF  }
0x1c8: {  	_ =	shalt  }

// kernel: kernel.7.cloned.1.call-start
scs
__scs_entry_jumppad:
0x0: {  	(pc) =	sbr.rel $0x88, $3  }
0x1: {  	(tag) =	ssettag $0x0;
	lr =	simm.s32 $0x1  }
0x2: {  	[smem:$0x3F90] =	sst lr;
	_ =	strace $0xD0000000  }
0x3: {  	_ = 	snop  }
0x4: {  	_ = 	snop  }
0x5: {  	_ = 	snop  }
0x6: {  	_ = 	snop  }
0x7: {  	_ = 	snop  }
__scs_overlays_trampoline_lowered:
0x8: {  	[smem:$0x3F9F] =	sst s0  }
0x9: {  	[smem:$0x3FA0] =	sst s1  }
0xa: {  	[smem:$0x3FA1] =	sst s2  }
0xb: {  	[smem:$0x3FA2] =	sst s3  }
0xc: {  	[smem:$0x3FA3] =	sst s4  }
0xd: {  	[smem:$0x3FA4] =	sst s5  }
0xe: {  	[smem:$0x3FA5] =	sst s6  }
0xf: {  	[smem:$0x3FA6] =	sst s7  }
0x10: {  	[smem:$0x3FA7] =	sst s8  }
0x11: {  	[smem:$0x3FA8] =	sst s9;
	s0 =	simm.s32 @!p0 $0x0  }
0x12: {  	s1 =	sld [smem:$0x3F8E];
	s0 =	simm.s32 @p0 $0x1  }
0x13: {  	[smem:$0x3FA9] =	sst s0;
	s0 =	simm.s32 @!p1 $0x0  }
0x14: {  	s2 =	sld [smem:$0x3F8D];
	s0 =	simm.s32 @p1 $0x1  }
0x15: {  	[smem:$0x3FAA] =	sst s0;
	s0 =	simm.s32 @!p2 $0x0  }
0x16: {  	s3 =	sld [smem:$0x3FDB];
	s0 =	simm.s32 @p2 $0x1  }
0x17: {  	s4 =	simm.s32 $0x1BF5;
	[smem:$0x3FAC] =	sst s0  }
0x18: {  	s0 =	sld [smem:$0x3F8F];
	_ =	swait.ge [sflag:s4], $0x0  }
0x19: {  	s7 =	sld [smem:$0x3F90]  }
0x1a: {  	s8 =	sadd.s32 $0xFFFFE003, lr  }
0x1b: {  	s9 =	sadd.s32 $0xFFFFFEF7, lr;
	s5 =	simm.s32 $0xFFFFFFFF;
	p2 =	slt.u32 s8, $0xFFFFF086  }
0x1c: {  	p1 =	slt.u32 s9, $0xF7A;
	s5 =	simm.s32 @!p2 $0x0  }
0x1d: {  	s5 =	simm.s32 @p1 $0x1;
	p0 =	seq.s32 s7, s2  }
0x1e: {  	s7 =	smul.u32 @!p0 $0xF7A, s2;
	p2 =	seq.s32 @!p0 s5, $0x0  }
0x1f: {  	s9 =	smul.u32 $0xF7A, s1;
	s8 =	simm.s32 @!p0 $0x1BF5;
	p2 =	por !p2, p0  }
0x20: {  	[sflag:s8] =	ssyncset.s32 @!p0 $0xFFFFF086;
	s6 =	sadd.s32 @!p0 s3, s7;
	s7 =	simm.s32 @!p0 $0x108  }
0x21: {  	s3 =	sadd.s32 s3, s9;
	s6 =	sadd.s32 @!p0 $0x88, s6;
	s7 =	simm.s32 @p2 $0x1082  }
0x22: {  	[simem:s7], [sflag:s8] =	dma.local @!p0 [hbm:s6], $0xF7A  }
0x23: {  	s9 =	sor.u32 $0xD0000000, s2;
	s6 =	simm.s32 $0x108;
	_ =	swait.ge @!p0 [sflag:s8], $0x0  }
0x24: {  	s3 =	sadd.s32 $0x88, s3;
	s6 =	simm.s32 @!p1 $0x1082;
	[sflag:s4] =	ssyncset.s32 $0xFFFFF086  }
0x25: {  	[simem:s6], [sflag:s4] =	dma.local [hbm:s3], $0xF7A  }
0x26: {  	[smem:$0x3F90] =	sst s1;
	(tag) =	ssettag s2;
	_ =	strace s9  }
0x27: {  	s1 =	sld [smem:$0x3FA0]  }
0x28: {  	s2 =	sld [smem:$0x3FA1]  }
0x29: {  	s4 =	sld [smem:$0x3FA3]  }
0x2a: {  	p0 =	seq.s32 s5, $0x0;
	s5 =	sld [smem:$0x3FA4]  }
0x2b: {  	s6 =	sld [smem:$0x3FA5]  }
0x2c: {  	s7 =	sld [smem:$0x3FA6]  }
0x2d: {  	s3 =	simm.s32 $0x108;
	s8 =	sld [smem:$0x3FA7]  }
0x2e: {  	s3 =	simm.s32 @!p0 $0x1082;
	s9 =	sld [smem:$0x3FA8]  }
0x2f: {  	lr =	sadd.s32 s0, s3;
	s0 =	sld [smem:$0x3F9F]  }
0x30: {  	s3 =	sld [smem:$0x3FA2]  }
0x31: {  	[smem:$0x3FAB] =	sst s10  }
0x32: {  	s10 =	sld [smem:$0x3FA9];
	_ =	sdelay $0x3  }
0x33: {  	p0 =	seq.s32 s10, $0x1;
	s10 =	sld [smem:$0x3FAB];
	_ =	sdelay $0x3  }
0x34: {  	[smem:$0x3FAB] =	sst s10  }
0x35: {  	s10 =	sld [smem:$0x3FAA];
	_ =	sdelay $0x3  }
0x36: {  	p1 =	seq.s32 s10, $0x1;
	s10 =	sld [smem:$0x3FAB];
	_ =	sdelay $0x3  }
0x37: {  	[smem:$0x3FAB] =	sst s10  }
0x38: {  	s10 =	sld [smem:$0x3FAC]  }
0x39: {  	_ = 	snop;
	(pc) =	sbr.ind lr, $3  }
0x3a: {  	_ = 	snop  }
0x3b: {  	_ = 	snop  }
0x3c: {  	p2 =	seq.s32 s10, $0x1;
	s10 =	sld [smem:$0x3FAB]  }
0x3d: {  	_ =	shalt  }
0x3e: {  	_ =	shalt  }
0x3f: {  	_ =	shalt  }
0x40: {  	_ =	shalt  }
0x41: {  	_ =	shalt  }
0x42: {  	_ =	shalt  }
0x43: {  	_ =	shalt  }
0x44: {  	_ =	shalt  }
0x45: {  	_ =	shalt  }
0x46: {  	_ =	shalt  }
0x47: {  	_ =	shalt  }
0x48: {  	_ =	shalt  }
0x49: {  	_ =	shalt  }
0x4a: {  	_ =	shalt  }
0x4b: {  	_ =	shalt  }
0x4c: {  	_ =	shalt  }
0x4d: {  	_ =	shalt  }
0x4e: {  	_ =	shalt  }
0x4f: {  	_ =	shalt  }
0x50: {  	_ =	shalt  }
0x51: {  	_ =	shalt  }
0x52: {  	_ =	shalt  }
0x53: {  	_ =	shalt  }
0x54: {  	_ =	shalt  }
0x55: {  	_ =	shalt  }
0x56: {  	_ =	shalt  }
0x57: {  	_ =	shalt  }
0x58: {  	_ =	shalt  }
0x59: {  	_ =	shalt  }
0x5a: {  	_ =	shalt  }
0x5b: {  	_ =	shalt  }
0x5c: {  	_ =	shalt  }
0x5d: {  	_ =	shalt  }
0x5e: {  	_ =	shalt  }
0x5f: {  	_ =	shalt  }
0x60: {  	_ =	shalt  }
0x61: {  	_ =	shalt  }
0x62: {  	_ =	shalt  }
0x63: {  	_ =	shalt  }
0x64: {  	_ =	shalt  }
0x65: {  	_ =	shalt  }
0x66: {  	_ =	shalt  }
0x67: {  	_ =	shalt  }
0x68: {  	_ =	shalt  }
0x69: {  	_ =	shalt  }
0x6a: {  	_ =	shalt  }
0x6b: {  	_ =	shalt  }
0x6c: {  	_ =	shalt  }
0x6d: {  	_ =	shalt  }
0x6e: {  	_ =	shalt  }
0x6f: {  	_ =	shalt  }
0x70: {  	_ =	shalt  }
0x71: {  	_ =	shalt  }
0x72: {  	_ =	shalt  }
0x73: {  	_ =	shalt  }
0x74: {  	_ =	shalt  }
0x75: {  	_ =	shalt  }
0x76: {  	_ =	shalt  }
0x77: {  	_ =	shalt  }
0x78: {  	_ =	shalt  }
0x79: {  	_ =	shalt  }
0x7a: {  	_ =	shalt  }
0x7b: {  	_ =	shalt  }
0x7c: {  	_ =	shalt  }
0x7d: {  	_ =	shalt  }
0x7e: {  	_ =	shalt  }
0x7f: {  	_ =	shalt  }
0x80: {  	_ =	shalt  }
0x81: {  	_ =	shalt  }
0x82: {  	_ =	shalt  }
0x83: {  	_ =	shalt  }
0x84: {  	_ =	shalt  }
0x85: {  	_ =	shalt  }
0x86: {  	_ =	shalt  }
0x87: {  	_ =	shalt  }
.Lfunc_end0:
.L_simem_size_0:
called_computation_lowered:
.L_overlay_start_0:
0x88: {  	s2 =	sld [smem:$0x3FD9]  }
0x89: {  	s3 =	sld [smem:$0x3FFE];
	_ =	sdelay $0x1  }
0x8a: {  	s1 =	srdreg.scid  }
0x8b: {  	s0 =	sand.u32 $0x1, s1  }
0x8c: {  	s17 =	sshll.u32 s0, $0xA;
	s2 =	sadd.s32 s3, s2  }
0x8d: {  	s2 =	sadd.s32 s2, s17  }
0x8e: {  	[smem:$0x3FB7] =	sst s2  }
0x8f: {  	_ = 	snop  }
0x90: {  	s2 =	sld [smem:$0x3FD0];
	(tm) =	ssettm $0x1  }
0x91: {  	s18 =	sld [smem:$0x3FFB];
	_ =	sdelay $0x3  }
0x92: {  	_ =	strace s18  }
0x93: {  	s3 =	sld [smem:$0x3FFC];
	_ =	sdelay $0x3  }
0x94: {  	_ =	strace s3  }
0x95: {  	s3 =	sld [smem:$0x3FFD];
	_ =	sdelay $0x3  }
0x96: {  	_ =	strace s3  }
0x97: {  	_ =	strace $0x8FFFFFFF  }
0x98: {  	s19 =	sld [smem:$0x3FDB];
	_ =	sdelay $0x1  }
0x99: {  	s4 =	simm.s32 $_scs_section_size  }
0x9a: {  	s5 =	simm.s32 $_size__tile_overlayer_lowered;
	s6 =	simm.s32 $_tile_overlayer_lowered  }
0x9b: {  	s22 =	simm.s32 $0x1BFF;
	s21 =	sshll.u32 s6, $0x1;
	s3 =	sadd.s32 s4, s19  }
0x9c: {  	s7 =	simm.s32 $0x0;
	s20 =	sshll.u32 s5, $0x1;
	s5 =	sadd.s32 s21, s3  }
0x9d: {  	[timem:s7], [sflag:s22] =	dma.local [hbm:s5], s20  }
0x9e: {  	_ =	swait.ge [sflag:s22], s20  }
0x9f: {  	s4 =	ssub.s32 $0x0, s20;
	[sflag:s22] =	ssyncset.done $0x0  }
0xa0: {  	[sflag:s22] =	ssyncadd.s32 s4;
	_ =	sdelay $0x1  }
0xa1: {  	s23 =	simm.s32 $0x1B8B  }
0xa2: {  	_ =	swait.ge [sflag:s23], $0x1  }
0xa3: {  	[sflag:s23] =	ssyncset.done $0x0  }
0xa4: {  	s25 =	simm.s32 $0x1B8E;
	s24 =	sld [smem:$0x3FFE];
	[sflag:s23] =	ssyncadd.s32 $0xFFFFFFFF  }
0xa5: {  	s26 =	simm.s32 $execute0_lowered;
	[smem:$0x3FD2] =	sst s25  }
0xa6: {  	s5 =	sshll.u32 s26, $0x1;
	_ =	strace $0x80000046;
	[dreg:$0x1] =	wrdreg $0xFFFFFFFF  }
0xa7: {  	s28 =	simm.s32 $_size_execute0_lowered;
	s3 =	sadd.s32 s3, s5;
	[dreg:$0x0] =	wrdreg $0x0  }
0xa8: {  	s5 =	sshll.u32 s28, $0x1;
	[dreg:$0x2] =	wrdreg s3  }
0xa9: {  	[dreg:$0x3] =	wrdreg s5  }
0xaa: {  	[dreg:$0x4] =	wrdreg $0xC0  }
0xab: {  	_ =	task [dreg:s7], $0x5FFFF  }
0xac: {  	[dreg:$0x1] =	wrdreg $0xFFFFFFFF  }
0xad: {  	[dreg:$0x0] =	wrdreg $0x60  }
0xae: {  	[dreg:$0x2] =	wrdreg s24  }
0xaf: {  	[dreg:$0x3] =	wrdreg s2  }
0xb0: {  	[dreg:$0x4] =	wrdreg $0x0  }
0xb1: {  	[dreg:$0x5] =	wrdreg $0x9  }
0xb2: {  	_ =	task.clear_ibuf [dreg:s7], $0x6FFFF;
	_ =	strace $0x90000046  }
0xb3: {  	s29 =	simm.s32 $0x9;
	_ =	strace $0x80000048  }
0xb4: {  	_ =	swait.ge [sflag:s29], $0x1  }
0xb5: {  	[sflag:s29] =	ssyncadd.s32 $0xFFFFFFFF  }
0xb6: {  	_ =	strace $0x90000048  }
0xb7: {  	_ =	sfence  }
0xb8: {  	s30 =	sld [smem:$0x0];
	_ =	sdelay $0x2  }
0xb9: {  	s31 =	sshll.u32 s1, $0xD;
	s1 =	sshrl.u32 s1, $0x2  }
0xba: {  	s3 =	sand.u32 $0x4000, s31;
	s1 =	sadd.s32 s1, s30  }
0xbb: {  	s0 =	sor.u32 s3, s0;
	s1 =	sshll.u32 s1, $0x11  }
0xbc: {  	s0 =	sor.u32 s1, s0  }
0xbd: {  	s0 =	sadd.s32 $0x8F2B, s0  }
0xbe: {  	[sflag:s0] =	ssyncadd.remote.s32 $0x1  }
0xbf: {  	_ =	sfence.sel $0xFFFF  }
0xc0: {  	[dreg:$0x0] =	wrdreg $0xFFFFFFFF;
	(pc) =	sbr.abs _section_cstart, $3  }
0xc1: {  	[dreg:$0x1] =	wrdreg $0xFFFFFFFF  }
0xc2: {  	_ =	task.clear_ibuf [dreg:s7], $0x2FFFF;
	_ =	strace $0x9FFFFFFF  }
0xc3: {  	(tm) =	ssettm $0x7FFFFFFF  }
tec
execute0_lowered:
.L_overlay_start_1:
0x0: {  	(tag) =	ssettag $0x1  }
0x1: {  	s0 =	rddreg [dreg:$0x0]  }
0x2: {  	s25 =	rddreg [dreg:$0x1]  }
0x3: {  	s1 =	srdreg.scid;
	s30 =	rddreg [dreg:$0x2]  }
0x4: {  	s3 =	simm.s32 $0x0;
	s10 =	stileid.u32;
	s14 =	simm.s32 $0x10  }
0x5: {  	s29 =	simm.s32 $0x1;
	s1 =	sand.u32 $0x1, s1;
	[smem:$0x7FF] =	sst s3  }
0x6: {  	s5 =	sadd.s32 $0x4F000, s0;
	s11 =	sadd.s32 $0x58E00, s0;
	s7 =	sshll.u32 s10, $0x6  }
0x7: {  	s8 =	sadd.s32 $0xF6E00, s0;
	p0 =	slt.u32 s10, $0xA;
	s23 =	smul.u32 $0x5000, s10  }
0x8: {  	s20 =	sor.u32 $0x20, s10;
	s21 =	sor.u32 $0x30, s10;
	s24 =	smul.u32 $0x1400, s10  }
0x9: {  	s22 =	sshll.u32 s10, $0xA;
	s2 =	smul.u32 $0x27180, s1;
	_ =	strace $0x80000047  }
0xa: {  	s6 =	smul.u32 $0x27800, s1;
	s4 =	ssub.s32 $0x2, s1;
	[dreg:$0xa] =	wrdreg s20  }
0xb: {  	s14 =	simm.s32 @!p0 $0xF;
	s19 =	smul.u32 $0x278000, s1;
	[dreg:$0xb] =	wrdreg s21  }
0xc: {  	s1 =	smul.u32 $0x138800, s1;
	[dreg:$0x4] =	wrdreg s11;
	s21 =	simm.s32 $0x13940  }
0xd: {  	s20 =	simm.s32 $0x5;
	s13 =	sshrl.u32 s4, $0x1;
	s28 =	sshrl.u32 s23, $0x2  }
0xe: {  	s23 =	simm.s32 $0x1DEC0;
	[dreg:$0x5] =	wrdreg s14;
	s2 =	sadd.s32 s2, s0  }
0xf: {  	s7 =	sor.u32 s7, s6;
	s0 =	ssub.s32 s4, s13;
	s31 =	sadd.s32 s24, s1  }
0x10: {  	s9 =	sshrl.u32 s7, $0x3;
	s0 =	smax.u32 s0, $0x1;
	[dreg:$0x11] =	wrdreg s31  }
0x11: {  	s24 =	simm.s32 $0x7;
	s15 =	sadd.s32 s25, s9;
	[dreg:$0xf] =	wrdreg s0  }
0x12: {  	s7 =	sshll.u32 s7, $0x1;
	s16 =	sadd.s32 s5, s9;
	[dreg:$0x6] =	wrdreg s15  }
0x13: {  	s17 =	sor.u32 $0x80, s9;
	s7 =	sadd.s32 s11, s7;
	[dreg:$0x7] =	wrdreg s16  }
0x14: {  	s13 =	simm.s32 $0x2;
	s18 =	sadd.s32 s25, s17;
	[dreg:$0xc] =	wrdreg s7  }
0x15: {  	s12 =	sadd.s32 $0xC00, s2;
	s2 =	sadd.s32 s5, s17;
	[dreg:$0x8] =	wrdreg s18  }
0x16: {  	s1 =	simm.s32 $0x0;
	s26 =	sadd.s32 $0x4E000, s7;
	[dreg:$0x9] =	wrdreg s2  }
0x17: {  	s7 =	sadd.s32 s28, s30;
	s2 =	sor.u32 s19, s22;
	[dreg:$0xe] =	wrdreg s26  }
0x18: {  	s11 =	simm.s32 $0x3;
	[dreg:$0x10] =	wrdreg s7;
	s2 =	sor.u32 $0x4000, s2  }
0x19: {  	v0 =	vimm.f32 $0.0e+00;
	s26 =	simm.s32 $0x13A40;
	s19 =	simm.s32 $0x4;
	[dreg:$0xd] =	wrdreg s2  }
.LBB2_1:
0x1a: {  	[dreg:$0x12] =	wrdreg s1;
	s0 =	simm.s32 $0x0;
	s1 =	simm.s32 $0x200  }
.LBB2_2:
0x1b: {  	p0 =	sne.s32 s1, $0x4E00;
	[tilespmem:s0+$0x1DF30] =	vst v0  }
0x1c: {  	[tilespmem:s0+$0x1DEC0] =	vst v0  }
0x1d: {  	[tilespmem:s0+$0x1DED0] =	vst v0  }
.Ltmp0:
0x1e: {  	[tilespmem:s0+$0x1DEE0] =	vst v0;
	(pc) =	sbr.rel @p0 .LBB2_2-.Ltmp0, $4  }
0x1f: {  	[tilespmem:s0+$0x1DEF0] =	vst v0  }
0x20: {  	[tilespmem:s0+$0x1DF00] =	vst v0  }
0x21: {  	[tilespmem:s0+$0x1DF10] =	vst v0  }
0x22: {  	[tilespmem:s0+$0x1DF20] =	vst v0;
	s0 =	sshra.s32 s1, $0x2;
	s1 =	sadd.s32 $0x200, s1  }
0x23: {  	[tilespmem:s0+$0x1DF30] =	vst v0  }
0x24: {  	[tilespmem:s0+$0x1DEC0] =	vst v0  }
0x25: {  	[tilespmem:s0+$0x1DED0] =	vst v0  }
0x26: {  	[tilespmem:s0+$0x1DEE0] =	vst v0  }
0x27: {  	[tilespmem:s0+$0x1DEF0] =	vst v0  }
0x28: {  	[tilespmem:s0+$0x1DF00] =	vst v0  }
0x29: {  	[tilespmem:s0+$0x1DF10] =	vst v0  }
0x2a: {  	[tilespmem:s0+$0x1DF20] =	vst v0;
	s0 =	simm.s32 $0x0;
	s1 =	simm.s32 $0x200  }
.LBB2_4:
0x2b: {  	p0 =	sne.s32 s1, $0x7E00;
	[tilespmem:s0+$0x1BF30] =	vst v0  }
0x2c: {  	[tilespmem:s0+$0x1BEC0] =	vst v0  }
0x2d: {  	[tilespmem:s0+$0x1BED0] =	vst v0  }
.Ltmp1:
0x2e: {  	[tilespmem:s0+$0x1BEE0] =	vst v0;
	(pc) =	sbr.rel @p0 .LBB2_4-.Ltmp1, $4  }
0x2f: {  	[tilespmem:s0+$0x1BEF0] =	vst v0  }
0x30: {  	[tilespmem:s0+$0x1BF00] =	vst v0  }
0x31: {  	[tilespmem:s0+$0x1BF10] =	vst v0  }
0x32: {  	[tilespmem:s0+$0x1BF20] =	vst v0;
	s0 =	sshra.s32 s1, $0x2;
	s1 =	sadd.s32 $0x200, s1  }
0x33: {  	[tilespmem:s0+$0x1BF30] =	vst v0  }
0x34: {  	[tilespmem:s0+$0x1BEC0] =	vst v0  }
0x35: {  	[tilespmem:s0+$0x1BED0] =	vst v0  }
0x36: {  	[tilespmem:s0+$0x1BEE0] =	vst v0  }
0x37: {  	[tilespmem:s0+$0x1BEF0] =	vst v0  }
0x38: {  	[tilespmem:s0+$0x1BF00] =	vst v0;
	p0 =	sne.s32 s14, $0x1  }
.Ltmp2:
0x39: {  	[tilespmem:s0+$0x1BF10] =	vst v0;
	(pc) =	sbr.rel @!p0 .LBB2_7-.Ltmp2, $4  }
0x3a: {  	[tilespmem:s0+$0x1BF20] =	vst v0  }
0x3b: {  	[spmem:s7] =	stream.linear.scatter [tilespmem:s23], [sflag:$0x7], $0x1400, $0x38;
	[tilespmem:$0x1F2C0] =	vst v63  }
0x3c: {  	_ =	swait.ge [sflag:s24], $0x1400  }
0x3d: {  	s0 =	sadd.s32 $0xFFFFFFFF, s14;
	s1 =	smov.u32 s7;
	[sflag:s24] =	ssyncset.done $0x0  }
.LBB2_6:
0x3e: {  	p1 =	sne.s32 s0, $0x1;
	[sflag:s24] =	ssyncadd.s32 $0xFFFFEC00;
	s1 =	sadd.s32 $0x14000, s1  }
.Ltmp3:
0x3f: {  	s0 =	sadd.s32 $0xFFFFFFFF, s0;
	(pc) =	sbr.rel @p1 .LBB2_6-.Ltmp3, $4  }
0x40: {  	_ = 	snop  }
0x41: {  	[spmem:s1] =	stream.linear.scatter [tilespmem:s23], [sflag:$0x7], $0x1400, $0x38;
	[tilespmem:$0x1F2C0] =	vst v63  }
0x42: {  	_ =	swait.ge [sflag:s24], $0x1400  }
0x43: {  	[sflag:s24] =	ssyncset.done $0x0  }
.LBB2_7:
0x44: {  	[sflag:s24] =	ssyncadd.s32 $0xFFFFEC00  }
0x45: {  	[bflag:$0x0] =	sbarrier.arrive $0xFFFF  }
0x46: {  	s4 =	simm.s32 $0x0;
	s1 =	simm.s32 $0x138C0;
	s0 =	rddreg [dreg:$0x6]  }
0x47: {  	[tilespmem:s1], [sflag:$0x1] =	stream.linear.gather [hbm4b:s0+s4], $0x40, $0x38;
	[tilespmem:$0x1F2C0] =	vst v63  }
0x48: {  	s2 =	simm.s32 $0x13900;
	s14 =	rddreg [dreg:$0x7]  }
0x49: {  	[tilespmem:s2], [sflag:$0x1] =	stream.linear.gather [hbm4b:s14+s4], $0x40, $0x38;
	[tilespmem:$0x1F2C0] =	vst v63  }
0x4a: {  	s15 =	simm.s32 $0x139C0  }
0x4b: {  	[tilespmem:s15], [sflag:$0x3] =	stream.linear.gather [hbm4b:s14+s4], $0x40, $0x38;
	[tilespmem:$0x1F2C0] =	vst v63  }
0x4c: {  	_ =	swait.ge [sflag:s29], $0x40  }
0x4d: {  	[sflag:s29] =	ssyncset.done $0x0  }
0x4e: {  	[sflag:s29] =	ssyncadd.s32 $0xFFFFFFC0  }
0x4f: {  	_ =	swait.ge [sflag:s29], $0x40  }
0x50: {  	[sflag:s29] =	ssyncset.done $0x0  }
0x51: {  	s16 =	simm.s32 $0x80;
	s17 =	simm.s32 $0x13AC0;
	[sflag:s29] =	ssyncadd.s32 $0xFFFFFFC0  }
0x52: {  	[tilespmem:s17], [sflag:$0x5] =	stream.indirect.gather [hbm4b:s12+s16], $0x80, s1, s16, $0xb8;
	[tilespmem:$0x1F2C0] =	vst v63  }
0x53: {  	s18 =	rddreg [dreg:$0x8]  }
0x54: {  	[tilespmem:s21], [sflag:$0x2] =	stream.linear.gather [hbm4b:s18+s4], $0x40, $0x38;
	[tilespmem:$0x1F2C0] =	vst v63  }
0x55: {  	s28 =	simm.s32 $0x13980;
	s22 =	rddreg [dreg:$0x9]  }
0x56: {  	[tilespmem:s28], [sflag:$0x2] =	stream.linear.gather [hbm4b:s22+s4], $0x40, $0x38;
	[tilespmem:$0x1F2C0] =	vst v63  }
0x57: {  	s31 =	simm.s32 $0x0  }
0x58: {  	[tilespmem:s26], [sflag:$0x4] =	stream.linear.gather [hbm4b:s22+s4], $0x40, $0x38;
	[tilespmem:$0x1F2C0] =	vst v63  }
.LBB2_8:
0x59: {  	_ =	swait.ge [sflag:s13], $0x40  }
0x5a: {  	[sflag:s13] =	ssyncset.done $0x0  }
0x5b: {  	[sflag:s13] =	ssyncadd.s32 $0xFFFFFFC0  }
0x5c: {  	_ =	swait.ge [sflag:s13], $0x40  }
0x5d: {  	[sflag:s13] =	ssyncset.done $0x0  }
0x5e: {  	s0 =	simm.s32 $0x80;
	s1 =	simm.s32 $0x17AC0;
	[sflag:s13] =	ssyncadd.s32 $0xFFFFFFC0  }
0x5f: {  	[tilespmem:s1], [sflag:$0x6] =	stream.indirect.gather [hbm4b:s12+s0], $0x80, s21, s0, $0xb8;
	[tilespmem:$0x1F2C0] =	vst v63  }
0x60: {  	_ =	swait.ge [sflag:s20], $0x4000  }
0x61: {  	[sflag:s20] =	ssyncset.done $0x0  }
0x62: {  	[sflag:s20] =	ssyncadd.s32 $0xFFFFC000  }
0x63: {  	_ =	swait.ge [sflag:s11], $0x40  }
0x64: {  	[sflag:s11] =	ssyncset.done $0x0  }
0x65: {  	s17 =	simm.s32 $0x15AC8;
	[sflag:s11] =	ssyncadd.s32 $0xFFFFFFC0  }
0x66: {  	v1 =	vld [tilespmem:s17+$0xFFFFE178]  }
0x67: {  	v2 =	vld [tilespmem:s17+$0x180]  }
0x68: {  	v3 =	vld [tilespmem:s17+$0x0]  }
0x69: {  	v4 =	vld [tilespmem:s17+$0xFFFFE078]  }
0x6a: {  	v5 =	vld [tilespmem:s17+$0x80]  }
0x6b: {  	v6 =	vld [tilespmem:s17+$0xFFFFE0F8]  }
0x6c: {  	v7 =	vld [tilespmem:s17+$0xFFFFDFF8]  }
0x6d: {  	v8 =	vld [tilespmem:s17+$0x100]  }
0x6e: {  	s18 =	simm.s32 $0x15CC8  }
0x6f: {  	v9 =	vld [tilespmem:s18+$0x180];
	v1 =	vadd.f32 v2, v1  }
0x70: {  	v2 =	vld [tilespmem:s18+$0xFFFFE178]  }
0x71: {  	v4 =	vadd.f32 v5, v4;
	v10 =	vmul.f32 $2.000000030e-01, v1  }
0x72: {  	v3 =	vadd.f32 v3, v7;
	v6 =	vadd.f32 v8, v6;
	v8 =	vld [tilespmem:s18+$0x80];
	vm0 =	vge.f32 v1, $0.0e+00  }
0x73: {  	v7 =	vmul.f32 $2.000000030e-01, v4;
	v1 =	vsel vm0, v1, v10;
	v10 =	vld [tilespmem:s18+$0xFFFFE078]  }
0x74: {  	v12 =	vld [tilespmem:s18+$0xFFFFE0F8];
	v11 =	vmul.f32 $2.000000030e-01, v3;
	vm6 =	vge.f32 v4, $0.0e+00  }
0x75: {  	v5 =	vld [tilespmem:s18+$0x0];
	vm1 =	vge.f32 v3, $0.0e+00;
	v4 =	vsel vm6, v4, v7;
	v2 =	vadd.f32 v9, v2  }
0x76: {  	s21 =	simm.s32 $0x15EC8;
	v3 =	vsel vm1, v3, v11;
	v7 =	vld [tilespmem:s18+$0xFFFFDFF8];
	v11 =	vmul.f32 $2.000000030e-01, v6;
	v1 =	vmul.f32 $1.442695020e+00, v1  }
0x77: {  	v13 =	vld [tilespmem:s21+$0xFFFFE178];
	v3 =	vmul.f32 $1.442695020e+00, v3;
	v9 =	vmul.f32 $2.000000030e-01, v2  }
0x78: {  	(erf) = vpow2.f32 v1;
	vm8 =	vge.f32 v2, $0.0e+00;
	v8 =	vadd.f32 v8, v10;
	v10 =	vld [tilespmem:s21+$0x180]  }
0x79: {  	vm7 =	vge.f32 v6, $0.0e+00;
	v4 =	vmul.f32 $1.442695020e+00, v4;
	v1 =	vld [tilespmem:s18+$0x100];
	v2 =	vsel vm8, v2, v9  }
0x7a: {  	(erf) = vpow2.f32 v3;
	v3 =	vsel vm7, v6, v11;
	v2 =	vmul.f32 $1.442695020e+00, v2  }
0x7b: {  	v11 =	vld [tilespmem:s21+$0xFFFFE078];
	(erf) = vpow2.f32 v4;
	v4 =	vadd.f32 v5, v7;
	v9 =	vmul.f32 $2.000000030e-01, v8  }
0x7c: {  	v5 =	vld [tilespmem:s21+$0x80];
	vm9 =	vge.f32 v8, $0.0e+00;
	(erf) = vpow2.f32 v2;
	v2 =	vmul.f32 $1.442695020e+00, v3  }
0x7d: {  	v6 =	vld [tilespmem:s21+$0x0];
	v3 =	vsel vm9, v8, v9;
	v8 =	vmul.f32 $2.000000030e-01, v4;
	v10 =	vadd.f32 v10, v13  }
0x7e: {  	s22 =	simm.s32 $0x0;
	s2 =	simm.s32 $0x30;
	v7 =	vld [tilespmem:s21+$0xFFFFE0F8];
	vm11 =	vge.f32 v4, $0.0e+00;
	v1 =	vadd.f32 v1, v12  }
0x7f: {  	s28 =	simm.s32 $0x0;
	s7 =	simm.s32 $0x10;
	s1 =	sand.u32 $0xE00, s22;
	v12 =	vld [tilespmem:s21+$0x100];
	v4 =	vsel vm11, v4, v8;
	v8 =	vmul.f32 $2.000000030e-01, v10  }
0x80: {  	s10 =	simm.s32 $0x20;
	s26 =	sand.u32 $0x70, s2;
	s1 =	sshrl.u32 s1, $0x2;
	v9 =	vmul.f32 $2.000000030e-01, v1;
	(erf) = vpow2.f32 v2;
	v2 =	vld [tilespmem:s21+$0xFFFFDFF8]  }
0x81: {  	s0 =	simm.s32 $0x160C8;
	s4 =	sadd.s32 $0x1BAC0, s1;
	s17 =	simm.s32 $0x1BFC0;
	vm10 =	vge.f32 v1, $0.0e+00;
	v5 =	vadd.f32 v5, v11;
	v13 =	vpop (erf);
	v4 =	vmul.f32 $1.442695020e+00, v4  }
0x82: {  	s15 =	simm.s32 $0xC;
	s2 =	sand.u32 $0x40, s28;
	s1 =	sadd.s32 s26, s4;
	v3 =	vmul.f32 $1.442695020e+00, v3;
	v1 =	vsel vm10, v1, v9;
	v9 =	vld [tilespmem:s0+$0xFFFFE178];
	vm12 =	vge.f32 v10, $0.0e+00;
	[tilespmem:s17+$0x80] =	vst v13  }
0x83: {  	s7 =	sand.u32 $0x50, s7;
	s9 =	sand.u32 $0x60, s10;
	v11 =	vmul.f32 $1.442695020e+00, v1;
	[tilespmem:s1+$0x0] =	vst v13;
	v13 =	vld [tilespmem:s0+$0x180];
	v1 =	vsel vm12, v10, v8;
	s1 =	simm.s32 $0x100;
	v8 =	vpop (erf);
	(erf) = vpow2.f32 v4  }
0x84: {  	s14 =	sadd.s32 s2, s4;
	s2 =	sadd.s32 s9, s4;
	v10 =	vadd.f32 v12, v7;
	s10 =	sand.u32 $0xE00, s1;
	v7 =	vmul.f32 $1.442695020e+00, v1;
	v1 =	vld [tilespmem:s0+$0xFFFFE078];
	[tilespmem:s17+$0xFFFFFF00] =	vst v8  }
0x85: {  	s18 =	sadd.s32 s7, s4;
	s4 =	simm.s32 $0x70;
	v12 =	vadd.f32 v6, v2;
	v2 =	vld [tilespmem:s0+$0xFFFFE0F8];
	v4 =	vmul.f32 $2.000000030e-01, v5;
	s16 =	sshrl.u32 s10, $0x2;
	[tilespmem:s14+$0x0] =	vst v8;
	v8 =	vpop (erf);
	(erf) = vpow2.f32 v3  }
0x86: {  	s7 =	simm.s32 $0x1C1C0;
	s26 =	sand.u32 $0x70, s4;
	vm13 =	vge.f32 v5, $0.0e+00;
	s21 =	sadd.s32 $0x1BAC0, s16;
	v3 =	vld [tilespmem:s0+$0x80];
	v6 =	vpop (erf);
	[tilespmem:s17+$0xFFFFFF80] =	vst v8;
	(erf) = vpow2.f32 v7  }
0x87: {  	v15 =	vmul.f32 $2.000000030e-01, v10;
	v14 =	vmul.f32 $2.000000030e-01, v12;
	s16 =	simm.s32 $0x40;
	v5 =	vsel vm13, v5, v4;
	s10 =	sadd.s32 s26, s21;
	v4 =	vld [tilespmem:s0+$0x100];
	s26 =	simm.s32 $0x60;
	[tilespmem:s7+$0x80] =	vst v6  }
0x88: {  	s22 =	simm.s32 $0x50;
	vm15 =	vge.f32 v12, $0.0e+00;
	s16 =	sand.u32 $0x40, s16;
	v7 =	vadd.f32 v13, v9;
	s28 =	sand.u32 $0x60, s26;
	(erf) = vpow2.f32 v11;
	[tilespmem:s18+$0x0] =	vst v8;
	v8 =	vld [tilespmem:s0+$0x0]  }
0x89: {  	s22 =	sand.u32 $0x50, s22;
	vm14 =	vge.f32 v10, $0.0e+00;
	v5 =	vmul.f32 $1.442695020e+00, v5;
	v12 =	vsel vm15, v12, v14;
	v9 =	vpop (erf);
	s14 =	sadd.s32 s28, s21;
	[tilespmem:s10+$0x0] =	vst v6;
	v6 =	vld [tilespmem:s0+$0xFFFFDFF8];
	s10 =	sadd.s32 s16, s21  }
0x8a: {  	v10 =	vsel vm14, v10, v15;
	v12 =	vmul.f32 $1.442695020e+00, v12;
	s16 =	sadd.s32 s22, s21;
	v11 =	vmul.f32 $2.000000030e-01, v7;
	s0 =	simm.s32 $0x162C8;
	[tilespmem:s17+$0x0] =	vst v9;
	s17 =	simm.s32 $0x1C1C0  }
.LBB2_9:
0x8b: {  	v13 =	vld [tilespmem:s0+$0xFFFFE178];
	v14 =	vadd.f32 v3, v1;
	vm0 =	vge.f32 v7, $0.0e+00;
	v10 =	vmul.f32 $1.442695020e+00, v10;
	[tilespmem:s2+$0x0] =	vst v9;
	s2 =	smov.u32 s14;
	s1 =	sadd.s32 $0x100, s1  }
0x8c: {  	v9 =	vld [tilespmem:s0+$0x180];
	v1 =	vsel vm0, v7, v11;
	(erf) = vpow2.f32 v12;
	v3 =	vpop (erf);
	s14 =	sand.u32 $0xE00, s1  }
0x8d: {  	s15 =	sadd.s32 $0x4, s15;
	s4 =	sadd.s32 $0x40, s4;
	v11 =	vld [tilespmem:s0+$0x0];
	v7 =	vmul.f32 $2.000000030e-01, v14;
	v12 =	vadd.f32 v4, v2;
	v2 =	vmul.f32 $1.442695020e+00, v1;
	[tilespmem:s7+$0xFFFFFF00] =	vst v3  }
0x8e: {  	p1 =	slt.u32 s15, $0x3C;
	vm0 =	vge.f32 v14, $0.0e+00;
	s14 =	sshrl.u32 s14, $0x2;
	s7 =	sadd.s32 $0x200, s7;
	v1 =	vld [tilespmem:s0+$0xFFFFE078];
	v8 =	vadd.f32 v8, v6;
	(erf) = vpow2.f32 v5;
	[tilespmem:s10+$0x0] =	vst v3;
	v15 =	vpop (erf)  }
.Ltmp4:
0x8f: {  	s14 =	sadd.s32 $0x1BAC0, s14;
	s10 =	sand.u32 $0x70, s4;
	v3 =	vld [tilespmem:s0+$0x80];
	v5 =	vsel vm0, v14, v7;
	vm0 =	vge.f32 v12, $0.0e+00;
	(erf) = vpow2.f32 v2;
	v6 =	vpop (erf);
	[tilespmem:s17+$0xFFFFFF80] =	vst v15;
	(pc) =	sbr.rel @p1 .LBB2_9-.Ltmp4, $4  }
0x90: {  	s18 =	sadd.s32 $0xFFFFFFD0, s4;
	s22 =	sadd.s32 $0xFFFFFFE0, s4;
	v16 =	vmul.f32 $2.000000030e-01, v12;
	s10 =	sadd.s32 s10, s14;
	v2 =	vld [tilespmem:s0+$0xFFFFE0F8];
	vm1 =	vge.f32 v8, $0.0e+00;
	v14 =	vmul.f32 $2.000000030e-01, v8;
	[tilespmem:s7+$0x80] =	vst v6  }
0x91: {  	s26 =	sadd.s32 $0xFFFFFFF0, s4;
	s18 =	sand.u32 $0x40, s18;
	s22 =	sand.u32 $0x50, s22;
	v5 =	vmul.f32 $1.442695020e+00, v5;
	v4 =	vld [tilespmem:s0+$0x100];
	v7 =	vadd.f32 v9, v13;
	[tilespmem:s10+$0x0] =	vst v6;
	(erf) = vpow2.f32 v10;
	v9 =	vpop (erf)  }
0x92: {  	v10 =	vsel vm0, v12, v16;
	s10 =	sadd.s32 s18, s14;
	s18 =	sand.u32 $0x60, s26;
	v6 =	vld [tilespmem:s0+$0xFFFFDFF8];
	v13 =	vsel vm1, v8, v14;
	[tilespmem:s16+$0x0] =	vst v15;
	s16 =	sadd.s32 s22, s14;
	v8 =	vmov v11  }
0x93: {  	s0 =	sadd.s32 $0x200, s0;
	s14 =	sadd.s32 s18, s14;
	v11 =	vmul.f32 $2.000000030e-01, v7;
	v12 =	vmul.f32 $1.442695020e+00, v13;
	[tilespmem:s17+$0x0] =	vst v9;
	s17 =	smov.u32 s7  }
0x94: {  	_ = 	snop  }
0x95: {  	vm0 =	vge.f32 v7, $0.0e+00  }
0x96: {  	v7 =	vsel vm0, v7, v11;
	(erf) = vpow2.f32 v12  }
0x97: {  	[tilespmem:s2+$0x0] =	vst v9;
	v9 =	vpop (erf);
	v7 =	vmul.f32 $1.442695020e+00, v7;
	v6 =	vadd.f32 v8, v6  }
0x98: {  	s0 =	sadd.s32 $0x100, s1;
	v1 =	vadd.f32 v3, v1;
	[tilespmem:s7+$0xFFFFFF00] =	vst v9;
	(erf) = vpow2.f32 v5  }
0x99: {  	s1 =	sand.u32 $0xE00, s0;
	[tilespmem:s10+$0x0] =	vst v9;
	v3 =	vpop (erf);
	(erf) = vpow2.f32 v7;
	v5 =	vmul.f32 $2.000000030e-01, v6  }
0x9a: {  	s9 =	sadd.s32 $0x40, s4;
	s1 =	sshrl.u32 s1, $0x2;
	v8 =	vmul.f32 $1.442695020e+00, v10;
	v9 =	vmul.f32 $2.000000030e-01, v1;
	[tilespmem:s17+$0xFFFFFF80] =	vst v3;
	vm14 =	vge.f32 v6, $0.0e+00  }
0x9b: {  	s4 =	sand.u32 $0x70, s9;
	s7 =	sadd.s32 $0x200, s7;
	v2 =	vadd.f32 v4, v2;
	vm15 =	vge.f32 v1, $0.0e+00;
	s1 =	sadd.s32 $0x1BAC0, s1;
	[tilespmem:s16+$0x0] =	vst v3;
	v7 =	vpop (erf);
	v4 =	vsel vm14, v6, v5  }
0x9c: {  	s4 =	sadd.s32 s4, s1;
	v1 =	vsel vm15, v1, v9;
	(erf) = vpow2.f32 v8;
	[tilespmem:s7+$0x80] =	vst v7;
	v4 =	vmul.f32 $1.442695020e+00, v4  }
0x9d: {  	v1 =	vmul.f32 $1.442695020e+00, v1;
	v5 =	vmul.f32 $2.000000030e-01, v2;
	v6 =	vpop (erf);
	[tilespmem:s4+$0x0] =	vst v7  }
0x9e: {  	s18 =	sadd.s32 $0xFFFFFFD0, s9;
	vm4 =	vge.f32 v2, $0.0e+00;
	[tilespmem:s17+$0x0] =	vst v6;
	(erf) = vpow2.f32 v4  }
0x9f: {  	s4 =	sand.u32 $0x40, s18;
	v2 =	vsel vm4, v2, v5;
	[tilespmem:s14+$0x0] =	vst v6;
	v3 =	vpop (erf)  }
0xa0: {  	s0 =	sadd.s32 $0x100, s0;
	s21 =	sadd.s32 $0xFFFFFFE0, s9;
	s4 =	sadd.s32 s4, s1;
	v2 =	vmul.f32 $1.442695020e+00, v2;
	[tilespmem:s7+$0xFFFFFF00] =	vst v3;
	(erf) = vpow2.f32 v1  }
0xa1: {  	s0 =	sand.u32 $0xE00, s0;
	s10 =	sand.u32 $0x50, s21;
	v1 =	vpop (erf);
	[tilespmem:s4+$0x0] =	vst v3  }
0xa2: {  	s22 =	sadd.s32 $0x40, s9;
	s0 =	sshrl.u32 s0, $0x2;
	s10 =	sadd.s32 s10, s1;
	[tilespmem:s7+$0xFFFFFF80] =	vst v1;
	v3 =	vpop (erf);
	(erf) = vpow2.f32 v2  }
0xa3: {  	s26 =	sand.u32 $0x70, s22;
	s15 =	sadd.s32 $0x200, s7;
	s0 =	sadd.s32 $0x1BAC0, s0;
	[tilespmem:s10+$0x0] =	vst v1  }
0xa4: {  	s2 =	sadd.s32 $0xFFFFFFF0, s9;
	s14 =	sadd.s32 s26, s0;
	[tilespmem:s15+$0x80] =	vst v3  }
0xa5: {  	s2 =	sand.u32 $0x60, s2;
	[tilespmem:s14+$0x0] =	vst v3;
	v2 =	vpop (erf)  }
0xa6: {  	s9 =	sadd.s32 $0xFFFFFFD0, s22;
	s1 =	sadd.s32 s2, s1;
	[tilespmem:s7+$0x0] =	vst v2  }
0xa7: {  	s2 =	sand.u32 $0x40, s9;
	[tilespmem:s1+$0x0] =	vst v2;
	v1 =	vpop (erf)  }
0xa8: {  	s2 =	sadd.s32 s2, s0;
	s10 =	sadd.s32 $0xFFFFFFE0, s22;
	[tilespmem:s15+$0xFFFFFF00] =	vst v1  }
0xa9: {  	s1 =	sand.u32 $0x50, s10;
	[tilespmem:s2+$0x0] =	vst v1;
	v1 =	vpop (erf)  }
0xaa: {  	s14 =	sadd.s32 $0xFFFFFFF0, s22;
	s1 =	sadd.s32 s1, s0;
	[tilespmem:s15+$0xFFFFFF80] =	vst v1  }
0xab: {  	s2 =	sand.u32 $0x60, s14;
	v2 =	vpop (erf);
	[tilespmem:s1+$0x0] =	vst v1  }
0xac: {  	s16 =	simm.s32 $0x40;
	s0 =	sadd.s32 s2, s0;
	[tilespmem:s15+$0x0] =	vst v2  }
0xad: {  	s17 =	simm.s32 $0x1BEC0;
	s18 =	sshll.u32 s31, $0xC;
	s9 =	simm.s32 $0x139C0;
	[tilespmem:s0+$0x0] =	vst v2  }
0xae: {  	[spmem:s30] =	stream.indirect.scatter.add.f32 [tilespmem:s17], [sflag:$0x7], $0x80, s9, s16, $0xb8;
	[tilespmem:$0x1F2C0] =	vst v63  }
0xaf: {  	s26 =	simm.s32 $0x0;
	s4 =	sshll.u32 s31, $0x5;
	_ =	swait.ge [sflag:s24], $0x2000  }
0xb0: {  	s10 =	simm.s32 $0x1BAC0;
	[sflag:s24] =	ssyncset.done $0x0;
	s22 =	rddreg [dreg:$0xc]  }
0xb1: {  	s14 =	rddreg [dreg:$0xa];
	[sflag:s24] =	ssyncadd.s32 $0xFFFFE000;
	s1 =	sadd.s32 s22, s18  }
0xb2: {  	[hbm4b:s1+s26] =	stream.linear.scatter [tilespmem:s10], [sflag:$0x7], $0x400, $0x38;
	[tilespmem:$0x1F2C0] =	vst v63  }
0xb3: {  	s1 =	sadd.s32 s14, s4  }
0xb4: {  	s1 =	sshll.u32 s1, $0x6  }
0xb5: {  	_ =	swait.ge [sflag:s24], $0x400;
	s1 =	sadd.s32 s6, s1  }
0xb6: {  	[sflag:s24] =	ssyncset.done $0x0;
	s1 =	sshrl.u32 s1, $0x3  }
0xb7: {  	s16 =	simm.s32 $0x138C0;
	[sflag:s24] =	ssyncadd.s32 $0xFFFFFC00;
	s15 =	sadd.s32 s25, s1  }
0xb8: {  	[tilespmem:s16], [sflag:$0x1] =	stream.linear.gather [hbm4b:s15+s26], $0x40, $0x38;
	[tilespmem:$0x1F2C0] =	vst v63  }
0xb9: {  	s17 =	simm.s32 $0x13900;
	s1 =	sadd.s32 s5, s1  }
0xba: {  	[tilespmem:s17], [sflag:$0x1] =	stream.linear.gather [hbm4b:s1+s26], $0x40, $0x38;
	[tilespmem:$0x1F2C0] =	vst v63  }
0xbb: {  	_ = 	snop  }
0xbc: {  	[tilespmem:s9], [sflag:$0x3] =	stream.linear.gather [hbm4b:s1+s26], $0x40, $0x38;
	[tilespmem:$0x1F2C0] =	vst v63  }
0xbd: {  	_ =	swait.ge [sflag:s29], $0x40  }
0xbe: {  	[sflag:s29] =	ssyncset.done $0x0  }
0xbf: {  	[sflag:s29] =	ssyncadd.s32 $0xFFFFFFC0  }
0xc0: {  	_ =	swait.ge [sflag:s29], $0x40  }
0xc1: {  	s28 =	smov.u32 s25;
	s18 =	simm.s32 $0x80;
	[sflag:s29] =	ssyncset.done $0x0  }
0xc2: {  	s22 =	simm.s32 $0x13AC0;
	s25 =	simm.s32 $0x6;
	[sflag:s29] =	ssyncadd.s32 $0xFFFFFFC0  }
0xc3: {  	[tilespmem:s22], [sflag:$0x5] =	stream.indirect.gather [hbm4b:s12+s18], $0x80, s16, s18, $0xb8;
	[tilespmem:$0x1F2C0] =	vst v63  }
0xc4: {  	_ =	swait.ge [sflag:s25], $0x4000  }
0xc5: {  	[sflag:s25] =	ssyncset.done $0x0  }
0xc6: {  	[sflag:s25] =	ssyncadd.s32 $0xFFFFC000  }
0xc7: {  	_ =	swait.ge [sflag:s19], $0x40  }
0xc8: {  	[sflag:s19] =	ssyncset.done $0x0  }
0xc9: {  	s15 =	simm.s32 $0x0;
	[sflag:s19] =	ssyncadd.s32 $0xFFFFFFC0  }
0xca: {  	v1 =	vld [tilespmem:s15+$0x17C40]  }
0xcb: {  	v2 =	vld [tilespmem:s15+$0x19C48]  }
0xcc: {  	v3 =	vld [tilespmem:s15+$0x17AC0]  }
0xcd: {  	v4 =	vld [tilespmem:s15+$0x19AC8]  }
0xce: {  	v5 =	vld [tilespmem:s15+$0x17B40]  }
0xcf: {  	v6 =	vld [tilespmem:s15+$0x19B48]  }
0xd0: {  	s7 =	simm.s32 $0x200;
	v7 =	vld [tilespmem:s15+$0x17BC0]  }
0xd1: {  	v8 =	vld [tilespmem:s7+$0x17C40]  }
0xd2: {  	v1 =	vadd.f32 v2, v1;
	v2 =	vld [tilespmem:s15+$0x19BC8];
	v3 =	vadd.f32 v4, v3  }
0xd3: {  	v9 =	vld [tilespmem:s7+$0x19C48]  }
0xd4: {  	v10 =	vld [tilespmem:s7+$0x17AC0];
	v4 =	vmul.f32 $2.000000030e-01, v1;
	v11 =	vmul.f32 $2.000000030e-01, v3  }
0xd5: {  	v5 =	vadd.f32 v6, v5;
	v6 =	vld [tilespmem:s7+$0x17B40];
	vm5 =	vge.f32 v1, $0.0e+00;
	vm6 =	vge.f32 v3, $0.0e+00  }
0xd6: {  	v1 =	vsel vm5, v1, v4;
	v4 =	vld [tilespmem:s7+$0x19AC8];
	v3 =	vsel vm6, v3, v11  }
0xd7: {  	v11 =	vld [tilespmem:s7+$0x19B48];
	v1 =	vmul.f32 $1.442695020e+00, v1;
	v2 =	vadd.f32 v2, v7;
	v7 =	vmul.f32 $2.000000030e-01, v5  }
0xd8: {  	s1 =	simm.s32 $0x400;
	v61 =	vld [tilespmem:s7+$0x17BC0];
	v8 =	vadd.f32 v9, v8;
	vm1 =	vge.f32 v5, $0.0e+00;
	v3 =	vmul.f32 $1.442695020e+00, v3  }
0xd9: {  	v9 =	vld [tilespmem:s1+$0x17C40];
	(erf) = vpow2.f32 v1;
	v1 =	vmul.f32 $2.000000030e-01, v2;
	v5 =	vsel vm1, v5, v7  }
0xda: {  	vm7 =	vge.f32 v2, $0.0e+00;
	v7 =	vld [tilespmem:s7+$0x19BC8];
	v5 =	vmul.f32 $1.442695020e+00, v5;
	(erf) = vpow2.f32 v3  }
0xdb: {  	v3 =	vld [tilespmem:s1+$0x19C48];
	v1 =	vsel vm7, v2, v1;
	v2 =	vmul.f32 $2.000000030e-01, v8;
	v4 =	vadd.f32 v4, v10  }
0xdc: {  	vm8 =	vge.f32 v8, $0.0e+00;
	v6 =	vadd.f32 v11, v6;
	(erf) = vpow2.f32 v5;
	v5 =	vld [tilespmem:s1+$0x19AC8]  }
0xdd: {  	v1 =	vmul.f32 $1.442695020e+00, v1;
	v2 =	vsel vm8, v8, v2;
	v8 =	vld [tilespmem:s1+$0x17AC0];
	v10 =	vmul.f32 $2.000000030e-01, v4  }
0xde: {  	v11 =	vmul.f32 $2.000000030e-01, v6;
	vm9 =	vge.f32 v4, $0.0e+00;
	v2 =	vmul.f32 $1.442695020e+00, v2  }
0xdf: {  	v62 =	vld [tilespmem:s1+$0x17B40];
	vm10 =	vge.f32 v6, $0.0e+00;
	v7 =	vadd.f32 v7, v61;
	v4 =	vsel vm9, v4, v10  }
0xe0: {  	s0 =	sand.u32 $0xE00, s26;
	v6 =	vsel vm10, v6, v11;
	v3 =	vadd.f32 v3, v9;
	(erf) = vpow2.f32 v2;
	v2 =	vld [tilespmem:s1+$0x19B48]  }
0xe1: {  	s21 =	smov.u32 s30;
	s2 =	simm.s32 $0x600;
	s0 =	sshrl.u32 s0, $0x2;
	v11 =	vld [tilespmem:s1+$0x17BC0];
	v10 =	vmul.f32 $2.000000030e-01, v7;
	vm11 =	vge.f32 v7, $0.0e+00;
	v4 =	vmul.f32 $1.442695020e+00, v4  }
0xe2: {  	s0 =	sadd.s32 $0x1BAC0, s0;
	s17 =	simm.s32 $0x10;
	s26 =	simm.s32 $0x30;
	v9 =	vld [tilespmem:s1+$0x19BC8];
	(erf) = vpow2.f32 v1;
	v5 =	vadd.f32 v5, v8;
	v8 =	vmul.f32 $2.000000030e-01, v3  }
0xe3: {  	s14 =	sand.u32 $0x50, s17;
	s9 =	simm.s32 $0x0;
	s18 =	sand.u32 $0x70, s26;
	v6 =	vmul.f32 $1.442695020e+00, v6;
	v1 =	vpop (erf);
	v7 =	vsel vm11, v7, v10  }
0xe4: {  	s14 =	sadd.s32 s14, s0;
	s10 =	sand.u32 $0x40, s9;
	s16 =	sadd.s32 s18, s0;
	vm12 =	vge.f32 v3, $0.0e+00;
	(erf) = vpow2.f32 v4;
	v10 =	vld [tilespmem:s2+$0x19C48];
	[tilespmem:s15+$0x1C040] =	vst v1;
	v13 =	vmul.f32 $1.442695020e+00, v7  }
0xe5: {  	s10 =	sadd.s32 s10, s0;
	s22 =	simm.s32 $0x20;
	v7 =	vld [tilespmem:s2+$0x17C40];
	[tilespmem:s16+$0x0] =	vst v1;
	v4 =	vpop (erf);
	s16 =	simm.s32 $0x100;
	v14 =	vmul.f32 $2.000000030e-01, v5;
	v12 =	vadd.f32 v2, v62;
	v2 =	vsel vm12, v3, v8  }
0xe6: {  	s17 =	sand.u32 $0x60, s22;
	s18 =	simm.s32 $0xC;
	v1 =	vld [tilespmem:s2+$0x17AC0];
	[tilespmem:s15+$0x1BEC0] =	vst v4;
	s22 =	sand.u32 $0xE00, s16;
	v3 =	vmul.f32 $1.442695020e+00, v2;
	v8 =	vpop (erf);
	(erf) = vpow2.f32 v6  }
0xe7: {  	s26 =	sadd.s32 s17, s0;
	s17 =	simm.s32 $0x70;
	vm13 =	vge.f32 v5, $0.0e+00;
	v11 =	vadd.f32 v9, v11;
	[tilespmem:s10+$0x0] =	vst v4;
	v4 =	vld [tilespmem:s2+$0x19AC8];
	s25 =	sshrl.u32 s22, $0x2  }
0xe8: {  	s9 =	sand.u32 $0x70, s17;
	v2 =	vld [tilespmem:s2+$0x17B40];
	v6 =	vsel vm13, v5, v14;
	s10 =	simm.s32 $0x40;
	v9 =	vmul.f32 $2.000000030e-01, v12;
	[tilespmem:s15+$0x1BF40] =	vst v8;
	s30 =	sadd.s32 $0x1BAC0, s25;
	(erf) = vpow2.f32 v3  }
0xe9: {  	v5 =	vld [tilespmem:s2+$0x19B48];
	v15 =	vmul.f32 $2.000000030e-01, v11;
	s22 =	simm.s32 $0x60;
	vm15 =	vge.f32 v11, $0.0e+00;
	vm14 =	vge.f32 v12, $0.0e+00;
	s25 =	simm.s32 $0x50;
	[tilespmem:s14+$0x0] =	vst v8;
	s0 =	sadd.s32 s9, s30;
	v63 =	vpop (erf)  }
0xea: {  	v3 =	vld [tilespmem:s2+$0x17BC0];
	v8 =	vadd.f32 v10, v7;
	s9 =	sand.u32 $0x40, s10;
	s25 =	sand.u32 $0x50, s25;
	s14 =	sand.u32 $0x60, s22;
	v12 =	vsel vm14, v12, v9;
	v9 =	vmul.f32 $1.442695020e+00, v6;
	[tilespmem:s7+$0x1C040] =	vst v63  }
0xeb: {  	s10 =	simm.s32 $0x2000;
	v10 =	vsel vm15, v11, v15;
	v6 =	vld [tilespmem:s2+$0x19BC8];
	s22 =	sadd.s32 s9, s30;
	(erf) = vpow2.f32 v13;
	v7 =	vmul.f32 $1.442695020e+00, v12;
	v11 =	vpop (erf);
	[tilespmem:s0+$0x0] =	vst v63;
	s0 =	sadd.s32 s25, s30  }
.LBB2_11:
0xec: {  	s9 =	sshra.s32 s10, $0x2;
	v12 =	vadd.f32 v4, v1;
	v1 =	vmul.f32 $2.000000030e-01, v8;
	v13 =	vmul.f32 $1.442695020e+00, v10;
	s14 =	sadd.s32 s14, s30;
	[tilespmem:s15+$0x1BFC0] =	vst v11;
	s15 =	smov.u32 s7  }
0xed: {  	vm0 =	vge.f32 v8, $0.0e+00;
	s7 =	smov.u32 s1;
	s1 =	smov.u32 s2;
	v10 =	vld [tilespmem:s9+$0x17C40];
	(erf) = vpow2.f32 v9;
	v4 =	vpop (erf);
	[tilespmem:s26+$0x0] =	vst v11;
	s2 =	smov.u32 s9  }
0xee: {  	s18 =	sadd.s32 $0x4, s18;
	s16 =	sadd.s32 $0x100, s16;
	s26 =	smov.u32 s14;
	v9 =	vld [tilespmem:s2+$0x19C48];
	v16 =	vmul.f32 $2.000000030e-01, v12;
	v14 =	vadd.f32 v5, v2;
	v2 =	vsel vm0, v8, v1;
	[tilespmem:s15+$0x1BEC0] =	vst v4  }
0xef: {  	p1 =	slt.u32 s18, $0x3C;
	s9 =	sand.u32 $0xE00, s16;
	vm0 =	vge.f32 v12, $0.0e+00;
	v1 =	vld [tilespmem:s2+$0x17AC0];
	v5 =	vmul.f32 $1.442695020e+00, v2;
	(erf) = vpow2.f32 v7;
	[tilespmem:s22+$0x0] =	vst v4;
	v7 =	vpop (erf)  }
.Ltmp5:
0xf0: {  	s17 =	sadd.s32 $0x40, s17;
	s9 =	sshrl.u32 s9, $0x2;
	v4 =	vld [tilespmem:s2+$0x19AC8];
	vm1 =	vge.f32 v14, $0.0e+00;
	v8 =	vmul.f32 $2.000000030e-01, v14;
	v15 =	vadd.f32 v6, v3;
	[tilespmem:s15+$0x1BF40] =	vst v7;
	(pc) =	sbr.rel @p1 .LBB2_11-.Ltmp5, $4  }
0xf1: {  	s14 =	sadd.s32 $0xFFFFFFD0, s17;
	s30 =	sadd.s32 $0x1BAC0, s9;
	s9 =	sand.u32 $0x70, s17;
	v6 =	vsel vm0, v12, v16;
	v2 =	vld [tilespmem:s2+$0x17B40];
	(erf) = vpow2.f32 v5;
	v11 =	vpop (erf);
	[tilespmem:s0+$0x0] =	vst v7  }
0xf2: {  	s22 =	sadd.s32 $0xFFFFFFF0, s17;
	s9 =	sadd.s32 s9, s30;
	s0 =	sadd.s32 $0xFFFFFFE0, s17;
	v5 =	vld [tilespmem:s2+$0x19B48];
	v7 =	vsel vm1, v14, v8;
	vm0 =	vge.f32 v15, $0.0e+00;
	v12 =	vmul.f32 $2.000000030e-01, v15;
	[tilespmem:s7+$0x1C040] =	vst v11  }
0xf3: {  	s25 =	sand.u32 $0x40, s14;
	s14 =	sand.u32 $0x60, s22;
	s0 =	sand.u32 $0x50, s0;
	v3 =	vld [tilespmem:s2+$0x17BC0];
	v8 =	vadd.f32 v9, v10;
	v9 =	vmul.f32 $1.442695020e+00, v6;
	v7 =	vmul.f32 $1.442695020e+00, v7;
	[tilespmem:s9+$0x0] =	vst v11  }
0xf4: {  	s10 =	sadd.s32 $0x800, s10;
	s22 =	sadd.s32 s25, s30;
	s0 =	sadd.s32 s0, s30;
	v6 =	vld [tilespmem:s2+$0x19BC8];
	v10 =	vsel vm0, v15, v12;
	(erf) = vpow2.f32 v13;
	v11 =	vpop (erf)  }
0xf5: {  	v12 =	vmul.f32 $2.000000030e-01, v8  }
0xf6: {  	[tilespmem:s15+$0x1BFC0] =	vst v11;
	(erf) = vpow2.f32 v9;
	vm0 =	vge.f32 v8, $0.0e+00;
	v1 =	vadd.f32 v4, v1  }
0xf7: {  	[tilespmem:s26+$0x0] =	vst v11;
	v56 =	vpop (erf);
	(erf) = vpow2.f32 v7;
	v8 =	vsel vm0, v8, v12;
	v2 =	vadd.f32 v5, v2  }
0xf8: {  	s9 =	sadd.s32 $0x100, s16;
	[tilespmem:s7+$0x1BEC0] =	vst v56;
	v57 =	vmul.f32 $2.000000030e-01, v1;
	v8 =	vmul.f32 $1.442695020e+00, v8  }
0xf9: {  	v59 =	vmul.f32 $1.442695020e+00, v10;
	s10 =	sand.u32 $0xE00, s9;
	vm13 =	vge.f32 v1, $0.0e+00;
	[tilespmem:s22+$0x0] =	vst v56;
	v58 =	vpop (erf);
	v60 =	vmul.f32 $2.000000030e-01, v2  }
0xfa: {  	s15 =	sadd.s32 $0x40, s17;
	s10 =	sshrl.u32 s10, $0x2;
	[tilespmem:s7+$0x1BF40] =	vst v58;
	v3 =	vadd.f32 v6, v3;
	v1 =	vsel vm13, v1, v57;
	(erf) = vpow2.f32 v8  }
0xfb: {  	s18 =	sand.u32 $0x70, s15;
	s10 =	sadd.s32 $0x1BAC0, s10;
	vm14 =	vge.f32 v2, $0.0e+00;
	[tilespmem:s0+$0x0] =	vst v58;
	v61 =	vpop (erf);
	v1 =	vmul.f32 $1.442695020e+00, v1  }
0xfc: {  	s0 =	sadd.s32 s18, s10;
	[tilespmem:s1+$0x1C040] =	vst v61;
	(erf) = vpow2.f32 v59;
	v2 =	vsel vm14, v2, v60;
	v62 =	vmul.f32 $2.000000030e-01, v3  }
0xfd: {  	vm15 =	vge.f32 v3, $0.0e+00;
	[tilespmem:s0+$0x0] =	vst v61;
	v2 =	vmul.f32 $1.442695020e+00, v2;
	v63 =	vpop (erf)  }
0xfe: {  	s25 =	sadd.s32 $0xFFFFFFD0, s15;
	s22 =	sadd.s32 s14, s30;
	(erf) = vpow2.f32 v1;
	v1 =	vsel vm15, v3, v62;
	[tilespmem:s7+$0x1BFC0] =	vst v63  }
0xff: {  	s7 =	sand.u32 $0x40, s25;
	v3 =	vpop (erf);
	v1 =	vmul.f32 $1.442695020e+00, v1;
	[tilespmem:s22+$0x0] =	vst v63  }
0x100: {  	s26 =	sadd.s32 $0xFFFFFFE0, s15;
	s9 =	sadd.s32 $0x100, s9;
	(erf) = vpow2.f32 v2;
	s7 =	sadd.s32 s7, s10;
	[tilespmem:s1+$0x1BEC0] =	vst v3  }
0x101: {  	s9 =	sand.u32 $0xE00, s9;
	s0 =	sand.u32 $0x50, s26;
	[tilespmem:s7+$0x0] =	vst v3;
	v2 =	vpop (erf)  }
0x102: {  	s16 =	sadd.s32 $0x40, s15;
	s14 =	sshrl.u32 s9, $0x2;
	s0 =	sadd.s32 s0, s10;
	(erf) = vpow2.f32 v1;
	[tilespmem:s1+$0x1BF40] =	vst v2  }
0x103: {  	s17 =	sand.u32 $0x70, s16;
	s7 =	sadd.s32 $0x1BAC0, s14;
	[tilespmem:s0+$0x0] =	vst v2;
	v1 =	vpop (erf)  }
0x104: {  	s18 =	sadd.s32 $0xFFFFFFF0, s15;
	s0 =	sadd.s32 s17, s7;
	[tilespmem:s2+$0x1C040] =	vst v1  }
0x105: {  	s22 =	sand.u32 $0x60, s18;
	[tilespmem:s0+$0x0] =	vst v1;
	v1 =	vpop (erf)  }
0x106: {  	s25 =	sadd.s32 $0xFFFFFFD0, s16;
	s0 =	sadd.s32 s22, s10;
	[tilespmem:s1+$0x1BFC0] =	vst v1  }
0x107: {  	s1 =	sand.u32 $0x40, s25;
	v2 =	vpop (erf);
	[tilespmem:s0+$0x0] =	vst v1  }
0x108: {  	s26 =	sadd.s32 $0xFFFFFFE0, s16;
	s1 =	sadd.s32 s1, s7;
	[tilespmem:s2+$0x1BEC0] =	vst v2  }
0x109: {  	s0 =	sand.u32 $0x50, s26;
	v1 =	vpop (erf);
	[tilespmem:s1+$0x0] =	vst v2  }
0x10a: {  	s9 =	sadd.s32 $0xFFFFFFF0, s16;
	s0 =	sadd.s32 s0, s7;
	[tilespmem:s2+$0x1BF40] =	vst v1  }
0x10b: {  	s10 =	sand.u32 $0x60, s9;
	[tilespmem:s0+$0x0] =	vst v1;
	v1 =	vpop (erf)  }
0x10c: {  	s0 =	sadd.s32 s10, s7;
	[tilespmem:s2+$0x1BFC0] =	vst v1  }
0x10d: {  	s15 =	simm.s32 $0x40;
	s16 =	simm.s32 $0x1BEC0;
	s14 =	simm.s32 $0x13A40;
	[tilespmem:s0+$0x0] =	vst v1  }
0x10e: {  	[spmem:s21] =	stream.indirect.scatter.add.f32 [tilespmem:s16], [sflag:$0x7], $0x80, s14, s15, $0xb8;
	[tilespmem:$0x1F2C0] =	vst v63  }
0x10f: {  	_ =	swait.ge [sflag:s24], $0x2000  }
0x110: {  	s17 =	sshll.u32 s31, $0xF;
	s18 =	rddreg [dreg:$0xd]  }
0x111: {  	s30 =	smov.u32 s21;
	s22 =	simm.s32 $0x1BAC0;
	s0 =	sadd.s32 s17, s18  }
0x112: {  	[sflag:s24] =	ssyncset.done $0x0;
	s21 =	rddreg [dreg:$0x4];
	s0 =	sshrl.u32 s0, $0x3  }
0x113: {  	s25 =	rddreg [dreg:$0xb];
	[sflag:s24] =	ssyncadd.s32 $0xFFFFE000;
	s0 =	sadd.s32 s21, s0  }
0x114: {  	[hbm4b:s0+s3] =	stream.linear.scatter [tilespmem:s22], [sflag:$0x7], $0x400, $0x38;
	[tilespmem:$0x1F2C0] =	vst v63  }
0x115: {  	s0 =	sadd.s32 s25, s4  }
0x116: {  	s0 =	sshll.u32 s0, $0x6  }
0x117: {  	s31 =	sadd.s32 $0x1, s31;
	_ =	swait.ge [sflag:s24], $0x400;
	s0 =	sadd.s32 s6, s0  }
0x118: {  	p1 =	sne.s32 s31, $0x4E;
	[sflag:s24] =	ssyncset.done $0x0;
	s0 =	sshrl.u32 s0, $0x3  }
0x119: {  	s21 =	simm.s32 $0x13940;
	[sflag:s24] =	ssyncadd.s32 $0xFFFFFC00;
	s26 =	sadd.s32 s28, s0  }
0x11a: {  	[tilespmem:s21], [sflag:$0x2] =	stream.linear.gather [hbm4b:s26+s3], $0x40, $0x38;
	[tilespmem:$0x1F2C0] =	vst v63  }
.Ltmp6:
0x11b: {  	_ = 	snop;
	(pc) =	sbr.rel @p1 .LBB2_8-.Ltmp6, $4  }
0x11c: {  	s25 =	smov.u32 s28;
	s0 =	sadd.s32 s5, s0;
	s28 =	simm.s32 $0x13980  }
0x11d: {  	[tilespmem:s28], [sflag:$0x2] =	stream.linear.gather [hbm4b:s0+s3], $0x40, $0x38;
	[tilespmem:$0x1F2C0] =	vst v63  }
0x11e: {  	s26 =	simm.s32 $0x13A40  }
0x11f: {  	[tilespmem:s14], [sflag:$0x4] =	stream.linear.gather [hbm4b:s0+s3], $0x40, $0x38;
	[tilespmem:$0x1F2C0] =	vst v63  }
0x120: {  	_ =	swait.ge [sflag:s20], $0x4000  }
0x121: {  	[sflag:s20] =	ssyncset.done $0x0  }
0x122: {  	[sflag:s20] =	ssyncadd.s32 $0xFFFFC000  }
0x123: {  	_ =	swait.ge [sflag:s11], $0x40  }
0x124: {  	[sflag:s11] =	ssyncset.done $0x0  }
0x125: {  	s0 =	simm.s32 $0x15AC8;
	[sflag:s11] =	ssyncadd.s32 $0xFFFFFFC0  }
0x126: {  	v1 =	vld [tilespmem:s0+$0xFFFFE178]  }
0x127: {  	v2 =	vld [tilespmem:s0+$0x180]  }
0x128: {  	v3 =	vld [tilespmem:s0+$0x0]  }
0x129: {  	v4 =	vld [tilespmem:s0+$0xFFFFE078]  }
0x12a: {  	v5 =	vld [tilespmem:s0+$0x80]  }
0x12b: {  	v6 =	vld [tilespmem:s0+$0xFFFFE0F8]  }
0x12c: {  	v7 =	vld [tilespmem:s0+$0xFFFFDFF8]  }
0x12d: {  	v8 =	vld [tilespmem:s0+$0x100]  }
0x12e: {  	s9 =	simm.s32 $0x15CC8  }
0x12f: {  	v9 =	vld [tilespmem:s9+$0x180];
	v1 =	vadd.f32 v2, v1  }
0x130: {  	v2 =	vld [tilespmem:s9+$0xFFFFE178]  }
0x131: {  	v4 =	vadd.f32 v5, v4;
	v10 =	vmul.f32 $2.000000030e-01, v1  }
0x132: {  	v3 =	vadd.f32 v3, v7;
	v6 =	vadd.f32 v8, v6;
	v8 =	vld [tilespmem:s9+$0x80];
	vm0 =	vge.f32 v1, $0.0e+00  }
0x133: {  	v7 =	vmul.f32 $2.000000030e-01, v4;
	v1 =	vsel vm0, v1, v10;
	v10 =	vld [tilespmem:s9+$0xFFFFE078]  }
0x134: {  	v12 =	vld [tilespmem:s9+$0xFFFFE0F8];
	v11 =	vmul.f32 $2.000000030e-01, v3;
	vm6 =	vge.f32 v4, $0.0e+00  }
0x135: {  	v5 =	vld [tilespmem:s9+$0x0];
	vm1 =	vge.f32 v3, $0.0e+00;
	v4 =	vsel vm6, v4, v7;
	v2 =	vadd.f32 v9, v2  }
0x136: {  	s10 =	simm.s32 $0x15EC8;
	v3 =	vsel vm1, v3, v11;
	v7 =	vld [tilespmem:s9+$0xFFFFDFF8];
	v11 =	vmul.f32 $2.000000030e-01, v6;
	v1 =	vmul.f32 $1.442695020e+00, v1  }
0x137: {  	v13 =	vld [tilespmem:s10+$0xFFFFE178];
	v3 =	vmul.f32 $1.442695020e+00, v3;
	v9 =	vmul.f32 $2.000000030e-01, v2  }
0x138: {  	(erf) = vpow2.f32 v1;
	vm8 =	vge.f32 v2, $0.0e+00;
	v8 =	vadd.f32 v8, v10;
	v10 =	vld [tilespmem:s10+$0x180]  }
0x139: {  	vm7 =	vge.f32 v6, $0.0e+00;
	v4 =	vmul.f32 $1.442695020e+00, v4;
	v1 =	vld [tilespmem:s9+$0x100];
	v2 =	vsel vm8, v2, v9  }
0x13a: {  	(erf) = vpow2.f32 v3;
	v3 =	vsel vm7, v6, v11;
	v2 =	vmul.f32 $1.442695020e+00, v2  }
0x13b: {  	v11 =	vld [tilespmem:s10+$0xFFFFE078];
	(erf) = vpow2.f32 v4;
	v4 =	vadd.f32 v5, v7;
	v9 =	vmul.f32 $2.000000030e-01, v8  }
0x13c: {  	v5 =	vld [tilespmem:s10+$0x80];
	vm9 =	vge.f32 v8, $0.0e+00;
	(erf) = vpow2.f32 v2;
	v2 =	vmul.f32 $1.442695020e+00, v3  }
0x13d: {  	v6 =	vld [tilespmem:s10+$0x0];
	v3 =	vsel vm9, v8, v9;
	v8 =	vmul.f32 $2.000000030e-01, v4;
	v10 =	vadd.f32 v10, v13  }
0x13e: {  	s1 =	simm.s32 $0x0;
	s2 =	simm.s32 $0x30;
	v7 =	vld [tilespmem:s10+$0xFFFFE0F8];
	vm11 =	vge.f32 v4, $0.0e+00;
	v1 =	vadd.f32 v1, v12  }
0x13f: {  	s17 =	simm.s32 $0x1BFC0;
	s15 =	simm.s32 $0x0;
	s1 =	sand.u32 $0xE00, s1;
	v12 =	vld [tilespmem:s10+$0x100];
	v4 =	vsel vm11, v4, v8;
	v8 =	vmul.f32 $2.000000030e-01, v10  }
0x140: {  	s7 =	simm.s32 $0x10;
	s14 =	sand.u32 $0x70, s2;
	s1 =	sshrl.u32 s1, $0x2;
	v9 =	vmul.f32 $2.000000030e-01, v1;
	(erf) = vpow2.f32 v2;
	v2 =	vld [tilespmem:s10+$0xFFFFDFF8]  }
0x141: {  	s2 =	sand.u32 $0x40, s15;
	s4 =	sadd.s32 $0x1BAC0, s1;
	s0 =	simm.s32 $0x160C8;
	vm10 =	vge.f32 v1, $0.0e+00;
	v5 =	vadd.f32 v5, v11;
	v13 =	vpop (erf);
	v4 =	vmul.f32 $1.442695020e+00, v4  }
0x142: {  	s7 =	sand.u32 $0x50, s7;
	s1 =	sadd.s32 s14, s4;
	s9 =	simm.s32 $0x20;
	v3 =	vmul.f32 $1.442695020e+00, v3;
	v1 =	vsel vm10, v1, v9;
	v9 =	vld [tilespmem:s0+$0xFFFFE178];
	vm12 =	vge.f32 v10, $0.0e+00;
	[tilespmem:s17+$0x80] =	vst v13  }
0x143: {  	s15 =	simm.s32 $0xC;
	s16 =	sand.u32 $0x60, s9;
	s9 =	sadd.s32 s7, s4;
	v11 =	vmul.f32 $1.442695020e+00, v1;
	[tilespmem:s1+$0x0] =	vst v13;
	v13 =	vld [tilespmem:s0+$0x180];
	v1 =	vsel vm12, v10, v8;
	v8 =	vpop (erf);
	(erf) = vpow2.f32 v4  }
0x144: {  	s7 =	simm.s32 $0x1C1C0;
	s10 =	sadd.s32 s2, s4;
	s1 =	simm.s32 $0x100;
	v10 =	vadd.f32 v12, v7;
	v7 =	vmul.f32 $1.442695020e+00, v1;
	v1 =	vld [tilespmem:s0+$0xFFFFE078];
	[tilespmem:s17+$0xFFFFFF00] =	vst v8  }
0x145: {  	s2 =	sadd.s32 s16, s4;
	s4 =	simm.s32 $0x70;
	s18 =	sand.u32 $0xE00, s1;
	v12 =	vadd.f32 v6, v2;
	v2 =	vld [tilespmem:s0+$0xFFFFE0F8];
	v4 =	vmul.f32 $2.000000030e-01, v5;
	[tilespmem:s10+$0x0] =	vst v8;
	v8 =	vpop (erf);
	(erf) = vpow2.f32 v3  }
0x146: {  	s16 =	simm.s32 $0x40;
	s28 =	sand.u32 $0x70, s4;
	vm13 =	vge.f32 v5, $0.0e+00;
	s22 =	sshrl.u32 s18, $0x2;
	v3 =	vld [tilespmem:s0+$0x80];
	v6 =	vpop (erf);
	[tilespmem:s17+$0xFFFFFF80] =	vst v8;
	(erf) = vpow2.f32 v7  }
0x147: {  	s16 =	sand.u32 $0x40, s16;
	s18 =	simm.s32 $0x50;
	v15 =	vmul.f32 $2.000000030e-01, v10;
	s14 =	sadd.s32 $0x1BAC0, s22;
	v14 =	vmul.f32 $2.000000030e-01, v12;
	v5 =	vsel vm13, v5, v4;
	v4 =	vld [tilespmem:s0+$0x100];
	[tilespmem:s7+$0x80] =	vst v6  }
0x148: {  	vm15 =	vge.f32 v12, $0.0e+00;
	s18 =	sand.u32 $0x50, s18;
	s22 =	simm.s32 $0x60;
	s10 =	sadd.s32 s28, s14;
	v7 =	vadd.f32 v13, v9;
	(erf) = vpow2.f32 v11;
	[tilespmem:s9+$0x0] =	vst v8;
	v8 =	vld [tilespmem:s0+$0x0]  }
0x149: {  	vm14 =	vge.f32 v10, $0.0e+00;
	s31 =	sand.u32 $0x60, s22;
	v5 =	vmul.f32 $1.442695020e+00, v5;
	v12 =	vsel vm15, v12, v14;
	v9 =	vpop (erf);
	[tilespmem:s10+$0x0] =	vst v6;
	v6 =	vld [tilespmem:s0+$0xFFFFDFF8];
	s10 =	sadd.s32 s16, s14;
	s16 =	sadd.s32 s18, s14  }
0x14a: {  	v10 =	vsel vm14, v10, v15;
	v12 =	vmul.f32 $1.442695020e+00, v12;
	v11 =	vmul.f32 $2.000000030e-01, v7;
	s0 =	simm.s32 $0x162C8;
	s14 =	sadd.s32 s31, s14;
	[tilespmem:s17+$0x0] =	vst v9;
	s17 =	simm.s32 $0x1C1C0  }
.LBB2_14:
0x14b: {  	v13 =	vld [tilespmem:s0+$0xFFFFE178];
	v14 =	vadd.f32 v3, v1;
	vm0 =	vge.f32 v7, $0.0e+00;
	v10 =	vmul.f32 $1.442695020e+00, v10;
	[tilespmem:s2+$0x0] =	vst v9;
	s2 =	smov.u32 s14;
	s1 =	sadd.s32 $0x100, s1  }
0x14c: {  	v9 =	vld [tilespmem:s0+$0x180];
	v1 =	vsel vm0, v7, v11;
	(erf) = vpow2.f32 v12;
	v3 =	vpop (erf);
	s9 =	sand.u32 $0xE00, s1  }
0x14d: {  	s15 =	sadd.s32 $0x4, s15;
	s4 =	sadd.s32 $0x40, s4;
	v11 =	vld [tilespmem:s0+$0x0];
	v7 =	vmul.f32 $2.000000030e-01, v14;
	v12 =	vadd.f32 v4, v2;
	v2 =	vmul.f32 $1.442695020e+00, v1;
	[tilespmem:s7+$0xFFFFFF00] =	vst v3  }
0x14e: {  	p1 =	slt.u32 s15, $0x3C;
	vm0 =	vge.f32 v14, $0.0e+00;
	s9 =	sshrl.u32 s9, $0x2;
	s7 =	sadd.s32 $0x200, s7;
	v1 =	vld [tilespmem:s0+$0xFFFFE078];
	v8 =	vadd.f32 v8, v6;
	(erf) = vpow2.f32 v5;
	[tilespmem:s10+$0x0] =	vst v3;
	v15 =	vpop (erf)  }
.Ltmp7:
0x14f: {  	s9 =	sadd.s32 $0x1BAC0, s9;
	s10 =	sand.u32 $0x70, s4;
	v3 =	vld [tilespmem:s0+$0x80];
	v5 =	vsel vm0, v14, v7;
	vm0 =	vge.f32 v12, $0.0e+00;
	(erf) = vpow2.f32 v2;
	v6 =	vpop (erf);
	[tilespmem:s17+$0xFFFFFF80] =	vst v15;
	(pc) =	sbr.rel @p1 .LBB2_14-.Ltmp7, $4  }
0x150: {  	s14 =	sadd.s32 $0xFFFFFFD0, s4;
	s18 =	sadd.s32 $0xFFFFFFE0, s4;
	v16 =	vmul.f32 $2.000000030e-01, v12;
	s10 =	sadd.s32 s10, s9;
	v2 =	vld [tilespmem:s0+$0xFFFFE0F8];
	vm1 =	vge.f32 v8, $0.0e+00;
	v14 =	vmul.f32 $2.000000030e-01, v8;
	[tilespmem:s7+$0x80] =	vst v6  }
0x151: {  	s22 =	sadd.s32 $0xFFFFFFF0, s4;
	s14 =	sand.u32 $0x40, s14;
	s18 =	sand.u32 $0x50, s18;
	v5 =	vmul.f32 $1.442695020e+00, v5;
	v4 =	vld [tilespmem:s0+$0x100];
	v7 =	vadd.f32 v9, v13;
	[tilespmem:s10+$0x0] =	vst v6;
	(erf) = vpow2.f32 v10;
	v9 =	vpop (erf)  }
0x152: {  	v10 =	vsel vm0, v12, v16;
	s10 =	sadd.s32 s14, s9;
	s14 =	sand.u32 $0x60, s22;
	v6 =	vld [tilespmem:s0+$0xFFFFDFF8];
	v13 =	vsel vm1, v8, v14;
	[tilespmem:s16+$0x0] =	vst v15;
	s16 =	sadd.s32 s18, s9;
	v8 =	vmov v11  }
0x153: {  	s0 =	sadd.s32 $0x200, s0;
	s14 =	sadd.s32 s14, s9;
	v11 =	vmul.f32 $2.000000030e-01, v7;
	v12 =	vmul.f32 $1.442695020e+00, v13;
	[tilespmem:s17+$0x0] =	vst v9;
	s17 =	smov.u32 s7  }
0x154: {  	_ =	sdelay $0x1  }
0x155: {  	vm0 =	vge.f32 v7, $0.0e+00;
	(erf) = vpow2.f32 v12  }
0x156: {  	[tilespmem:s2+$0x0] =	vst v9;
	v7 =	vsel vm0, v7, v11;
	v56 =	vpop (erf);
	v6 =	vadd.f32 v8, v6  }
0x157: {  	s0 =	sadd.s32 $0x100, s1;
	v1 =	vadd.f32 v3, v1;
	v7 =	vmul.f32 $1.442695020e+00, v7;
	[tilespmem:s7+$0xFFFFFF00] =	vst v56;
	(erf) = vpow2.f32 v5  }
0x158: {  	v57 =	vmul.f32 $1.442695020e+00, v10;
	s1 =	sand.u32 $0xE00, s0;
	[tilespmem:s10+$0x0] =	vst v56;
	v3 =	vpop (erf);
	v58 =	vmul.f32 $2.000000030e-01, v6  }
0x159: {  	s2 =	sadd.s32 $0x40, s4;
	s15 =	sadd.s32 $0x200, s7;
	s1 =	sshrl.u32 s1, $0x2;
	v60 =	vmul.f32 $2.000000030e-01, v1;
	(erf) = vpow2.f32 v7;
	v59 =	vpop (erf);
	[tilespmem:s17+$0xFFFFFF80] =	vst v3;
	vm13 =	vge.f32 v6, $0.0e+00  }
0x15a: {  	s4 =	sand.u32 $0x70, s2;
	v2 =	vadd.f32 v4, v2;
	vm14 =	vge.f32 v1, $0.0e+00;
	s1 =	sadd.s32 $0x1BAC0, s1;
	[tilespmem:s15+$0x80] =	vst v59;
	v61 =	vsel vm13, v6, v58  }
0x15b: {  	s4 =	sadd.s32 s4, s1;
	v1 =	vsel vm14, v1, v60;
	(erf) = vpow2.f32 v57;
	[tilespmem:s16+$0x0] =	vst v3;
	v4 =	vmul.f32 $1.442695020e+00, v61  }
0x15c: {  	v62 =	vmul.f32 $2.000000030e-01, v2;
	v1 =	vmul.f32 $1.442695020e+00, v1;
	[tilespmem:s4+$0x0] =	vst v59;
	v63 =	vpop (erf)  }
0x15d: {  	s18 =	sadd.s32 $0xFFFFFFD0, s2;
	vm15 =	vge.f32 v2, $0.0e+00;
	[tilespmem:s17+$0x0] =	vst v63;
	(erf) = vpow2.f32 v4  }
0x15e: {  	s4 =	sand.u32 $0x40, s18;
	v2 =	vsel vm15, v2, v62;
	[tilespmem:s14+$0x0] =	vst v63;
	v3 =	vpop (erf)  }
0x15f: {  	s0 =	sadd.s32 $0x100, s0;
	s9 =	sadd.s32 $0xFFFFFFE0, s2;
	s4 =	sadd.s32 s4, s1;
	v2 =	vmul.f32 $1.442695020e+00, v2;
	[tilespmem:s15+$0xFFFFFF00] =	vst v3;
	(erf) = vpow2.f32 v1  }
0x160: {  	s0 =	sand.u32 $0xE00, s0;
	s9 =	sand.u32 $0x50, s9;
	v1 =	vpop (erf);
	[tilespmem:s4+$0x0] =	vst v3  }
0x161: {  	s22 =	sadd.s32 $0x40, s2;
	s0 =	sshrl.u32 s0, $0x2;
	s9 =	sadd.s32 s9, s1;
	[tilespmem:s15+$0xFFFFFF80] =	vst v1;
	(erf) = vpow2.f32 v2  }
0x162: {  	s31 =	sadd.s32 $0x200, s15;
	s28 =	sand.u32 $0x70, s22;
	s0 =	sadd.s32 $0x1BAC0, s0;
	v3 =	vpop (erf);
	[tilespmem:s9+$0x0] =	vst v1  }
0x163: {  	s2 =	sadd.s32 $0xFFFFFFF0, s2;
	s10 =	sadd.s32 s28, s0;
	[tilespmem:s31+$0x80] =	vst v3  }
0x164: {  	s2 =	sand.u32 $0x60, s2;
	v2 =	vpop (erf);
	[tilespmem:s10+$0x0] =	vst v3  }
0x165: {  	s1 =	sadd.s32 s2, s1;
	s9 =	sadd.s32 $0xFFFFFFD0, s22;
	[tilespmem:s15+$0x0] =	vst v2  }
0x166: {  	s2 =	sand.u32 $0x40, s9;
	[tilespmem:s1+$0x0] =	vst v2;
	v1 =	vpop (erf)  }
0x167: {  	s10 =	sadd.s32 $0xFFFFFFE0, s22;
	s2 =	sadd.s32 s2, s0;
	[tilespmem:s31+$0xFFFFFF00] =	vst v1  }
0x168: {  	s1 =	sand.u32 $0x50, s10;
	[tilespmem:s2+$0x0] =	vst v1;
	v1 =	vpop (erf)  }
0x169: {  	s15 =	sadd.s32 $0xFFFFFFF0, s22;
	s1 =	sadd.s32 s1, s0;
	[tilespmem:s31+$0xFFFFFF80] =	vst v1  }
0x16a: {  	s2 =	sand.u32 $0x60, s15;
	v2 =	vpop (erf);
	[tilespmem:s1+$0x0] =	vst v1  }
0x16b: {  	s0 =	sadd.s32 s2, s0;
	[tilespmem:s31+$0x0] =	vst v2  }
0x16c: {  	s16 =	simm.s32 $0x139C0;
	s18 =	simm.s32 $0x1BEC0;
	s17 =	simm.s32 $0x40;
	[tilespmem:s0+$0x0] =	vst v2  }
0x16d: {  	[spmem:s30] =	stream.indirect.scatter.add.f32 [tilespmem:s18], [sflag:$0x7], $0x80, s16, s17, $0xb8;
	[tilespmem:$0x1F2C0] =	vst v63  }
0x16e: {  	_ =	swait.ge [sflag:s24], $0x2000  }
0x16f: {  	[sflag:s24] =	ssyncset.done $0x0  }
0x170: {  	s28 =	simm.s32 $0x1BAC0;
	s22 =	rddreg [dreg:$0xe];
	[sflag:s24] =	ssyncadd.s32 $0xFFFFE000  }
0x171: {  	[hbm4b:s22+s3] =	stream.linear.scatter [tilespmem:s28], [sflag:$0x7], $0x400, $0x38;
	[tilespmem:$0x1F2C0] =	vst v63  }
0x172: {  	_ =	swait.ge [sflag:s24], $0x400  }
0x173: {  	[sflag:s24] =	ssyncset.done $0x0  }
0x174: {  	[sflag:s24] =	ssyncadd.s32 $0xFFFFFC00  }
0x175: {  	_ =	swait.ge [sflag:s13], $0x40  }
0x176: {  	[sflag:s13] =	ssyncset.done $0x0  }
0x177: {  	[sflag:s13] =	ssyncadd.s32 $0xFFFFFFC0  }
0x178: {  	_ =	swait.ge [sflag:s13], $0x40  }
0x179: {  	[sflag:s13] =	ssyncset.done $0x0  }
0x17a: {  	[sflag:s13] =	ssyncadd.s32 $0xFFFFFFC0  }
0x17b: {  	_ =	swait.ge [sflag:s19], $0x40  }
0x17c: {  	[sflag:s19] =	ssyncset.done $0x0  }
0x17d: {  	[sflag:s19] =	ssyncadd.s32 $0xFFFFFFC0  }
0x17e: {  	[bflag:$0x0] =	sbarrier.arrive $0xFFFF  }
0x17f: {  	s7 =	rddreg [dreg:$0x10]  }
0x180: {  	[tilespmem:s23], [sflag:$0x7] =	stream.linear.gather [spmem:s7], $0x1400, $0x38;
	[tilespmem:$0x1F2C0] =	vst v63  }
0x181: {  	_ =	swait.ge [sflag:s24], $0x1400  }
0x182: {  	s2 =	rddreg [dreg:$0x11]  }
0x183: {  	[sflag:s24] =	ssyncset.done $0x0;
	s31 =	sshrl.u32 s2, $0x3  }
.Ltmp8:
0x184: {  	[sflag:s24] =	ssyncadd.s32 $0xFFFFEC00;
	s0 =	sadd.s32 s8, s31;
	(pc) =	sbr.rel @!p0 .LBB2_17-.Ltmp8, $4  }
0x185: {  	[hbm4b:s0+s3] =	stream.linear.scatter [tilespmem:s23], [sflag:$0x7], $0x1400, $0x38;
	[tilespmem:$0x1F2C0] =	vst v63  }
0x186: {  	_ =	swait.ge [sflag:s24], $0x1400  }
0x187: {  	s14 =	rddreg [dreg:$0x5]  }
0x188: {  	s1 =	smov.u32 s7;
	[sflag:s24] =	ssyncset.done $0x0;
	s0 =	sadd.s32 $0xFFFFFFFF, s14  }
.LBB2_16:
0x189: {  	[sflag:s24] =	ssyncadd.s32 $0xFFFFEC00;
	s1 =	sadd.s32 $0x14000, s1;
	s2 =	sadd.s32 $0x14000, s2  }
0x18a: {  	[tilespmem:s23], [sflag:$0x7] =	stream.linear.gather [spmem:s1], $0x1400, $0x38;
	[tilespmem:$0x1F2C0] =	vst v63  }
0x18b: {  	p0 =	sne.s32 s0, $0x1;
	s0 =	sadd.s32 $0xFFFFFFFF, s0;
	_ =	swait.ge [sflag:s24], $0x1400  }
.Ltmp9:
0x18c: {  	s4 =	sshrl.u32 s2, $0x3;
	[sflag:s24] =	ssyncset.done $0x0;
	(pc) =	sbr.rel @p0 .LBB2_16-.Ltmp9, $4  }
0x18d: {  	s4 =	sadd.s32 s8, s4;
	[sflag:s24] =	ssyncadd.s32 $0xFFFFEC00  }
0x18e: {  	[hbm4b:s4+s3] =	stream.linear.scatter [tilespmem:s23], [sflag:$0x7], $0x1400, $0x38;
	[tilespmem:$0x1F2C0] =	vst v63  }
0x18f: {  	_ =	swait.ge [sflag:s24], $0x1400  }
0x190: {  	[sflag:s24] =	ssyncset.done $0x0  }
.LBB2_17:
0x191: {  	s1 =	rddreg [dreg:$0x12]  }
0x192: {  	s0 =	rddreg [dreg:$0xf];
	s1 =	sadd.s32 $0x1, s1  }
0x193: {  	p0 =	sne.s32 s1, s0  }
.Ltmp10:
0x194: {  	_ = 	snop;
	(pc) =	sbr.rel @p0 .LBB2_1-.Ltmp10, $2  }
0x195: {  	_ =	sdelay $0x2  }
0x196: {  	[sflag:s24] =	ssyncadd.s32 $0xFFFFEC00  }
0x197: {  	_ =	sfence.sel $0x180000  }
0x198: {  	[bflag:$0x0] =	sbarrier.arrive $0xFFFF  }
0x199: {  	_ =	strace $0x90000047  }
0x19a: {  	s0 =	stileid.u32;
	[bflag:$0x2] =	sbarrier.arrive $0xFFFF  }
0x19b: {  	p0 =	sne.s32 s0, $0x0;
	s0 =	rddreg [dreg:$0x3]  }
0x19c: {  	s0 =	sadd.s32 @!p0 $0x100000, s0  }
0x19d: {  	[sflag:s0] =	ssyncadd.tile.s32 @!p0 $0x1;
	_ =	shalt  }
.Lfunc_end2:
_tile_overlayer_lowered:
.L_overlay_start_2:
0x19e: {  	(tag) =	ssettag $0x2  }
0x19f: {  	s0 =	rddreg [dreg:$0x0];
	s2 =	stileid.u32  }
0x1a0: {  	s1 =	rddreg [dreg:$0x1];
	p0 =	sne.s32 s2, $0x0  }
0x1a1: {  	s3 =	rddreg [dreg:$0x2];
	[bflag:$0x3] =	sbarrier.arrive $0xFFFF;
	s2 =	simm.s32 @!p0 $0x1C07  }
0x1a2: {  	[timem:s3], [sflag:s2] =	dma.local @!p0 [hbm:s0], s1  }
0x1a3: {  	s0 =	simm.s32 @!p0 $0x7  }
0x1a4: {  	_ =	swait.ge @!p0 [sflag:s0], s1  }
0x1a5: {  	s1 =	ssub.s32 @!p0 $0x0, s1;
	[sflag:s0] =	ssyncset.done @!p0 $0x0  }
0x1a6: {  	[sflag:s0] =	ssyncadd.s32 @!p0 s1  }
0x1a7: {  	[bflag:$0x3] =	sbarrier.arrive $0xFFFF  }
0x1a8: {  	_ =	shalt  }

</sc_bundles>
